<compile_context>
chip_gen: v7x
topology: tpu7x:2x2x1
jax: 0.10.2.dev20260603
libtpu: 0.0.44.dev20260713+nightly
codegen_flags: <defaults>
</compile_context>

<pallas_src>
import functools

import jax
import jax.numpy as jnp
from jax import lax
from jax.experimental import pallas as pl
from jax.experimental.pallas import tpu as pltpu
from jax.experimental.pallas import tpu_sc as plsc

N = 10000
E = 320000
F = 128
G = 64
NC = 2
NS = 16
K = 128
CHUNKS = (-(-E // (NC * NS * K)) + 3) // 4 * 4
CH0 = 144
CH1 = 2 * CHUNKS - CH0
EPAD = NC * NS * K * CHUNKS
NPAD = N + 112
ROWS_PER_TILE = NPAD // NS

@functools.cache
def _sc_mesh():
    return plsc.VectorSubcoreMesh(core_axis_name="c", subcore_axis_name="s")


def _zero_fill(ref, nrows, ncols):
    zeros16 = jnp.zeros((16,), jnp.float32)

    def body(i, _):
        ref[i // (ncols // 16), pl.ds((i % (ncols // 16)) * 16, 16)] = zeros16
        return 0

    lax.fori_loop(0, nrows * (ncols // 16), body, 0)


def _zero_acc_slice(acc, rows_buf, tile, width):
    base = tile * ROWS_PER_TILE
    done = 0
    while done < ROWS_PER_TILE:
        nr = min(K, ROWS_PER_TILE - done)
        pltpu.sync_copy(rows_buf.at[pl.ds(0, nr)], acc.at[pl.ds(base + done, nr)])
        done += nr


def _deg_body(dstp_hbm, out_hbm, acc, didx, vals, sem):
    c = lax.axis_index("c")
    s = lax.axis_index("s")
    wid = c * NS + s
    _zero_fill(vals, K, 16)
    _zero_acc_slice(acc, vals, s, 16)
    ones16 = jnp.ones((16,), jnp.float32)

    def fill_ones(i, _):
        vals[i, :] = ones16
        return 0

    lax.fori_loop(0, K, fill_ones, 0)
    plsc.subcore_barrier()

    ebase = wid * (CHUNKS * K)

    def chunk(i, _):
        off = ebase + i * K
        pltpu.sync_copy(dstp_hbm.at[pl.ds(off, K)], didx)
        pltpu.sync_copy(vals, acc.at[didx], add=True)
        return 0

    lax.fori_loop(0, CHUNKS, chunk, 0)
    plsc.subcore_barrier()
    base = s * ROWS_PER_TILE
    pltpu.sync_copy(acc.at[pl.ds(base, ROWS_PER_TILE)],
                    out_hbm.at[c, pl.ds(base, ROWS_PER_TILE)])


@functools.cache
def _deg_call():
    return pl.kernel(
        _deg_body,
        mesh=_sc_mesh(),
        out_type=jax.ShapeDtypeStruct((NC, NPAD, 16), jnp.float32),
        scratch_types=[
            pltpu.VMEM_SHARED((NPAD, 16), jnp.float32),
            pltpu.VMEM((K,), jnp.int32),
            pltpu.VMEM((K, 16), jnp.float32),
            pltpu.SemaphoreType.DMA,
        ],
    )


def _scatter_body(p_hbm, srcp_hbm, dstp_hbm, out_hbm, acc,
                  si0, si1, si2, si3, di0, di1, di2, di3,
                  rows0, rows1, is0, is1, is2, is3, gsem0, gsem1):
    c = lax.axis_index("c")
    s = lax.axis_index("s")
    nch = jnp.where(c == 0, CH0, CH1)
    ebase = jnp.where(c == 0, s * (CH0 * K), NS * CH0 * K + s * (CH1 * K))
    sbufs = (si0, si1, si2, si3)
    dbufs = (di0, di1, di2, di3)
    isems = (is0, is1, is2, is3)
    rbufs = (rows0, rows1)
    gsems = (gsem0, gsem1)

    def istart(t, q):
        off = ebase + t * K
        pltpu.make_async_copy(srcp_hbm.at[pl.ds(off, K)], sbufs[q], isems[q]).start()
        pltpu.make_async_copy(dstp_hbm.at[pl.ds(off, K)], dbufs[q], isems[q]).start()

    def iwait(q):
        pltpu.make_async_copy(srcp_hbm.at[pl.ds(0, K)], sbufs[q], isems[q]).wait()
        pltpu.make_async_copy(dstp_hbm.at[pl.ds(0, K)], dbufs[q], isems[q]).wait()

    def gstart(q, p):
        pltpu.make_async_copy(p_hbm.at[sbufs[q]], rbufs[p], gsems[p]).start()

    def gwait(p):
        pltpu.make_async_copy(p_hbm.at[sbufs[0]], rbufs[p], gsems[p]).wait()

    for q in range(4):
        istart(q, q)
    _zero_fill(rows0, K, F)
    _zero_acc_slice(acc, rows0, s, F)
    plsc.subcore_barrier()

    def body(m, _):
        t0 = 4 * m
        for q in range(4):
            p = q % 2
            t = t0 + q
            gwait(p)
            pltpu.sync_copy(rbufs[p], acc.at[dbufs[q]], add=True)

            @pl.when(t + 4 < nch)
            def _():
                istart(t + 4, q)

            q2 = (q + 2) % 4

            @pl.when(t + 2 < nch)
            def _():
                iwait(q2)
                gstart(q2, p)
        return 0

    iwait(0)
    gstart(0, 0)
    iwait(1)
    gstart(1, 1)
    lax.fori_loop(0, nch // 4, body, 0)
    plsc.subcore_barrier()
    base = s * ROWS_PER_TILE
    pltpu.sync_copy(acc.at[pl.ds(base, ROWS_PER_TILE)],
                    out_hbm.at[c, pl.ds(base, ROWS_PER_TILE)])


@functools.cache
def _scatter_call():
    idx = pltpu.VMEM((K,), jnp.int32)
    sem = pltpu.SemaphoreType.DMA
    return pl.kernel(
        _scatter_body,
        mesh=_sc_mesh(),
        out_type=jax.ShapeDtypeStruct((NC, NPAD, F), jnp.float32),
        scratch_types=[
            pltpu.VMEM_SHARED((NPAD, F), jnp.float32),
            idx, idx, idx, idx, idx, idx, idx, idx,
            pltpu.VMEM((K, F), jnp.float32),
            pltpu.VMEM((K, F), jnp.float32),
            sem, sem, sem, sem, sem, sem,
        ],
    )



def _prep_body(d0_ref, d1_ref, x_ref, w_ref, p_ref, dinv_ref):
    deg = d0_ref[...] + d1_ref[...] + 1.0
    dinv = lax.rsqrt(deg)
    dinv_ref[...] = dinv
    h = jnp.dot(x_ref[...], w_ref[...], preferred_element_type=jnp.float32)
    p_ref[...] = h * dinv


_prep_call = pl.pallas_call(
    _prep_body,
    out_shape=(
        jax.ShapeDtypeStruct((N, F), jnp.float32),
        jax.ShapeDtypeStruct((N, 1), jnp.float32),
    ),
)


def _bn(t, g, be):
    mu = jnp.mean(t, axis=0, keepdims=True)
    d = t - mu
    var = jnp.mean(d * d, axis=0, keepdims=True)
    return d * lax.rsqrt(var + 1e-5) * g + be


def _mid_body(acc_ref, p_ref, dinv_ref, b_ref, g_ref, be_ref, w_ref, out_ref):
    dinv = dinv_ref[...]
    t = (acc_ref[0, :N, :] + acc_ref[1, :N, :] + p_ref[...]) * dinv + b_ref[...]
    h = jnp.maximum(_bn(t, g_ref[...], be_ref[...]), 0.0)
    out_ref[...] = jnp.dot(h, w_ref[...], preferred_element_type=jnp.float32) * dinv


_mid_call = pl.pallas_call(
    _mid_body,
    out_shape=jax.ShapeDtypeStruct((N, F), jnp.float32),
)


def _final_body(acc_ref, p_ref, dinv_ref, b_ref, g_ref, be_ref, batch_ref, out_ref):
    t = (acc_ref[0, :N, :] + acc_ref[1, :N, :] + p_ref[...]) * dinv_ref[...] + b_ref[...]
    h = _bn(t, g_ref[...], be_ref[...])
    gid = lax.broadcasted_iota(jnp.int32, (N, G), 1)
    onehot = (batch_ref[...] == gid).astype(jnp.float32)
    dims = (((0,), (0,)), ((), ()))
    sums = lax.dot_general(onehot, h, dims, preferred_element_type=jnp.float32)
    cnt = lax.dot_general(onehot, jnp.ones((N, 1), jnp.float32), dims,
                          preferred_element_type=jnp.float32)
    out_ref[...] = sums / jnp.maximum(cnt, 1.0)


_final_call = pl.pallas_call(
    _final_body,
    out_shape=jax.ShapeDtypeStruct((G, F), jnp.float32),
)


def kernel(x, edge_index, batch, W1, b1, g1, be1, W2, b2, g2, be2, W3, b3, g3, be3):
    pad = EPAD - E
    srcp = jnp.concatenate([edge_index[0], jnp.zeros((pad,), jnp.int32)])
    dstp = jnp.concatenate([edge_index[1], jnp.full((pad,), N, jnp.int32)])

    degparts = _deg_call()(dstp)
    d0 = degparts[0, :N, 0:1]
    d1 = degparts[1, :N, 0:1]

    b1r, g1r, be1r = b1[None, :], g1[None, :], be1[None, :]
    b2r, g2r, be2r = b2[None, :], g2[None, :], be2[None, :]
    b3r, g3r, be3r = b3[None, :], g3[None, :], be3[None, :]

    scatter = _scatter_call()
    p1, dinv = _prep_call(d0, d1, x, W1)
    s1 = scatter(p1, srcp, dstp)
    p2 = _mid_call(s1, p1, dinv, b1r, g1r, be1r, W2)
    s2 = scatter(p2, srcp, dstp)
    p3 = _mid_call(s2, p2, dinv, b2r, g2r, be2r, W3)
    s3 = scatter(p3, srcp, dstp)
    return _final_call(s3, p3, dinv, b3r, g3r, be3r, batch[:, None])

# --- scband reference (transcript-rebuilt; emitter-appended) ---
"""Pipeline reference for scband-molecular-gcn-60722247631257 (READ-ONLY COPY).

The authoritative reference and input builder live on the scoring server;
editing this copy changes nothing except your own understanding.
"""

import jax, jax.numpy as jnp
import numpy as np

N = 10000
E = 320000
F_IN = 128
H = 128
OUT = 128
G = 64


def setup_inputs(seed: int = 0):
    key = jax.random.key(seed)
    ks = jax.random.split(key, 16)
    x = jax.random.normal(ks[0], (N, F_IN), dtype=jnp.float32)
    edge_index = jax.random.randint(ks[1], (2, E), 0, N, dtype=jnp.int32)
    batch = jnp.sort(jax.random.randint(ks[2], (N,), 0, G, dtype=jnp.int32))

    def lin(k, fi, fo):
        return jax.random.normal(k, (fi, fo), dtype=jnp.float32) / np.sqrt(fi)

    return {
        "x": x,
        "edge_index": edge_index,
        "batch": batch,
        "W1": lin(ks[3], F_IN, H),
        "b1": jnp.zeros((H,), jnp.float32),
        "g1": jnp.ones((H,), jnp.float32),
        "be1": jnp.zeros((H,), jnp.float32),
        "W2": lin(ks[4], H, H),
        "b2": jnp.zeros((H,), jnp.float32),
        "g2": jnp.ones((H,), jnp.float32),
        "be2": jnp.zeros((H,), jnp.float32),
        "W3": lin(ks[5], H, OUT),
        "b3": jnp.zeros((OUT,), jnp.float32),
        "g3": jnp.ones((OUT,), jnp.float32),
        "be3": jnp.zeros((OUT,), jnp.float32),
    }


def _gcn_conv(x, src, dst, W, b):
    # PyG GCNConv: x' = D^-1/2 (A + I) D^-1/2 X W + b  (self-loops added by caller)
    h = x @ W
    n = x.shape[0]
    deg = jnp.zeros((n,), jnp.float32).at[dst].add(1.0)
    dinv = jnp.where(deg > 0, 1.0 / jnp.sqrt(deg), 0.0)
    norm = dinv[src] * dinv[dst]
    msg = h[src] * norm[:, None]
    out = jnp.zeros((n, W.shape[1]), jnp.float32).at[dst].add(msg)
    return out + b


def _bn(x, g, b):
    mu = jnp.mean(x, axis=0)
    var = jnp.var(x, axis=0)
    return (x - mu) / jnp.sqrt(var + 1e-5) * g + b


def reference(x, edge_index, batch, W1, b1, g1, be1, W2, b2, g2, be2, W3, b3, g3, be3):
    n = x.shape[0]
    loop = jnp.arange(n, dtype=edge_index.dtype)
    src = jnp.concatenate([edge_index[0], loop])
    dst = jnp.concatenate([edge_index[1], loop])
    h = _gcn_conv(x, src, dst, W1, b1)
    h = _bn(h, g1, be1)
    h = jax.nn.relu(h)
    h = _gcn_conv(h, src, dst, W2, b2)
    h = _bn(h, g2, be2)
    h = jax.nn.relu(h)
    h = _gcn_conv(h, src, dst, W3, b3)
    h = _bn(h, g3, be3)
    sums = jax.ops.segment_sum(h, batch, num_segments=G)
    cnt = jax.ops.segment_sum(jnp.ones((n,), jnp.float32), batch, num_segments=G)
    return sums / jnp.maximum(cnt, 1.0)[:, None]

if __name__ == "__main__":
    import jax
    _d = setup_inputs()
    print(jax.jit(kernel)(*tuple(_d.values())))

</pallas_src>

<mosaic_0001>
#map = affine_map<(d0, d1) -> (0, 0)>
#map1 = affine_map<(d0, d1) -> (0)>
#map2 = affine_map<(d0, d1) -> (0, 0, 0)>
module attributes {stable_mosaic.version = 14 : i64} {
  func.func @_scatter_body(%arg0: i32, %arg1: i32, %arg2: memref<10000x128xf32, #tpu.memory_space<hbm>>, %arg3: memref<327680xi32, #tpu.memory_space<hbm>>, %arg4: memref<327680xi32, #tpu.memory_space<hbm>>, %arg5: memref<2x10112x128xf32, #tpu.memory_space<hbm>>, %arg6: memref<10112x128xf32, #tpu.memory_space<vmem_shared>>, %arg7: memref<128xi32, #tpu.memory_space<vmem>>, %arg8: memref<128xi32, #tpu.memory_space<vmem>>, %arg9: memref<128xi32, #tpu.memory_space<vmem>>, %arg10: memref<128xi32, #tpu.memory_space<vmem>>, %arg11: memref<128xi32, #tpu.memory_space<vmem>>, %arg12: memref<128xi32, #tpu.memory_space<vmem>>, %arg13: memref<128xi32, #tpu.memory_space<vmem>>, %arg14: memref<128xi32, #tpu.memory_space<vmem>>, %arg15: memref<128x128xf32, #tpu.memory_space<vmem>>, %arg16: memref<128x128xf32, #tpu.memory_space<vmem>>, %arg17: memref<!tpu.dma_semaphore, #tpu.memory_space<semaphore_mem>>, %arg18: memref<!tpu.dma_semaphore, #tpu.memory_space<semaphore_mem>>, %arg19: memref<!tpu.dma_semaphore, #tpu.memory_space<semaphore_mem>>, %arg20: memref<!tpu.dma_semaphore, #tpu.memory_space<semaphore_mem>>, %arg21: memref<!tpu.dma_semaphore, #tpu.memory_space<semaphore_mem>>, %arg22: memref<!tpu.dma_semaphore, #tpu.memory_space<semaphore_mem>>) attributes {dimension_semantics = [#tpu.dimension_semantics<core_parallel>, #tpu.dimension_semantics<subcore_parallel>], iteration_bounds = array<i64: 2, 16>, scalar_prefetch = 0 : i64, scratch_operands = 17 : i64, tpu.core_type = #tpu.core_type<sc_vector_subcore>, window_params = [{transform_indices = #map}, {transform_indices = #map1}, {transform_indices = #map1}, {transform_indices = #map2}]} {
    %eq3A = arith.constant 0 : i32
    %eq3A_0 = arith.cmpi eq, %arg0, %eq3A : i32
    %jit3A = arith.constant 144 : i32
    %jit3A_1 = arith.constant 16 : i32
    %select_n3A = arith.select %eq3A_0, %jit3A, %jit3A_1 : i32
    %eq3A_2 = arith.constant 0 : i32
    %eq3A_3 = arith.cmpi eq, %arg0, %eq3A_2 : i32
    %mul3A = arith.constant 18432 : i32
    %mul3A_4 = arith.muli %arg1, %mul3A : i32
    %mul3A_5 = arith.constant 2048 : i32
    %mul3A_6 = arith.muli %arg1, %mul3A_5 : i32
    %add3A = arith.constant 294912 : i32
    %add3A_7 = arith.addi %add3A, %mul3A_6 : i32
    %select_n3A_8 = arith.select %eq3A_3, %mul3A_4, %add3A_7 : i32
    %add3A_9 = arith.constant 0 : i32
    %add3A_10 = arith.addi %select_n3A_8, %add3A_9 : i32
    %dma_start3A = tpu.memref_slice %arg3[%add3A_10] : memref<327680xi32, #tpu.memory_space<hbm>> -> memref<128xi32, #tpu.memory_space<hbm>>
    %dma_start3A_11 = tpu.memref_slice %arg3[%add3A_10] : memref<327680xi32, #tpu.memory_space<hbm>> -> memref<128xi32, #tpu.memory_space<hbm>>
    tpu.enqueue_dma source(%dma_start3A_11 : memref<128xi32, #tpu.memory_space<hbm>>) target(%arg7 : memref<128xi32, #tpu.memory_space<vmem>>) target_semaphore(%arg17 : memref<!tpu.dma_semaphore, #tpu.memory_space<semaphore_mem>>)
    %dma_start3A_12 = tpu.memref_slice %arg4[%add3A_10] : memref<327680xi32, #tpu.memory_space<hbm>> -> memref<128xi32, #tpu.memory_space<hbm>>
    %dma_start3A_13 = tpu.memref_slice %arg4[%add3A_10] : memref<327680xi32, #tpu.memory_space<hbm>> -> memref<128xi32, #tpu.memory_space<hbm>>
    tpu.enqueue_dma source(%dma_start3A_13 : memref<128xi32, #tpu.memory_space<hbm>>) target(%arg11 : memref<128xi32, #tpu.memory_space<vmem>>) target_semaphore(%arg17 : memref<!tpu.dma_semaphore, #tpu.memory_space<semaphore_mem>>)
    %add3A_14 = arith.constant 128 : i32
    %add3A_15 = arith.addi %select_n3A_8, %add3A_14 : i32
    %dma_start3A_16 = tpu.memref_slice %arg3[%add3A_15] : memref<327680xi32, #tpu.memory_space<hbm>> -> memref<128xi32, #tpu.memory_space<hbm>>
    %dma_start3A_17 = tpu.memref_slice %arg3[%add3A_15] : memref<327680xi32, #tpu.memory_space<hbm>> -> memref<128xi32, #tpu.memory_space<hbm>>
    tpu.enqueue_dma source(%dma_start3A_17 : memref<128xi32, #tpu.memory_space<hbm>>) target(%arg8 : memref<128xi32, #tpu.memory_space<vmem>>) target_semaphore(%arg18 : memref<!tpu.dma_semaphore, #tpu.memory_space<semaphore_mem>>)
    %dma_start3A_18 = tpu.memref_slice %arg4[%add3A_15] : memref<327680xi32, #tpu.memory_space<hbm>> -> memref<128xi32, #tpu.memory_space<hbm>>
    %dma_start3A_19 = tpu.memref_slice %arg4[%add3A_15] : memref<327680xi32, #tpu.memory_space<hbm>> -> memref<128xi32, #tpu.memory_space<hbm>>
    tpu.enqueue_dma source(%dma_start3A_19 : memref<128xi32, #tpu.memory_space<hbm>>) target(%arg12 : memref<128xi32, #tpu.memory_space<vmem>>) target_semaphore(%arg18 : memref<!tpu.dma_semaphore, #tpu.memory_space<semaphore_mem>>)
    %add3A_20 = arith.constant 256 : i32
    %add3A_21 = arith.addi %select_n3A_8, %add3A_20 : i32
    %dma_start3A_22 = tpu.memref_slice %arg3[%add3A_21] : memref<327680xi32, #tpu.memory_space<hbm>> -> memref<128xi32, #tpu.memory_space<hbm>>
    %dma_start3A_23 = tpu.memref_slice %arg3[%add3A_21] : memref<327680xi32, #tpu.memory_space<hbm>> -> memref<128xi32, #tpu.memory_space<hbm>>
    tpu.enqueue_dma source(%dma_start3A_23 : memref<128xi32, #tpu.memory_space<hbm>>) target(%arg9 : memref<128xi32, #tpu.memory_space<vmem>>) target_semaphore(%arg19 : memref<!tpu.dma_semaphore, #tpu.memory_space<semaphore_mem>>)
    %dma_start3A_24 = tpu.memref_slice %arg4[%add3A_21] : memref<327680xi32, #tpu.memory_space<hbm>> -> memref<128xi32, #tpu.memory_space<hbm>>
    %dma_start3A_25 = tpu.memref_slice %arg4[%add3A_21] : memref<327680xi32, #tpu.memory_space<hbm>> -> memref<128xi32, #tpu.memory_space<hbm>>
    tpu.enqueue_dma source(%dma_start3A_25 : memref<128xi32, #tpu.memory_space<hbm>>) target(%arg13 : memref<128xi32, #tpu.memory_space<vmem>>) target_semaphore(%arg19 : memref<!tpu.dma_semaphore, #tpu.memory_space<semaphore_mem>>)
    %add3A_26 = arith.constant 384 : i32
    %add3A_27 = arith.addi %select_n3A_8, %add3A_26 : i32
    %dma_start3A_28 = tpu.memref_slice %arg3[%add3A_27] : memref<327680xi32, #tpu.memory_space<hbm>> -> memref<128xi32, #tpu.memory_space<hbm>>
    %dma_start3A_29 = tpu.memref_slice %arg3[%add3A_27] : memref<327680xi32, #tpu.memory_space<hbm>> -> memref<128xi32, #tpu.memory_space<hbm>>
    tpu.enqueue_dma source(%dma_start3A_29 : memref<128xi32, #tpu.memory_space<hbm>>) target(%arg10 : memref<128xi32, #tpu.memory_space<vmem>>) target_semaphore(%arg20 : memref<!tpu.dma_semaphore, #tpu.memory_space<semaphore_mem>>)
    %dma_start3A_30 = tpu.memref_slice %arg4[%add3A_27] : memref<327680xi32, #tpu.memory_space<hbm>> -> memref<128xi32, #tpu.memory_space<hbm>>
    %dma_start3A_31 = tpu.memref_slice %arg4[%add3A_27] : memref<327680xi32, #tpu.memory_space<hbm>> -> memref<128xi32, #tpu.memory_space<hbm>>
    tpu.enqueue_dma source(%dma_start3A_31 : memref<128xi32, #tpu.memory_space<hbm>>) target(%arg14 : memref<128xi32, #tpu.memory_space<vmem>>) target_semaphore(%arg20 : memref<!tpu.dma_semaphore, #tpu.memory_space<semaphore_mem>>)
    %broadcast_in_dim3A = arith.constant 0.000000e+00 : f32
    %broadcast_in_dim3A_32 = vector.broadcast %broadcast_in_dim3A : f32 to vector<16xf32>
    %scan3A = arith.constant 0 : i32
    %scan3A_33 = arith.constant 0 : i32
    %scan3A_34 = arith.constant 1024 : i32
    %scan3A_35 = arith.addi %scan3A_33, %scan3A_34 : i32
    %scan3A_36 = arith.constant 1 : i32
    %scan3A_37 = scf.for %scan3A_104 = %scan3A_33 to %scan3A_35 step %scan3A_36 iter_args(%scan3A_105 = %scan3A) -> (i32)  : i32 {
      %jit3A_106 = arith.constant 8 : i32
      %div3A_107 = arith.divsi %scan3A_104, %jit3A_106 : i32
      %sign3A_108 = arith.constant 0 : i32
      %sign3A_109 = arith.cmpi sgt, %scan3A_104, %sign3A_108 : i32
      %sign3A_110 = arith.extui %sign3A_109 : i1 to i32
      %sign3A_111 = arith.constant 0 : i32
      %sign3A_112 = arith.cmpi slt, %scan3A_104, %sign3A_111 : i32
      %sign3A_113 = arith.extui %sign3A_112 : i1 to i32
      %sign3A_114 = arith.subi %sign3A_110, %sign3A_113 : i32
      %sign3A_115 = arith.constant 0 : i32
      %sign3A_116 = arith.cmpi sgt, %jit3A_106, %sign3A_115 : i32
      %sign3A_117 = arith.extui %sign3A_116 : i1 to i32
      %sign3A_118 = arith.constant 0 : i32
      %sign3A_119 = arith.cmpi slt, %jit3A_106, %sign3A_118 : i32
      %sign3A_120 = arith.extui %sign3A_119 : i1 to i32
      %sign3A_121 = arith.subi %sign3A_117, %sign3A_120 : i32
      %ne3A_122 = arith.cmpi ne, %sign3A_114, %sign3A_121 : i32
      %rem3A_123 = arith.remsi %scan3A_104, %jit3A_106 : i32
      %ne3A_124 = arith.constant 0 : i32
      %ne3A_125 = arith.cmpi ne, %rem3A_123, %ne3A_124 : i32
      %and3A_126 = arith.andi %ne3A_122, %ne3A_125 : i1
      %sub3A_127 = arith.constant 1 : i32
      %sub3A_128 = arith.subi %div3A_107, %sub3A_127 : i32
      %select_n3A_129 = arith.select %and3A_126, %sub3A_128, %div3A_107 : i32
      %jit3A_130 = arith.constant 8 : i32
      %eq3A_131 = arith.constant 0 : i32
      %eq3A_132 = arith.cmpi eq, %jit3A_130, %eq3A_131 : i32
      %jit3A_133 = arith.constant 1 : i32
      %select_n3A_134 = arith.select %eq3A_132, %jit3A_133, %jit3A_130 : i32
      %rem3A_135 = arith.remsi %scan3A_104, %select_n3A_134 : i32
      %ne3A_136 = arith.constant 0 : i32
      %ne3A_137 = arith.cmpi ne, %rem3A_135, %ne3A_136 : i32
      %lt3A = arith.constant 0 : i32
      %lt3A_138 = arith.cmpi slt, %rem3A_135, %lt3A : i32
      %lt3A_139 = arith.constant 0 : i32
      %lt3A_140 = arith.cmpi slt, %select_n3A_134, %lt3A_139 : i32
      %ne3A_141 = arith.xori %lt3A_138, %lt3A_140 : i1
      %and3A_142 = arith.andi %ne3A_141, %ne3A_137 : i1
      %add3A_143 = arith.addi %rem3A_135, %select_n3A_134 : i32
      %select_n3A_144 = arith.select %and3A_142, %add3A_143, %rem3A_135 : i32
      %mul3A_145 = arith.constant 16 : i32
      %mul3A_146 = arith.muli %select_n3A_144, %mul3A_145 : i32
      %swap3A = arith.index_cast %select_n3A_129 : i32 to index
      %swap3A_147 = arith.index_cast %mul3A_146 : i32 to index
      %swap3A_148 = tpu.vector_load %arg15[%swap3A, %swap3A_147] {strides = array<i32>} : memref<128x128xf32, #tpu.memory_space<vmem>>, vector<1x16xf32>,
      %swap3A_149 = vector.shape_cast %swap3A_148 : vector<1x16xf32> to vector<16xf32>
      %swap3A_150 = vector.shape_cast %broadcast_in_dim3A_32 : vector<16xf32> to vector<1x16xf32>
      tpu.vector_store %arg15[%swap3A, %swap3A_147], %swap3A_150 {strides = array<i32>} : memref<128x128xf32, #tpu.memory_space<vmem>>, vector<1x16xf32>,
      %scan3A_151 = arith.constant 0 : i32
      scf.yield %scan3A_151 : i32
    }
    %scan3A_38 = arith.constant 1024 : i32
    %mul3A_39 = arith.constant 632 : i32
    %mul3A_40 = arith.muli %arg1, %mul3A_39 : i32
    %add3A_41 = arith.constant 0 : i32
    %add3A_42 = arith.addi %mul3A_40, %add3A_41 : i32
    "tpu.region"() ({
      %run_scoped3A = tpu.sem_alloc : memref<!tpu.dma_semaphore, #tpu.memory_space<semaphore_mem>>
      %dma_start3A_104 = arith.constant 0 : i32
      %dma_start3A_105 = arith.constant 0 : i32
      %dma_start3A_106 = tpu.memref_slice %arg15[%dma_start3A_104, %dma_start3A_105] : memref<128x128xf32, #tpu.memory_space<vmem>> -> memref<128x128xf32, #tpu.memory_space<vmem>>
      %dma_start3A_107 = arith.constant 0 : i32
      %dma_start3A_108 = tpu.memref_slice %arg6[%add3A_42, %dma_start3A_107] : memref<10112x128xf32, #tpu.memory_space<vmem_shared>> -> memref<128x128xf32, #tpu.memory_space<vmem_shared>>
      %dma_start3A_109 = arith.constant 0 : i32
      %dma_start3A_110 = tpu.memref_slice %arg6[%add3A_42, %dma_start3A_109] : memref<10112x128xf32, #tpu.memory_space<vmem_shared>> -> memref<128x128xf32, #tpu.memory_space<vmem_shared>>
      %dma_start3A_111 = arith.constant 0 : i32
      %dma_start3A_112 = arith.constant 0 : i32
      %dma_start3A_113 = tpu.memref_slice %arg15[%dma_start3A_111, %dma_start3A_112] : memref<128x128xf32, #tpu.memory_space<vmem>> -> memref<128x128xf32, #tpu.memory_space<vmem>>
      tpu.enqueue_dma source(%dma_start3A_113 : memref<128x128xf32, #tpu.memory_space<vmem>>) target(%dma_start3A_110 : memref<128x128xf32, #tpu.memory_space<vmem_shared>>) target_semaphore(%run_scoped3A : memref<!tpu.dma_semaphore, #tpu.memory_space<semaphore_mem>>)
      %dma_wait3A_114 = arith.constant 0 : i32
      %dma_wait3A_115 = arith.constant 0 : i32
      %dma_wait3A_116 = tpu.memref_slice %arg15[%dma_wait3A_114, %dma_wait3A_115] : memref<128x128xf32, #tpu.memory_space<vmem>> -> memref<128x128xf32, #tpu.memory_space<vmem>>
      %dma_wait3A_117 = arith.constant 0 : i32
      %dma_wait3A_118 = tpu.memref_slice %arg6[%add3A_42, %dma_wait3A_117] : memref<10112x128xf32, #tpu.memory_space<vmem_shared>> -> memref<128x128xf32, #tpu.memory_space<vmem_shared>>
      %dma_wait3A_119 = arith.constant 0 : i32
      %dma_wait3A_120 = tpu.memref_slice %arg6[%add3A_42, %dma_wait3A_119] : memref<10112x128xf32, #tpu.memory_space<vmem_shared>> -> memref<128x128xf32, #tpu.memory_space<vmem_shared>>
      %dma_wait3A_121 = arith.constant 0 : i32
      %dma_wait3A_122 = arith.constant 0 : i32
      %dma_wait3A_123 = tpu.memref_slice %arg15[%dma_wait3A_121, %dma_wait3A_122] : memref<128x128xf32, #tpu.memory_space<vmem>> -> memref<128x128xf32, #tpu.memory_space<vmem>>
      tpu.wait_dma2 semaphore(%run_scoped3A : memref<!tpu.dma_semaphore, #tpu.memory_space<semaphore_mem>>) src(%dma_wait3A_123 : memref<128x128xf32, #tpu.memory_space<vmem>>) dst(%dma_wait3A_120 : memref<128x128xf32, #tpu.memory_space<vmem_shared>>)
      tpu.yield
    }) : () -> ()
    %add3A_43 = arith.constant 128 : i32
    %add3A_44 = arith.addi %mul3A_40, %add3A_43 : i32
    "tpu.region"() ({
      %run_scoped3A = tpu.sem_alloc : memref<!tpu.dma_semaphore, #tpu.memory_space<semaphore_mem>>
      %dma_start3A_104 = arith.constant 0 : i32
      %dma_start3A_105 = arith.constant 0 : i32
      %dma_start3A_106 = tpu.memref_slice %arg15[%dma_start3A_104, %dma_start3A_105] : memref<128x128xf32, #tpu.memory_space<vmem>> -> memref<128x128xf32, #tpu.memory_space<vmem>>
      %dma_start3A_107 = arith.constant 0 : i32
      %dma_start3A_108 = tpu.memref_slice %arg6[%add3A_44, %dma_start3A_107] : memref<10112x128xf32, #tpu.memory_space<vmem_shared>> -> memref<128x128xf32, #tpu.memory_space<vmem_shared>>
      %dma_start3A_109 = arith.constant 0 : i32
      %dma_start3A_110 = tpu.memref_slice %arg6[%add3A_44, %dma_start3A_109] : memref<10112x128xf32, #tpu.memory_space<vmem_shared>> -> memref<128x128xf32, #tpu.memory_space<vmem_shared>>
      %dma_start3A_111 = arith.constant 0 : i32
      %dma_start3A_112 = arith.constant 0 : i32
      %dma_start3A_113 = tpu.memref_slice %arg15[%dma_start3A_111, %dma_start3A_112] : memref<128x128xf32, #tpu.memory_space<vmem>> -> memref<128x128xf32, #tpu.memory_space<vmem>>
      tpu.enqueue_dma source(%dma_start3A_113 : memref<128x128xf32, #tpu.memory_space<vmem>>) target(%dma_start3A_110 : memref<128x128xf32, #tpu.memory_space<vmem_shared>>) target_semaphore(%run_scoped3A : memref<!tpu.dma_semaphore, #tpu.memory_space<semaphore_mem>>)
      %dma_wait3A_114 = arith.constant 0 : i32
      %dma_wait3A_115 = arith.constant 0 : i32
      %dma_wait3A_116 = tpu.memref_slice %arg15[%dma_wait3A_114, %dma_wait3A_115] : memref<128x128xf32, #tpu.memory_space<vmem>> -> memref<128x128xf32, #tpu.memory_space<vmem>>
      %dma_wait3A_117 = arith.constant 0 : i32
      %dma_wait3A_118 = tpu.memref_slice %arg6[%add3A_44, %dma_wait3A_117] : memref<10112x128xf32, #tpu.memory_space<vmem_shared>> -> memref<128x128xf32, #tpu.memory_space<vmem_shared>>
      %dma_wait3A_119 = arith.constant 0 : i32
      %dma_wait3A_120 = tpu.memref_slice %arg6[%add3A_44, %dma_wait3A_119] : memref<10112x128xf32, #tpu.memory_space<vmem_shared>> -> memref<128x128xf32, #tpu.memory_space<vmem_shared>>
      %dma_wait3A_121 = arith.constant 0 : i32
      %dma_wait3A_122 = arith.constant 0 : i32
      %dma_wait3A_123 = tpu.memref_slice %arg15[%dma_wait3A_121, %dma_wait3A_122] : memref<128x128xf32, #tpu.memory_space<vmem>> -> memref<128x128xf32, #tpu.memory_space<vmem>>
      tpu.wait_dma2 semaphore(%run_scoped3A : memref<!tpu.dma_semaphore, #tpu.memory_space<semaphore_mem>>) src(%dma_wait3A_123 : memref<128x128xf32, #tpu.memory_space<vmem>>) dst(%dma_wait3A_120 : memref<128x128xf32, #tpu.memory_space<vmem_shared>>)
      tpu.yield
    }) : () -> ()
    %add3A_45 = arith.constant 256 : i32
    %add3A_46 = arith.addi %mul3A_40, %add3A_45 : i32
    "tpu.region"() ({
      %run_scoped3A = tpu.sem_alloc : memref<!tpu.dma_semaphore, #tpu.memory_space<semaphore_mem>>
      %dma_start3A_104 = arith.constant 0 : i32
      %dma_start3A_105 = arith.constant 0 : i32
      %dma_start3A_106 = tpu.memref_slice %arg15[%dma_start3A_104, %dma_start3A_105] : memref<128x128xf32, #tpu.memory_space<vmem>> -> memref<128x128xf32, #tpu.memory_space<vmem>>
      %dma_start3A_107 = arith.constant 0 : i32
      %dma_start3A_108 = tpu.memref_slice %arg6[%add3A_46, %dma_start3A_107] : memref<10112x128xf32, #tpu.memory_space<vmem_shared>> -> memref<128x128xf32, #tpu.memory_space<vmem_shared>>
      %dma_start3A_109 = arith.constant 0 : i32
      %dma_start3A_110 = tpu.memref_slice %arg6[%add3A_46, %dma_start3A_109] : memref<10112x128xf32, #tpu.memory_space<vmem_shared>> -> memref<128x128xf32, #tpu.memory_space<vmem_shared>>
      %dma_start3A_111 = arith.constant 0 : i32
      %dma_start3A_112 = arith.constant 0 : i32
      %dma_start3A_113 = tpu.memref_slice %arg15[%dma_start3A_111, %dma_start3A_112] : memref<128x128xf32, #tpu.memory_space<vmem>> -> memref<128x128xf32, #tpu.memory_space<vmem>>
      tpu.enqueue_dma source(%dma_start3A_113 : memref<128x128xf32, #tpu.memory_space<vmem>>) target(%dma_start3A_110 : memref<128x128xf32, #tpu.memory_space<vmem_shared>>) target_semaphore(%run_scoped3A : memref<!tpu.dma_semaphore, #tpu.memory_space<semaphore_mem>>)
      %dma_wait3A_114 = arith.constant 0 : i32
      %dma_wait3A_115 = arith.constant 0 : i32
      %dma_wait3A_116 = tpu.memref_slice %arg15[%dma_wait3A_114, %dma_wait3A_115] : memref<128x128xf32, #tpu.memory_space<vmem>> -> memref<128x128xf32, #tpu.memory_space<vmem>>
      %dma_wait3A_117 = arith.constant 0 : i32
      %dma_wait3A_118 = tpu.memref_slice %arg6[%add3A_46, %dma_wait3A_117] : memref<10112x128xf32, #tpu.memory_space<vmem_shared>> -> memref<128x128xf32, #tpu.memory_space<vmem_shared>>
      %dma_wait3A_119 = arith.constant 0 : i32
      %dma_wait3A_120 = tpu.memref_slice %arg6[%add3A_46, %dma_wait3A_119] : memref<10112x128xf32, #tpu.memory_space<vmem_shared>> -> memref<128x128xf32, #tpu.memory_space<vmem_shared>>
      %dma_wait3A_121 = arith.constant 0 : i32
      %dma_wait3A_122 = arith.constant 0 : i32
      %dma_wait3A_123 = tpu.memref_slice %arg15[%dma_wait3A_121, %dma_wait3A_122] : memref<128x128xf32, #tpu.memory_space<vmem>> -> memref<128x128xf32, #tpu.memory_space<vmem>>
      tpu.wait_dma2 semaphore(%run_scoped3A : memref<!tpu.dma_semaphore, #tpu.memory_space<semaphore_mem>>) src(%dma_wait3A_123 : memref<128x128xf32, #tpu.memory_space<vmem>>) dst(%dma_wait3A_120 : memref<128x128xf32, #tpu.memory_space<vmem_shared>>)
      tpu.yield
    }) : () -> ()
    %add3A_47 = arith.constant 384 : i32
    %add3A_48 = arith.addi %mul3A_40, %add3A_47 : i32
    "tpu.region"() ({
      %run_scoped3A = tpu.sem_alloc : memref<!tpu.dma_semaphore, #tpu.memory_space<semaphore_mem>>
      %dma_start3A_104 = arith.constant 0 : i32
      %dma_start3A_105 = arith.constant 0 : i32
      %dma_start3A_106 = tpu.memref_slice %arg15[%dma_start3A_104, %dma_start3A_105] : memref<128x128xf32, #tpu.memory_space<vmem>> -> memref<128x128xf32, #tpu.memory_space<vmem>>
      %dma_start3A_107 = arith.constant 0 : i32
      %dma_start3A_108 = tpu.memref_slice %arg6[%add3A_48, %dma_start3A_107] : memref<10112x128xf32, #tpu.memory_space<vmem_shared>> -> memref<128x128xf32, #tpu.memory_space<vmem_shared>>
      %dma_start3A_109 = arith.constant 0 : i32
      %dma_start3A_110 = tpu.memref_slice %arg6[%add3A_48, %dma_start3A_109] : memref<10112x128xf32, #tpu.memory_space<vmem_shared>> -> memref<128x128xf32, #tpu.memory_space<vmem_shared>>
      %dma_start3A_111 = arith.constant 0 : i32
      %dma_start3A_112 = arith.constant 0 : i32
      %dma_start3A_113 = tpu.memref_slice %arg15[%dma_start3A_111, %dma_start3A_112] : memref<128x128xf32, #tpu.memory_space<vmem>> -> memref<128x128xf32, #tpu.memory_space<vmem>>
      tpu.enqueue_dma source(%dma_start3A_113 : memref<128x128xf32, #tpu.memory_space<vmem>>) target(%dma_start3A_110 : memref<128x128xf32, #tpu.memory_space<vmem_shared>>) target_semaphore(%run_scoped3A : memref<!tpu.dma_semaphore, #tpu.memory_space<semaphore_mem>>)
      %dma_wait3A_114 = arith.constant 0 : i32
      %dma_wait3A_115 = arith.constant 0 : i32
      %dma_wait3A_116 = tpu.memref_slice %arg15[%dma_wait3A_114, %dma_wait3A_115] : memref<128x128xf32, #tpu.memory_space<vmem>> -> memref<128x128xf32, #tpu.memory_space<vmem>>
      %dma_wait3A_117 = arith.constant 0 : i32
      %dma_wait3A_118 = tpu.memref_slice %arg6[%add3A_48, %dma_wait3A_117] : memref<10112x128xf32, #tpu.memory_space<vmem_shared>> -> memref<128x128xf32, #tpu.memory_space<vmem_shared>>
      %dma_wait3A_119 = arith.constant 0 : i32
      %dma_wait3A_120 = tpu.memref_slice %arg6[%add3A_48, %dma_wait3A_119] : memref<10112x128xf32, #tpu.memory_space<vmem_shared>> -> memref<128x128xf32, #tpu.memory_space<vmem_shared>>
      %dma_wait3A_121 = arith.constant 0 : i32
      %dma_wait3A_122 = arith.constant 0 : i32
      %dma_wait3A_123 = tpu.memref_slice %arg15[%dma_wait3A_121, %dma_wait3A_122] : memref<128x128xf32, #tpu.memory_space<vmem>> -> memref<128x128xf32, #tpu.memory_space<vmem>>
      tpu.wait_dma2 semaphore(%run_scoped3A : memref<!tpu.dma_semaphore, #tpu.memory_space<semaphore_mem>>) src(%dma_wait3A_123 : memref<128x128xf32, #tpu.memory_space<vmem>>) dst(%dma_wait3A_120 : memref<128x128xf32, #tpu.memory_space<vmem_shared>>)
      tpu.yield
    }) : () -> ()
    %add3A_49 = arith.constant 512 : i32
    %add3A_50 = arith.addi %mul3A_40, %add3A_49 : i32
    "tpu.region"() ({
      %run_scoped3A = tpu.sem_alloc : memref<!tpu.dma_semaphore, #tpu.memory_space<semaphore_mem>>
      %dma_start3A_104 = arith.constant 0 : i32
      %dma_start3A_105 = arith.constant 0 : i32
      %dma_start3A_106 = tpu.memref_slice %arg15[%dma_start3A_104, %dma_start3A_105] : memref<128x128xf32, #tpu.memory_space<vmem>> -> memref<120x128xf32, #tpu.memory_space<vmem>>
      %dma_start3A_107 = arith.constant 0 : i32
      %dma_start3A_108 = tpu.memref_slice %arg6[%add3A_50, %dma_start3A_107] : memref<10112x128xf32, #tpu.memory_space<vmem_shared>> -> memref<120x128xf32, #tpu.memory_space<vmem_shared>>
      %dma_start3A_109 = arith.constant 0 : i32
      %dma_start3A_110 = tpu.memref_slice %arg6[%add3A_50, %dma_start3A_109] : memref<10112x128xf32, #tpu.memory_space<vmem_shared>> -> memref<120x128xf32, #tpu.memory_space<vmem_shared>>
      %dma_start3A_111 = arith.constant 0 : i32
      %dma_start3A_112 = arith.constant 0 : i32
      %dma_start3A_113 = tpu.memref_slice %arg15[%dma_start3A_111, %dma_start3A_112] : memref<128x128xf32, #tpu.memory_space<vmem>> -> memref<120x128xf32, #tpu.memory_space<vmem>>
      tpu.enqueue_dma source(%dma_start3A_113 : memref<120x128xf32, #tpu.memory_space<vmem>>) target(%dma_start3A_110 : memref<120x128xf32, #tpu.memory_space<vmem_shared>>) target_semaphore(%run_scoped3A : memref<!tpu.dma_semaphore, #tpu.memory_space<semaphore_mem>>)
      %dma_wait3A_114 = arith.constant 0 : i32
      %dma_wait3A_115 = arith.constant 0 : i32
      %dma_wait3A_116 = tpu.memref_slice %arg15[%dma_wait3A_114, %dma_wait3A_115] : memref<128x128xf32, #tpu.memory_space<vmem>> -> memref<120x128xf32, #tpu.memory_space<vmem>>
      %dma_wait3A_117 = arith.constant 0 : i32
      %dma_wait3A_118 = tpu.memref_slice %arg6[%add3A_50, %dma_wait3A_117] : memref<10112x128xf32, #tpu.memory_space<vmem_shared>> -> memref<120x128xf32, #tpu.memory_space<vmem_shared>>
      %dma_wait3A_119 = arith.constant 0 : i32
      %dma_wait3A_120 = tpu.memref_slice %arg6[%add3A_50, %dma_wait3A_119] : memref<10112x128xf32, #tpu.memory_space<vmem_shared>> -> memref<120x128xf32, #tpu.memory_space<vmem_shared>>
      %dma_wait3A_121 = arith.constant 0 : i32
      %dma_wait3A_122 = arith.constant 0 : i32
      %dma_wait3A_123 = tpu.memref_slice %arg15[%dma_wait3A_121, %dma_wait3A_122] : memref<128x128xf32, #tpu.memory_space<vmem>> -> memref<120x128xf32, #tpu.memory_space<vmem>>
      tpu.wait_dma2 semaphore(%run_scoped3A : memref<!tpu.dma_semaphore, #tpu.memory_space<semaphore_mem>>) src(%dma_wait3A_123 : memref<120x128xf32, #tpu.memory_space<vmem>>) dst(%dma_wait3A_120 : memref<120x128xf32, #tpu.memory_space<vmem_shared>>)
      tpu.yield
    }) : () -> ()
    %barrier3A = arith.constant 0 : index
    tpu.barrier barrier_id(%barrier3A)
    %dma_wait3A = arith.constant 0 : i32
    %dma_wait3A_51 = tpu.memref_slice %arg3[%dma_wait3A] : memref<327680xi32, #tpu.memory_space<hbm>> -> memref<128xi32, #tpu.memory_space<hbm>>
    %dma_wait3A_52 = arith.constant 0 : i32
    %dma_wait3A_53 = tpu.memref_slice %arg3[%dma_wait3A_52] : memref<327680xi32, #tpu.memory_space<hbm>> -> memref<128xi32, #tpu.memory_space<hbm>>
    tpu.wait_dma2 semaphore(%arg17 : memref<!tpu.dma_semaphore, #tpu.memory_space<semaphore_mem>>) src(%dma_wait3A_53 : memref<128xi32, #tpu.memory_space<hbm>>) dst(%arg7 : memref<128xi32, #tpu.memory_space<vmem>>)
    %dma_wait3A_54 = arith.constant 0 : i32
    %dma_wait3A_55 = tpu.memref_slice %arg4[%dma_wait3A_54] : memref<327680xi32, #tpu.memory_space<hbm>> -> memref<128xi32, #tpu.memory_space<hbm>>
    %dma_wait3A_56 = arith.constant 0 : i32
    %dma_wait3A_57 = tpu.memref_slice %arg4[%dma_wait3A_56] : memref<327680xi32, #tpu.memory_space<hbm>> -> memref<128xi32, #tpu.memory_space<hbm>>
    tpu.wait_dma2 semaphore(%arg17 : memref<!tpu.dma_semaphore, #tpu.memory_space<semaphore_mem>>) src(%dma_wait3A_57 : memref<128xi32, #tpu.memory_space<hbm>>) dst(%arg11 : memref<128xi32, #tpu.memory_space<vmem>>)
    %dma_start3A_58 = arith.constant 0 : i32
    %dma_start3A_59 = arith.constant 0 : i32
    %dma_start3A_60 = tpu.memref_slice %arg2[%dma_start3A_58, %dma_start3A_59] : memref<10000x128xf32, #tpu.memory_space<hbm>> -> memref<10000x128xf32, #tpu.memory_space<hbm>>
    tpu.enqueue_indirect_dma source(%dma_start3A_60 : memref<10000x128xf32, #tpu.memory_space<hbm>>) target(%arg15 : memref<128x128xf32, #tpu.memory_space<vmem>>) offsets(%arg7 : memref<128xi32, #tpu.memory_space<vmem>>) semaphore(%arg21 : memref<!tpu.dma_semaphore, #tpu.memory_space<semaphore_mem>>)
    %dma_wait3A_61 = arith.constant 0 : i32
    %dma_wait3A_62 = tpu.memref_slice %arg3[%dma_wait3A_61] : memref<327680xi32, #tpu.memory_space<hbm>> -> memref<128xi32, #tpu.memory_space<hbm>>
    %dma_wait3A_63 = arith.constant 0 : i32
    %dma_wait3A_64 = tpu.memref_slice %arg3[%dma_wait3A_63] : memref<327680xi32, #tpu.memory_space<hbm>> -> memref<128xi32, #tpu.memory_space<hbm>>
    tpu.wait_dma2 semaphore(%arg18 : memref<!tpu.dma_semaphore, #tpu.memory_space<semaphore_mem>>) src(%dma_wait3A_64 : memref<128xi32, #tpu.memory_space<hbm>>) dst(%arg8 : memref<128xi32, #tpu.memory_space<vmem>>)
    %dma_wait3A_65 = arith.constant 0 : i32
    %dma_wait3A_66 = tpu.memref_slice %arg4[%dma_wait3A_65] : memref<327680xi32, #tpu.memory_space<hbm>> -> memref<128xi32, #tpu.memory_space<hbm>>
    %dma_wait3A_67 = arith.constant 0 : i32
    %dma_wait3A_68 = tpu.memref_slice %arg4[%dma_wait3A_67] : memref<327680xi32, #tpu.memory_space<hbm>> -> memref<128xi32, #tpu.memory_space<hbm>>
    tpu.wait_dma2 semaphore(%arg18 : memref<!tpu.dma_semaphore, #tpu.memory_space<semaphore_mem>>) src(%dma_wait3A_68 : memref<128xi32, #tpu.memory_space<hbm>>) dst(%arg12 : memref<128xi32, #tpu.memory_space<vmem>>)
    %dma_start3A_69 = arith.constant 0 : i32
    %dma_start3A_70 = arith.constant 0 : i32
    %dma_start3A_71 = tpu.memref_slice %arg2[%dma_start3A_69, %dma_start3A_70] : memref<10000x128xf32, #tpu.memory_space<hbm>> -> memref<10000x128xf32, #tpu.memory_space<hbm>>
    tpu.enqueue_indirect_dma source(%dma_start3A_71 : memref<10000x128xf32, #tpu.memory_space<hbm>>) target(%arg16 : memref<128x128xf32, #tpu.memory_space<vmem>>) offsets(%arg8 : memref<128xi32, #tpu.memory_space<vmem>>) semaphore(%arg22 : memref<!tpu.dma_semaphore, #tpu.memory_space<semaphore_mem>>)
    %jit3A_72 = arith.constant 4 : i32
    %div3A = arith.divsi %select_n3A, %jit3A_72 : i32
    %sign3A = arith.constant 0 : i32
    %sign3A_73 = arith.cmpi sgt, %select_n3A, %sign3A : i32
    %sign3A_74 = arith.extui %sign3A_73 : i1 to i32
    %sign3A_75 = arith.constant 0 : i32
    %sign3A_76 = arith.cmpi slt, %select_n3A, %sign3A_75 : i32
    %sign3A_77 = arith.extui %sign3A_76 : i1 to i32
    %sign3A_78 = arith.subi %sign3A_74, %sign3A_77 : i32
    %sign3A_79 = arith.constant 0 : i32
    %sign3A_80 = arith.cmpi sgt, %jit3A_72, %sign3A_79 : i32
    %sign3A_81 = arith.extui %sign3A_80 : i1 to i32
    %sign3A_82 = arith.constant 0 : i32
    %sign3A_83 = arith.cmpi slt, %jit3A_72, %sign3A_82 : i32
    %sign3A_84 = arith.extui %sign3A_83 : i1 to i32
    %sign3A_85 = arith.subi %sign3A_81, %sign3A_84 : i32
    %ne3A = arith.cmpi ne, %sign3A_78, %sign3A_85 : i32
    %rem3A = arith.remsi %select_n3A, %jit3A_72 : i32
    %ne3A_86 = arith.constant 0 : i32
    %ne3A_87 = arith.cmpi ne, %rem3A, %ne3A_86 : i32
    %and3A = arith.andi %ne3A, %ne3A_87 : i1
    %sub3A = arith.constant 1 : i32
    %sub3A_88 = arith.subi %div3A, %sub3A : i32
    %select_n3A_89 = arith.select %and3A, %sub3A_88, %div3A : i32
    %while3A = arith.constant 0 : i32
    %while3A_90 = arith.constant 0 : i32
    %while3A_91 = arith.subi %select_n3A_89, %while3A : i32
    %while3A_92 = arith.addi %while3A, %while3A_91 : i32
    %while3A_93 = arith.constant 1 : i32
    %while3A_94 = arith.divsi %while3A_91, %while3A_93 : i32
    %while3A_95 = arith.muli %while3A_94, %while3A_93 : i32
    %while3A_96 = arith.addi %while3A, %while3A_95 : i32
    %while3A_97 = arith.constant 1 : i32
    %while3A_98 = scf.for %while3A_104 = %while3A to %while3A_96 step %while3A_97 iter_args(%while3A_105 = %while3A_90) -> (i32)  : i32 {
      %mul3A_106 = arith.constant 4 : i32
      %mul3A_107 = arith.muli %mul3A_106, %while3A_104 : i32
      %add3A_108 = arith.constant 0 : i32
      %add3A_109 = arith.addi %mul3A_107, %add3A_108 : i32
      %dma_wait3A_110 = arith.constant 0 : i32
      %dma_wait3A_111 = arith.constant 0 : i32
      %dma_wait3A_112 = tpu.memref_slice %arg2[%dma_wait3A_110, %dma_wait3A_111] : memref<10000x128xf32, #tpu.memory_space<hbm>> -> memref<10000x128xf32, #tpu.memory_space<hbm>>
      tpu.wait_indirect_dma semaphore(%arg21 : memref<!tpu.dma_semaphore, #tpu.memory_space<semaphore_mem>>) src(%dma_wait3A_112 : memref<10000x128xf32, #tpu.memory_space<hbm>>) dst(%arg15 : memref<128x128xf32, #tpu.memory_space<vmem>>)
      "tpu.region"() ({
        %run_scoped3A = tpu.sem_alloc : memref<!tpu.dma_semaphore, #tpu.memory_space<semaphore_mem>>
        %dma_start3A_174 = arith.constant 0 : i32
        %dma_start3A_175 = arith.constant 0 : i32
        %dma_start3A_176 = tpu.memref_slice %arg6[%dma_start3A_174, %dma_start3A_175] : memref<10112x128xf32, #tpu.memory_space<vmem_shared>> -> memref<10112x128xf32, #tpu.memory_space<vmem_shared>>
        tpu.enqueue_indirect_dma source(%arg15 : memref<128x128xf32, #tpu.memory_space<vmem>>) target(%dma_start3A_176 : memref<10112x128xf32, #tpu.memory_space<vmem_shared>>) offsets(%arg11 : memref<128xi32, #tpu.memory_space<vmem>>) semaphore(%run_scoped3A : memref<!tpu.dma_semaphore, #tpu.memory_space<semaphore_mem>>) {add = true}
        %dma_wait3A_177 = arith.constant 0 : i32
        %dma_wait3A_178 = arith.constant 0 : i32
        %dma_wait3A_179 = tpu.memref_slice %arg6[%dma_wait3A_177, %dma_wait3A_178] : memref<10112x128xf32, #tpu.memory_space<vmem_shared>> -> memref<10112x128xf32, #tpu.memory_space<vmem_shared>>
        tpu.wait_indirect_dma semaphore(%run_scoped3A : memref<!tpu.dma_semaphore, #tpu.memory_space<semaphore_mem>>) src(%arg15 : memref<128x128xf32, #tpu.memory_space<vmem>>) dst(%dma_wait3A_179 : memref<10112x128xf32, #tpu.memory_space<vmem_shared>>)
        tpu.yield
      }) : () -> ()
      %add3A_113 = arith.constant 4 : i32
      %add3A_114 = arith.addi %add3A_109, %add3A_113 : i32
      %lt3A = arith.cmpi slt, %add3A_114, %select_n3A : i32
      %convert_element_type3A = arith.extui %lt3A : i1 to i32
      %cond3A = arith.constant 0 : i32
      %cond3A_115 = arith.cmpi ne, %convert_element_type3A, %cond3A : i32
      scf.if %cond3A_115 {
        %add3A_174 = arith.constant 4 : i32
        %add3A_175 = arith.addi %add3A_109, %add3A_174 : i32
        %mul3A_176 = arith.constant 128 : i32
        %mul3A_177 = arith.muli %add3A_175, %mul3A_176 : i32
        %add3A_178 = arith.addi %select_n3A_8, %mul3A_177 : i32
        %dma_start3A_179 = tpu.memref_slice %arg3[%add3A_178] : memref<327680xi32, #tpu.memory_space<hbm>> -> memref<128xi32, #tpu.memory_space<hbm>>
        %dma_start3A_180 = tpu.memref_slice %arg3[%add3A_178] : memref<327680xi32, #tpu.memory_space<hbm>> -> memref<128xi32, #tpu.memory_space<hbm>>
        tpu.enqueue_dma source(%dma_start3A_180 : memref<128xi32, #tpu.memory_space<hbm>>) target(%arg7 : memref<128xi32, #tpu.memory_space<vmem>>) target_semaphore(%arg17 : memref<!tpu.dma_semaphore, #tpu.memory_space<semaphore_mem>>)
        %dma_start3A_181 = tpu.memref_slice %arg4[%add3A_178] : memref<327680xi32, #tpu.memory_space<hbm>> -> memref<128xi32, #tpu.memory_space<hbm>>
        %dma_start3A_182 = tpu.memref_slice %arg4[%add3A_178] : memref<327680xi32, #tpu.memory_space<hbm>> -> memref<128xi32, #tpu.memory_space<hbm>>
        tpu.enqueue_dma source(%dma_start3A_182 : memref<128xi32, #tpu.memory_space<hbm>>) target(%arg11 : memref<128xi32, #tpu.memory_space<vmem>>) target_semaphore(%arg17 : memref<!tpu.dma_semaphore, #tpu.memory_space<semaphore_mem>>)
      } else {
      }
      %add3A_116 = arith.constant 2 : i32
      %add3A_117 = arith.addi %add3A_109, %add3A_116 : i32
      %lt3A_118 = arith.cmpi slt, %add3A_117, %select_n3A : i32
      %convert_element_type3A_119 = arith.extui %lt3A_118 : i1 to i32
      %cond3A_120 = arith.constant 0 : i32
      %cond3A_121 = arith.cmpi ne, %convert_element_type3A_119, %cond3A_120 : i32
      scf.if %cond3A_121 {
        %dma_wait3A_174 = arith.constant 0 : i32
        %dma_wait3A_175 = tpu.memref_slice %arg3[%dma_wait3A_174] : memref<327680xi32, #tpu.memory_space<hbm>> -> memref<128xi32, #tpu.memory_space<hbm>>
        %dma_wait3A_176 = arith.constant 0 : i32
        %dma_wait3A_177 = tpu.memref_slice %arg3[%dma_wait3A_176] : memref<327680xi32, #tpu.memory_space<hbm>> -> memref<128xi32, #tpu.memory_space<hbm>>
        tpu.wait_dma2 semaphore(%arg19 : memref<!tpu.dma_semaphore, #tpu.memory_space<semaphore_mem>>) src(%dma_wait3A_177 : memref<128xi32, #tpu.memory_space<hbm>>) dst(%arg9 : memref<128xi32, #tpu.memory_space<vmem>>)
        %dma_wait3A_178 = arith.constant 0 : i32
        %dma_wait3A_179 = tpu.memref_slice %arg4[%dma_wait3A_178] : memref<327680xi32, #tpu.memory_space<hbm>> -> memref<128xi32, #tpu.memory_space<hbm>>
        %dma_wait3A_180 = arith.constant 0 : i32
        %dma_wait3A_181 = tpu.memref_slice %arg4[%dma_wait3A_180] : memref<327680xi32, #tpu.memory_space<hbm>> -> memref<128xi32, #tpu.memory_space<hbm>>
        tpu.wait_dma2 semaphore(%arg19 : memref<!tpu.dma_semaphore, #tpu.memory_space<semaphore_mem>>) src(%dma_wait3A_181 : memref<128xi32, #tpu.memory_space<hbm>>) dst(%arg13 : memref<128xi32, #tpu.memory_space<vmem>>)
        %dma_start3A_182 = arith.constant 0 : i32
        %dma_start3A_183 = arith.constant 0 : i32
        %dma_start3A_184 = tpu.memref_slice %arg2[%dma_start3A_182, %dma_start3A_183] : memref<10000x128xf32, #tpu.memory_space<hbm>> -> memref<10000x128xf32, #tpu.memory_space<hbm>>
        tpu.enqueue_indirect_dma source(%dma_start3A_184 : memref<10000x128xf32, #tpu.memory_space<hbm>>) target(%arg15 : memref<128x128xf32, #tpu.memory_space<vmem>>) offsets(%arg9 : memref<128xi32, #tpu.memory_space<vmem>>) semaphore(%arg21 : memref<!tpu.dma_semaphore, #tpu.memory_space<semaphore_mem>>)
      } else {
      }
      %add3A_122 = arith.constant 1 : i32
      %add3A_123 = arith.addi %mul3A_107, %add3A_122 : i32
      %dma_wait3A_124 = arith.constant 0 : i32
      %dma_wait3A_125 = arith.constant 0 : i32
      %dma_wait3A_126 = tpu.memref_slice %arg2[%dma_wait3A_124, %dma_wait3A_125] : memref<10000x128xf32, #tpu.memory_space<hbm>> -> memref<10000x128xf32, #tpu.memory_space<hbm>>
      tpu.wait_indirect_dma semaphore(%arg22 : memref<!tpu.dma_semaphore, #tpu.memory_space<semaphore_mem>>) src(%dma_wait3A_126 : memref<10000x128xf32, #tpu.memory_space<hbm>>) dst(%arg16 : memref<128x128xf32, #tpu.memory_space<vmem>>)
      "tpu.region"() ({
        %run_scoped3A = tpu.sem_alloc : memref<!tpu.dma_semaphore, #tpu.memory_space<semaphore_mem>>
        %dma_start3A_174 = arith.constant 0 : i32
        %dma_start3A_175 = arith.constant 0 : i32
        %dma_start3A_176 = tpu.memref_slice %arg6[%dma_start3A_174, %dma_start3A_175] : memref<10112x128xf32, #tpu.memory_space<vmem_shared>> -> memref<10112x128xf32, #tpu.memory_space<vmem_shared>>
        tpu.enqueue_indirect_dma source(%arg16 : memref<128x128xf32, #tpu.memory_space<vmem>>) target(%dma_start3A_176 : memref<10112x128xf32, #tpu.memory_space<vmem_shared>>) offsets(%arg12 : memref<128xi32, #tpu.memory_space<vmem>>) semaphore(%run_scoped3A : memref<!tpu.dma_semaphore, #tpu.memory_space<semaphore_mem>>) {add = true}
        %dma_wait3A_177 = arith.constant 0 : i32
        %dma_wait3A_178 = arith.constant 0 : i32
        %dma_wait3A_179 = tpu.memref_slice %arg6[%dma_wait3A_177, %dma_wait3A_178] : memref<10112x128xf32, #tpu.memory_space<vmem_shared>> -> memref<10112x128xf32, #tpu.memory_space<vmem_shared>>
        tpu.wait_indirect_dma semaphore(%run_scoped3A : memref<!tpu.dma_semaphore, #tpu.memory_space<semaphore_mem>>) src(%arg16 : memref<128x128xf32, #tpu.memory_space<vmem>>) dst(%dma_wait3A_179 : memref<10112x128xf32, #tpu.memory_space<vmem_shared>>)
        tpu.yield
      }) : () -> ()
      %add3A_127 = arith.constant 4 : i32
      %add3A_128 = arith.addi %add3A_123, %add3A_127 : i32
      %lt3A_129 = arith.cmpi slt, %add3A_128, %select_n3A : i32
      %convert_element_type3A_130 = arith.extui %lt3A_129 : i1 to i32
      %cond3A_131 = arith.constant 0 : i32
      %cond3A_132 = arith.cmpi ne, %convert_element_type3A_130, %cond3A_131 : i32
      scf.if %cond3A_132 {
        %add3A_174 = arith.constant 4 : i32
        %add3A_175 = arith.addi %add3A_123, %add3A_174 : i32
        %mul3A_176 = arith.constant 128 : i32
        %mul3A_177 = arith.muli %add3A_175, %mul3A_176 : i32
        %add3A_178 = arith.addi %select_n3A_8, %mul3A_177 : i32
        %dma_start3A_179 = tpu.memref_slice %arg3[%add3A_178] : memref<327680xi32, #tpu.memory_space<hbm>> -> memref<128xi32, #tpu.memory_space<hbm>>
        %dma_start3A_180 = tpu.memref_slice %arg3[%add3A_178] : memref<327680xi32, #tpu.memory_space<hbm>> -> memref<128xi32, #tpu.memory_space<hbm>>
        tpu.enqueue_dma source(%dma_start3A_180 : memref<128xi32, #tpu.memory_space<hbm>>) target(%arg8 : memref<128xi32, #tpu.memory_space<vmem>>) target_semaphore(%arg18 : memref<!tpu.dma_semaphore, #tpu.memory_space<semaphore_mem>>)
        %dma_start3A_181 = tpu.memref_slice %arg4[%add3A_178] : memref<327680xi32, #tpu.memory_space<hbm>> -> memref<128xi32, #tpu.memory_space<hbm>>
        %dma_start3A_182 = tpu.memref_slice %arg4[%add3A_178] : memref<327680xi32, #tpu.memory_space<hbm>> -> memref<128xi32, #tpu.memory_space<hbm>>
        tpu.enqueue_dma source(%dma_start3A_182 : memref<128xi32, #tpu.memory_space<hbm>>) target(%arg12 : memref<128xi32, #tpu.memory_space<vmem>>) target_semaphore(%arg18 : memref<!tpu.dma_semaphore, #tpu.memory_space<semaphore_mem>>)
      } else {
      }
      %add3A_133 = arith.constant 2 : i32
      %add3A_134 = arith.addi %add3A_123, %add3A_133 : i32
      %lt3A_135 = arith.cmpi slt, %add3A_134, %select_n3A : i32
      %convert_element_type3A_136 = arith.extui %lt3A_135 : i1 to i32
      %cond3A_137 = arith.constant 0 : i32
      %cond3A_138 = arith.cmpi ne, %convert_element_type3A_136, %cond3A_137 : i32
      scf.if %cond3A_138 {
        %dma_wait3A_174 = arith.constant 0 : i32
        %dma_wait3A_175 = tpu.memref_slice %arg3[%dma_wait3A_174] : memref<327680xi32, #tpu.memory_space<hbm>> -> memref<128xi32, #tpu.memory_space<hbm>>
        %dma_wait3A_176 = arith.constant 0 : i32
        %dma_wait3A_177 = tpu.memref_slice %arg3[%dma_wait3A_176] : memref<327680xi32, #tpu.memory_space<hbm>> -> memref<128xi32, #tpu.memory_space<hbm>>
        tpu.wait_dma2 semaphore(%arg20 : memref<!tpu.dma_semaphore, #tpu.memory_space<semaphore_mem>>) src(%dma_wait3A_177 : memref<128xi32, #tpu.memory_space<hbm>>) dst(%arg10 : memref<128xi32, #tpu.memory_space<vmem>>)
        %dma_wait3A_178 = arith.constant 0 : i32
        %dma_wait3A_179 = tpu.memref_slice %arg4[%dma_wait3A_178] : memref<327680xi32, #tpu.memory_space<hbm>> -> memref<128xi32, #tpu.memory_space<hbm>>
        %dma_wait3A_180 = arith.constant 0 : i32
        %dma_wait3A_181 = tpu.memref_slice %arg4[%dma_wait3A_180] : memref<327680xi32, #tpu.memory_space<hbm>> -> memref<128xi32, #tpu.memory_space<hbm>>
        tpu.wait_dma2 semaphore(%arg20 : memref<!tpu.dma_semaphore, #tpu.memory_space<semaphore_mem>>) src(%dma_wait3A_181 : memref<128xi32, #tpu.memory_space<hbm>>) dst(%arg14 : memref<128xi32, #tpu.memory_space<vmem>>)
        %dma_start3A_182 = arith.constant 0 : i32
        %dma_start3A_183 = arith.constant 0 : i32
        %dma_start3A_184 = tpu.memref_slice %arg2[%dma_start3A_182, %dma_start3A_183] : memref<10000x128xf32, #tpu.memory_space<hbm>> -> memref<10000x128xf32, #tpu.memory_space<hbm>>
        tpu.enqueue_indirect_dma source(%dma_start3A_184 : memref<10000x128xf32, #tpu.memory_space<hbm>>) target(%arg16 : memref<128x128xf32, #tpu.memory_space<vmem>>) offsets(%arg10 : memref<128xi32, #tpu.memory_space<vmem>>) semaphore(%arg22 : memref<!tpu.dma_semaphore, #tpu.memory_space<semaphore_mem>>)
      } else {
      }
      %add3A_139 = arith.constant 2 : i32
      %add3A_140 = arith.addi %mul3A_107, %add3A_139 : i32
      %dma_wait3A_141 = arith.constant 0 : i32
      %dma_wait3A_142 = arith.constant 0 : i32
      %dma_wait3A_143 = tpu.memref_slice %arg2[%dma_wait3A_141, %dma_wait3A_142] : memref<10000x128xf32, #tpu.memory_space<hbm>> -> memref<10000x128xf32, #tpu.memory_space<hbm>>
      tpu.wait_indirect_dma semaphore(%arg21 : memref<!tpu.dma_semaphore, #tpu.memory_space<semaphore_mem>>) src(%dma_wait3A_143 : memref<10000x128xf32, #tpu.memory_space<hbm>>) dst(%arg15 : memref<128x128xf32, #tpu.memory_space<vmem>>)
      "tpu.region"() ({
        %run_scoped3A = tpu.sem_alloc : memref<!tpu.dma_semaphore, #tpu.memory_space<semaphore_mem>>
        %dma_start3A_174 = arith.constant 0 : i32
        %dma_start3A_175 = arith.constant 0 : i32
        %dma_start3A_176 = tpu.memref_slice %arg6[%dma_start3A_174, %dma_start3A_175] : memref<10112x128xf32, #tpu.memory_space<vmem_shared>> -> memref<10112x128xf32, #tpu.memory_space<vmem_shared>>
        tpu.enqueue_indirect_dma source(%arg15 : memref<128x128xf32, #tpu.memory_space<vmem>>) target(%dma_start3A_176 : memref<10112x128xf32, #tpu.memory_space<vmem_shared>>) offsets(%arg13 : memref<128xi32, #tpu.memory_space<vmem>>) semaphore(%run_scoped3A : memref<!tpu.dma_semaphore, #tpu.memory_space<semaphore_mem>>) {add = true}
        %dma_wait3A_177 = arith.constant 0 : i32
        %dma_wait3A_178 = arith.constant 0 : i32
        %dma_wait3A_179 = tpu.memref_slice %arg6[%dma_wait3A_177, %dma_wait3A_178] : memref<10112x128xf32, #tpu.memory_space<vmem_shared>> -> memref<10112x128xf32, #tpu.memory_space<vmem_shared>>
        tpu.wait_indirect_dma semaphore(%run_scoped3A : memref<!tpu.dma_semaphore, #tpu.memory_space<semaphore_mem>>) src(%arg15 : memref<128x128xf32, #tpu.memory_space<vmem>>) dst(%dma_wait3A_179 : memref<10112x128xf32, #tpu.memory_space<vmem_shared>>)
        tpu.yield
      }) : () -> ()
      %add3A_144 = arith.constant 4 : i32
      %add3A_145 = arith.addi %add3A_140, %add3A_144 : i32
      %lt3A_146 = arith.cmpi slt, %add3A_145, %select_n3A : i32
      %convert_element_type3A_147 = arith.extui %lt3A_146 : i1 to i32
      %cond3A_148 = arith.constant 0 : i32
      %cond3A_149 = arith.cmpi ne, %convert_element_type3A_147, %cond3A_148 : i32
      scf.if %cond3A_149 {
        %add3A_174 = arith.constant 4 : i32
        %add3A_175 = arith.addi %add3A_140, %add3A_174 : i32
        %mul3A_176 = arith.constant 128 : i32
        %mul3A_177 = arith.muli %add3A_175, %mul3A_176 : i32
        %add3A_178 = arith.addi %select_n3A_8, %mul3A_177 : i32
        %dma_start3A_179 = tpu.memref_slice %arg3[%add3A_178] : memref<327680xi32, #tpu.memory_space<hbm>> -> memref<128xi32, #tpu.memory_space<hbm>>
        %dma_start3A_180 = tpu.memref_slice %arg3[%add3A_178] : memref<327680xi32, #tpu.memory_space<hbm>> -> memref<128xi32, #tpu.memory_space<hbm>>
        tpu.enqueue_dma source(%dma_start3A_180 : memref<128xi32, #tpu.memory_space<hbm>>) target(%arg9 : memref<128xi32, #tpu.memory_space<vmem>>) target_semaphore(%arg19 : memref<!tpu.dma_semaphore, #tpu.memory_space<semaphore_mem>>)
        %dma_start3A_181 = tpu.memref_slice %arg4[%add3A_178] : memref<327680xi32, #tpu.memory_space<hbm>> -> memref<128xi32, #tpu.memory_space<hbm>>
        %dma_start3A_182 = tpu.memref_slice %arg4[%add3A_178] : memref<327680xi32, #tpu.memory_space<hbm>> -> memref<128xi32, #tpu.memory_space<hbm>>
        tpu.enqueue_dma source(%dma_start3A_182 : memref<128xi32, #tpu.memory_space<hbm>>) target(%arg13 : memref<128xi32, #tpu.memory_space<vmem>>) target_semaphore(%arg19 : memref<!tpu.dma_semaphore, #tpu.memory_space<semaphore_mem>>)
      } else {
      }
      %add3A_150 = arith.constant 2 : i32
      %add3A_151 = arith.addi %add3A_140, %add3A_150 : i32
      %lt3A_152 = arith.cmpi slt, %add3A_151, %select_n3A : i32
      %convert_element_type3A_153 = arith.extui %lt3A_152 : i1 to i32
      %cond3A_154 = arith.constant 0 : i32
      %cond3A_155 = arith.cmpi ne, %convert_element_type3A_153, %cond3A_154 : i32
      scf.if %cond3A_155 {
        %dma_wait3A_174 = arith.constant 0 : i32
        %dma_wait3A_175 = tpu.memref_slice %arg3[%dma_wait3A_174] : memref<327680xi32, #tpu.memory_space<hbm>> -> memref<128xi32, #tpu.memory_space<hbm>>
        %dma_wait3A_176 = arith.constant 0 : i32
        %dma_wait3A_177 = tpu.memref_slice %arg3[%dma_wait3A_176] : memref<327680xi32, #tpu.memory_space<hbm>> -> memref<128xi32, #tpu.memory_space<hbm>>
        tpu.wait_dma2 semaphore(%arg17 : memref<!tpu.dma_semaphore, #tpu.memory_space<semaphore_mem>>) src(%dma_wait3A_177 : memref<128xi32, #tpu.memory_space<hbm>>) dst(%arg7 : memref<128xi32, #tpu.memory_space<vmem>>)
        %dma_wait3A_178 = arith.constant 0 : i32
        %dma_wait3A_179 = tpu.memref_slice %arg4[%dma_wait3A_178] : memref<327680xi32, #tpu.memory_space<hbm>> -> memref<128xi32, #tpu.memory_space<hbm>>
        %dma_wait3A_180 = arith.constant 0 : i32
        %dma_wait3A_181 = tpu.memref_slice %arg4[%dma_wait3A_180] : memref<327680xi32, #tpu.memory_space<hbm>> -> memref<128xi32, #tpu.memory_space<hbm>>
        tpu.wait_dma2 semaphore(%arg17 : memref<!tpu.dma_semaphore, #tpu.memory_space<semaphore_mem>>) src(%dma_wait3A_181 : memref<128xi32, #tpu.memory_space<hbm>>) dst(%arg11 : memref<128xi32, #tpu.memory_space<vmem>>)
        %dma_start3A_182 = arith.constant 0 : i32
        %dma_start3A_183 = arith.constant 0 : i32
        %dma_start3A_184 = tpu.memref_slice %arg2[%dma_start3A_182, %dma_start3A_183] : memref<10000x128xf32, #tpu.memory_space<hbm>> -> memref<10000x128xf32, #tpu.memory_space<hbm>>
        tpu.enqueue_indirect_dma source(%dma_start3A_184 : memref<10000x128xf32, #tpu.memory_space<hbm>>) target(%arg15 : memref<128x128xf32, #tpu.memory_space<vmem>>) offsets(%arg7 : memref<128xi32, #tpu.memory_space<vmem>>) semaphore(%arg21 : memref<!tpu.dma_semaphore, #tpu.memory_space<semaphore_mem>>)
      } else {
      }
      %add3A_156 = arith.constant 3 : i32
      %add3A_157 = arith.addi %mul3A_107, %add3A_156 : i32
      %dma_wait3A_158 = arith.constant 0 : i32
      %dma_wait3A_159 = arith.constant 0 : i32
      %dma_wait3A_160 = tpu.memref_slice %arg2[%dma_wait3A_158, %dma_wait3A_159] : memref<10000x128xf32, #tpu.memory_space<hbm>> -> memref<10000x128xf32, #tpu.memory_space<hbm>>
      tpu.wait_indirect_dma semaphore(%arg22 : memref<!tpu.dma_semaphore, #tpu.memory_space<semaphore_mem>>) src(%dma_wait3A_160 : memref<10000x128xf32, #tpu.memory_space<hbm>>) dst(%arg16 : memref<128x128xf32, #tpu.memory_space<vmem>>)
      "tpu.region"() ({
        %run_scoped3A = tpu.sem_alloc : memref<!tpu.dma_semaphore, #tpu.memory_space<semaphore_mem>>
        %dma_start3A_174 = arith.constant 0 : i32
        %dma_start3A_175 = arith.constant 0 : i32
        %dma_start3A_176 = tpu.memref_slice %arg6[%dma_start3A_174, %dma_start3A_175] : memref<10112x128xf32, #tpu.memory_space<vmem_shared>> -> memref<10112x128xf32, #tpu.memory_space<vmem_shared>>
        tpu.enqueue_indirect_dma source(%arg16 : memref<128x128xf32, #tpu.memory_space<vmem>>) target(%dma_start3A_176 : memref<10112x128xf32, #tpu.memory_space<vmem_shared>>) offsets(%arg14 : memref<128xi32, #tpu.memory_space<vmem>>) semaphore(%run_scoped3A : memref<!tpu.dma_semaphore, #tpu.memory_space<semaphore_mem>>) {add = true}
        %dma_wait3A_177 = arith.constant 0 : i32
        %dma_wait3A_178 = arith.constant 0 : i32
        %dma_wait3A_179 = tpu.memref_slice %arg6[%dma_wait3A_177, %dma_wait3A_178] : memref<10112x128xf32, #tpu.memory_space<vmem_shared>> -> memref<10112x128xf32, #tpu.memory_space<vmem_shared>>
        tpu.wait_indirect_dma semaphore(%run_scoped3A : memref<!tpu.dma_semaphore, #tpu.memory_space<semaphore_mem>>) src(%arg16 : memref<128x128xf32, #tpu.memory_space<vmem>>) dst(%dma_wait3A_179 : memref<10112x128xf32, #tpu.memory_space<vmem_shared>>)
        tpu.yield
      }) : () -> ()
      %add3A_161 = arith.constant 4 : i32
      %add3A_162 = arith.addi %add3A_157, %add3A_161 : i32
      %lt3A_163 = arith.cmpi slt, %add3A_162, %select_n3A : i32
      %convert_element_type3A_164 = arith.extui %lt3A_163 : i1 to i32
      %cond3A_165 = arith.constant 0 : i32
      %cond3A_166 = arith.cmpi ne, %convert_element_type3A_164, %cond3A_165 : i32
      scf.if %cond3A_166 {
        %add3A_174 = arith.constant 4 : i32
        %add3A_175 = arith.addi %add3A_157, %add3A_174 : i32
        %mul3A_176 = arith.constant 128 : i32
        %mul3A_177 = arith.muli %add3A_175, %mul3A_176 : i32
        %add3A_178 = arith.addi %select_n3A_8, %mul3A_177 : i32
        %dma_start3A_179 = tpu.memref_slice %arg3[%add3A_178] : memref<327680xi32, #tpu.memory_space<hbm>> -> memref<128xi32, #tpu.memory_space<hbm>>
        %dma_start3A_180 = tpu.memref_slice %arg3[%add3A_178] : memref<327680xi32, #tpu.memory_space<hbm>> -> memref<128xi32, #tpu.memory_space<hbm>>
        tpu.enqueue_dma source(%dma_start3A_180 : memref<128xi32, #tpu.memory_space<hbm>>) target(%arg10 : memref<128xi32, #tpu.memory_space<vmem>>) target_semaphore(%arg20 : memref<!tpu.dma_semaphore, #tpu.memory_space<semaphore_mem>>)
        %dma_start3A_181 = tpu.memref_slice %arg4[%add3A_178] : memref<327680xi32, #tpu.memory_space<hbm>> -> memref<128xi32, #tpu.memory_space<hbm>>
        %dma_start3A_182 = tpu.memref_slice %arg4[%add3A_178] : memref<327680xi32, #tpu.memory_space<hbm>> -> memref<128xi32, #tpu.memory_space<hbm>>
        tpu.enqueue_dma source(%dma_start3A_182 : memref<128xi32, #tpu.memory_space<hbm>>) target(%arg14 : memref<128xi32, #tpu.memory_space<vmem>>) target_semaphore(%arg20 : memref<!tpu.dma_semaphore, #tpu.memory_space<semaphore_mem>>)
      } else {
      }
      %add3A_167 = arith.constant 2 : i32
      %add3A_168 = arith.addi %add3A_157, %add3A_167 : i32
      %lt3A_169 = arith.cmpi slt, %add3A_168, %select_n3A : i32
      %convert_element_type3A_170 = arith.extui %lt3A_169 : i1 to i32
      %cond3A_171 = arith.constant 0 : i32
      %cond3A_172 = arith.cmpi ne, %convert_element_type3A_170, %cond3A_171 : i32
      scf.if %cond3A_172 {
        %dma_wait3A_174 = arith.constant 0 : i32
        %dma_wait3A_175 = tpu.memref_slice %arg3[%dma_wait3A_174] : memref<327680xi32, #tpu.memory_space<hbm>> -> memref<128xi32, #tpu.memory_space<hbm>>
        %dma_wait3A_176 = arith.constant 0 : i32
        %dma_wait3A_177 = tpu.memref_slice %arg3[%dma_wait3A_176] : memref<327680xi32, #tpu.memory_space<hbm>> -> memref<128xi32, #tpu.memory_space<hbm>>
        tpu.wait_dma2 semaphore(%arg18 : memref<!tpu.dma_semaphore, #tpu.memory_space<semaphore_mem>>) src(%dma_wait3A_177 : memref<128xi32, #tpu.memory_space<hbm>>) dst(%arg8 : memref<128xi32, #tpu.memory_space<vmem>>)
        %dma_wait3A_178 = arith.constant 0 : i32
        %dma_wait3A_179 = tpu.memref_slice %arg4[%dma_wait3A_178] : memref<327680xi32, #tpu.memory_space<hbm>> -> memref<128xi32, #tpu.memory_space<hbm>>
        %dma_wait3A_180 = arith.constant 0 : i32
        %dma_wait3A_181 = tpu.memref_slice %arg4[%dma_wait3A_180] : memref<327680xi32, #tpu.memory_space<hbm>> -> memref<128xi32, #tpu.memory_space<hbm>>
        tpu.wait_dma2 semaphore(%arg18 : memref<!tpu.dma_semaphore, #tpu.memory_space<semaphore_mem>>) src(%dma_wait3A_181 : memref<128xi32, #tpu.memory_space<hbm>>) dst(%arg12 : memref<128xi32, #tpu.memory_space<vmem>>)
        %dma_start3A_182 = arith.constant 0 : i32
        %dma_start3A_183 = arith.constant 0 : i32
        %dma_start3A_184 = tpu.memref_slice %arg2[%dma_start3A_182, %dma_start3A_183] : memref<10000x128xf32, #tpu.memory_space<hbm>> -> memref<10000x128xf32, #tpu.memory_space<hbm>>
        tpu.enqueue_indirect_dma source(%dma_start3A_184 : memref<10000x128xf32, #tpu.memory_space<hbm>>) target(%arg16 : memref<128x128xf32, #tpu.memory_space<vmem>>) offsets(%arg8 : memref<128xi32, #tpu.memory_space<vmem>>) semaphore(%arg22 : memref<!tpu.dma_semaphore, #tpu.memory_space<semaphore_mem>>)
      } else {
      }
      %while3A_173 = arith.constant 0 : i32
      scf.yield %while3A_173 : i32
    }
    %while3A_99 = arith.constant 1 : i32
    %while3A_100 = scf.for %while3A_104 = %while3A_96 to %while3A_92 step %while3A_99 iter_args(%while3A_105 = %while3A_98) -> (i32)  : i32 {
      %mul3A_106 = arith.constant 4 : i32
      %mul3A_107 = arith.muli %mul3A_106, %while3A_104 : i32
      %add3A_108 = arith.constant 0 : i32
      %add3A_109 = arith.addi %mul3A_107, %add3A_108 : i32
      %dma_wait3A_110 = arith.constant 0 : i32
      %dma_wait3A_111 = arith.constant 0 : i32
      %dma_wait3A_112 = tpu.memref_slice %arg2[%dma_wait3A_110, %dma_wait3A_111] : memref<10000x128xf32, #tpu.memory_space<hbm>> -> memref<10000x128xf32, #tpu.memory_space<hbm>>
      tpu.wait_indirect_dma semaphore(%arg21 : memref<!tpu.dma_semaphore, #tpu.memory_space<semaphore_mem>>) src(%dma_wait3A_112 : memref<10000x128xf32, #tpu.memory_space<hbm>>) dst(%arg15 : memref<128x128xf32, #tpu.memory_space<vmem>>)
      "tpu.region"() ({
        %run_scoped3A = tpu.sem_alloc : memref<!tpu.dma_semaphore, #tpu.memory_space<semaphore_mem>>
        %dma_start3A_174 = arith.constant 0 : i32
        %dma_start3A_175 = arith.constant 0 : i32
        %dma_start3A_176 = tpu.memref_slice %arg6[%dma_start3A_174, %dma_start3A_175] : memref<10112x128xf32, #tpu.memory_space<vmem_shared>> -> memref<10112x128xf32, #tpu.memory_space<vmem_shared>>
        tpu.enqueue_indirect_dma source(%arg15 : memref<128x128xf32, #tpu.memory_space<vmem>>) target(%dma_start3A_176 : memref<10112x128xf32, #tpu.memory_space<vmem_shared>>) offsets(%arg11 : memref<128xi32, #tpu.memory_space<vmem>>) semaphore(%run_scoped3A : memref<!tpu.dma_semaphore, #tpu.memory_space<semaphore_mem>>) {add = true}
        %dma_wait3A_177 = arith.constant 0 : i32
        %dma_wait3A_178 = arith.constant 0 : i32
        %dma_wait3A_179 = tpu.memref_slice %arg6[%dma_wait3A_177, %dma_wait3A_178] : memref<10112x128xf32, #tpu.memory_space<vmem_shared>> -> memref<10112x128xf32, #tpu.memory_space<vmem_shared>>
        tpu.wait_indirect_dma semaphore(%run_scoped3A : memref<!tpu.dma_semaphore, #tpu.memory_space<semaphore_mem>>) src(%arg15 : memref<128x128xf32, #tpu.memory_space<vmem>>) dst(%dma_wait3A_179 : memref<10112x128xf32, #tpu.memory_space<vmem_shared>>)
        tpu.yield
      }) : () -> ()
      %add3A_113 = arith.constant 4 : i32
      %add3A_114 = arith.addi %add3A_109, %add3A_113 : i32
      %lt3A = arith.cmpi slt, %add3A_114, %select_n3A : i32
      %convert_element_type3A = arith.extui %lt3A : i1 to i32
      %cond3A = arith.constant 0 : i32
      %cond3A_115 = arith.cmpi ne, %convert_element_type3A, %cond3A : i32
      scf.if %cond3A_115 {
        %add3A_174 = arith.constant 4 : i32
        %add3A_175 = arith.addi %add3A_109, %add3A_174 : i32
        %mul3A_176 = arith.constant 128 : i32
        %mul3A_177 = arith.muli %add3A_175, %mul3A_176 : i32
        %add3A_178 = arith.addi %select_n3A_8, %mul3A_177 : i32
        %dma_start3A_179 = tpu.memref_slice %arg3[%add3A_178] : memref<327680xi32, #tpu.memory_space<hbm>> -> memref<128xi32, #tpu.memory_space<hbm>>
        %dma_start3A_180 = tpu.memref_slice %arg3[%add3A_178] : memref<327680xi32, #tpu.memory_space<hbm>> -> memref<128xi32, #tpu.memory_space<hbm>>
        tpu.enqueue_dma source(%dma_start3A_180 : memref<128xi32, #tpu.memory_space<hbm>>) target(%arg7 : memref<128xi32, #tpu.memory_space<vmem>>) target_semaphore(%arg17 : memref<!tpu.dma_semaphore, #tpu.memory_space<semaphore_mem>>)
        %dma_start3A_181 = tpu.memref_slice %arg4[%add3A_178] : memref<327680xi32, #tpu.memory_space<hbm>> -> memref<128xi32, #tpu.memory_space<hbm>>
        %dma_start3A_182 = tpu.memref_slice %arg4[%add3A_178] : memref<327680xi32, #tpu.memory_space<hbm>> -> memref<128xi32, #tpu.memory_space<hbm>>
        tpu.enqueue_dma source(%dma_start3A_182 : memref<128xi32, #tpu.memory_space<hbm>>) target(%arg11 : memref<128xi32, #tpu.memory_space<vmem>>) target_semaphore(%arg17 : memref<!tpu.dma_semaphore, #tpu.memory_space<semaphore_mem>>)
      } else {
      }
      %add3A_116 = arith.constant 2 : i32
      %add3A_117 = arith.addi %add3A_109, %add3A_116 : i32
      %lt3A_118 = arith.cmpi slt, %add3A_117, %select_n3A : i32
      %convert_element_type3A_119 = arith.extui %lt3A_118 : i1 to i32
      %cond3A_120 = arith.constant 0 : i32
      %cond3A_121 = arith.cmpi ne, %convert_element_type3A_119, %cond3A_120 : i32
      scf.if %cond3A_121 {
        %dma_wait3A_174 = arith.constant 0 : i32
        %dma_wait3A_175 = tpu.memref_slice %arg3[%dma_wait3A_174] : memref<327680xi32, #tpu.memory_space<hbm>> -> memref<128xi32, #tpu.memory_space<hbm>>
        %dma_wait3A_176 = arith.constant 0 : i32
        %dma_wait3A_177 = tpu.memref_slice %arg3[%dma_wait3A_176] : memref<327680xi32, #tpu.memory_space<hbm>> -> memref<128xi32, #tpu.memory_space<hbm>>
        tpu.wait_dma2 semaphore(%arg19 : memref<!tpu.dma_semaphore, #tpu.memory_space<semaphore_mem>>) src(%dma_wait3A_177 : memref<128xi32, #tpu.memory_space<hbm>>) dst(%arg9 : memref<128xi32, #tpu.memory_space<vmem>>)
        %dma_wait3A_178 = arith.constant 0 : i32
        %dma_wait3A_179 = tpu.memref_slice %arg4[%dma_wait3A_178] : memref<327680xi32, #tpu.memory_space<hbm>> -> memref<128xi32, #tpu.memory_space<hbm>>
        %dma_wait3A_180 = arith.constant 0 : i32
        %dma_wait3A_181 = tpu.memref_slice %arg4[%dma_wait3A_180] : memref<327680xi32, #tpu.memory_space<hbm>> -> memref<128xi32, #tpu.memory_space<hbm>>
        tpu.wait_dma2 semaphore(%arg19 : memref<!tpu.dma_semaphore, #tpu.memory_space<semaphore_mem>>) src(%dma_wait3A_181 : memref<128xi32, #tpu.memory_space<hbm>>) dst(%arg13 : memref<128xi32, #tpu.memory_space<vmem>>)
        %dma_start3A_182 = arith.constant 0 : i32
        %dma_start3A_183 = arith.constant 0 : i32
        %dma_start3A_184 = tpu.memref_slice %arg2[%dma_start3A_182, %dma_start3A_183] : memref<10000x128xf32, #tpu.memory_space<hbm>> -> memref<10000x128xf32, #tpu.memory_space<hbm>>
        tpu.enqueue_indirect_dma source(%dma_start3A_184 : memref<10000x128xf32, #tpu.memory_space<hbm>>) target(%arg15 : memref<128x128xf32, #tpu.memory_space<vmem>>) offsets(%arg9 : memref<128xi32, #tpu.memory_space<vmem>>) semaphore(%arg21 : memref<!tpu.dma_semaphore, #tpu.memory_space<semaphore_mem>>)
      } else {
      }
      %add3A_122 = arith.constant 1 : i32
      %add3A_123 = arith.addi %mul3A_107, %add3A_122 : i32
      %dma_wait3A_124 = arith.constant 0 : i32
      %dma_wait3A_125 = arith.constant 0 : i32
      %dma_wait3A_126 = tpu.memref_slice %arg2[%dma_wait3A_124, %dma_wait3A_125] : memref<10000x128xf32, #tpu.memory_space<hbm>> -> memref<10000x128xf32, #tpu.memory_space<hbm>>
      tpu.wait_indirect_dma semaphore(%arg22 : memref<!tpu.dma_semaphore, #tpu.memory_space<semaphore_mem>>) src(%dma_wait3A_126 : memref<10000x128xf32, #tpu.memory_space<hbm>>) dst(%arg16 : memref<128x128xf32, #tpu.memory_space<vmem>>)
      "tpu.region"() ({
        %run_scoped3A = tpu.sem_alloc : memref<!tpu.dma_semaphore, #tpu.memory_space<semaphore_mem>>
        %dma_start3A_174 = arith.constant 0 : i32
        %dma_start3A_175 = arith.constant 0 : i32
        %dma_start3A_176 = tpu.memref_slice %arg6[%dma_start3A_174, %dma_start3A_175] : memref<10112x128xf32, #tpu.memory_space<vmem_shared>> -> memref<10112x128xf32, #tpu.memory_space<vmem_shared>>
        tpu.enqueue_indirect_dma source(%arg16 : memref<128x128xf32, #tpu.memory_space<vmem>>) target(%dma_start3A_176 : memref<10112x128xf32, #tpu.memory_space<vmem_shared>>) offsets(%arg12 : memref<128xi32, #tpu.memory_space<vmem>>) semaphore(%run_scoped3A : memref<!tpu.dma_semaphore, #tpu.memory_space<semaphore_mem>>) {add = true}
        %dma_wait3A_177 = arith.constant 0 : i32
        %dma_wait3A_178 = arith.constant 0 : i32
        %dma_wait3A_179 = tpu.memref_slice %arg6[%dma_wait3A_177, %dma_wait3A_178] : memref<10112x128xf32, #tpu.memory_space<vmem_shared>> -> memref<10112x128xf32, #tpu.memory_space<vmem_shared>>
        tpu.wait_indirect_dma semaphore(%run_scoped3A : memref<!tpu.dma_semaphore, #tpu.memory_space<semaphore_mem>>) src(%arg16 : memref<128x128xf32, #tpu.memory_space<vmem>>) dst(%dma_wait3A_179 : memref<10112x128xf32, #tpu.memory_space<vmem_shared>>)
        tpu.yield
      }) : () -> ()
      %add3A_127 = arith.constant 4 : i32
      %add3A_128 = arith.addi %add3A_123, %add3A_127 : i32
      %lt3A_129 = arith.cmpi slt, %add3A_128, %select_n3A : i32
      %convert_element_type3A_130 = arith.extui %lt3A_129 : i1 to i32
      %cond3A_131 = arith.constant 0 : i32
      %cond3A_132 = arith.cmpi ne, %convert_element_type3A_130, %cond3A_131 : i32
      scf.if %cond3A_132 {
        %add3A_174 = arith.constant 4 : i32
        %add3A_175 = arith.addi %add3A_123, %add3A_174 : i32
        %mul3A_176 = arith.constant 128 : i32
        %mul3A_177 = arith.muli %add3A_175, %mul3A_176 : i32
        %add3A_178 = arith.addi %select_n3A_8, %mul3A_177 : i32
        %dma_start3A_179 = tpu.memref_slice %arg3[%add3A_178] : memref<327680xi32, #tpu.memory_space<hbm>> -> memref<128xi32, #tpu.memory_space<hbm>>
        %dma_start3A_180 = tpu.memref_slice %arg3[%add3A_178] : memref<327680xi32, #tpu.memory_space<hbm>> -> memref<128xi32, #tpu.memory_space<hbm>>
        tpu.enqueue_dma source(%dma_start3A_180 : memref<128xi32, #tpu.memory_space<hbm>>) target(%arg8 : memref<128xi32, #tpu.memory_space<vmem>>) target_semaphore(%arg18 : memref<!tpu.dma_semaphore, #tpu.memory_space<semaphore_mem>>)
        %dma_start3A_181 = tpu.memref_slice %arg4[%add3A_178] : memref<327680xi32, #tpu.memory_space<hbm>> -> memref<128xi32, #tpu.memory_space<hbm>>
        %dma_start3A_182 = tpu.memref_slice %arg4[%add3A_178] : memref<327680xi32, #tpu.memory_space<hbm>> -> memref<128xi32, #tpu.memory_space<hbm>>
        tpu.enqueue_dma source(%dma_start3A_182 : memref<128xi32, #tpu.memory_space<hbm>>) target(%arg12 : memref<128xi32, #tpu.memory_space<vmem>>) target_semaphore(%arg18 : memref<!tpu.dma_semaphore, #tpu.memory_space<semaphore_mem>>)
      } else {
      }
      %add3A_133 = arith.constant 2 : i32
      %add3A_134 = arith.addi %add3A_123, %add3A_133 : i32
      %lt3A_135 = arith.cmpi slt, %add3A_134, %select_n3A : i32
      %convert_element_type3A_136 = arith.extui %lt3A_135 : i1 to i32
      %cond3A_137 = arith.constant 0 : i32
      %cond3A_138 = arith.cmpi ne, %convert_element_type3A_136, %cond3A_137 : i32
      scf.if %cond3A_138 {
        %dma_wait3A_174 = arith.constant 0 : i32
        %dma_wait3A_175 = tpu.memref_slice %arg3[%dma_wait3A_174] : memref<327680xi32, #tpu.memory_space<hbm>> -> memref<128xi32, #tpu.memory_space<hbm>>
        %dma_wait3A_176 = arith.constant 0 : i32
        %dma_wait3A_177 = tpu.memref_slice %arg3[%dma_wait3A_176] : memref<327680xi32, #tpu.memory_space<hbm>> -> memref<128xi32, #tpu.memory_space<hbm>>
        tpu.wait_dma2 semaphore(%arg20 : memref<!tpu.dma_semaphore, #tpu.memory_space<semaphore_mem>>) src(%dma_wait3A_177 : memref<128xi32, #tpu.memory_space<hbm>>) dst(%arg10 : memref<128xi32, #tpu.memory_space<vmem>>)
        %dma_wait3A_178 = arith.constant 0 : i32
        %dma_wait3A_179 = tpu.memref_slice %arg4[%dma_wait3A_178] : memref<327680xi32, #tpu.memory_space<hbm>> -> memref<128xi32, #tpu.memory_space<hbm>>
        %dma_wait3A_180 = arith.constant 0 : i32
        %dma_wait3A_181 = tpu.memref_slice %arg4[%dma_wait3A_180] : memref<327680xi32, #tpu.memory_space<hbm>> -> memref<128xi32, #tpu.memory_space<hbm>>
        tpu.wait_dma2 semaphore(%arg20 : memref<!tpu.dma_semaphore, #tpu.memory_space<semaphore_mem>>) src(%dma_wait3A_181 : memref<128xi32, #tpu.memory_space<hbm>>) dst(%arg14 : memref<128xi32, #tpu.memory_space<vmem>>)
        %dma_start3A_182 = arith.constant 0 : i32
        %dma_start3A_183 = arith.constant 0 : i32
        %dma_start3A_184 = tpu.memref_slice %arg2[%dma_start3A_182, %dma_start3A_183] : memref<10000x128xf32, #tpu.memory_space<hbm>> -> memref<10000x128xf32, #tpu.memory_space<hbm>>
        tpu.enqueue_indirect_dma source(%dma_start3A_184 : memref<10000x128xf32, #tpu.memory_space<hbm>>) target(%arg16 : memref<128x128xf32, #tpu.memory_space<vmem>>) offsets(%arg10 : memref<128xi32, #tpu.memory_space<vmem>>) semaphore(%arg22 : memref<!tpu.dma_semaphore, #tpu.memory_space<semaphore_mem>>)
      } else {
      }
      %add3A_139 = arith.constant 2 : i32
      %add3A_140 = arith.addi %mul3A_107, %add3A_139 : i32
      %dma_wait3A_141 = arith.constant 0 : i32
      %dma_wait3A_142 = arith.constant 0 : i32
      %dma_wait3A_143 = tpu.memref_slice %arg2[%dma_wait3A_141, %dma_wait3A_142] : memref<10000x128xf32, #tpu.memory_space<hbm>> -> memref<10000x128xf32, #tpu.memory_space<hbm>>
      tpu.wait_indirect_dma semaphore(%arg21 : memref<!tpu.dma_semaphore, #tpu.memory_space<semaphore_mem>>) src(%dma_wait3A_143 : memref<10000x128xf32, #tpu.memory_space<hbm>>) dst(%arg15 : memref<128x128xf32, #tpu.memory_space<vmem>>)
      "tpu.region"() ({
        %run_scoped3A = tpu.sem_alloc : memref<!tpu.dma_semaphore, #tpu.memory_space<semaphore_mem>>
        %dma_start3A_174 = arith.constant 0 : i32
        %dma_start3A_175 = arith.constant 0 : i32
        %dma_start3A_176 = tpu.memref_slice %arg6[%dma_start3A_174, %dma_start3A_175] : memref<10112x128xf32, #tpu.memory_space<vmem_shared>> -> memref<10112x128xf32, #tpu.memory_space<vmem_shared>>
        tpu.enqueue_indirect_dma source(%arg15 : memref<128x128xf32, #tpu.memory_space<vmem>>) target(%dma_start3A_176 : memref<10112x128xf32, #tpu.memory_space<vmem_shared>>) offsets(%arg13 : memref<128xi32, #tpu.memory_space<vmem>>) semaphore(%run_scoped3A : memref<!tpu.dma_semaphore, #tpu.memory_space<semaphore_mem>>) {add = true}
        %dma_wait3A_177 = arith.constant 0 : i32
        %dma_wait3A_178 = arith.constant 0 : i32
        %dma_wait3A_179 = tpu.memref_slice %arg6[%dma_wait3A_177, %dma_wait3A_178] : memref<10112x128xf32, #tpu.memory_space<vmem_shared>> -> memref<10112x128xf32, #tpu.memory_space<vmem_shared>>
        tpu.wait_indirect_dma semaphore(%run_scoped3A : memref<!tpu.dma_semaphore, #tpu.memory_space<semaphore_mem>>) src(%arg15 : memref<128x128xf32, #tpu.memory_space<vmem>>) dst(%dma_wait3A_179 : memref<10112x128xf32, #tpu.memory_space<vmem_shared>>)
        tpu.yield
      }) : () -> ()
      %add3A_144 = arith.constant 4 : i32
      %add3A_145 = arith.addi %add3A_140, %add3A_144 : i32
      %lt3A_146 = arith.cmpi slt, %add3A_145, %select_n3A : i32
      %convert_element_type3A_147 = arith.extui %lt3A_146 : i1 to i32
      %cond3A_148 = arith.constant 0 : i32
      %cond3A_149 = arith.cmpi ne, %convert_element_type3A_147, %cond3A_148 : i32
      scf.if %cond3A_149 {
        %add3A_174 = arith.constant 4 : i32
        %add3A_175 = arith.addi %add3A_140, %add3A_174 : i32
        %mul3A_176 = arith.constant 128 : i32
        %mul3A_177 = arith.muli %add3A_175, %mul3A_176 : i32
        %add3A_178 = arith.addi %select_n3A_8, %mul3A_177 : i32
        %dma_start3A_179 = tpu.memref_slice %arg3[%add3A_178] : memref<327680xi32, #tpu.memory_space<hbm>> -> memref<128xi32, #tpu.memory_space<hbm>>
        %dma_start3A_180 = tpu.memref_slice %arg3[%add3A_178] : memref<327680xi32, #tpu.memory_space<hbm>> -> memref<128xi32, #tpu.memory_space<hbm>>
        tpu.enqueue_dma source(%dma_start3A_180 : memref<128xi32, #tpu.memory_space<hbm>>) target(%arg9 : memref<128xi32, #tpu.memory_space<vmem>>) target_semaphore(%arg19 : memref<!tpu.dma_semaphore, #tpu.memory_space<semaphore_mem>>)
        %dma_start3A_181 = tpu.memref_slice %arg4[%add3A_178] : memref<327680xi32, #tpu.memory_space<hbm>> -> memref<128xi32, #tpu.memory_space<hbm>>
        %dma_start3A_182 = tpu.memref_slice %arg4[%add3A_178] : memref<327680xi32, #tpu.memory_space<hbm>> -> memref<128xi32, #tpu.memory_space<hbm>>
        tpu.enqueue_dma source(%dma_start3A_182 : memref<128xi32, #tpu.memory_space<hbm>>) target(%arg13 : memref<128xi32, #tpu.memory_space<vmem>>) target_semaphore(%arg19 : memref<!tpu.dma_semaphore, #tpu.memory_space<semaphore_mem>>)
      } else {
      }
      %add3A_150 = arith.constant 2 : i32
      %add3A_151 = arith.addi %add3A_140, %add3A_150 : i32
      %lt3A_152 = arith.cmpi slt, %add3A_151, %select_n3A : i32
      %convert_element_type3A_153 = arith.extui %lt3A_152 : i1 to i32
      %cond3A_154 = arith.constant 0 : i32
      %cond3A_155 = arith.cmpi ne, %convert_element_type3A_153, %cond3A_154 : i32
      scf.if %cond3A_155 {
        %dma_wait3A_174 = arith.constant 0 : i32
        %dma_wait3A_175 = tpu.memref_slice %arg3[%dma_wait3A_174] : memref<327680xi32, #tpu.memory_space<hbm>> -> memref<128xi32, #tpu.memory_space<hbm>>
        %dma_wait3A_176 = arith.constant 0 : i32
        %dma_wait3A_177 = tpu.memref_slice %arg3[%dma_wait3A_176] : memref<327680xi32, #tpu.memory_space<hbm>> -> memref<128xi32, #tpu.memory_space<hbm>>
        tpu.wait_dma2 semaphore(%arg17 : memref<!tpu.dma_semaphore, #tpu.memory_space<semaphore_mem>>) src(%dma_wait3A_177 : memref<128xi32, #tpu.memory_space<hbm>>) dst(%arg7 : memref<128xi32, #tpu.memory_space<vmem>>)
        %dma_wait3A_178 = arith.constant 0 : i32
        %dma_wait3A_179 = tpu.memref_slice %arg4[%dma_wait3A_178] : memref<327680xi32, #tpu.memory_space<hbm>> -> memref<128xi32, #tpu.memory_space<hbm>>
        %dma_wait3A_180 = arith.constant 0 : i32
        %dma_wait3A_181 = tpu.memref_slice %arg4[%dma_wait3A_180] : memref<327680xi32, #tpu.memory_space<hbm>> -> memref<128xi32, #tpu.memory_space<hbm>>
        tpu.wait_dma2 semaphore(%arg17 : memref<!tpu.dma_semaphore, #tpu.memory_space<semaphore_mem>>) src(%dma_wait3A_181 : memref<128xi32, #tpu.memory_space<hbm>>) dst(%arg11 : memref<128xi32, #tpu.memory_space<vmem>>)
        %dma_start3A_182 = arith.constant 0 : i32
        %dma_start3A_183 = arith.constant 0 : i32
        %dma_start3A_184 = tpu.memref_slice %arg2[%dma_start3A_182, %dma_start3A_183] : memref<10000x128xf32, #tpu.memory_space<hbm>> -> memref<10000x128xf32, #tpu.memory_space<hbm>>
        tpu.enqueue_indirect_dma source(%dma_start3A_184 : memref<10000x128xf32, #tpu.memory_space<hbm>>) target(%arg15 : memref<128x128xf32, #tpu.memory_space<vmem>>) offsets(%arg7 : memref<128xi32, #tpu.memory_space<vmem>>) semaphore(%arg21 : memref<!tpu.dma_semaphore, #tpu.memory_space<semaphore_mem>>)
      } else {
      }
      %add3A_156 = arith.constant 3 : i32
      %add3A_157 = arith.addi %mul3A_107, %add3A_156 : i32
      %dma_wait3A_158 = arith.constant 0 : i32
      %dma_wait3A_159 = arith.constant 0 : i32
      %dma_wait3A_160 = tpu.memref_slice %arg2[%dma_wait3A_158, %dma_wait3A_159] : memref<10000x128xf32, #tpu.memory_space<hbm>> -> memref<10000x128xf32, #tpu.memory_space<hbm>>
      tpu.wait_indirect_dma semaphore(%arg22 : memref<!tpu.dma_semaphore, #tpu.memory_space<semaphore_mem>>) src(%dma_wait3A_160 : memref<10000x128xf32, #tpu.memory_space<hbm>>) dst(%arg16 : memref<128x128xf32, #tpu.memory_space<vmem>>)
      "tpu.region"() ({
        %run_scoped3A = tpu.sem_alloc : memref<!tpu.dma_semaphore, #tpu.memory_space<semaphore_mem>>
        %dma_start3A_174 = arith.constant 0 : i32
        %dma_start3A_175 = arith.constant 0 : i32
        %dma_start3A_176 = tpu.memref_slice %arg6[%dma_start3A_174, %dma_start3A_175] : memref<10112x128xf32, #tpu.memory_space<vmem_shared>> -> memref<10112x128xf32, #tpu.memory_space<vmem_shared>>
        tpu.enqueue_indirect_dma source(%arg16 : memref<128x128xf32, #tpu.memory_space<vmem>>) target(%dma_start3A_176 : memref<10112x128xf32, #tpu.memory_space<vmem_shared>>) offsets(%arg14 : memref<128xi32, #tpu.memory_space<vmem>>) semaphore(%run_scoped3A : memref<!tpu.dma_semaphore, #tpu.memory_space<semaphore_mem>>) {add = true}
        %dma_wait3A_177 = arith.constant 0 : i32
        %dma_wait3A_178 = arith.constant 0 : i32
        %dma_wait3A_179 = tpu.memref_slice %arg6[%dma_wait3A_177, %dma_wait3A_178] : memref<10112x128xf32, #tpu.memory_space<vmem_shared>> -> memref<10112x128xf32, #tpu.memory_space<vmem_shared>>
        tpu.wait_indirect_dma semaphore(%run_scoped3A : memref<!tpu.dma_semaphore, #tpu.memory_space<semaphore_mem>>) src(%arg16 : memref<128x128xf32, #tpu.memory_space<vmem>>) dst(%dma_wait3A_179 : memref<10112x128xf32, #tpu.memory_space<vmem_shared>>)
        tpu.yield
      }) : () -> ()
      %add3A_161 = arith.constant 4 : i32
      %add3A_162 = arith.addi %add3A_157, %add3A_161 : i32
      %lt3A_163 = arith.cmpi slt, %add3A_162, %select_n3A : i32
      %convert_element_type3A_164 = arith.extui %lt3A_163 : i1 to i32
      %cond3A_165 = arith.constant 0 : i32
      %cond3A_166 = arith.cmpi ne, %convert_element_type3A_164, %cond3A_165 : i32
      scf.if %cond3A_166 {
        %add3A_174 = arith.constant 4 : i32
        %add3A_175 = arith.addi %add3A_157, %add3A_174 : i32
        %mul3A_176 = arith.constant 128 : i32
        %mul3A_177 = arith.muli %add3A_175, %mul3A_176 : i32
        %add3A_178 = arith.addi %select_n3A_8, %mul3A_177 : i32
        %dma_start3A_179 = tpu.memref_slice %arg3[%add3A_178] : memref<327680xi32, #tpu.memory_space<hbm>> -> memref<128xi32, #tpu.memory_space<hbm>>
        %dma_start3A_180 = tpu.memref_slice %arg3[%add3A_178] : memref<327680xi32, #tpu.memory_space<hbm>> -> memref<128xi32, #tpu.memory_space<hbm>>
        tpu.enqueue_dma source(%dma_start3A_180 : memref<128xi32, #tpu.memory_space<hbm>>) target(%arg10 : memref<128xi32, #tpu.memory_space<vmem>>) target_semaphore(%arg20 : memref<!tpu.dma_semaphore, #tpu.memory_space<semaphore_mem>>)
        %dma_start3A_181 = tpu.memref_slice %arg4[%add3A_178] : memref<327680xi32, #tpu.memory_space<hbm>> -> memref<128xi32, #tpu.memory_space<hbm>>
        %dma_start3A_182 = tpu.memref_slice %arg4[%add3A_178] : memref<327680xi32, #tpu.memory_space<hbm>> -> memref<128xi32, #tpu.memory_space<hbm>>
        tpu.enqueue_dma source(%dma_start3A_182 : memref<128xi32, #tpu.memory_space<hbm>>) target(%arg14 : memref<128xi32, #tpu.memory_space<vmem>>) target_semaphore(%arg20 : memref<!tpu.dma_semaphore, #tpu.memory_space<semaphore_mem>>)
      } else {
      }
      %add3A_167 = arith.constant 2 : i32
      %add3A_168 = arith.addi %add3A_157, %add3A_167 : i32
      %lt3A_169 = arith.cmpi slt, %add3A_168, %select_n3A : i32
      %convert_element_type3A_170 = arith.extui %lt3A_169 : i1 to i32
      %cond3A_171 = arith.constant 0 : i32
      %cond3A_172 = arith.cmpi ne, %convert_element_type3A_170, %cond3A_171 : i32
      scf.if %cond3A_172 {
        %dma_wait3A_174 = arith.constant 0 : i32
        %dma_wait3A_175 = tpu.memref_slice %arg3[%dma_wait3A_174] : memref<327680xi32, #tpu.memory_space<hbm>> -> memref<128xi32, #tpu.memory_space<hbm>>
        %dma_wait3A_176 = arith.constant 0 : i32
        %dma_wait3A_177 = tpu.memref_slice %arg3[%dma_wait3A_176] : memref<327680xi32, #tpu.memory_space<hbm>> -> memref<128xi32, #tpu.memory_space<hbm>>
        tpu.wait_dma2 semaphore(%arg18 : memref<!tpu.dma_semaphore, #tpu.memory_space<semaphore_mem>>) src(%dma_wait3A_177 : memref<128xi32, #tpu.memory_space<hbm>>) dst(%arg8 : memref<128xi32, #tpu.memory_space<vmem>>)
        %dma_wait3A_178 = arith.constant 0 : i32
        %dma_wait3A_179 = tpu.memref_slice %arg4[%dma_wait3A_178] : memref<327680xi32, #tpu.memory_space<hbm>> -> memref<128xi32, #tpu.memory_space<hbm>>
        %dma_wait3A_180 = arith.constant 0 : i32
        %dma_wait3A_181 = tpu.memref_slice %arg4[%dma_wait3A_180] : memref<327680xi32, #tpu.memory_space<hbm>> -> memref<128xi32, #tpu.memory_space<hbm>>
        tpu.wait_dma2 semaphore(%arg18 : memref<!tpu.dma_semaphore, #tpu.memory_space<semaphore_mem>>) src(%dma_wait3A_181 : memref<128xi32, #tpu.memory_space<hbm>>) dst(%arg12 : memref<128xi32, #tpu.memory_space<vmem>>)
        %dma_start3A_182 = arith.constant 0 : i32
        %dma_start3A_183 = arith.constant 0 : i32
        %dma_start3A_184 = tpu.memref_slice %arg2[%dma_start3A_182, %dma_start3A_183] : memref<10000x128xf32, #tpu.memory_space<hbm>> -> memref<10000x128xf32, #tpu.memory_space<hbm>>
        tpu.enqueue_indirect_dma source(%dma_start3A_184 : memref<10000x128xf32, #tpu.memory_space<hbm>>) target(%arg16 : memref<128x128xf32, #tpu.memory_space<vmem>>) offsets(%arg8 : memref<128xi32, #tpu.memory_space<vmem>>) semaphore(%arg22 : memref<!tpu.dma_semaphore, #tpu.memory_space<semaphore_mem>>)
      } else {
      }
      %while3A_173 = arith.constant 0 : i32
      scf.yield %while3A_173 : i32
    }
    %barrier3A_101 = arith.constant 0 : index
    tpu.barrier barrier_id(%barrier3A_101)
    %mul3A_102 = arith.constant 632 : i32
    %mul3A_103 = arith.muli %arg1, %mul3A_102 : i32
    "tpu.region"() ({
      %run_scoped3A = tpu.sem_alloc : memref<!tpu.dma_semaphore, #tpu.memory_space<semaphore_mem>>
      %dma_start3A_104 = arith.constant 0 : i32
      %dma_start3A_105 = tpu.memref_slice %arg5[%arg0, %mul3A_103, %dma_start3A_104] : memref<2x10112x128xf32, #tpu.memory_space<hbm>> -> memref<1x632x128xf32, #tpu.memory_space<hbm>>
      %dma_start3A_106 = tpu.memref_squeeze %dma_start3A_105 : memref<1x632x128xf32, #tpu.memory_space<hbm>> -> memref<632x128xf32, #tpu.memory_space<hbm>>
      %dma_start3A_107 = arith.constant 0 : i32
      %dma_start3A_108 = tpu.memref_slice %arg6[%mul3A_103, %dma_start3A_107] : memref<10112x128xf32, #tpu.memory_space<vmem_shared>> -> memref<632x128xf32, #tpu.memory_space<vmem_shared>>
      tpu.enqueue_dma source(%dma_start3A_108 : memref<632x128xf32, #tpu.memory_space<vmem_shared>>) target(%dma_start3A_106 : memref<632x128xf32, #tpu.memory_space<hbm>>) target_semaphore(%run_scoped3A : memref<!tpu.dma_semaphore, #tpu.memory_space<semaphore_mem>>)
      %dma_wait3A_109 = arith.constant 0 : i32
      %dma_wait3A_110 = tpu.memref_slice %arg5[%arg0, %mul3A_103, %dma_wait3A_109] : memref<2x10112x128xf32, #tpu.memory_space<hbm>> -> memref<1x632x128xf32, #tpu.memory_space<hbm>>
      %dma_wait3A_111 = tpu.memref_squeeze %dma_wait3A_110 : memref<1x632x128xf32, #tpu.memory_space<hbm>> -> memref<632x128xf32, #tpu.memory_space<hbm>>
      %dma_wait3A_112 = arith.constant 0 : i32
      %dma_wait3A_113 = tpu.memref_slice %arg6[%mul3A_103, %dma_wait3A_112] : memref<10112x128xf32, #tpu.memory_space<vmem_shared>> -> memref<632x128xf32, #tpu.memory_space<vmem_shared>>
      tpu.wait_dma2 semaphore(%run_scoped3A : memref<!tpu.dma_semaphore, #tpu.memory_space<semaphore_mem>>) src(%dma_wait3A_113 : memref<632x128xf32, #tpu.memory_space<vmem_shared>>) dst(%dma_wait3A_111 : memref<632x128xf32, #tpu.memory_space<hbm>>)
      tpu.yield
    }) : () -> ()
    return
  }
}

#map = affine_map<(d0, d1) -> (0)>
#map1 = affine_map<(d0, d1) -> (0, 0, 0)>
module attributes {stable_mosaic.version = 14 : i64} {
  func.func @_deg_body(%arg0: i32, %arg1: i32, %arg2: memref<327680xi32, #tpu.memory_space<hbm>>, %arg3: memref<2x10112x16xf32, #tpu.memory_space<hbm>>, %arg4: memref<10112x16xf32, #tpu.memory_space<vmem_shared>>, %arg5: memref<128xi32, #tpu.memory_space<vmem>>, %arg6: memref<128x16xf32, #tpu.memory_space<vmem>>, %arg7: memref<!tpu.dma_semaphore, #tpu.memory_space<semaphore_mem>>) attributes {dimension_semantics = [#tpu.dimension_semantics<core_parallel>, #tpu.dimension_semantics<subcore_parallel>], iteration_bounds = array<i64: 2, 16>, scalar_prefetch = 0 : i64, scratch_operands = 4 : i64, tpu.core_type = #tpu.core_type<sc_vector_subcore>, window_params = [{transform_indices = #map}, {transform_indices = #map1}]} {
    %mul3A = arith.constant 16 : i32
    %mul3A_0 = arith.muli %arg0, %mul3A : i32
    %add3A = arith.addi %mul3A_0, %arg1 : i32
    %broadcast_in_dim3A = arith.constant 0.000000e+00 : f32
    %broadcast_in_dim3A_1 = vector.broadcast %broadcast_in_dim3A : f32 to vector<16xf32>
    %scan3A = arith.constant 0 : i32
    %scan3A_2 = arith.constant 0 : i32
    %scan3A_3 = arith.constant 128 : i32
    %scan3A_4 = arith.addi %scan3A_2, %scan3A_3 : i32
    %scan3A_5 = arith.constant 1 : i32
    %scan3A_6 = scf.for %scan3A_41 = %scan3A_2 to %scan3A_4 step %scan3A_5 iter_args(%scan3A_42 = %scan3A) -> (i32)  : i32 {
      %jit3A = arith.constant 1 : i32
      %div3A = arith.divsi %scan3A_41, %jit3A : i32
      %sign3A = arith.constant 0 : i32
      %sign3A_43 = arith.cmpi sgt, %scan3A_41, %sign3A : i32
      %sign3A_44 = arith.extui %sign3A_43 : i1 to i32
      %sign3A_45 = arith.constant 0 : i32
      %sign3A_46 = arith.cmpi slt, %scan3A_41, %sign3A_45 : i32
      %sign3A_47 = arith.extui %sign3A_46 : i1 to i32
      %sign3A_48 = arith.subi %sign3A_44, %sign3A_47 : i32
      %sign3A_49 = arith.constant 0 : i32
      %sign3A_50 = arith.cmpi sgt, %jit3A, %sign3A_49 : i32
      %sign3A_51 = arith.extui %sign3A_50 : i1 to i32
      %sign3A_52 = arith.constant 0 : i32
      %sign3A_53 = arith.cmpi slt, %jit3A, %sign3A_52 : i32
      %sign3A_54 = arith.extui %sign3A_53 : i1 to i32
      %sign3A_55 = arith.subi %sign3A_51, %sign3A_54 : i32
      %ne3A = arith.cmpi ne, %sign3A_48, %sign3A_55 : i32
      %rem3A = arith.remsi %scan3A_41, %jit3A : i32
      %ne3A_56 = arith.constant 0 : i32
      %ne3A_57 = arith.cmpi ne, %rem3A, %ne3A_56 : i32
      %and3A = arith.andi %ne3A, %ne3A_57 : i1
      %sub3A = arith.constant 1 : i32
      %sub3A_58 = arith.subi %div3A, %sub3A : i32
      %select_n3A = arith.select %and3A, %sub3A_58, %div3A : i32
      %jit3A_59 = arith.constant 1 : i32
      %eq3A = arith.constant 0 : i32
      %eq3A_60 = arith.cmpi eq, %jit3A_59, %eq3A : i32
      %jit3A_61 = arith.constant 1 : i32
      %select_n3A_62 = arith.select %eq3A_60, %jit3A_61, %jit3A_59 : i32
      %rem3A_63 = arith.remsi %scan3A_41, %select_n3A_62 : i32
      %ne3A_64 = arith.constant 0 : i32
      %ne3A_65 = arith.cmpi ne, %rem3A_63, %ne3A_64 : i32
      %lt3A = arith.constant 0 : i32
      %lt3A_66 = arith.cmpi slt, %rem3A_63, %lt3A : i32
      %lt3A_67 = arith.constant 0 : i32
      %lt3A_68 = arith.cmpi slt, %select_n3A_62, %lt3A_67 : i32
      %ne3A_69 = arith.xori %lt3A_66, %lt3A_68 : i1
      %and3A_70 = arith.andi %ne3A_69, %ne3A_65 : i1
      %add3A_71 = arith.addi %rem3A_63, %select_n3A_62 : i32
      %select_n3A_72 = arith.select %and3A_70, %add3A_71, %rem3A_63 : i32
      %mul3A_73 = arith.constant 16 : i32
      %mul3A_74 = arith.muli %select_n3A_72, %mul3A_73 : i32
      %swap3A = arith.index_cast %select_n3A : i32 to index
      %swap3A_75 = arith.index_cast %mul3A_74 : i32 to index
      %swap3A_76 = tpu.vector_load %arg6[%swap3A, %swap3A_75] {strides = array<i32>} : memref<128x16xf32, #tpu.memory_space<vmem>>, vector<1x16xf32>,
      %swap3A_77 = vector.shape_cast %swap3A_76 : vector<1x16xf32> to vector<16xf32>
      %swap3A_78 = vector.shape_cast %broadcast_in_dim3A_1 : vector<16xf32> to vector<1x16xf32>
      tpu.vector_store %arg6[%swap3A, %swap3A_75], %swap3A_78 {strides = array<i32>} : memref<128x16xf32, #tpu.memory_space<vmem>>, vector<1x16xf32>,
      %scan3A_79 = arith.constant 0 : i32
      scf.yield %scan3A_79 : i32
    }
    %scan3A_7 = arith.constant 128 : i32
    %mul3A_8 = arith.constant 632 : i32
    %mul3A_9 = arith.muli %arg1, %mul3A_8 : i32
    %add3A_10 = arith.constant 0 : i32
    %add3A_11 = arith.addi %mul3A_9, %add3A_10 : i32
    "tpu.region"() ({
      %run_scoped3A = tpu.sem_alloc : memref<!tpu.dma_semaphore, #tpu.memory_space<semaphore_mem>>
      %dma_start3A = arith.constant 0 : i32
      %dma_start3A_41 = arith.constant 0 : i32
      %dma_start3A_42 = tpu.memref_slice %arg6[%dma_start3A, %dma_start3A_41] : memref<128x16xf32, #tpu.memory_space<vmem>> -> memref<128x16xf32, #tpu.memory_space<vmem>>
      %dma_start3A_43 = arith.constant 0 : i32
      %dma_start3A_44 = tpu.memref_slice %arg4[%add3A_11, %dma_start3A_43] : memref<10112x16xf32, #tpu.memory_space<vmem_shared>> -> memref<128x16xf32, #tpu.memory_space<vmem_shared>>
      %dma_start3A_45 = arith.constant 0 : i32
      %dma_start3A_46 = tpu.memref_slice %arg4[%add3A_11, %dma_start3A_45] : memref<10112x16xf32, #tpu.memory_space<vmem_shared>> -> memref<128x16xf32, #tpu.memory_space<vmem_shared>>
      %dma_start3A_47 = arith.constant 0 : i32
      %dma_start3A_48 = arith.constant 0 : i32
      %dma_start3A_49 = tpu.memref_slice %arg6[%dma_start3A_47, %dma_start3A_48] : memref<128x16xf32, #tpu.memory_space<vmem>> -> memref<128x16xf32, #tpu.memory_space<vmem>>
      tpu.enqueue_dma source(%dma_start3A_49 : memref<128x16xf32, #tpu.memory_space<vmem>>) target(%dma_start3A_46 : memref<128x16xf32, #tpu.memory_space<vmem_shared>>) target_semaphore(%run_scoped3A : memref<!tpu.dma_semaphore, #tpu.memory_space<semaphore_mem>>)
      %dma_wait3A = arith.constant 0 : i32
      %dma_wait3A_50 = arith.constant 0 : i32
      %dma_wait3A_51 = tpu.memref_slice %arg6[%dma_wait3A, %dma_wait3A_50] : memref<128x16xf32, #tpu.memory_space<vmem>> -> memref<128x16xf32, #tpu.memory_space<vmem>>
      %dma_wait3A_52 = arith.constant 0 : i32
      %dma_wait3A_53 = tpu.memref_slice %arg4[%add3A_11, %dma_wait3A_52] : memref<10112x16xf32, #tpu.memory_space<vmem_shared>> -> memref<128x16xf32, #tpu.memory_space<vmem_shared>>
      %dma_wait3A_54 = arith.constant 0 : i32
      %dma_wait3A_55 = tpu.memref_slice %arg4[%add3A_11, %dma_wait3A_54] : memref<10112x16xf32, #tpu.memory_space<vmem_shared>> -> memref<128x16xf32, #tpu.memory_space<vmem_shared>>
      %dma_wait3A_56 = arith.constant 0 : i32
      %dma_wait3A_57 = arith.constant 0 : i32
      %dma_wait3A_58 = tpu.memref_slice %arg6[%dma_wait3A_56, %dma_wait3A_57] : memref<128x16xf32, #tpu.memory_space<vmem>> -> memref<128x16xf32, #tpu.memory_space<vmem>>
      tpu.wait_dma2 semaphore(%run_scoped3A : memref<!tpu.dma_semaphore, #tpu.memory_space<semaphore_mem>>) src(%dma_wait3A_58 : memref<128x16xf32, #tpu.memory_space<vmem>>) dst(%dma_wait3A_55 : memref<128x16xf32, #tpu.memory_space<vmem_shared>>)
      tpu.yield
    }) : () -> ()
    %add3A_12 = arith.constant 128 : i32
    %add3A_13 = arith.addi %mul3A_9, %add3A_12 : i32
    "tpu.region"() ({
      %run_scoped3A = tpu.sem_alloc : memref<!tpu.dma_semaphore, #tpu.memory_space<semaphore_mem>>
      %dma_start3A = arith.constant 0 : i32
      %dma_start3A_41 = arith.constant 0 : i32
      %dma_start3A_42 = tpu.memref_slice %arg6[%dma_start3A, %dma_start3A_41] : memref<128x16xf32, #tpu.memory_space<vmem>> -> memref<128x16xf32, #tpu.memory_space<vmem>>
      %dma_start3A_43 = arith.constant 0 : i32
      %dma_start3A_44 = tpu.memref_slice %arg4[%add3A_13, %dma_start3A_43] : memref<10112x16xf32, #tpu.memory_space<vmem_shared>> -> memref<128x16xf32, #tpu.memory_space<vmem_shared>>
      %dma_start3A_45 = arith.constant 0 : i32
      %dma_start3A_46 = tpu.memref_slice %arg4[%add3A_13, %dma_start3A_45] : memref<10112x16xf32, #tpu.memory_space<vmem_shared>> -> memref<128x16xf32, #tpu.memory_space<vmem_shared>>
      %dma_start3A_47 = arith.constant 0 : i32
      %dma_start3A_48 = arith.constant 0 : i32
      %dma_start3A_49 = tpu.memref_slice %arg6[%dma_start3A_47, %dma_start3A_48] : memref<128x16xf32, #tpu.memory_space<vmem>> -> memref<128x16xf32, #tpu.memory_space<vmem>>
      tpu.enqueue_dma source(%dma_start3A_49 : memref<128x16xf32, #tpu.memory_space<vmem>>) target(%dma_start3A_46 : memref<128x16xf32, #tpu.memory_space<vmem_shared>>) target_semaphore(%run_scoped3A : memref<!tpu.dma_semaphore, #tpu.memory_space<semaphore_mem>>)
      %dma_wait3A = arith.constant 0 : i32
      %dma_wait3A_50 = arith.constant 0 : i32
      %dma_wait3A_51 = tpu.memref_slice %arg6[%dma_wait3A, %dma_wait3A_50] : memref<128x16xf32, #tpu.memory_space<vmem>> -> memref<128x16xf32, #tpu.memory_space<vmem>>
      %dma_wait3A_52 = arith.constant 0 : i32
      %dma_wait3A_53 = tpu.memref_slice %arg4[%add3A_13, %dma_wait3A_52] : memref<10112x16xf32, #tpu.memory_space<vmem_shared>> -> memref<128x16xf32, #tpu.memory_space<vmem_shared>>
      %dma_wait3A_54 = arith.constant 0 : i32
      %dma_wait3A_55 = tpu.memref_slice %arg4[%add3A_13, %dma_wait3A_54] : memref<10112x16xf32, #tpu.memory_space<vmem_shared>> -> memref<128x16xf32, #tpu.memory_space<vmem_shared>>
      %dma_wait3A_56 = arith.constant 0 : i32
      %dma_wait3A_57 = arith.constant 0 : i32
      %dma_wait3A_58 = tpu.memref_slice %arg6[%dma_wait3A_56, %dma_wait3A_57] : memref<128x16xf32, #tpu.memory_space<vmem>> -> memref<128x16xf32, #tpu.memory_space<vmem>>
      tpu.wait_dma2 semaphore(%run_scoped3A : memref<!tpu.dma_semaphore, #tpu.memory_space<semaphore_mem>>) src(%dma_wait3A_58 : memref<128x16xf32, #tpu.memory_space<vmem>>) dst(%dma_wait3A_55 : memref<128x16xf32, #tpu.memory_space<vmem_shared>>)
      tpu.yield
    }) : () -> ()
    %add3A_14 = arith.constant 256 : i32
    %add3A_15 = arith.addi %mul3A_9, %add3A_14 : i32
    "tpu.region"() ({
      %run_scoped3A = tpu.sem_alloc : memref<!tpu.dma_semaphore, #tpu.memory_space<semaphore_mem>>
      %dma_start3A = arith.constant 0 : i32
      %dma_start3A_41 = arith.constant 0 : i32
      %dma_start3A_42 = tpu.memref_slice %arg6[%dma_start3A, %dma_start3A_41] : memref<128x16xf32, #tpu.memory_space<vmem>> -> memref<128x16xf32, #tpu.memory_space<vmem>>
      %dma_start3A_43 = arith.constant 0 : i32
      %dma_start3A_44 = tpu.memref_slice %arg4[%add3A_15, %dma_start3A_43] : memref<10112x16xf32, #tpu.memory_space<vmem_shared>> -> memref<128x16xf32, #tpu.memory_space<vmem_shared>>
      %dma_start3A_45 = arith.constant 0 : i32
      %dma_start3A_46 = tpu.memref_slice %arg4[%add3A_15, %dma_start3A_45] : memref<10112x16xf32, #tpu.memory_space<vmem_shared>> -> memref<128x16xf32, #tpu.memory_space<vmem_shared>>
      %dma_start3A_47 = arith.constant 0 : i32
      %dma_start3A_48 = arith.constant 0 : i32
      %dma_start3A_49 = tpu.memref_slice %arg6[%dma_start3A_47, %dma_start3A_48] : memref<128x16xf32, #tpu.memory_space<vmem>> -> memref<128x16xf32, #tpu.memory_space<vmem>>
      tpu.enqueue_dma source(%dma_start3A_49 : memref<128x16xf32, #tpu.memory_space<vmem>>) target(%dma_start3A_46 : memref<128x16xf32, #tpu.memory_space<vmem_shared>>) target_semaphore(%run_scoped3A : memref<!tpu.dma_semaphore, #tpu.memory_space<semaphore_mem>>)
      %dma_wait3A = arith.constant 0 : i32
      %dma_wait3A_50 = arith.constant 0 : i32
      %dma_wait3A_51 = tpu.memref_slice %arg6[%dma_wait3A, %dma_wait3A_50] : memref<128x16xf32, #tpu.memory_space<vmem>> -> memref<128x16xf32, #tpu.memory_space<vmem>>
      %dma_wait3A_52 = arith.constant 0 : i32
      %dma_wait3A_53 = tpu.memref_slice %arg4[%add3A_15, %dma_wait3A_52] : memref<10112x16xf32, #tpu.memory_space<vmem_shared>> -> memref<128x16xf32, #tpu.memory_space<vmem_shared>>
      %dma_wait3A_54 = arith.constant 0 : i32
      %dma_wait3A_55 = tpu.memref_slice %arg4[%add3A_15, %dma_wait3A_54] : memref<10112x16xf32, #tpu.memory_space<vmem_shared>> -> memref<128x16xf32, #tpu.memory_space<vmem_shared>>
      %dma_wait3A_56 = arith.constant 0 : i32
      %dma_wait3A_57 = arith.constant 0 : i32
      %dma_wait3A_58 = tpu.memref_slice %arg6[%dma_wait3A_56, %dma_wait3A_57] : memref<128x16xf32, #tpu.memory_space<vmem>> -> memref<128x16xf32, #tpu.memory_space<vmem>>
      tpu.wait_dma2 semaphore(%run_scoped3A : memref<!tpu.dma_semaphore, #tpu.memory_space<semaphore_mem>>) src(%dma_wait3A_58 : memref<128x16xf32, #tpu.memory_space<vmem>>) dst(%dma_wait3A_55 : memref<128x16xf32, #tpu.memory_space<vmem_shared>>)
      tpu.yield
    }) : () -> ()
    %add3A_16 = arith.constant 384 : i32
    %add3A_17 = arith.addi %mul3A_9, %add3A_16 : i32
    "tpu.region"() ({
      %run_scoped3A = tpu.sem_alloc : memref<!tpu.dma_semaphore, #tpu.memory_space<semaphore_mem>>
      %dma_start3A = arith.constant 0 : i32
      %dma_start3A_41 = arith.constant 0 : i32
      %dma_start3A_42 = tpu.memref_slice %arg6[%dma_start3A, %dma_start3A_41] : memref<128x16xf32, #tpu.memory_space<vmem>> -> memref<128x16xf32, #tpu.memory_space<vmem>>
      %dma_start3A_43 = arith.constant 0 : i32
      %dma_start3A_44 = tpu.memref_slice %arg4[%add3A_17, %dma_start3A_43] : memref<10112x16xf32, #tpu.memory_space<vmem_shared>> -> memref<128x16xf32, #tpu.memory_space<vmem_shared>>
      %dma_start3A_45 = arith.constant 0 : i32
      %dma_start3A_46 = tpu.memref_slice %arg4[%add3A_17, %dma_start3A_45] : memref<10112x16xf32, #tpu.memory_space<vmem_shared>> -> memref<128x16xf32, #tpu.memory_space<vmem_shared>>
      %dma_start3A_47 = arith.constant 0 : i32
      %dma_start3A_48 = arith.constant 0 : i32
      %dma_start3A_49 = tpu.memref_slice %arg6[%dma_start3A_47, %dma_start3A_48] : memref<128x16xf32, #tpu.memory_space<vmem>> -> memref<128x16xf32, #tpu.memory_space<vmem>>
      tpu.enqueue_dma source(%dma_start3A_49 : memref<128x16xf32, #tpu.memory_space<vmem>>) target(%dma_start3A_46 : memref<128x16xf32, #tpu.memory_space<vmem_shared>>) target_semaphore(%run_scoped3A : memref<!tpu.dma_semaphore, #tpu.memory_space<semaphore_mem>>)
      %dma_wait3A = arith.constant 0 : i32
      %dma_wait3A_50 = arith.constant 0 : i32
      %dma_wait3A_51 = tpu.memref_slice %arg6[%dma_wait3A, %dma_wait3A_50] : memref<128x16xf32, #tpu.memory_space<vmem>> -> memref<128x16xf32, #tpu.memory_space<vmem>>
      %dma_wait3A_52 = arith.constant 0 : i32
      %dma_wait3A_53 = tpu.memref_slice %arg4[%add3A_17, %dma_wait3A_52] : memref<10112x16xf32, #tpu.memory_space<vmem_shared>> -> memref<128x16xf32, #tpu.memory_space<vmem_shared>>
      %dma_wait3A_54 = arith.constant 0 : i32
      %dma_wait3A_55 = tpu.memref_slice %arg4[%add3A_17, %dma_wait3A_54] : memref<10112x16xf32, #tpu.memory_space<vmem_shared>> -> memref<128x16xf32, #tpu.memory_space<vmem_shared>>
      %dma_wait3A_56 = arith.constant 0 : i32
      %dma_wait3A_57 = arith.constant 0 : i32
      %dma_wait3A_58 = tpu.memref_slice %arg6[%dma_wait3A_56, %dma_wait3A_57] : memref<128x16xf32, #tpu.memory_space<vmem>> -> memref<128x16xf32, #tpu.memory_space<vmem>>
      tpu.wait_dma2 semaphore(%run_scoped3A : memref<!tpu.dma_semaphore, #tpu.memory_space<semaphore_mem>>) src(%dma_wait3A_58 : memref<128x16xf32, #tpu.memory_space<vmem>>) dst(%dma_wait3A_55 : memref<128x16xf32, #tpu.memory_space<vmem_shared>>)
      tpu.yield
    }) : () -> ()
    %add3A_18 = arith.constant 512 : i32
    %add3A_19 = arith.addi %mul3A_9, %add3A_18 : i32
    "tpu.region"() ({
      %run_scoped3A = tpu.sem_alloc : memref<!tpu.dma_semaphore, #tpu.memory_space<semaphore_mem>>
      %dma_start3A = arith.constant 0 : i32
      %dma_start3A_41 = arith.constant 0 : i32
      %dma_start3A_42 = tpu.memref_slice %arg6[%dma_start3A, %dma_start3A_41] : memref<128x16xf32, #tpu.memory_space<vmem>> -> memref<120x16xf32, #tpu.memory_space<vmem>>
      %dma_start3A_43 = arith.constant 0 : i32
      %dma_start3A_44 = tpu.memref_slice %arg4[%add3A_19, %dma_start3A_43] : memref<10112x16xf32, #tpu.memory_space<vmem_shared>> -> memref<120x16xf32, #tpu.memory_space<vmem_shared>>
      %dma_start3A_45 = arith.constant 0 : i32
      %dma_start3A_46 = tpu.memref_slice %arg4[%add3A_19, %dma_start3A_45] : memref<10112x16xf32, #tpu.memory_space<vmem_shared>> -> memref<120x16xf32, #tpu.memory_space<vmem_shared>>
      %dma_start3A_47 = arith.constant 0 : i32
      %dma_start3A_48 = arith.constant 0 : i32
      %dma_start3A_49 = tpu.memref_slice %arg6[%dma_start3A_47, %dma_start3A_48] : memref<128x16xf32, #tpu.memory_space<vmem>> -> memref<120x16xf32, #tpu.memory_space<vmem>>
      tpu.enqueue_dma source(%dma_start3A_49 : memref<120x16xf32, #tpu.memory_space<vmem>>) target(%dma_start3A_46 : memref<120x16xf32, #tpu.memory_space<vmem_shared>>) target_semaphore(%run_scoped3A : memref<!tpu.dma_semaphore, #tpu.memory_space<semaphore_mem>>)
      %dma_wait3A = arith.constant 0 : i32
      %dma_wait3A_50 = arith.constant 0 : i32
      %dma_wait3A_51 = tpu.memref_slice %arg6[%dma_wait3A, %dma_wait3A_50] : memref<128x16xf32, #tpu.memory_space<vmem>> -> memref<120x16xf32, #tpu.memory_space<vmem>>
      %dma_wait3A_52 = arith.constant 0 : i32
      %dma_wait3A_53 = tpu.memref_slice %arg4[%add3A_19, %dma_wait3A_52] : memref<10112x16xf32, #tpu.memory_space<vmem_shared>> -> memref<120x16xf32, #tpu.memory_space<vmem_shared>>
      %dma_wait3A_54 = arith.constant 0 : i32
      %dma_wait3A_55 = tpu.memref_slice %arg4[%add3A_19, %dma_wait3A_54] : memref<10112x16xf32, #tpu.memory_space<vmem_shared>> -> memref<120x16xf32, #tpu.memory_space<vmem_shared>>
      %dma_wait3A_56 = arith.constant 0 : i32
      %dma_wait3A_57 = arith.constant 0 : i32
      %dma_wait3A_58 = tpu.memref_slice %arg6[%dma_wait3A_56, %dma_wait3A_57] : memref<128x16xf32, #tpu.memory_space<vmem>> -> memref<120x16xf32, #tpu.memory_space<vmem>>
      tpu.wait_dma2 semaphore(%run_scoped3A : memref<!tpu.dma_semaphore, #tpu.memory_space<semaphore_mem>>) src(%dma_wait3A_58 : memref<120x16xf32, #tpu.memory_space<vmem>>) dst(%dma_wait3A_55 : memref<120x16xf32, #tpu.memory_space<vmem_shared>>)
      tpu.yield
    }) : () -> ()
    %broadcast_in_dim3A_20 = arith.constant 1.000000e+00 : f32
    %broadcast_in_dim3A_21 = vector.broadcast %broadcast_in_dim3A_20 : f32 to vector<16xf32>
    %scan3A_22 = arith.constant 0 : i32
    %scan3A_23 = arith.constant 0 : i32
    %scan3A_24 = arith.constant 128 : i32
    %scan3A_25 = arith.addi %scan3A_23, %scan3A_24 : i32
    %scan3A_26 = arith.constant 1 : i32
    %scan3A_27 = scf.for %scan3A_41 = %scan3A_23 to %scan3A_25 step %scan3A_26 iter_args(%scan3A_42 = %scan3A_22) -> (i32)  : i32 {
      %swap3A = arith.index_cast %scan3A_41 : i32 to index
      %swap3A_43 = arith.constant 0 : index
      %swap3A_44 = tpu.vector_load %arg6[%swap3A, %swap3A_43] {strides = array<i32>} : memref<128x16xf32, #tpu.memory_space<vmem>>, vector<1x16xf32>,
      %swap3A_45 = vector.shape_cast %swap3A_44 : vector<1x16xf32> to vector<16xf32>
      %swap3A_46 = vector.shape_cast %broadcast_in_dim3A_21 : vector<16xf32> to vector<1x16xf32>
      tpu.vector_store %arg6[%swap3A, %swap3A_43], %swap3A_46 {strides = array<i32>} : memref<128x16xf32, #tpu.memory_space<vmem>>, vector<1x16xf32>,
      %scan3A_47 = arith.constant 0 : i32
      scf.yield %scan3A_47 : i32
    }
    %scan3A_28 = arith.constant 128 : i32
    %barrier3A = arith.constant 0 : index
    tpu.barrier barrier_id(%barrier3A)
    %mul3A_29 = arith.constant 10240 : i32
    %mul3A_30 = arith.muli %add3A, %mul3A_29 : i32
    %scan3A_31 = arith.constant 0 : i32
    %scan3A_32 = arith.constant 0 : i32
    %scan3A_33 = arith.constant 80 : i32
    %scan3A_34 = arith.addi %scan3A_32, %scan3A_33 : i32
    %scan3A_35 = arith.constant 1 : i32
    %scan3A_36 = scf.for %scan3A_41 = %scan3A_32 to %scan3A_34 step %scan3A_35 iter_args(%scan3A_42 = %scan3A_31) -> (i32)  : i32 {
      %mul3A_43 = arith.constant 128 : i32
      %mul3A_44 = arith.muli %scan3A_41, %mul3A_43 : i32
      %add3A_45 = arith.addi %mul3A_30, %mul3A_44 : i32
      "tpu.region"() ({
        %run_scoped3A = tpu.sem_alloc : memref<!tpu.dma_semaphore, #tpu.memory_space<semaphore_mem>>
        %dma_start3A = tpu.memref_slice %arg2[%add3A_45] : memref<327680xi32, #tpu.memory_space<hbm>> -> memref<128xi32, #tpu.memory_space<hbm>>
        %dma_start3A_47 = tpu.memref_slice %arg2[%add3A_45] : memref<327680xi32, #tpu.memory_space<hbm>> -> memref<128xi32, #tpu.memory_space<hbm>>
        tpu.enqueue_dma source(%dma_start3A_47 : memref<128xi32, #tpu.memory_space<hbm>>) target(%arg5 : memref<128xi32, #tpu.memory_space<vmem>>) target_semaphore(%run_scoped3A : memref<!tpu.dma_semaphore, #tpu.memory_space<semaphore_mem>>)
        %dma_wait3A = tpu.memref_slice %arg2[%add3A_45] : memref<327680xi32, #tpu.memory_space<hbm>> -> memref<128xi32, #tpu.memory_space<hbm>>
        %dma_wait3A_48 = tpu.memref_slice %arg2[%add3A_45] : memref<327680xi32, #tpu.memory_space<hbm>> -> memref<128xi32, #tpu.memory_space<hbm>>
        tpu.wait_dma2 semaphore(%run_scoped3A : memref<!tpu.dma_semaphore, #tpu.memory_space<semaphore_mem>>) src(%dma_wait3A_48 : memref<128xi32, #tpu.memory_space<hbm>>) dst(%arg5 : memref<128xi32, #tpu.memory_space<vmem>>)
        tpu.yield
      }) : () -> ()
      "tpu.region"() ({
        %run_scoped3A = tpu.sem_alloc : memref<!tpu.dma_semaphore, #tpu.memory_space<semaphore_mem>>
        %dma_start3A = arith.constant 0 : i32
        %dma_start3A_47 = arith.constant 0 : i32
        %dma_start3A_48 = tpu.memref_slice %arg4[%dma_start3A, %dma_start3A_47] : memref<10112x16xf32, #tpu.memory_space<vmem_shared>> -> memref<10112x16xf32, #tpu.memory_space<vmem_shared>>
        tpu.enqueue_indirect_dma source(%arg6 : memref<128x16xf32, #tpu.memory_space<vmem>>) target(%dma_start3A_48 : memref<10112x16xf32, #tpu.memory_space<vmem_shared>>) offsets(%arg5 : memref<128xi32, #tpu.memory_space<vmem>>) semaphore(%run_scoped3A : memref<!tpu.dma_semaphore, #tpu.memory_space<semaphore_mem>>) {add = true}
        %dma_wait3A = arith.constant 0 : i32
        %dma_wait3A_49 = arith.constant 0 : i32
        %dma_wait3A_50 = tpu.memref_slice %arg4[%dma_wait3A, %dma_wait3A_49] : memref<10112x16xf32, #tpu.memory_space<vmem_shared>> -> memref<10112x16xf32, #tpu.memory_space<vmem_shared>>
        tpu.wait_indirect_dma semaphore(%run_scoped3A : memref<!tpu.dma_semaphore, #tpu.memory_space<semaphore_mem>>) src(%arg6 : memref<128x16xf32, #tpu.memory_space<vmem>>) dst(%dma_wait3A_50 : memref<10112x16xf32, #tpu.memory_space<vmem_shared>>)
        tpu.yield
      }) : () -> ()
      %scan3A_46 = arith.constant 0 : i32
      scf.yield %scan3A_46 : i32
    }
    %scan3A_37 = arith.constant 80 : i32
    %barrier3A_38 = arith.constant 0 : index
    tpu.barrier barrier_id(%barrier3A_38)
    %mul3A_39 = arith.constant 632 : i32
    %mul3A_40 = arith.muli %arg1, %mul3A_39 : i32
    "tpu.region"() ({
      %run_scoped3A = tpu.sem_alloc : memref<!tpu.dma_semaphore, #tpu.memory_space<semaphore_mem>>
      %dma_start3A = arith.constant 0 : i32
      %dma_start3A_41 = tpu.memref_slice %arg3[%arg0, %mul3A_40, %dma_start3A] : memref<2x10112x16xf32, #tpu.memory_space<hbm>> -> memref<1x632x16xf32, #tpu.memory_space<hbm>>
      %dma_start3A_42 = tpu.memref_squeeze %dma_start3A_41 : memref<1x632x16xf32, #tpu.memory_space<hbm>> -> memref<632x16xf32, #tpu.memory_space<hbm>>
      %dma_start3A_43 = arith.constant 0 : i32
      %dma_start3A_44 = tpu.memref_slice %arg4[%mul3A_40, %dma_start3A_43] : memref<10112x16xf32, #tpu.memory_space<vmem_shared>> -> memref<632x16xf32, #tpu.memory_space<vmem_shared>>
      tpu.enqueue_dma source(%dma_start3A_44 : memref<632x16xf32, #tpu.memory_space<vmem_shared>>) target(%dma_start3A_42 : memref<632x16xf32, #tpu.memory_space<hbm>>) target_semaphore(%run_scoped3A : memref<!tpu.dma_semaphore, #tpu.memory_space<semaphore_mem>>)
      %dma_wait3A = arith.constant 0 : i32
      %dma_wait3A_45 = tpu.memref_slice %arg3[%arg0, %mul3A_40, %dma_wait3A] : memref<2x10112x16xf32, #tpu.memory_space<hbm>> -> memref<1x632x16xf32, #tpu.memory_space<hbm>>
      %dma_wait3A_46 = tpu.memref_squeeze %dma_wait3A_45 : memref<1x632x16xf32, #tpu.memory_space<hbm>> -> memref<632x16xf32, #tpu.memory_space<hbm>>
      %dma_wait3A_47 = arith.constant 0 : i32
      %dma_wait3A_48 = tpu.memref_slice %arg4[%mul3A_40, %dma_wait3A_47] : memref<10112x16xf32, #tpu.memory_space<vmem_shared>> -> memref<632x16xf32, #tpu.memory_space<vmem_shared>>
      tpu.wait_dma2 semaphore(%run_scoped3A : memref<!tpu.dma_semaphore, #tpu.memory_space<semaphore_mem>>) src(%dma_wait3A_48 : memref<632x16xf32, #tpu.memory_space<vmem_shared>>) dst(%dma_wait3A_46 : memref<632x16xf32, #tpu.memory_space<hbm>>)
      tpu.yield
    }) : () -> ()
    return
  }
}

#map = affine_map<(d0, d1) -> (0, 0)>
#map1 = affine_map<(d0, d1) -> (0)>
#map2 = affine_map<(d0, d1) -> (0, 0, 0)>
module attributes {stable_mosaic.version = 14 : i64} {
  func.func @_scatter_body(%arg0: i32, %arg1: i32, %arg2: memref<10000x128xf32, #tpu.memory_space<hbm>>, %arg3: memref<327680xi32, #tpu.memory_space<hbm>>, %arg4: memref<327680xi32, #tpu.memory_space<hbm>>, %arg5: memref<2x10112x128xf32, #tpu.memory_space<hbm>>, %arg6: memref<10112x128xf32, #tpu.memory_space<vmem_shared>>, %arg7: memref<128xi32, #tpu.memory_space<vmem>>, %arg8: memref<128xi32, #tpu.memory_space<vmem>>, %arg9: memref<128xi32, #tpu.memory_space<vmem>>, %arg10: memref<128xi32, #tpu.memory_space<vmem>>, %arg11: memref<128xi32, #tpu.memory_space<vmem>>, %arg12: memref<128xi32, #tpu.memory_space<vmem>>, %arg13: memref<128xi32, #tpu.memory_space<vmem>>, %arg14: memref<128xi32, #tpu.memory_space<vmem>>, %arg15: memref<128x128xf32, #tpu.memory_space<vmem>>, %arg16: memref<128x128xf32, #tpu.memory_space<vmem>>, %arg17: memref<!tpu.dma_semaphore, #tpu.memory_space<semaphore_mem>>, %arg18: memref<!tpu.dma_semaphore, #tpu.memory_space<semaphore_mem>>, %arg19: memref<!tpu.dma_semaphore, #tpu.memory_space<semaphore_mem>>, %arg20: memref<!tpu.dma_semaphore, #tpu.memory_space<semaphore_mem>>, %arg21: memref<!tpu.dma_semaphore, #tpu.memory_space<semaphore_mem>>, %arg22: memref<!tpu.dma_semaphore, #tpu.memory_space<semaphore_mem>>) attributes {dimension_semantics = [#tpu.dimension_semantics<core_parallel>, #tpu.dimension_semantics<subcore_parallel>], iteration_bounds = array<i64: 2, 16>, scalar_prefetch = 0 : i64, scratch_operands = 17 : i64, tpu.core_type = #tpu.core_type<sc_vector_subcore>, window_params = [{transform_indices = #map}, {transform_indices = #map1}, {transform_indices = #map1}, {transform_indices = #map2}]} {
    %eq3A = arith.constant 0 : i32
    %eq3A_0 = arith.cmpi eq, %arg0, %eq3A : i32
    %jit3A = arith.constant 144 : i32
    %jit3A_1 = arith.constant 16 : i32
    %select_n3A = arith.select %eq3A_0, %jit3A, %jit3A_1 : i32
    %eq3A_2 = arith.constant 0 : i32
    %eq3A_3 = arith.cmpi eq, %arg0, %eq3A_2 : i32
    %mul3A = arith.constant 18432 : i32
    %mul3A_4 = arith.muli %arg1, %mul3A : i32
    %mul3A_5 = arith.constant 2048 : i32
    %mul3A_6 = arith.muli %arg1, %mul3A_5 : i32
    %add3A = arith.constant 294912 : i32
    %add3A_7 = arith.addi %add3A, %mul3A_6 : i32
    %select_n3A_8 = arith.select %eq3A_3, %mul3A_4, %add3A_7 : i32
    %add3A_9 = arith.constant 0 : i32
    %add3A_10 = arith.addi %select_n3A_8, %add3A_9 : i32
    %dma_start3A = tpu.memref_slice %arg3[%add3A_10] : memref<327680xi32, #tpu.memory_space<hbm>> -> memref<128xi32, #tpu.memory_space<hbm>>
    %dma_start3A_11 = tpu.memref_slice %arg3[%add3A_10] : memref<327680xi32, #tpu.memory_space<hbm>> -> memref<128xi32, #tpu.memory_space<hbm>>
    tpu.enqueue_dma source(%dma_start3A_11 : memref<128xi32, #tpu.memory_space<hbm>>) target(%arg7 : memref<128xi32, #tpu.memory_space<vmem>>) target_semaphore(%arg17 : memref<!tpu.dma_semaphore, #tpu.memory_space<semaphore_mem>>)
    %dma_start3A_12 = tpu.memref_slice %arg4[%add3A_10] : memref<327680xi32, #tpu.memory_space<hbm>> -> memref<128xi32, #tpu.memory_space<hbm>>
    %dma_start3A_13 = tpu.memref_slice %arg4[%add3A_10] : memref<327680xi32, #tpu.memory_space<hbm>> -> memref<128xi32, #tpu.memory_space<hbm>>
    tpu.enqueue_dma source(%dma_start3A_13 : memref<128xi32, #tpu.memory_space<hbm>>) target(%arg11 : memref<128xi32, #tpu.memory_space<vmem>>) target_semaphore(%arg17 : memref<!tpu.dma_semaphore, #tpu.memory_space<semaphore_mem>>)
    %add3A_14 = arith.constant 128 : i32
    %add3A_15 = arith.addi %select_n3A_8, %add3A_14 : i32
    %dma_start3A_16 = tpu.memref_slice %arg3[%add3A_15] : memref<327680xi32, #tpu.memory_space<hbm>> -> memref<128xi32, #tpu.memory_space<hbm>>
    %dma_start3A_17 = tpu.memref_slice %arg3[%add3A_15] : memref<327680xi32, #tpu.memory_space<hbm>> -> memref<128xi32, #tpu.memory_space<hbm>>
    tpu.enqueue_dma source(%dma_start3A_17 : memref<128xi32, #tpu.memory_space<hbm>>) target(%arg8 : memref<128xi32, #tpu.memory_space<vmem>>) target_semaphore(%arg18 : memref<!tpu.dma_semaphore, #tpu.memory_space<semaphore_mem>>)
    %dma_start3A_18 = tpu.memref_slice %arg4[%add3A_15] : memref<327680xi32, #tpu.memory_space<hbm>> -> memref<128xi32, #tpu.memory_space<hbm>>
    %dma_start3A_19 = tpu.memref_slice %arg4[%add3A_15] : memref<327680xi32, #tpu.memory_space<hbm>> -> memref<128xi32, #tpu.memory_space<hbm>>
    tpu.enqueue_dma source(%dma_start3A_19 : memref<128xi32, #tpu.memory_space<hbm>>) target(%arg12 : memref<128xi32, #tpu.memory_space<vmem>>) target_semaphore(%arg18 : memref<!tpu.dma_semaphore, #tpu.memory_space<semaphore_mem>>)
    %add3A_20 = arith.constant 256 : i32
    %add3A_21 = arith.addi %select_n3A_8, %add3A_20 : i32
    %dma_start3A_22 = tpu.memref_slice %arg3[%add3A_21] : memref<327680xi32, #tpu.memory_space<hbm>> -> memref<128xi32, #tpu.memory_space<hbm>>
    %dma_start3A_23 = tpu.memref_slice %arg3[%add3A_21] : memref<327680xi32, #tpu.memory_space<hbm>> -> memref<128xi32, #tpu.memory_space<hbm>>
    tpu.enqueue_dma source(%dma_start3A_23 : memref<128xi32, #tpu.memory_space<hbm>>) target(%arg9 : memref<128xi32, #tpu.memory_space<vmem>>) target_semaphore(%arg19 : memref<!tpu.dma_semaphore, #tpu.memory_space<semaphore_mem>>)
    %dma_start3A_24 = tpu.memref_slice %arg4[%add3A_21] : memref<327680xi32, #tpu.memory_space<hbm>> -> memref<128xi32, #tpu.memory_space<hbm>>
    %dma_start3A_25 = tpu.memref_slice %arg4[%add3A_21] : memref<327680xi32, #tpu.memory_space<hbm>> -> memref<128xi32, #tpu.memory_space<hbm>>
    tpu.enqueue_dma source(%dma_start3A_25 : memref<128xi32, #tpu.memory_space<hbm>>) target(%arg13 : memref<128xi32, #tpu.memory_space<vmem>>) target_semaphore(%arg19 : memref<!tpu.dma_semaphore, #tpu.memory_space<semaphore_mem>>)
    %add3A_26 = arith.constant 384 : i32
    %add3A_27 = arith.addi %select_n3A_8, %add3A_26 : i32
    %dma_start3A_28 = tpu.memref_slice %arg3[%add3A_27] : memref<327680xi32, #tpu.memory_space<hbm>> -> memref<128xi32, #tpu.memory_space<hbm>>
    %dma_start3A_29 = tpu.memref_slice %arg3[%add3A_27] : memref<327680xi32, #tpu.memory_space<hbm>> -> memref<128xi32, #tpu.memory_space<hbm>>
    tpu.enqueue_dma source(%dma_start3A_29 : memref<128xi32, #tpu.memory_space<hbm>>) target(%arg10 : memref<128xi32, #tpu.memory_space<vmem>>) target_semaphore(%arg20 : memref<!tpu.dma_semaphore, #tpu.memory_space<semaphore_mem>>)
    %dma_start3A_30 = tpu.memref_slice %arg4[%add3A_27] : memref<327680xi32, #tpu.memory_space<hbm>> -> memref<128xi32, #tpu.memory_space<hbm>>
    %dma_start3A_31 = tpu.memref_slice %arg4[%add3A_27] : memref<327680xi32, #tpu.memory_space<hbm>> -> memref<128xi32, #tpu.memory_space<hbm>>
    tpu.enqueue_dma source(%dma_start3A_31 : memref<128xi32, #tpu.memory_space<hbm>>) target(%arg14 : memref<128xi32, #tpu.memory_space<vmem>>) target_semaphore(%arg20 : memref<!tpu.dma_semaphore, #tpu.memory_space<semaphore_mem>>)
    %broadcast_in_dim3A = arith.constant 0.000000e+00 : f32
    %broadcast_in_dim3A_32 = vector.broadcast %broadcast_in_dim3A : f32 to vector<16xf32>
    %scan3A = arith.constant 0 : i32
    %scan3A_33 = arith.constant 0 : i32
    %scan3A_34 = arith.constant 1024 : i32
    %scan3A_35 = arith.addi %scan3A_33, %scan3A_34 : i32
    %scan3A_36 = arith.constant 1 : i32
    %scan3A_37 = scf.for %scan3A_104 = %scan3A_33 to %scan3A_35 step %scan3A_36 iter_args(%scan3A_105 = %scan3A) -> (i32)  : i32 {
      %jit3A_106 = arith.constant 8 : i32
      %div3A_107 = arith.divsi %scan3A_104, %jit3A_106 : i32
      %sign3A_108 = arith.constant 0 : i32
      %sign3A_109 = arith.cmpi sgt, %scan3A_104, %sign3A_108 : i32
      %sign3A_110 = arith.extui %sign3A_109 : i1 to i32
      %sign3A_111 = arith.constant 0 : i32
      %sign3A_112 = arith.cmpi slt, %scan3A_104, %sign3A_111 : i32
      %sign3A_113 = arith.extui %sign3A_112 : i1 to i32
      %sign3A_114 = arith.subi %sign3A_110, %sign3A_113 : i32
      %sign3A_115 = arith.constant 0 : i32
      %sign3A_116 = arith.cmpi sgt, %jit3A_106, %sign3A_115 : i32
      %sign3A_117 = arith.extui %sign3A_116 : i1 to i32
      %sign3A_118 = arith.constant 0 : i32
      %sign3A_119 = arith.cmpi slt, %jit3A_106, %sign3A_118 : i32
      %sign3A_120 = arith.extui %sign3A_119 : i1 to i32
      %sign3A_121 = arith.subi %sign3A_117, %sign3A_120 : i32
      %ne3A_122 = arith.cmpi ne, %sign3A_114, %sign3A_121 : i32
      %rem3A_123 = arith.remsi %scan3A_104, %jit3A_106 : i32
      %ne3A_124 = arith.constant 0 : i32
      %ne3A_125 = arith.cmpi ne, %rem3A_123, %ne3A_124 : i32
      %and3A_126 = arith.andi %ne3A_122, %ne3A_125 : i1
      %sub3A_127 = arith.constant 1 : i32
      %sub3A_128 = arith.subi %div3A_107, %sub3A_127 : i32
      %select_n3A_129 = arith.select %and3A_126, %sub3A_128, %div3A_107 : i32
      %jit3A_130 = arith.constant 8 : i32
      %eq3A_131 = arith.constant 0 : i32
      %eq3A_132 = arith.cmpi eq, %jit3A_130, %eq3A_131 : i32
      %jit3A_133 = arith.constant 1 : i32
      %select_n3A_134 = arith.select %eq3A_132, %jit3A_133, %jit3A_130 : i32
      %rem3A_135 = arith.remsi %scan3A_104, %select_n3A_134 : i32
      %ne3A_136 = arith.constant 0 : i32
      %ne3A_137 = arith.cmpi ne, %rem3A_135, %ne3A_136 : i32
      %lt3A = arith.constant 0 : i32
      %lt3A_138 = arith.cmpi slt, %rem3A_135, %lt3A : i32
      %lt3A_139 = arith.constant 0 : i32
      %lt3A_140 = arith.cmpi slt, %select_n3A_134, %lt3A_139 : i32
      %ne3A_141 = arith.xori %lt3A_138, %lt3A_140 : i1
      %and3A_142 = arith.andi %ne3A_141, %ne3A_137 : i1
      %add3A_143 = arith.addi %rem3A_135, %select_n3A_134 : i32
      %select_n3A_144 = arith.select %and3A_142, %add3A_143, %rem3A_135 : i32
      %mul3A_145 = arith.constant 16 : i32
      %mul3A_146 = arith.muli %select_n3A_144, %mul3A_145 : i32
      %swap3A = arith.index_cast %select_n3A_129 : i32 to index
      %swap3A_147 = arith.index_cast %mul3A_146 : i32 to index
      %swap3A_148 = tpu.vector_load %arg15[%swap3A, %swap3A_147] {strides = array<i32>} : memref<128x128xf32, #tpu.memory_space<vmem>>, vector<1x16xf32>,
      %swap3A_149 = vector.shape_cast %swap3A_148 : vector<1x16xf32> to vector<16xf32>
      %swap3A_150 = vector.shape_cast %broadcast_in_dim3A_32 : vector<16xf32> to vector<1x16xf32>
      tpu.vector_store %arg15[%swap3A, %swap3A_147], %swap3A_150 {strides = array<i32>} : memref<128x128xf32, #tpu.memory_space<vmem>>, vector<1x16xf32>,
      %scan3A_151 = arith.constant 0 : i32
      scf.yield %scan3A_151 : i32
    }
    %scan3A_38 = arith.constant 1024 : i32
    %mul3A_39 = arith.constant 632 : i32
    %mul3A_40 = arith.muli %arg1, %mul3A_39 : i32
    %add3A_41 = arith.constant 0 : i32
    %add3A_42 = arith.addi %mul3A_40, %add3A_41 : i32
    "tpu.region"() ({
      %run_scoped3A = tpu.sem_alloc : memref<!tpu.dma_semaphore, #tpu.memory_space<semaphore_mem>>
      %dma_start3A_104 = arith.constant 0 : i32
      %dma_start3A_105 = arith.constant 0 : i32
      %dma_start3A_106 = tpu.memref_slice %arg15[%dma_start3A_104, %dma_start3A_105] : memref<128x128xf32, #tpu.memory_space<vmem>> -> memref<128x128xf32, #tpu.memory_space<vmem>>
      %dma_start3A_107 = arith.constant 0 : i32
      %dma_start3A_108 = tpu.memref_slice %arg6[%add3A_42, %dma_start3A_107] : memref<10112x128xf32, #tpu.memory_space<vmem_shared>> -> memref<128x128xf32, #tpu.memory_space<vmem_shared>>
      %dma_start3A_109 = arith.constant 0 : i32
      %dma_start3A_110 = tpu.memref_slice %arg6[%add3A_42, %dma_start3A_109] : memref<10112x128xf32, #tpu.memory_space<vmem_shared>> -> memref<128x128xf32, #tpu.memory_space<vmem_shared>>
      %dma_start3A_111 = arith.constant 0 : i32
      %dma_start3A_112 = arith.constant 0 : i32
      %dma_start3A_113 = tpu.memref_slice %arg15[%dma_start3A_111, %dma_start3A_112] : memref<128x128xf32, #tpu.memory_space<vmem>> -> memref<128x128xf32, #tpu.memory_space<vmem>>
      tpu.enqueue_dma source(%dma_start3A_113 : memref<128x128xf32, #tpu.memory_space<vmem>>) target(%dma_start3A_110 : memref<128x128xf32, #tpu.memory_space<vmem_shared>>) target_semaphore(%run_scoped3A : memref<!tpu.dma_semaphore, #tpu.memory_space<semaphore_mem>>)
      %dma_wait3A_114 = arith.constant 0 : i32
      %dma_wait3A_115 = arith.constant 0 : i32
      %dma_wait3A_116 = tpu.memref_slice %arg15[%dma_wait3A_114, %dma_wait3A_115] : memref<128x128xf32, #tpu.memory_space<vmem>> -> memref<128x128xf32, #tpu.memory_space<vmem>>
      %dma_wait3A_117 = arith.constant 0 : i32
      %dma_wait3A_118 = tpu.memref_slice %arg6[%add3A_42, %dma_wait3A_117] : memref<10112x128xf32, #tpu.memory_space<vmem_shared>> -> memref<128x128xf32, #tpu.memory_space<vmem_shared>>
      %dma_wait3A_119 = arith.constant 0 : i32
      %dma_wait3A_120 = tpu.memref_slice %arg6[%add3A_42, %dma_wait3A_119] : memref<10112x128xf32, #tpu.memory_space<vmem_shared>> -> memref<128x128xf32, #tpu.memory_space<vmem_shared>>
      %dma_wait3A_121 = arith.constant 0 : i32
      %dma_wait3A_122 = arith.constant 0 : i32
      %dma_wait3A_123 = tpu.memref_slice %arg15[%dma_wait3A_121, %dma_wait3A_122] : memref<128x128xf32, #tpu.memory_space<vmem>> -> memref<128x128xf32, #tpu.memory_space<vmem>>
      tpu.wait_dma2 semaphore(%run_scoped3A : memref<!tpu.dma_semaphore, #tpu.memory_space<semaphore_mem>>) src(%dma_wait3A_123 : memref<128x128xf32, #tpu.memory_space<vmem>>) dst(%dma_wait3A_120 : memref<128x128xf32, #tpu.memory_space<vmem_shared>>)
      tpu.yield
    }) : () -> ()
    %add3A_43 = arith.constant 128 : i32
    %add3A_44 = arith.addi %mul3A_40, %add3A_43 : i32
    "tpu.region"() ({
      %run_scoped3A = tpu.sem_alloc : memref<!tpu.dma_semaphore, #tpu.memory_space<semaphore_mem>>
      %dma_start3A_104 = arith.constant 0 : i32
      %dma_start3A_105 = arith.constant 0 : i32
      %dma_start3A_106 = tpu.memref_slice %arg15[%dma_start3A_104, %dma_start3A_105] : memref<128x128xf32, #tpu.memory_space<vmem>> -> memref<128x128xf32, #tpu.memory_space<vmem>>
      %dma_start3A_107 = arith.constant 0 : i32
      %dma_start3A_108 = tpu.memref_slice %arg6[%add3A_44, %dma_start3A_107] : memref<10112x128xf32, #tpu.memory_space<vmem_shared>> -> memref<128x128xf32, #tpu.memory_space<vmem_shared>>
      %dma_start3A_109 = arith.constant 0 : i32
      %dma_start3A_110 = tpu.memref_slice %arg6[%add3A_44, %dma_start3A_109] : memref<10112x128xf32, #tpu.memory_space<vmem_shared>> -> memref<128x128xf32, #tpu.memory_space<vmem_shared>>
      %dma_start3A_111 = arith.constant 0 : i32
      %dma_start3A_112 = arith.constant 0 : i32
      %dma_start3A_113 = tpu.memref_slice %arg15[%dma_start3A_111, %dma_start3A_112] : memref<128x128xf32, #tpu.memory_space<vmem>> -> memref<128x128xf32, #tpu.memory_space<vmem>>
      tpu.enqueue_dma source(%dma_start3A_113 : memref<128x128xf32, #tpu.memory_space<vmem>>) target(%dma_start3A_110 : memref<128x128xf32, #tpu.memory_space<vmem_shared>>) target_semaphore(%run_scoped3A : memref<!tpu.dma_semaphore, #tpu.memory_space<semaphore_mem>>)
      %dma_wait3A_114 = arith.constant 0 : i32
      %dma_wait3A_115 = arith.constant 0 : i32
      %dma_wait3A_116 = tpu.memref_slice %arg15[%dma_wait3A_114, %dma_wait3A_115] : memref<128x128xf32, #tpu.memory_space<vmem>> -> memref<128x128xf32, #tpu.memory_space<vmem>>
      %dma_wait3A_117 = arith.constant 0 : i32
      %dma_wait3A_118 = tpu.memref_slice %arg6[%add3A_44, %dma_wait3A_117] : memref<10112x128xf32, #tpu.memory_space<vmem_shared>> -> memref<128x128xf32, #tpu.memory_space<vmem_shared>>
      %dma_wait3A_119 = arith.constant 0 : i32
      %dma_wait3A_120 = tpu.memref_slice %arg6[%add3A_44, %dma_wait3A_119] : memref<10112x128xf32, #tpu.memory_space<vmem_shared>> -> memref<128x128xf32, #tpu.memory_space<vmem_shared>>
      %dma_wait3A_121 = arith.constant 0 : i32
      %dma_wait3A_122 = arith.constant 0 : i32
      %dma_wait3A_123 = tpu.memref_slice %arg15[%dma_wait3A_121, %dma_wait3A_122] : memref<128x128xf32, #tpu.memory_space<vmem>> -> memref<128x128xf32, #tpu.memory_space<vmem>>
      tpu.wait_dma2 semaphore(%run_scoped3A : memref<!tpu.dma_semaphore, #tpu.memory_space<semaphore_mem>>) src(%dma_wait3A_123 : memref<128x128xf32, #tpu.memory_space<vmem>>) dst(%dma_wait3A_120 : memref<128x128xf32, #tpu.memory_space<vmem_shared>>)
      tpu.yield
    }) : () -> ()
    %add3A_45 = arith.constant 256 : i32
    %add3A_46 = arith.addi %mul3A_40, %add3A_45 : i32
    "tpu.region"() ({
      %run_scoped3A = tpu.sem_alloc : memref<!tpu.dma_semaphore, #tpu.memory_space<semaphore_mem>>
      %dma_start3A_104 = arith.constant 0 : i32
      %dma_start3A_105 = arith.constant 0 : i32
      %dma_start3A_106 = tpu.memref_slice %arg15[%dma_start3A_104, %dma_start3A_105] : memref<128x128xf32, #tpu.memory_space<vmem>> -> memref<128x128xf32, #tpu.memory_space<vmem>>
      %dma_start3A_107 = arith.constant 0 : i32
      %dma_start3A_108 = tpu.memref_slice %arg6[%add3A_46, %dma_start3A_107] : memref<10112x128xf32, #tpu.memory_space<vmem_shared>> -> memref<128x128xf32, #tpu.memory_space<vmem_shared>>
      %dma_start3A_109 = arith.constant 0 : i32
      %dma_start3A_110 = tpu.memref_slice %arg6[%add3A_46, %dma_start3A_109] : memref<10112x128xf32, #tpu.memory_space<vmem_shared>> -> memref<128x128xf32, #tpu.memory_space<vmem_shared>>
      %dma_start3A_111 = arith.constant 0 : i32
      %dma_start3A_112 = arith.constant 0 : i32
      %dma_start3A_113 = tpu.memref_slice %arg15[%dma_start3A_111, %dma_start3A_112] : memref<128x128xf32, #tpu.memory_space<vmem>> -> memref<128x128xf32, #tpu.memory_space<vmem>>
      tpu.enqueue_dma source(%dma_start3A_113 : memref<128x128xf32, #tpu.memory_space<vmem>>) target(%dma_start3A_110 : memref<128x128xf32, #tpu.memory_space<vmem_shared>>) target_semaphore(%run_scoped3A : memref<!tpu.dma_semaphore, #tpu.memory_space<semaphore_mem>>)
      %dma_wait3A_114 = arith.constant 0 : i32
      %dma_wait3A_115 = arith.constant 0 : i32
      %dma_wait3A_116 = tpu.memref_slice %arg15[%dma_wait3A_114, %dma_wait3A_115] : memref<128x128xf32, #tpu.memory_space<vmem>> -> memref<128x128xf32, #tpu.memory_space<vmem>>
      %dma_wait3A_117 = arith.constant 0 : i32
      %dma_wait3A_118 = tpu.memref_slice %arg6[%add3A_46, %dma_wait3A_117] : memref<10112x128xf32, #tpu.memory_space<vmem_shared>> -> memref<128x128xf32, #tpu.memory_space<vmem_shared>>
      %dma_wait3A_119 = arith.constant 0 : i32
      %dma_wait3A_120 = tpu.memref_slice %arg6[%add3A_46, %dma_wait3A_119] : memref<10112x128xf32, #tpu.memory_space<vmem_shared>> -> memref<128x128xf32, #tpu.memory_space<vmem_shared>>
      %dma_wait3A_121 = arith.constant 0 : i32
      %dma_wait3A_122 = arith.constant 0 : i32
      %dma_wait3A_123 = tpu.memref_slice %arg15[%dma_wait3A_121, %dma_wait3A_122] : memref<128x128xf32, #tpu.memory_space<vmem>> -> memref<128x128xf32, #tpu.memory_space<vmem>>
      tpu.wait_dma2 semaphore(%run_scoped3A : memref<!tpu.dma_semaphore, #tpu.memory_space<semaphore_mem>>) src(%dma_wait3A_123 : memref<128x128xf32, #tpu.memory_space<vmem>>) dst(%dma_wait3A_120 : memref<128x128xf32, #tpu.memory_space<vmem_shared>>)
      tpu.yield
    }) : () -> ()
    %add3A_47 = arith.constant 384 : i32
    %add3A_48 = arith.addi %mul3A_40, %add3A_47 : i32
    "tpu.region"() ({
      %run_scoped3A = tpu.sem_alloc : memref<!tpu.dma_semaphore, #tpu.memory_space<semaphore_mem>>
      %dma_start3A_104 = arith.constant 0 : i32
      %dma_start3A_105 = arith.constant 0 : i32
      %dma_start3A_106 = tpu.memref_slice %arg15[%dma_start3A_104, %dma_start3A_105] : memref<128x128xf32, #tpu.memory_space<vmem>> -> memref<128x128xf32, #tpu.memory_space<vmem>>
      %dma_start3A_107 = arith.constant 0 : i32
      %dma_start3A_108 = tpu.memref_slice %arg6[%add3A_48, %dma_start3A_107] : memref<10112x128xf32, #tpu.memory_space<vmem_shared>> -> memref<128x128xf32, #tpu.memory_space<vmem_shared>>
      %dma_start3A_109 = arith.constant 0 : i32
      %dma_start3A_110 = tpu.memref_slice %arg6[%add3A_48, %dma_start3A_109] : memref<10112x128xf32, #tpu.memory_space<vmem_shared>> -> memref<128x128xf32, #tpu.memory_space<vmem_shared>>
      %dma_start3A_111 = arith.constant 0 : i32
      %dma_start3A_112 = arith.constant 0 : i32
      %dma_start3A_113 = tpu.memref_slice %arg15[%dma_start3A_111, %dma_start3A_112] : memref<128x128xf32, #tpu.memory_space<vmem>> -> memref<128x128xf32, #tpu.memory_space<vmem>>
      tpu.enqueue_dma source(%dma_start3A_113 : memref<128x128xf32, #tpu.memory_space<vmem>>) target(%dma_start3A_110 : memref<128x128xf32, #tpu.memory_space<vmem_shared>>) target_semaphore(%run_scoped3A : memref<!tpu.dma_semaphore, #tpu.memory_space<semaphore_mem>>)
      %dma_wait3A_114 = arith.constant 0 : i32
      %dma_wait3A_115 = arith.constant 0 : i32
      %dma_wait3A_116 = tpu.memref_slice %arg15[%dma_wait3A_114, %dma_wait3A_115] : memref<128x128xf32, #tpu.memory_space<vmem>> -> memref<128x128xf32, #tpu.memory_space<vmem>>
      %dma_wait3A_117 = arith.constant 0 : i32
      %dma_wait3A_118 = tpu.memref_slice %arg6[%add3A_48, %dma_wait3A_117] : memref<10112x128xf32, #tpu.memory_space<vmem_shared>> -> memref<128x128xf32, #tpu.memory_space<vmem_shared>>
      %dma_wait3A_119 = arith.constant 0 : i32
      %dma_wait3A_120 = tpu.memref_slice %arg6[%add3A_48, %dma_wait3A_119] : memref<10112x128xf32, #tpu.memory_space<vmem_shared>> -> memref<128x128xf32, #tpu.memory_space<vmem_shared>>
      %dma_wait3A_121 = arith.constant 0 : i32
      %dma_wait3A_122 = arith.constant 0 : i32
      %dma_wait3A_123 = tpu.memref_slice %arg15[%dma_wait3A_121, %dma_wait3A_122] : memref<128x128xf32, #tpu.memory_space<vmem>> -> memref<128x128xf32, #tpu.memory_space<vmem>>
      tpu.wait_dma2 semaphore(%run_scoped3A : memref<!tpu.dma_semaphore, #tpu.memory_space<semaphore_mem>>) src(%dma_wait3A_123 : memref<128x128xf32, #tpu.memory_space<vmem>>) dst(%dma_wait3A_120 : memref<128x128xf32, #tpu.memory_space<vmem_shared>>)
      tpu.yield
    }) : () -> ()
    %add3A_49 = arith.constant 512 : i32
    %add3A_50 = arith.addi %mul3A_40, %add3A_49 : i32
    "tpu.region"() ({
      %run_scoped3A = tpu.sem_alloc : memref<!tpu.dma_semaphore, #tpu.memory_space<semaphore_mem>>
      %dma_start3A_104 = arith.constant 0 : i32
      %dma_start3A_105 = arith.constant 0 : i32
      %dma_start3A_106 = tpu.memref_slice %arg15[%dma_start3A_104, %dma_start3A_105] : memref<128x128xf32, #tpu.memory_space<vmem>> -> memref<120x128xf32, #tpu.memory_space<vmem>>
      %dma_start3A_107 = arith.constant 0 : i32
      %dma_start3A_108 = tpu.memref_slice %arg6[%add3A_50, %dma_start3A_107] : memref<10112x128xf32, #tpu.memory_space<vmem_shared>> -> memref<120x128xf32, #tpu.memory_space<vmem_shared>>
      %dma_start3A_109 = arith.constant 0 : i32
      %dma_start3A_110 = tpu.memref_slice %arg6[%add3A_50, %dma_start3A_109] : memref<10112x128xf32, #tpu.memory_space<vmem_shared>> -> memref<120x128xf32, #tpu.memory_space<vmem_shared>>
      %dma_start3A_111 = arith.constant 0 : i32
      %dma_start3A_112 = arith.constant 0 : i32
      %dma_start3A_113 = tpu.memref_slice %arg15[%dma_start3A_111, %dma_start3A_112] : memref<128x128xf32, #tpu.memory_space<vmem>> -> memref<120x128xf32, #tpu.memory_space<vmem>>
      tpu.enqueue_dma source(%dma_start3A_113 : memref<120x128xf32, #tpu.memory_space<vmem>>) target(%dma_start3A_110 : memref<120x128xf32, #tpu.memory_space<vmem_shared>>) target_semaphore(%run_scoped3A : memref<!tpu.dma_semaphore, #tpu.memory_space<semaphore_mem>>)
      %dma_wait3A_114 = arith.constant 0 : i32
      %dma_wait3A_115 = arith.constant 0 : i32
      %dma_wait3A_116 = tpu.memref_slice %arg15[%dma_wait3A_114, %dma_wait3A_115] : memref<128x128xf32, #tpu.memory_space<vmem>> -> memref<120x128xf32, #tpu.memory_space<vmem>>
      %dma_wait3A_117 = arith.constant 0 : i32
      %dma_wait3A_118 = tpu.memref_slice %arg6[%add3A_50, %dma_wait3A_117] : memref<10112x128xf32, #tpu.memory_space<vmem_shared>> -> memref<120x128xf32, #tpu.memory_space<vmem_shared>>
      %dma_wait3A_119 = arith.constant 0 : i32
      %dma_wait3A_120 = tpu.memref_slice %arg6[%add3A_50, %dma_wait3A_119] : memref<10112x128xf32, #tpu.memory_space<vmem_shared>> -> memref<120x128xf32, #tpu.memory_space<vmem_shared>>
      %dma_wait3A_121 = arith.constant 0 : i32
      %dma_wait3A_122 = arith.constant 0 : i32
      %dma_wait3A_123 = tpu.memref_slice %arg15[%dma_wait3A_121, %dma_wait3A_122] : memref<128x128xf32, #tpu.memory_space<vmem>> -> memref<120x128xf32, #tpu.memory_space<vmem>>
      tpu.wait_dma2 semaphore(%run_scoped3A : memref<!tpu.dma_semaphore, #tpu.memory_space<semaphore_mem>>) src(%dma_wait3A_123 : memref<120x128xf32, #tpu.memory_space<vmem>>) dst(%dma_wait3A_120 : memref<120x128xf32, #tpu.memory_space<vmem_shared>>)
      tpu.yield
    }) : () -> ()
    %barrier3A = arith.constant 0 : index
    tpu.barrier barrier_id(%barrier3A)
    %dma_wait3A = arith.constant 0 : i32
    %dma_wait3A_51 = tpu.memref_slice %arg3[%dma_wait3A] : memref<327680xi32, #tpu.memory_space<hbm>> -> memref<128xi32, #tpu.memory_space<hbm>>
    %dma_wait3A_52 = arith.constant 0 : i32
    %dma_wait3A_53 = tpu.memref_slice %arg3[%dma_wait3A_52] : memref<327680xi32, #tpu.memory_space<hbm>> -> memref<128xi32, #tpu.memory_space<hbm>>
    tpu.wait_dma2 semaphore(%arg17 : memref<!tpu.dma_semaphore, #tpu.memory_space<semaphore_mem>>) src(%dma_wait3A_53 : memref<128xi32, #tpu.memory_space<hbm>>) dst(%arg7 : memref<128xi32, #tpu.memory_space<vmem>>)
    %dma_wait3A_54 = arith.constant 0 : i32
    %dma_wait3A_55 = tpu.memref_slice %arg4[%dma_wait3A_54] : memref<327680xi32, #tpu.memory_space<hbm>> -> memref<128xi32, #tpu.memory_space<hbm>>
    %dma_wait3A_56 = arith.constant 0 : i32
    %dma_wait3A_57 = tpu.memref_slice %arg4[%dma_wait3A_56] : memref<327680xi32, #tpu.memory_space<hbm>> -> memref<128xi32, #tpu.memory_space<hbm>>
    tpu.wait_dma2 semaphore(%arg17 : memref<!tpu.dma_semaphore, #tpu.memory_space<semaphore_mem>>) src(%dma_wait3A_57 : memref<128xi32, #tpu.memory_space<hbm>>) dst(%arg11 : memref<128xi32, #tpu.memory_space<vmem>>)
    %dma_start3A_58 = arith.constant 0 : i32
    %dma_start3A_59 = arith.constant 0 : i32
    %dma_start3A_60 = tpu.memref_slice %arg2[%dma_start3A_58, %dma_start3A_59] : memref<10000x128xf32, #tpu.memory_space<hbm>> -> memref<10000x128xf32, #tpu.memory_space<hbm>>
    tpu.enqueue_indirect_dma source(%dma_start3A_60 : memref<10000x128xf32, #tpu.memory_space<hbm>>) target(%arg15 : memref<128x128xf32, #tpu.memory_space<vmem>>) offsets(%arg7 : memref<128xi32, #tpu.memory_space<vmem>>) semaphore(%arg21 : memref<!tpu.dma_semaphore, #tpu.memory_space<semaphore_mem>>)
    %dma_wait3A_61 = arith.constant 0 : i32
    %dma_wait3A_62 = tpu.memref_slice %arg3[%dma_wait3A_61] : memref<327680xi32, #tpu.memory_space<hbm>> -> memref<128xi32, #tpu.memory_space<hbm>>
    %dma_wait3A_63 = arith.constant 0 : i32
    %dma_wait3A_64 = tpu.memref_slice %arg3[%dma_wait3A_63] : memref<327680xi32, #tpu.memory_space<hbm>> -> memref<128xi32, #tpu.memory_space<hbm>>
    tpu.wait_dma2 semaphore(%arg18 : memref<!tpu.dma_semaphore, #tpu.memory_space<semaphore_mem>>) src(%dma_wait3A_64 : memref<128xi32, #tpu.memory_space<hbm>>) dst(%arg8 : memref<128xi32, #tpu.memory_space<vmem>>)
    %dma_wait3A_65 = arith.constant 0 : i32
    %dma_wait3A_66 = tpu.memref_slice %arg4[%dma_wait3A_65] : memref<327680xi32, #tpu.memory_space<hbm>> -> memref<128xi32, #tpu.memory_space<hbm>>
    %dma_wait3A_67 = arith.constant 0 : i32
    %dma_wait3A_68 = tpu.memref_slice %arg4[%dma_wait3A_67] : memref<327680xi32, #tpu.memory_space<hbm>> -> memref<128xi32, #tpu.memory_space<hbm>>
    tpu.wait_dma2 semaphore(%arg18 : memref<!tpu.dma_semaphore, #tpu.memory_space<semaphore_mem>>) src(%dma_wait3A_68 : memref<128xi32, #tpu.memory_space<hbm>>) dst(%arg12 : memref<128xi32, #tpu.memory_space<vmem>>)
    %dma_start3A_69 = arith.constant 0 : i32
    %dma_start3A_70 = arith.constant 0 : i32
    %dma_start3A_71 = tpu.memref_slice %arg2[%dma_start3A_69, %dma_start3A_70] : memref<10000x128xf32, #tpu.memory_space<hbm>> -> memref<10000x128xf32, #tpu.memory_space<hbm>>
    tpu.enqueue_indirect_dma source(%dma_start3A_71 : memref<10000x128xf32, #tpu.memory_space<hbm>>) target(%arg16 : memref<128x128xf32, #tpu.memory_space<vmem>>) offsets(%arg8 : memref<128xi32, #tpu.memory_space<vmem>>) semaphore(%arg22 : memref<!tpu.dma_semaphore, #tpu.memory_space<semaphore_mem>>)
    %jit3A_72 = arith.constant 4 : i32
    %div3A = arith.divsi %select_n3A, %jit3A_72 : i32
    %sign3A = arith.constant 0 : i32
    %sign3A_73 = arith.cmpi sgt, %select_n3A, %sign3A : i32
    %sign3A_74 = arith.extui %sign3A_73 : i1 to i32
    %sign3A_75 = arith.constant 0 : i32
    %sign3A_76 = arith.cmpi slt, %select_n3A, %sign3A_75 : i32
    %sign3A_77 = arith.extui %sign3A_76 : i1 to i32
    %sign3A_78 = arith.subi %sign3A_74, %sign3A_77 : i32
    %sign3A_79 = arith.constant 0 : i32
    %sign3A_80 = arith.cmpi sgt, %jit3A_72, %sign3A_79 : i32
    %sign3A_81 = arith.extui %sign3A_80 : i1 to i32
    %sign3A_82 = arith.constant 0 : i32
    %sign3A_83 = arith.cmpi slt, %jit3A_72, %sign3A_82 : i32
    %sign3A_84 = arith.extui %sign3A_83 : i1 to i32
    %sign3A_85 = arith.subi %sign3A_81, %sign3A_84 : i32
    %ne3A = arith.cmpi ne, %sign3A_78, %sign3A_85 : i32
    %rem3A = arith.remsi %select_n3A, %jit3A_72 : i32
    %ne3A_86 = arith.constant 0 : i32
    %ne3A_87 = arith.cmpi ne, %rem3A, %ne3A_86 : i32
    %and3A = arith.andi %ne3A, %ne3A_87 : i1
    %sub3A = arith.constant 1 : i32
    %sub3A_88 = arith.subi %div3A, %sub3A : i32
    %select_n3A_89 = arith.select %and3A, %sub3A_88, %div3A : i32
    %while3A = arith.constant 0 : i32
    %while3A_90 = arith.constant 0 : i32
    %while3A_91 = arith.subi %select_n3A_89, %while3A : i32
    %while3A_92 = arith.addi %while3A, %while3A_91 : i32
    %while3A_93 = arith.constant 1 : i32
    %while3A_94 = arith.divsi %while3A_91, %while3A_93 : i32
    %while3A_95 = arith.muli %while3A_94, %while3A_93 : i32
    %while3A_96 = arith.addi %while3A, %while3A_95 : i32
    %while3A_97 = arith.constant 1 : i32
    %while3A_98 = scf.for %while3A_104 = %while3A to %while3A_96 step %while3A_97 iter_args(%while3A_105 = %while3A_90) -> (i32)  : i32 {
      %mul3A_106 = arith.constant 4 : i32
      %mul3A_107 = arith.muli %mul3A_106, %while3A_104 : i32
      %add3A_108 = arith.constant 0 : i32
      %add3A_109 = arith.addi %mul3A_107, %add3A_108 : i32
      %dma_wait3A_110 = arith.constant 0 : i32
      %dma_wait3A_111 = arith.constant 0 : i32
      %dma_wait3A_112 = tpu.memref_slice %arg2[%dma_wait3A_110, %dma_wait3A_111] : memref<10000x128xf32, #tpu.memory_space<hbm>> -> memref<10000x128xf32, #tpu.memory_space<hbm>>
      tpu.wait_indirect_dma semaphore(%arg21 : memref<!tpu.dma_semaphore, #tpu.memory_space<semaphore_mem>>) src(%dma_wait3A_112 : memref<10000x128xf32, #tpu.memory_space<hbm>>) dst(%arg15 : memref<128x128xf32, #tpu.memory_space<vmem>>)
      "tpu.region"() ({
        %run_scoped3A = tpu.sem_alloc : memref<!tpu.dma_semaphore, #tpu.memory_space<semaphore_mem>>
        %dma_start3A_174 = arith.constant 0 : i32
        %dma_start3A_175 = arith.constant 0 : i32
        %dma_start3A_176 = tpu.memref_slice %arg6[%dma_start3A_174, %dma_start3A_175] : memref<10112x128xf32, #tpu.memory_space<vmem_shared>> -> memref<10112x128xf32, #tpu.memory_space<vmem_shared>>
        tpu.enqueue_indirect_dma source(%arg15 : memref<128x128xf32, #tpu.memory_space<vmem>>) target(%dma_start3A_176 : memref<10112x128xf32, #tpu.memory_space<vmem_shared>>) offsets(%arg11 : memref<128xi32, #tpu.memory_space<vmem>>) semaphore(%run_scoped3A : memref<!tpu.dma_semaphore, #tpu.memory_space<semaphore_mem>>) {add = true}
        %dma_wait3A_177 = arith.constant 0 : i32
        %dma_wait3A_178 = arith.constant 0 : i32
        %dma_wait3A_179 = tpu.memref_slice %arg6[%dma_wait3A_177, %dma_wait3A_178] : memref<10112x128xf32, #tpu.memory_space<vmem_shared>> -> memref<10112x128xf32, #tpu.memory_space<vmem_shared>>
        tpu.wait_indirect_dma semaphore(%run_scoped3A : memref<!tpu.dma_semaphore, #tpu.memory_space<semaphore_mem>>) src(%arg15 : memref<128x128xf32, #tpu.memory_space<vmem>>) dst(%dma_wait3A_179 : memref<10112x128xf32, #tpu.memory_space<vmem_shared>>)
        tpu.yield
      }) : () -> ()
      %add3A_113 = arith.constant 4 : i32
      %add3A_114 = arith.addi %add3A_109, %add3A_113 : i32
      %lt3A = arith.cmpi slt, %add3A_114, %select_n3A : i32
      %convert_element_type3A = arith.extui %lt3A : i1 to i32
      %cond3A = arith.constant 0 : i32
      %cond3A_115 = arith.cmpi ne, %convert_element_type3A, %cond3A : i32
      scf.if %cond3A_115 {
        %add3A_174 = arith.constant 4 : i32
        %add3A_175 = arith.addi %add3A_109, %add3A_174 : i32
        %mul3A_176 = arith.constant 128 : i32
        %mul3A_177 = arith.muli %add3A_175, %mul3A_176 : i32
        %add3A_178 = arith.addi %select_n3A_8, %mul3A_177 : i32
        %dma_start3A_179 = tpu.memref_slice %arg3[%add3A_178] : memref<327680xi32, #tpu.memory_space<hbm>> -> memref<128xi32, #tpu.memory_space<hbm>>
        %dma_start3A_180 = tpu.memref_slice %arg3[%add3A_178] : memref<327680xi32, #tpu.memory_space<hbm>> -> memref<128xi32, #tpu.memory_space<hbm>>
        tpu.enqueue_dma source(%dma_start3A_180 : memref<128xi32, #tpu.memory_space<hbm>>) target(%arg7 : memref<128xi32, #tpu.memory_space<vmem>>) target_semaphore(%arg17 : memref<!tpu.dma_semaphore, #tpu.memory_space<semaphore_mem>>)
        %dma_start3A_181 = tpu.memref_slice %arg4[%add3A_178] : memref<327680xi32, #tpu.memory_space<hbm>> -> memref<128xi32, #tpu.memory_space<hbm>>
        %dma_start3A_182 = tpu.memref_slice %arg4[%add3A_178] : memref<327680xi32, #tpu.memory_space<hbm>> -> memref<128xi32, #tpu.memory_space<hbm>>
        tpu.enqueue_dma source(%dma_start3A_182 : memref<128xi32, #tpu.memory_space<hbm>>) target(%arg11 : memref<128xi32, #tpu.memory_space<vmem>>) target_semaphore(%arg17 : memref<!tpu.dma_semaphore, #tpu.memory_space<semaphore_mem>>)
      } else {
      }
      %add3A_116 = arith.constant 2 : i32
      %add3A_117 = arith.addi %add3A_109, %add3A_116 : i32
      %lt3A_118 = arith.cmpi slt, %add3A_117, %select_n3A : i32
      %convert_element_type3A_119 = arith.extui %lt3A_118 : i1 to i32
      %cond3A_120 = arith.constant 0 : i32
      %cond3A_121 = arith.cmpi ne, %convert_element_type3A_119, %cond3A_120 : i32
      scf.if %cond3A_121 {
        %dma_wait3A_174 = arith.constant 0 : i32
        %dma_wait3A_175 = tpu.memref_slice %arg3[%dma_wait3A_174] : memref<327680xi32, #tpu.memory_space<hbm>> -> memref<128xi32, #tpu.memory_space<hbm>>
        %dma_wait3A_176 = arith.constant 0 : i32
        %dma_wait3A_177 = tpu.memref_slice %arg3[%dma_wait3A_176] : memref<327680xi32, #tpu.memory_space<hbm>> -> memref<128xi32, #tpu.memory_space<hbm>>
        tpu.wait_dma2 semaphore(%arg19 : memref<!tpu.dma_semaphore, #tpu.memory_space<semaphore_mem>>) src(%dma_wait3A_177 : memref<128xi32, #tpu.memory_space<hbm>>) dst(%arg9 : memref<128xi32, #tpu.memory_space<vmem>>)
        %dma_wait3A_178 = arith.constant 0 : i32
        %dma_wait3A_179 = tpu.memref_slice %arg4[%dma_wait3A_178] : memref<327680xi32, #tpu.memory_space<hbm>> -> memref<128xi32, #tpu.memory_space<hbm>>
        %dma_wait3A_180 = arith.constant 0 : i32
        %dma_wait3A_181 = tpu.memref_slice %arg4[%dma_wait3A_180] : memref<327680xi32, #tpu.memory_space<hbm>> -> memref<128xi32, #tpu.memory_space<hbm>>
        tpu.wait_dma2 semaphore(%arg19 : memref<!tpu.dma_semaphore, #tpu.memory_space<semaphore_mem>>) src(%dma_wait3A_181 : memref<128xi32, #tpu.memory_space<hbm>>) dst(%arg13 : memref<128xi32, #tpu.memory_space<vmem>>)
        %dma_start3A_182 = arith.constant 0 : i32
        %dma_start3A_183 = arith.constant 0 : i32
        %dma_start3A_184 = tpu.memref_slice %arg2[%dma_start3A_182, %dma_start3A_183] : memref<10000x128xf32, #tpu.memory_space<hbm>> -> memref<10000x128xf32, #tpu.memory_space<hbm>>
        tpu.enqueue_indirect_dma source(%dma_start3A_184 : memref<10000x128xf32, #tpu.memory_space<hbm>>) target(%arg15 : memref<128x128xf32, #tpu.memory_space<vmem>>) offsets(%arg9 : memref<128xi32, #tpu.memory_space<vmem>>) semaphore(%arg21 : memref<!tpu.dma_semaphore, #tpu.memory_space<semaphore_mem>>)
      } else {
      }
      %add3A_122 = arith.constant 1 : i32
      %add3A_123 = arith.addi %mul3A_107, %add3A_122 : i32
      %dma_wait3A_124 = arith.constant 0 : i32
      %dma_wait3A_125 = arith.constant 0 : i32
      %dma_wait3A_126 = tpu.memref_slice %arg2[%dma_wait3A_124, %dma_wait3A_125] : memref<10000x128xf32, #tpu.memory_space<hbm>> -> memref<10000x128xf32, #tpu.memory_space<hbm>>
      tpu.wait_indirect_dma semaphore(%arg22 : memref<!tpu.dma_semaphore, #tpu.memory_space<semaphore_mem>>) src(%dma_wait3A_126 : memref<10000x128xf32, #tpu.memory_space<hbm>>) dst(%arg16 : memref<128x128xf32, #tpu.memory_space<vmem>>)
      "tpu.region"() ({
        %run_scoped3A = tpu.sem_alloc : memref<!tpu.dma_semaphore, #tpu.memory_space<semaphore_mem>>
        %dma_start3A_174 = arith.constant 0 : i32
        %dma_start3A_175 = arith.constant 0 : i32
        %dma_start3A_176 = tpu.memref_slice %arg6[%dma_start3A_174, %dma_start3A_175] : memref<10112x128xf32, #tpu.memory_space<vmem_shared>> -> memref<10112x128xf32, #tpu.memory_space<vmem_shared>>
        tpu.enqueue_indirect_dma source(%arg16 : memref<128x128xf32, #tpu.memory_space<vmem>>) target(%dma_start3A_176 : memref<10112x128xf32, #tpu.memory_space<vmem_shared>>) offsets(%arg12 : memref<128xi32, #tpu.memory_space<vmem>>) semaphore(%run_scoped3A : memref<!tpu.dma_semaphore, #tpu.memory_space<semaphore_mem>>) {add = true}
        %dma_wait3A_177 = arith.constant 0 : i32
        %dma_wait3A_178 = arith.constant 0 : i32
        %dma_wait3A_179 = tpu.memref_slice %arg6[%dma_wait3A_177, %dma_wait3A_178] : memref<10112x128xf32, #tpu.memory_space<vmem_shared>> -> memref<10112x128xf32, #tpu.memory_space<vmem_shared>>
        tpu.wait_indirect_dma semaphore(%run_scoped3A : memref<!tpu.dma_semaphore, #tpu.memory_space<semaphore_mem>>) src(%arg16 : memref<128x128xf32, #tpu.memory_space<vmem>>) dst(%dma_wait3A_179 : memref<10112x128xf32, #tpu.memory_space<vmem_shared>>)
        tpu.yield
      }) : () -> ()
      %add3A_127 = arith.constant 4 : i32
      %add3A_128 = arith.addi %add3A_123, %add3A_127 : i32
      %lt3A_129 = arith.cmpi slt, %add3A_128, %select_n3A : i32
      %convert_element_type3A_130 = arith.extui %lt3A_129 : i1 to i32
      %cond3A_131 = arith.constant 0 : i32
      %cond3A_132 = arith.cmpi ne, %convert_element_type3A_130, %cond3A_131 : i32
      scf.if %cond3A_132 {
        %add3A_174 = arith.constant 4 : i32
        %add3A_175 = arith.addi %add3A_123, %add3A_174 : i32
        %mul3A_176 = arith.constant 128 : i32
        %mul3A_177 = arith.muli %add3A_175, %mul3A_176 : i32
        %add3A_178 = arith.addi %select_n3A_8, %mul3A_177 : i32
        %dma_start3A_179 = tpu.memref_slice %arg3[%add3A_178] : memref<327680xi32, #tpu.memory_space<hbm>> -> memref<128xi32, #tpu.memory_space<hbm>>
        %dma_start3A_180 = tpu.memref_slice %arg3[%add3A_178] : memref<327680xi32, #tpu.memory_space<hbm>> -> memref<128xi32, #tpu.memory_space<hbm>>
        tpu.enqueue_dma source(%dma_start3A_180 : memref<128xi32, #tpu.memory_space<hbm>>) target(%arg8 : memref<128xi32, #tpu.memory_space<vmem>>) target_semaphore(%arg18 : memref<!tpu.dma_semaphore, #tpu.memory_space<semaphore_mem>>)
        %dma_start3A_181 = tpu.memref_slice %arg4[%add3A_178] : memref<327680xi32, #tpu.memory_space<hbm>> -> memref<128xi32, #tpu.memory_space<hbm>>
        %dma_start3A_182 = tpu.memref_slice %arg4[%add3A_178] : memref<327680xi32, #tpu.memory_space<hbm>> -> memref<128xi32, #tpu.memory_space<hbm>>
        tpu.enqueue_dma source(%dma_start3A_182 : memref<128xi32, #tpu.memory_space<hbm>>) target(%arg12 : memref<128xi32, #tpu.memory_space<vmem>>) target_semaphore(%arg18 : memref<!tpu.dma_semaphore, #tpu.memory_space<semaphore_mem>>)
      } else {
      }
      %add3A_133 = arith.constant 2 : i32
      %add3A_134 = arith.addi %add3A_123, %add3A_133 : i32
      %lt3A_135 = arith.cmpi slt, %add3A_134, %select_n3A : i32
      %convert_element_type3A_136 = arith.extui %lt3A_135 : i1 to i32
      %cond3A_137 = arith.constant 0 : i32
      %cond3A_138 = arith.cmpi ne, %convert_element_type3A_136, %cond3A_137 : i32
      scf.if %cond3A_138 {
        %dma_wait3A_174 = arith.constant 0 : i32
        %dma_wait3A_175 = tpu.memref_slice %arg3[%dma_wait3A_174] : memref<327680xi32, #tpu.memory_space<hbm>> -> memref<128xi32, #tpu.memory_space<hbm>>
        %dma_wait3A_176 = arith.constant 0 : i32
        %dma_wait3A_177 = tpu.memref_slice %arg3[%dma_wait3A_176] : memref<327680xi32, #tpu.memory_space<hbm>> -> memref<128xi32, #tpu.memory_space<hbm>>
        tpu.wait_dma2 semaphore(%arg20 : memref<!tpu.dma_semaphore, #tpu.memory_space<semaphore_mem>>) src(%dma_wait3A_177 : memref<128xi32, #tpu.memory_space<hbm>>) dst(%arg10 : memref<128xi32, #tpu.memory_space<vmem>>)
        %dma_wait3A_178 = arith.constant 0 : i32
        %dma_wait3A_179 = tpu.memref_slice %arg4[%dma_wait3A_178] : memref<327680xi32, #tpu.memory_space<hbm>> -> memref<128xi32, #tpu.memory_space<hbm>>
        %dma_wait3A_180 = arith.constant 0 : i32
        %dma_wait3A_181 = tpu.memref_slice %arg4[%dma_wait3A_180] : memref<327680xi32, #tpu.memory_space<hbm>> -> memref<128xi32, #tpu.memory_space<hbm>>
        tpu.wait_dma2 semaphore(%arg20 : memref<!tpu.dma_semaphore, #tpu.memory_space<semaphore_mem>>) src(%dma_wait3A_181 : memref<128xi32, #tpu.memory_space<hbm>>) dst(%arg14 : memref<128xi32, #tpu.memory_space<vmem>>)
        %dma_start3A_182 = arith.constant 0 : i32
        %dma_start3A_183 = arith.constant 0 : i32
        %dma_start3A_184 = tpu.memref_slice %arg2[%dma_start3A_182, %dma_start3A_183] : memref<10000x128xf32, #tpu.memory_space<hbm>> -> memref<10000x128xf32, #tpu.memory_space<hbm>>
        tpu.enqueue_indirect_dma source(%dma_start3A_184 : memref<10000x128xf32, #tpu.memory_space<hbm>>) target(%arg16 : memref<128x128xf32, #tpu.memory_space<vmem>>) offsets(%arg10 : memref<128xi32, #tpu.memory_space<vmem>>) semaphore(%arg22 : memref<!tpu.dma_semaphore, #tpu.memory_space<semaphore_mem>>)
      } else {
      }
      %add3A_139 = arith.constant 2 : i32
      %add3A_140 = arith.addi %mul3A_107, %add3A_139 : i32
      %dma_wait3A_141 = arith.constant 0 : i32
      %dma_wait3A_142 = arith.constant 0 : i32
      %dma_wait3A_143 = tpu.memref_slice %arg2[%dma_wait3A_141, %dma_wait3A_142] : memref<10000x128xf32, #tpu.memory_space<hbm>> -> memref<10000x128xf32, #tpu.memory_space<hbm>>
      tpu.wait_indirect_dma semaphore(%arg21 : memref<!tpu.dma_semaphore, #tpu.memory_space<semaphore_mem>>) src(%dma_wait3A_143 : memref<10000x128xf32, #tpu.memory_space<hbm>>) dst(%arg15 : memref<128x128xf32, #tpu.memory_space<vmem>>)
      "tpu.region"() ({
        %run_scoped3A = tpu.sem_alloc : memref<!tpu.dma_semaphore, #tpu.memory_space<semaphore_mem>>
        %dma_start3A_174 = arith.constant 0 : i32
        %dma_start3A_175 = arith.constant 0 : i32
        %dma_start3A_176 = tpu.memref_slice %arg6[%dma_start3A_174, %dma_start3A_175] : memref<10112x128xf32, #tpu.memory_space<vmem_shared>> -> memref<10112x128xf32, #tpu.memory_space<vmem_shared>>
        tpu.enqueue_indirect_dma source(%arg15 : memref<128x128xf32, #tpu.memory_space<vmem>>) target(%dma_start3A_176 : memref<10112x128xf32, #tpu.memory_space<vmem_shared>>) offsets(%arg13 : memref<128xi32, #tpu.memory_space<vmem>>) semaphore(%run_scoped3A : memref<!tpu.dma_semaphore, #tpu.memory_space<semaphore_mem>>) {add = true}
        %dma_wait3A_177 = arith.constant 0 : i32
        %dma_wait3A_178 = arith.constant 0 : i32
        %dma_wait3A_179 = tpu.memref_slice %arg6[%dma_wait3A_177, %dma_wait3A_178] : memref<10112x128xf32, #tpu.memory_space<vmem_shared>> -> memref<10112x128xf32, #tpu.memory_space<vmem_shared>>
        tpu.wait_indirect_dma semaphore(%run_scoped3A : memref<!tpu.dma_semaphore, #tpu.memory_space<semaphore_mem>>) src(%arg15 : memref<128x128xf32, #tpu.memory_space<vmem>>) dst(%dma_wait3A_179 : memref<10112x128xf32, #tpu.memory_space<vmem_shared>>)
        tpu.yield
      }) : () -> ()
      %add3A_144 = arith.constant 4 : i32
      %add3A_145 = arith.addi %add3A_140, %add3A_144 : i32
      %lt3A_146 = arith.cmpi slt, %add3A_145, %select_n3A : i32
      %convert_element_type3A_147 = arith.extui %lt3A_146 : i1 to i32
      %cond3A_148 = arith.constant 0 : i32
      %cond3A_149 = arith.cmpi ne, %convert_element_type3A_147, %cond3A_148 : i32
      scf.if %cond3A_149 {
        %add3A_174 = arith.constant 4 : i32
        %add3A_175 = arith.addi %add3A_140, %add3A_174 : i32
        %mul3A_176 = arith.constant 128 : i32
        %mul3A_177 = arith.muli %add3A_175, %mul3A_176 : i32
        %add3A_178 = arith.addi %select_n3A_8, %mul3A_177 : i32
        %dma_start3A_179 = tpu.memref_slice %arg3[%add3A_178] : memref<327680xi32, #tpu.memory_space<hbm>> -> memref<128xi32, #tpu.memory_space<hbm>>
        %dma_start3A_180 = tpu.memref_slice %arg3[%add3A_178] : memref<327680xi32, #tpu.memory_space<hbm>> -> memref<128xi32, #tpu.memory_space<hbm>>
        tpu.enqueue_dma source(%dma_start3A_180 : memref<128xi32, #tpu.memory_space<hbm>>) target(%arg9 : memref<128xi32, #tpu.memory_space<vmem>>) target_semaphore(%arg19 : memref<!tpu.dma_semaphore, #tpu.memory_space<semaphore_mem>>)
        %dma_start3A_181 = tpu.memref_slice %arg4[%add3A_178] : memref<327680xi32, #tpu.memory_space<hbm>> -> memref<128xi32, #tpu.memory_space<hbm>>
        %dma_start3A_182 = tpu.memref_slice %arg4[%add3A_178] : memref<327680xi32, #tpu.memory_space<hbm>> -> memref<128xi32, #tpu.memory_space<hbm>>
        tpu.enqueue_dma source(%dma_start3A_182 : memref<128xi32, #tpu.memory_space<hbm>>) target(%arg13 : memref<128xi32, #tpu.memory_space<vmem>>) target_semaphore(%arg19 : memref<!tpu.dma_semaphore, #tpu.memory_space<semaphore_mem>>)
      } else {
      }
      %add3A_150 = arith.constant 2 : i32
      %add3A_151 = arith.addi %add3A_140, %add3A_150 : i32
      %lt3A_152 = arith.cmpi slt, %add3A_151, %select_n3A : i32
      %convert_element_type3A_153 = arith.extui %lt3A_152 : i1 to i32
      %cond3A_154 = arith.constant 0 : i32
      %cond3A_155 = arith.cmpi ne, %convert_element_type3A_153, %cond3A_154 : i32
      scf.if %cond3A_155 {
        %dma_wait3A_174 = arith.constant 0 : i32
        %dma_wait3A_175 = tpu.memref_slice %arg3[%dma_wait3A_174] : memref<327680xi32, #tpu.memory_space<hbm>> -> memref<128xi32, #tpu.memory_space<hbm>>
        %dma_wait3A_176 = arith.constant 0 : i32
        %dma_wait3A_177 = tpu.memref_slice %arg3[%dma_wait3A_176] : memref<327680xi32, #tpu.memory_space<hbm>> -> memref<128xi32, #tpu.memory_space<hbm>>
        tpu.wait_dma2 semaphore(%arg17 : memref<!tpu.dma_semaphore, #tpu.memory_space<semaphore_mem>>) src(%dma_wait3A_177 : memref<128xi32, #tpu.memory_space<hbm>>) dst(%arg7 : memref<128xi32, #tpu.memory_space<vmem>>)
        %dma_wait3A_178 = arith.constant 0 : i32
        %dma_wait3A_179 = tpu.memref_slice %arg4[%dma_wait3A_178] : memref<327680xi32, #tpu.memory_space<hbm>> -> memref<128xi32, #tpu.memory_space<hbm>>
        %dma_wait3A_180 = arith.constant 0 : i32
        %dma_wait3A_181 = tpu.memref_slice %arg4[%dma_wait3A_180] : memref<327680xi32, #tpu.memory_space<hbm>> -> memref<128xi32, #tpu.memory_space<hbm>>
        tpu.wait_dma2 semaphore(%arg17 : memref<!tpu.dma_semaphore, #tpu.memory_space<semaphore_mem>>) src(%dma_wait3A_181 : memref<128xi32, #tpu.memory_space<hbm>>) dst(%arg11 : memref<128xi32, #tpu.memory_space<vmem>>)
        %dma_start3A_182 = arith.constant 0 : i32
        %dma_start3A_183 = arith.constant 0 : i32
        %dma_start3A_184 = tpu.memref_slice %arg2[%dma_start3A_182, %dma_start3A_183] : memref<10000x128xf32, #tpu.memory_space<hbm>> -> memref<10000x128xf32, #tpu.memory_space<hbm>>
        tpu.enqueue_indirect_dma source(%dma_start3A_184 : memref<10000x128xf32, #tpu.memory_space<hbm>>) target(%arg15 : memref<128x128xf32, #tpu.memory_space<vmem>>) offsets(%arg7 : memref<128xi32, #tpu.memory_space<vmem>>) semaphore(%arg21 : memref<!tpu.dma_semaphore, #tpu.memory_space<semaphore_mem>>)
      } else {
      }
      %add3A_156 = arith.constant 3 : i32
      %add3A_157 = arith.addi %mul3A_107, %add3A_156 : i32
      %dma_wait3A_158 = arith.constant 0 : i32
      %dma_wait3A_159 = arith.constant 0 : i32
      %dma_wait3A_160 = tpu.memref_slice %arg2[%dma_wait3A_158, %dma_wait3A_159] : memref<10000x128xf32, #tpu.memory_space<hbm>> -> memref<10000x128xf32, #tpu.memory_space<hbm>>
      tpu.wait_indirect_dma semaphore(%arg22 : memref<!tpu.dma_semaphore, #tpu.memory_space<semaphore_mem>>) src(%dma_wait3A_160 : memref<10000x128xf32, #tpu.memory_space<hbm>>) dst(%arg16 : memref<128x128xf32, #tpu.memory_space<vmem>>)
      "tpu.region"() ({
        %run_scoped3A = tpu.sem_alloc : memref<!tpu.dma_semaphore, #tpu.memory_space<semaphore_mem>>
        %dma_start3A_174 = arith.constant 0 : i32
        %dma_start3A_175 = arith.constant 0 : i32
        %dma_start3A_176 = tpu.memref_slice %arg6[%dma_start3A_174, %dma_start3A_175] : memref<10112x128xf32, #tpu.memory_space<vmem_shared>> -> memref<10112x128xf32, #tpu.memory_space<vmem_shared>>
        tpu.enqueue_indirect_dma source(%arg16 : memref<128x128xf32, #tpu.memory_space<vmem>>) target(%dma_start3A_176 : memref<10112x128xf32, #tpu.memory_space<vmem_shared>>) offsets(%arg14 : memref<128xi32, #tpu.memory_space<vmem>>) semaphore(%run_scoped3A : memref<!tpu.dma_semaphore, #tpu.memory_space<semaphore_mem>>) {add = true}
        %dma_wait3A_177 = arith.constant 0 : i32
        %dma_wait3A_178 = arith.constant 0 : i32
        %dma_wait3A_179 = tpu.memref_slice %arg6[%dma_wait3A_177, %dma_wait3A_178] : memref<10112x128xf32, #tpu.memory_space<vmem_shared>> -> memref<10112x128xf32, #tpu.memory_space<vmem_shared>>
        tpu.wait_indirect_dma semaphore(%run_scoped3A : memref<!tpu.dma_semaphore, #tpu.memory_space<semaphore_mem>>) src(%arg16 : memref<128x128xf32, #tpu.memory_space<vmem>>) dst(%dma_wait3A_179 : memref<10112x128xf32, #tpu.memory_space<vmem_shared>>)
        tpu.yield
      }) : () -> ()
      %add3A_161 = arith.constant 4 : i32
      %add3A_162 = arith.addi %add3A_157, %add3A_161 : i32
      %lt3A_163 = arith.cmpi slt, %add3A_162, %select_n3A : i32
      %convert_element_type3A_164 = arith.extui %lt3A_163 : i1 to i32
      %cond3A_165 = arith.constant 0 : i32
      %cond3A_166 = arith.cmpi ne, %convert_element_type3A_164, %cond3A_165 : i32
      scf.if %cond3A_166 {
        %add3A_174 = arith.constant 4 : i32
        %add3A_175 = arith.addi %add3A_157, %add3A_174 : i32
        %mul3A_176 = arith.constant 128 : i32
        %mul3A_177 = arith.muli %add3A_175, %mul3A_176 : i32
        %add3A_178 = arith.addi %select_n3A_8, %mul3A_177 : i32
        %dma_start3A_179 = tpu.memref_slice %arg3[%add3A_178] : memref<327680xi32, #tpu.memory_space<hbm>> -> memref<128xi32, #tpu.memory_space<hbm>>
        %dma_start3A_180 = tpu.memref_slice %arg3[%add3A_178] : memref<327680xi32, #tpu.memory_space<hbm>> -> memref<128xi32, #tpu.memory_space<hbm>>
        tpu.enqueue_dma source(%dma_start3A_180 : memref<128xi32, #tpu.memory_space<hbm>>) target(%arg10 : memref<128xi32, #tpu.memory_space<vmem>>) target_semaphore(%arg20 : memref<!tpu.dma_semaphore, #tpu.memory_space<semaphore_mem>>)
        %dma_start3A_181 = tpu.memref_slice %arg4[%add3A_178] : memref<327680xi32, #tpu.memory_space<hbm>> -> memref<128xi32, #tpu.memory_space<hbm>>
        %dma_start3A_182 = tpu.memref_slice %arg4[%add3A_178] : memref<327680xi32, #tpu.memory_space<hbm>> -> memref<128xi32, #tpu.memory_space<hbm>>
        tpu.enqueue_dma source(%dma_start3A_182 : memref<128xi32, #tpu.memory_space<hbm>>) target(%arg14 : memref<128xi32, #tpu.memory_space<vmem>>) target_semaphore(%arg20 : memref<!tpu.dma_semaphore, #tpu.memory_space<semaphore_mem>>)
      } else {
      }
      %add3A_167 = arith.constant 2 : i32
      %add3A_168 = arith.addi %add3A_157, %add3A_167 : i32
      %lt3A_169 = arith.cmpi slt, %add3A_168, %select_n3A : i32
      %convert_element_type3A_170 = arith.extui %lt3A_169 : i1 to i32
      %cond3A_171 = arith.constant 0 : i32
      %cond3A_172 = arith.cmpi ne, %convert_element_type3A_170, %cond3A_171 : i32
      scf.if %cond3A_172 {
        %dma_wait3A_174 = arith.constant 0 : i32
        %dma_wait3A_175 = tpu.memref_slice %arg3[%dma_wait3A_174] : memref<327680xi32, #tpu.memory_space<hbm>> -> memref<128xi32, #tpu.memory_space<hbm>>
        %dma_wait3A_176 = arith.constant 0 : i32
        %dma_wait3A_177 = tpu.memref_slice %arg3[%dma_wait3A_176] : memref<327680xi32, #tpu.memory_space<hbm>> -> memref<128xi32, #tpu.memory_space<hbm>>
        tpu.wait_dma2 semaphore(%arg18 : memref<!tpu.dma_semaphore, #tpu.memory_space<semaphore_mem>>) src(%dma_wait3A_177 : memref<128xi32, #tpu.memory_space<hbm>>) dst(%arg8 : memref<128xi32, #tpu.memory_space<vmem>>)
        %dma_wait3A_178 = arith.constant 0 : i32
        %dma_wait3A_179 = tpu.memref_slice %arg4[%dma_wait3A_178] : memref<327680xi32, #tpu.memory_space<hbm>> -> memref<128xi32, #tpu.memory_space<hbm>>
        %dma_wait3A_180 = arith.constant 0 : i32
        %dma_wait3A_181 = tpu.memref_slice %arg4[%dma_wait3A_180] : memref<327680xi32, #tpu.memory_space<hbm>> -> memref<128xi32, #tpu.memory_space<hbm>>
        tpu.wait_dma2 semaphore(%arg18 : memref<!tpu.dma_semaphore, #tpu.memory_space<semaphore_mem>>) src(%dma_wait3A_181 : memref<128xi32, #tpu.memory_space<hbm>>) dst(%arg12 : memref<128xi32, #tpu.memory_space<vmem>>)
        %dma_start3A_182 = arith.constant 0 : i32
        %dma_start3A_183 = arith.constant 0 : i32
        %dma_start3A_184 = tpu.memref_slice %arg2[%dma_start3A_182, %dma_start3A_183] : memref<10000x128xf32, #tpu.memory_space<hbm>> -> memref<10000x128xf32, #tpu.memory_space<hbm>>
        tpu.enqueue_indirect_dma source(%dma_start3A_184 : memref<10000x128xf32, #tpu.memory_space<hbm>>) target(%arg16 : memref<128x128xf32, #tpu.memory_space<vmem>>) offsets(%arg8 : memref<128xi32, #tpu.memory_space<vmem>>) semaphore(%arg22 : memref<!tpu.dma_semaphore, #tpu.memory_space<semaphore_mem>>)
      } else {
      }
      %while3A_173 = arith.constant 0 : i32
      scf.yield %while3A_173 : i32
    }
    %while3A_99 = arith.constant 1 : i32
    %while3A_100 = scf.for %while3A_104 = %while3A_96 to %while3A_92 step %while3A_99 iter_args(%while3A_105 = %while3A_98) -> (i32)  : i32 {
      %mul3A_106 = arith.constant 4 : i32
      %mul3A_107 = arith.muli %mul3A_106, %while3A_104 : i32
      %add3A_108 = arith.constant 0 : i32
      %add3A_109 = arith.addi %mul3A_107, %add3A_108 : i32
      %dma_wait3A_110 = arith.constant 0 : i32
      %dma_wait3A_111 = arith.constant 0 : i32
      %dma_wait3A_112 = tpu.memref_slice %arg2[%dma_wait3A_110, %dma_wait3A_111] : memref<10000x128xf32, #tpu.memory_space<hbm>> -> memref<10000x128xf32, #tpu.memory_space<hbm>>
      tpu.wait_indirect_dma semaphore(%arg21 : memref<!tpu.dma_semaphore, #tpu.memory_space<semaphore_mem>>) src(%dma_wait3A_112 : memref<10000x128xf32, #tpu.memory_space<hbm>>) dst(%arg15 : memref<128x128xf32, #tpu.memory_space<vmem>>)
      "tpu.region"() ({
        %run_scoped3A = tpu.sem_alloc : memref<!tpu.dma_semaphore, #tpu.memory_space<semaphore_mem>>
        %dma_start3A_174 = arith.constant 0 : i32
        %dma_start3A_175 = arith.constant 0 : i32
        %dma_start3A_176 = tpu.memref_slice %arg6[%dma_start3A_174, %dma_start3A_175] : memref<10112x128xf32, #tpu.memory_space<vmem_shared>> -> memref<10112x128xf32, #tpu.memory_space<vmem_shared>>
        tpu.enqueue_indirect_dma source(%arg15 : memref<128x128xf32, #tpu.memory_space<vmem>>) target(%dma_start3A_176 : memref<10112x128xf32, #tpu.memory_space<vmem_shared>>) offsets(%arg11 : memref<128xi32, #tpu.memory_space<vmem>>) semaphore(%run_scoped3A : memref<!tpu.dma_semaphore, #tpu.memory_space<semaphore_mem>>) {add = true}
        %dma_wait3A_177 = arith.constant 0 : i32
        %dma_wait3A_178 = arith.constant 0 : i32
        %dma_wait3A_179 = tpu.memref_slice %arg6[%dma_wait3A_177, %dma_wait3A_178] : memref<10112x128xf32, #tpu.memory_space<vmem_shared>> -> memref<10112x128xf32, #tpu.memory_space<vmem_shared>>
        tpu.wait_indirect_dma semaphore(%run_scoped3A : memref<!tpu.dma_semaphore, #tpu.memory_space<semaphore_mem>>) src(%arg15 : memref<128x128xf32, #tpu.memory_space<vmem>>) dst(%dma_wait3A_179 : memref<10112x128xf32, #tpu.memory_space<vmem_shared>>)
        tpu.yield
      }) : () -> ()
      %add3A_113 = arith.constant 4 : i32
      %add3A_114 = arith.addi %add3A_109, %add3A_113 : i32
      %lt3A = arith.cmpi slt, %add3A_114, %select_n3A : i32
      %convert_element_type3A = arith.extui %lt3A : i1 to i32
      %cond3A = arith.constant 0 : i32
      %cond3A_115 = arith.cmpi ne, %convert_element_type3A, %cond3A : i32
      scf.if %cond3A_115 {
        %add3A_174 = arith.constant 4 : i32
        %add3A_175 = arith.addi %add3A_109, %add3A_174 : i32
        %mul3A_176 = arith.constant 128 : i32
        %mul3A_177 = arith.muli %add3A_175, %mul3A_176 : i32
        %add3A_178 = arith.addi %select_n3A_8, %mul3A_177 : i32
        %dma_start3A_179 = tpu.memref_slice %arg3[%add3A_178] : memref<327680xi32, #tpu.memory_space<hbm>> -> memref<128xi32, #tpu.memory_space<hbm>>
        %dma_start3A_180 = tpu.memref_slice %arg3[%add3A_178] : memref<327680xi32, #tpu.memory_space<hbm>> -> memref<128xi32, #tpu.memory_space<hbm>>
        tpu.enqueue_dma source(%dma_start3A_180 : memref<128xi32, #tpu.memory_space<hbm>>) target(%arg7 : memref<128xi32, #tpu.memory_space<vmem>>) target_semaphore(%arg17 : memref<!tpu.dma_semaphore, #tpu.memory_space<semaphore_mem>>)
        %dma_start3A_181 = tpu.memref_slice %arg4[%add3A_178] : memref<327680xi32, #tpu.memory_space<hbm>> -> memref<128xi32, #tpu.memory_space<hbm>>
        %dma_start3A_182 = tpu.memref_slice %arg4[%add3A_178] : memref<327680xi32, #tpu.memory_space<hbm>> -> memref<128xi32, #tpu.memory_space<hbm>>
        tpu.enqueue_dma source(%dma_start3A_182 : memref<128xi32, #tpu.memory_space<hbm>>) target(%arg11 : memref<128xi32, #tpu.memory_space<vmem>>) target_semaphore(%arg17 : memref<!tpu.dma_semaphore, #tpu.memory_space<semaphore_mem>>)
      } else {
      }
      %add3A_116 = arith.constant 2 : i32
      %add3A_117 = arith.addi %add3A_109, %add3A_116 : i32
      %lt3A_118 = arith.cmpi slt, %add3A_117, %select_n3A : i32
      %convert_element_type3A_119 = arith.extui %lt3A_118 : i1 to i32
      %cond3A_120 = arith.constant 0 : i32
      %cond3A_121 = arith.cmpi ne, %convert_element_type3A_119, %cond3A_120 : i32
      scf.if %cond3A_121 {
        %dma_wait3A_174 = arith.constant 0 : i32
        %dma_wait3A_175 = tpu.memref_slice %arg3[%dma_wait3A_174] : memref<327680xi32, #tpu.memory_space<hbm>> -> memref<128xi32, #tpu.memory_space<hbm>>
        %dma_wait3A_176 = arith.constant 0 : i32
        %dma_wait3A_177 = tpu.memref_slice %arg3[%dma_wait3A_176] : memref<327680xi32, #tpu.memory_space<hbm>> -> memref<128xi32, #tpu.memory_space<hbm>>
        tpu.wait_dma2 semaphore(%arg19 : memref<!tpu.dma_semaphore, #tpu.memory_space<semaphore_mem>>) src(%dma_wait3A_177 : memref<128xi32, #tpu.memory_space<hbm>>) dst(%arg9 : memref<128xi32, #tpu.memory_space<vmem>>)
        %dma_wait3A_178 = arith.constant 0 : i32
        %dma_wait3A_179 = tpu.memref_slice %arg4[%dma_wait3A_178] : memref<327680xi32, #tpu.memory_space<hbm>> -> memref<128xi32, #tpu.memory_space<hbm>>
        %dma_wait3A_180 = arith.constant 0 : i32
        %dma_wait3A_181 = tpu.memref_slice %arg4[%dma_wait3A_180] : memref<327680xi32, #tpu.memory_space<hbm>> -> memref<128xi32, #tpu.memory_space<hbm>>
        tpu.wait_dma2 semaphore(%arg19 : memref<!tpu.dma_semaphore, #tpu.memory_space<semaphore_mem>>) src(%dma_wait3A_181 : memref<128xi32, #tpu.memory_space<hbm>>) dst(%arg13 : memref<128xi32, #tpu.memory_space<vmem>>)
        %dma_start3A_182 = arith.constant 0 : i32
        %dma_start3A_183 = arith.constant 0 : i32
        %dma_start3A_184 = tpu.memref_slice %arg2[%dma_start3A_182, %dma_start3A_183] : memref<10000x128xf32, #tpu.memory_space<hbm>> -> memref<10000x128xf32, #tpu.memory_space<hbm>>
        tpu.enqueue_indirect_dma source(%dma_start3A_184 : memref<10000x128xf32, #tpu.memory_space<hbm>>) target(%arg15 : memref<128x128xf32, #tpu.memory_space<vmem>>) offsets(%arg9 : memref<128xi32, #tpu.memory_space<vmem>>) semaphore(%arg21 : memref<!tpu.dma_semaphore, #tpu.memory_space<semaphore_mem>>)
      } else {
      }
      %add3A_122 = arith.constant 1 : i32
      %add3A_123 = arith.addi %mul3A_107, %add3A_122 : i32
      %dma_wait3A_124 = arith.constant 0 : i32
      %dma_wait3A_125 = arith.constant 0 : i32
      %dma_wait3A_126 = tpu.memref_slice %arg2[%dma_wait3A_124, %dma_wait3A_125] : memref<10000x128xf32, #tpu.memory_space<hbm>> -> memref<10000x128xf32, #tpu.memory_space<hbm>>
      tpu.wait_indirect_dma semaphore(%arg22 : memref<!tpu.dma_semaphore, #tpu.memory_space<semaphore_mem>>) src(%dma_wait3A_126 : memref<10000x128xf32, #tpu.memory_space<hbm>>) dst(%arg16 : memref<128x128xf32, #tpu.memory_space<vmem>>)
      "tpu.region"() ({
        %run_scoped3A = tpu.sem_alloc : memref<!tpu.dma_semaphore, #tpu.memory_space<semaphore_mem>>
        %dma_start3A_174 = arith.constant 0 : i32
        %dma_start3A_175 = arith.constant 0 : i32
        %dma_start3A_176 = tpu.memref_slice %arg6[%dma_start3A_174, %dma_start3A_175] : memref<10112x128xf32, #tpu.memory_space<vmem_shared>> -> memref<10112x128xf32, #tpu.memory_space<vmem_shared>>
        tpu.enqueue_indirect_dma source(%arg16 : memref<128x128xf32, #tpu.memory_space<vmem>>) target(%dma_start3A_176 : memref<10112x128xf32, #tpu.memory_space<vmem_shared>>) offsets(%arg12 : memref<128xi32, #tpu.memory_space<vmem>>) semaphore(%run_scoped3A : memref<!tpu.dma_semaphore, #tpu.memory_space<semaphore_mem>>) {add = true}
        %dma_wait3A_177 = arith.constant 0 : i32
        %dma_wait3A_178 = arith.constant 0 : i32
        %dma_wait3A_179 = tpu.memref_slice %arg6[%dma_wait3A_177, %dma_wait3A_178] : memref<10112x128xf32, #tpu.memory_space<vmem_shared>> -> memref<10112x128xf32, #tpu.memory_space<vmem_shared>>
        tpu.wait_indirect_dma semaphore(%run_scoped3A : memref<!tpu.dma_semaphore, #tpu.memory_space<semaphore_mem>>) src(%arg16 : memref<128x128xf32, #tpu.memory_space<vmem>>) dst(%dma_wait3A_179 : memref<10112x128xf32, #tpu.memory_space<vmem_shared>>)
        tpu.yield
      }) : () -> ()
      %add3A_127 = arith.constant 4 : i32
      %add3A_128 = arith.addi %add3A_123, %add3A_127 : i32
      %lt3A_129 = arith.cmpi slt, %add3A_128, %select_n3A : i32
      %convert_element_type3A_130 = arith.extui %lt3A_129 : i1 to i32
      %cond3A_131 = arith.constant 0 : i32
      %cond3A_132 = arith.cmpi ne, %convert_element_type3A_130, %cond3A_131 : i32
      scf.if %cond3A_132 {
        %add3A_174 = arith.constant 4 : i32
        %add3A_175 = arith.addi %add3A_123, %add3A_174 : i32
        %mul3A_176 = arith.constant 128 : i32
        %mul3A_177 = arith.muli %add3A_175, %mul3A_176 : i32
        %add3A_178 = arith.addi %select_n3A_8, %mul3A_177 : i32
        %dma_start3A_179 = tpu.memref_slice %arg3[%add3A_178] : memref<327680xi32, #tpu.memory_space<hbm>> -> memref<128xi32, #tpu.memory_space<hbm>>
        %dma_start3A_180 = tpu.memref_slice %arg3[%add3A_178] : memref<327680xi32, #tpu.memory_space<hbm>> -> memref<128xi32, #tpu.memory_space<hbm>>
        tpu.enqueue_dma source(%dma_start3A_180 : memref<128xi32, #tpu.memory_space<hbm>>) target(%arg8 : memref<128xi32, #tpu.memory_space<vmem>>) target_semaphore(%arg18 : memref<!tpu.dma_semaphore, #tpu.memory_space<semaphore_mem>>)
        %dma_start3A_181 = tpu.memref_slice %arg4[%add3A_178] : memref<327680xi32, #tpu.memory_space<hbm>> -> memref<128xi32, #tpu.memory_space<hbm>>
        %dma_start3A_182 = tpu.memref_slice %arg4[%add3A_178] : memref<327680xi32, #tpu.memory_space<hbm>> -> memref<128xi32, #tpu.memory_space<hbm>>
        tpu.enqueue_dma source(%dma_start3A_182 : memref<128xi32, #tpu.memory_space<hbm>>) target(%arg12 : memref<128xi32, #tpu.memory_space<vmem>>) target_semaphore(%arg18 : memref<!tpu.dma_semaphore, #tpu.memory_space<semaphore_mem>>)
      } else {
      }
      %add3A_133 = arith.constant 2 : i32
      %add3A_134 = arith.addi %add3A_123, %add3A_133 : i32
      %lt3A_135 = arith.cmpi slt, %add3A_134, %select_n3A : i32
      %convert_element_type3A_136 = arith.extui %lt3A_135 : i1 to i32
      %cond3A_137 = arith.constant 0 : i32
      %cond3A_138 = arith.cmpi ne, %convert_element_type3A_136, %cond3A_137 : i32
      scf.if %cond3A_138 {
        %dma_wait3A_174 = arith.constant 0 : i32
        %dma_wait3A_175 = tpu.memref_slice %arg3[%dma_wait3A_174] : memref<327680xi32, #tpu.memory_space<hbm>> -> memref<128xi32, #tpu.memory_space<hbm>>
        %dma_wait3A_176 = arith.constant 0 : i32
        %dma_wait3A_177 = tpu.memref_slice %arg3[%dma_wait3A_176] : memref<327680xi32, #tpu.memory_space<hbm>> -> memref<128xi32, #tpu.memory_space<hbm>>
        tpu.wait_dma2 semaphore(%arg20 : memref<!tpu.dma_semaphore, #tpu.memory_space<semaphore_mem>>) src(%dma_wait3A_177 : memref<128xi32, #tpu.memory_space<hbm>>) dst(%arg10 : memref<128xi32, #tpu.memory_space<vmem>>)
        %dma_wait3A_178 = arith.constant 0 : i32
        %dma_wait3A_179 = tpu.memref_slice %arg4[%dma_wait3A_178] : memref<327680xi32, #tpu.memory_space<hbm>> -> memref<128xi32, #tpu.memory_space<hbm>>
        %dma_wait3A_180 = arith.constant 0 : i32
        %dma_wait3A_181 = tpu.memref_slice %arg4[%dma_wait3A_180] : memref<327680xi32, #tpu.memory_space<hbm>> -> memref<128xi32, #tpu.memory_space<hbm>>
        tpu.wait_dma2 semaphore(%arg20 : memref<!tpu.dma_semaphore, #tpu.memory_space<semaphore_mem>>) src(%dma_wait3A_181 : memref<128xi32, #tpu.memory_space<hbm>>) dst(%arg14 : memref<128xi32, #tpu.memory_space<vmem>>)
        %dma_start3A_182 = arith.constant 0 : i32
        %dma_start3A_183 = arith.constant 0 : i32
        %dma_start3A_184 = tpu.memref_slice %arg2[%dma_start3A_182, %dma_start3A_183] : memref<10000x128xf32, #tpu.memory_space<hbm>> -> memref<10000x128xf32, #tpu.memory_space<hbm>>
        tpu.enqueue_indirect_dma source(%dma_start3A_184 : memref<10000x128xf32, #tpu.memory_space<hbm>>) target(%arg16 : memref<128x128xf32, #tpu.memory_space<vmem>>) offsets(%arg10 : memref<128xi32, #tpu.memory_space<vmem>>) semaphore(%arg22 : memref<!tpu.dma_semaphore, #tpu.memory_space<semaphore_mem>>)
      } else {
      }
      %add3A_139 = arith.constant 2 : i32
      %add3A_140 = arith.addi %mul3A_107, %add3A_139 : i32
      %dma_wait3A_141 = arith.constant 0 : i32
      %dma_wait3A_142 = arith.constant 0 : i32
      %dma_wait3A_143 = tpu.memref_slice %arg2[%dma_wait3A_141, %dma_wait3A_142] : memref<10000x128xf32, #tpu.memory_space<hbm>> -> memref<10000x128xf32, #tpu.memory_space<hbm>>
      tpu.wait_indirect_dma semaphore(%arg21 : memref<!tpu.dma_semaphore, #tpu.memory_space<semaphore_mem>>) src(%dma_wait3A_143 : memref<10000x128xf32, #tpu.memory_space<hbm>>) dst(%arg15 : memref<128x128xf32, #tpu.memory_space<vmem>>)
      "tpu.region"() ({
        %run_scoped3A = tpu.sem_alloc : memref<!tpu.dma_semaphore, #tpu.memory_space<semaphore_mem>>
        %dma_start3A_174 = arith.constant 0 : i32
        %dma_start3A_175 = arith.constant 0 : i32
        %dma_start3A_176 = tpu.memref_slice %arg6[%dma_start3A_174, %dma_start3A_175] : memref<10112x128xf32, #tpu.memory_space<vmem_shared>> -> memref<10112x128xf32, #tpu.memory_space<vmem_shared>>
        tpu.enqueue_indirect_dma source(%arg15 : memref<128x128xf32, #tpu.memory_space<vmem>>) target(%dma_start3A_176 : memref<10112x128xf32, #tpu.memory_space<vmem_shared>>) offsets(%arg13 : memref<128xi32, #tpu.memory_space<vmem>>) semaphore(%run_scoped3A : memref<!tpu.dma_semaphore, #tpu.memory_space<semaphore_mem>>) {add = true}
        %dma_wait3A_177 = arith.constant 0 : i32
        %dma_wait3A_178 = arith.constant 0 : i32
        %dma_wait3A_179 = tpu.memref_slice %arg6[%dma_wait3A_177, %dma_wait3A_178] : memref<10112x128xf32, #tpu.memory_space<vmem_shared>> -> memref<10112x128xf32, #tpu.memory_space<vmem_shared>>
        tpu.wait_indirect_dma semaphore(%run_scoped3A : memref<!tpu.dma_semaphore, #tpu.memory_space<semaphore_mem>>) src(%arg15 : memref<128x128xf32, #tpu.memory_space<vmem>>) dst(%dma_wait3A_179 : memref<10112x128xf32, #tpu.memory_space<vmem_shared>>)
        tpu.yield
      }) : () -> ()
      %add3A_144 = arith.constant 4 : i32
      %add3A_145 = arith.addi %add3A_140, %add3A_144 : i32
      %lt3A_146 = arith.cmpi slt, %add3A_145, %select_n3A : i32
      %convert_element_type3A_147 = arith.extui %lt3A_146 : i1 to i32
      %cond3A_148 = arith.constant 0 : i32
      %cond3A_149 = arith.cmpi ne, %convert_element_type3A_147, %cond3A_148 : i32
      scf.if %cond3A_149 {
        %add3A_174 = arith.constant 4 : i32
        %add3A_175 = arith.addi %add3A_140, %add3A_174 : i32
        %mul3A_176 = arith.constant 128 : i32
        %mul3A_177 = arith.muli %add3A_175, %mul3A_176 : i32
        %add3A_178 = arith.addi %select_n3A_8, %mul3A_177 : i32
        %dma_start3A_179 = tpu.memref_slice %arg3[%add3A_178] : memref<327680xi32, #tpu.memory_space<hbm>> -> memref<128xi32, #tpu.memory_space<hbm>>
        %dma_start3A_180 = tpu.memref_slice %arg3[%add3A_178] : memref<327680xi32, #tpu.memory_space<hbm>> -> memref<128xi32, #tpu.memory_space<hbm>>
        tpu.enqueue_dma source(%dma_start3A_180 : memref<128xi32, #tpu.memory_space<hbm>>) target(%arg9 : memref<128xi32, #tpu.memory_space<vmem>>) target_semaphore(%arg19 : memref<!tpu.dma_semaphore, #tpu.memory_space<semaphore_mem>>)
        %dma_start3A_181 = tpu.memref_slice %arg4[%add3A_178] : memref<327680xi32, #tpu.memory_space<hbm>> -> memref<128xi32, #tpu.memory_space<hbm>>
        %dma_start3A_182 = tpu.memref_slice %arg4[%add3A_178] : memref<327680xi32, #tpu.memory_space<hbm>> -> memref<128xi32, #tpu.memory_space<hbm>>
        tpu.enqueue_dma source(%dma_start3A_182 : memref<128xi32, #tpu.memory_space<hbm>>) target(%arg13 : memref<128xi32, #tpu.memory_space<vmem>>) target_semaphore(%arg19 : memref<!tpu.dma_semaphore, #tpu.memory_space<semaphore_mem>>)
      } else {
      }
      %add3A_150 = arith.constant 2 : i32
      %add3A_151 = arith.addi %add3A_140, %add3A_150 : i32
      %lt3A_152 = arith.cmpi slt, %add3A_151, %select_n3A : i32
      %convert_element_type3A_153 = arith.extui %lt3A_152 : i1 to i32
      %cond3A_154 = arith.constant 0 : i32
      %cond3A_155 = arith.cmpi ne, %convert_element_type3A_153, %cond3A_154 : i32
      scf.if %cond3A_155 {
        %dma_wait3A_174 = arith.constant 0 : i32
        %dma_wait3A_175 = tpu.memref_slice %arg3[%dma_wait3A_174] : memref<327680xi32, #tpu.memory_space<hbm>> -> memref<128xi32, #tpu.memory_space<hbm>>
        %dma_wait3A_176 = arith.constant 0 : i32
        %dma_wait3A_177 = tpu.memref_slice %arg3[%dma_wait3A_176] : memref<327680xi32, #tpu.memory_space<hbm>> -> memref<128xi32, #tpu.memory_space<hbm>>
        tpu.wait_dma2 semaphore(%arg17 : memref<!tpu.dma_semaphore, #tpu.memory_space<semaphore_mem>>) src(%dma_wait3A_177 : memref<128xi32, #tpu.memory_space<hbm>>) dst(%arg7 : memref<128xi32, #tpu.memory_space<vmem>>)
        %dma_wait3A_178 = arith.constant 0 : i32
        %dma_wait3A_179 = tpu.memref_slice %arg4[%dma_wait3A_178] : memref<327680xi32, #tpu.memory_space<hbm>> -> memref<128xi32, #tpu.memory_space<hbm>>
        %dma_wait3A_180 = arith.constant 0 : i32
        %dma_wait3A_181 = tpu.memref_slice %arg4[%dma_wait3A_180] : memref<327680xi32, #tpu.memory_space<hbm>> -> memref<128xi32, #tpu.memory_space<hbm>>
        tpu.wait_dma2 semaphore(%arg17 : memref<!tpu.dma_semaphore, #tpu.memory_space<semaphore_mem>>) src(%dma_wait3A_181 : memref<128xi32, #tpu.memory_space<hbm>>) dst(%arg11 : memref<128xi32, #tpu.memory_space<vmem>>)
        %dma_start3A_182 = arith.constant 0 : i32
        %dma_start3A_183 = arith.constant 0 : i32
        %dma_start3A_184 = tpu.memref_slice %arg2[%dma_start3A_182, %dma_start3A_183] : memref<10000x128xf32, #tpu.memory_space<hbm>> -> memref<10000x128xf32, #tpu.memory_space<hbm>>
        tpu.enqueue_indirect_dma source(%dma_start3A_184 : memref<10000x128xf32, #tpu.memory_space<hbm>>) target(%arg15 : memref<128x128xf32, #tpu.memory_space<vmem>>) offsets(%arg7 : memref<128xi32, #tpu.memory_space<vmem>>) semaphore(%arg21 : memref<!tpu.dma_semaphore, #tpu.memory_space<semaphore_mem>>)
      } else {
      }
      %add3A_156 = arith.constant 3 : i32
      %add3A_157 = arith.addi %mul3A_107, %add3A_156 : i32
      %dma_wait3A_158 = arith.constant 0 : i32
      %dma_wait3A_159 = arith.constant 0 : i32
      %dma_wait3A_160 = tpu.memref_slice %arg2[%dma_wait3A_158, %dma_wait3A_159] : memref<10000x128xf32, #tpu.memory_space<hbm>> -> memref<10000x128xf32, #tpu.memory_space<hbm>>
      tpu.wait_indirect_dma semaphore(%arg22 : memref<!tpu.dma_semaphore, #tpu.memory_space<semaphore_mem>>) src(%dma_wait3A_160 : memref<10000x128xf32, #tpu.memory_space<hbm>>) dst(%arg16 : memref<128x128xf32, #tpu.memory_space<vmem>>)
      "tpu.region"() ({
        %run_scoped3A = tpu.sem_alloc : memref<!tpu.dma_semaphore, #tpu.memory_space<semaphore_mem>>
        %dma_start3A_174 = arith.constant 0 : i32
        %dma_start3A_175 = arith.constant 0 : i32
        %dma_start3A_176 = tpu.memref_slice %arg6[%dma_start3A_174, %dma_start3A_175] : memref<10112x128xf32, #tpu.memory_space<vmem_shared>> -> memref<10112x128xf32, #tpu.memory_space<vmem_shared>>
        tpu.enqueue_indirect_dma source(%arg16 : memref<128x128xf32, #tpu.memory_space<vmem>>) target(%dma_start3A_176 : memref<10112x128xf32, #tpu.memory_space<vmem_shared>>) offsets(%arg14 : memref<128xi32, #tpu.memory_space<vmem>>) semaphore(%run_scoped3A : memref<!tpu.dma_semaphore, #tpu.memory_space<semaphore_mem>>) {add = true}
        %dma_wait3A_177 = arith.constant 0 : i32
        %dma_wait3A_178 = arith.constant 0 : i32
        %dma_wait3A_179 = tpu.memref_slice %arg6[%dma_wait3A_177, %dma_wait3A_178] : memref<10112x128xf32, #tpu.memory_space<vmem_shared>> -> memref<10112x128xf32, #tpu.memory_space<vmem_shared>>
        tpu.wait_indirect_dma semaphore(%run_scoped3A : memref<!tpu.dma_semaphore, #tpu.memory_space<semaphore_mem>>) src(%arg16 : memref<128x128xf32, #tpu.memory_space<vmem>>) dst(%dma_wait3A_179 : memref<10112x128xf32, #tpu.memory_space<vmem_shared>>)
        tpu.yield
      }) : () -> ()
      %add3A_161 = arith.constant 4 : i32
      %add3A_162 = arith.addi %add3A_157, %add3A_161 : i32
      %lt3A_163 = arith.cmpi slt, %add3A_162, %select_n3A : i32
      %convert_element_type3A_164 = arith.extui %lt3A_163 : i1 to i32
      %cond3A_165 = arith.constant 0 : i32
      %cond3A_166 = arith.cmpi ne, %convert_element_type3A_164, %cond3A_165 : i32
      scf.if %cond3A_166 {
        %add3A_174 = arith.constant 4 : i32
        %add3A_175 = arith.addi %add3A_157, %add3A_174 : i32
        %mul3A_176 = arith.constant 128 : i32
        %mul3A_177 = arith.muli %add3A_175, %mul3A_176 : i32
        %add3A_178 = arith.addi %select_n3A_8, %mul3A_177 : i32
        %dma_start3A_179 = tpu.memref_slice %arg3[%add3A_178] : memref<327680xi32, #tpu.memory_space<hbm>> -> memref<128xi32, #tpu.memory_space<hbm>>
        %dma_start3A_180 = tpu.memref_slice %arg3[%add3A_178] : memref<327680xi32, #tpu.memory_space<hbm>> -> memref<128xi32, #tpu.memory_space<hbm>>
        tpu.enqueue_dma source(%dma_start3A_180 : memref<128xi32, #tpu.memory_space<hbm>>) target(%arg10 : memref<128xi32, #tpu.memory_space<vmem>>) target_semaphore(%arg20 : memref<!tpu.dma_semaphore, #tpu.memory_space<semaphore_mem>>)
        %dma_start3A_181 = tpu.memref_slice %arg4[%add3A_178] : memref<327680xi32, #tpu.memory_space<hbm>> -> memref<128xi32, #tpu.memory_space<hbm>>
        %dma_start3A_182 = tpu.memref_slice %arg4[%add3A_178] : memref<327680xi32, #tpu.memory_space<hbm>> -> memref<128xi32, #tpu.memory_space<hbm>>
        tpu.enqueue_dma source(%dma_start3A_182 : memref<128xi32, #tpu.memory_space<hbm>>) target(%arg14 : memref<128xi32, #tpu.memory_space<vmem>>) target_semaphore(%arg20 : memref<!tpu.dma_semaphore, #tpu.memory_space<semaphore_mem>>)
      } else {
      }
      %add3A_167 = arith.constant 2 : i32
      %add3A_168 = arith.addi %add3A_157, %add3A_167 : i32
      %lt3A_169 = arith.cmpi slt, %add3A_168, %select_n3A : i32
      %convert_element_type3A_170 = arith.extui %lt3A_169 : i1 to i32
      %cond3A_171 = arith.constant 0 : i32
      %cond3A_172 = arith.cmpi ne, %convert_element_type3A_170, %cond3A_171 : i32
      scf.if %cond3A_172 {
        %dma_wait3A_174 = arith.constant 0 : i32
        %dma_wait3A_175 = tpu.memref_slice %arg3[%dma_wait3A_174] : memref<327680xi32, #tpu.memory_space<hbm>> -> memref<128xi32, #tpu.memory_space<hbm>>
        %dma_wait3A_176 = arith.constant 0 : i32
        %dma_wait3A_177 = tpu.memref_slice %arg3[%dma_wait3A_176] : memref<327680xi32, #tpu.memory_space<hbm>> -> memref<128xi32, #tpu.memory_space<hbm>>
        tpu.wait_dma2 semaphore(%arg18 : memref<!tpu.dma_semaphore, #tpu.memory_space<semaphore_mem>>) src(%dma_wait3A_177 : memref<128xi32, #tpu.memory_space<hbm>>) dst(%arg8 : memref<128xi32, #tpu.memory_space<vmem>>)
        %dma_wait3A_178 = arith.constant 0 : i32
        %dma_wait3A_179 = tpu.memref_slice %arg4[%dma_wait3A_178] : memref<327680xi32, #tpu.memory_space<hbm>> -> memref<128xi32, #tpu.memory_space<hbm>>
        %dma_wait3A_180 = arith.constant 0 : i32
        %dma_wait3A_181 = tpu.memref_slice %arg4[%dma_wait3A_180] : memref<327680xi32, #tpu.memory_space<hbm>> -> memref<128xi32, #tpu.memory_space<hbm>>
        tpu.wait_dma2 semaphore(%arg18 : memref<!tpu.dma_semaphore, #tpu.memory_space<semaphore_mem>>) src(%dma_wait3A_181 : memref<128xi32, #tpu.memory_space<hbm>>) dst(%arg12 : memref<128xi32, #tpu.memory_space<vmem>>)
        %dma_start3A_182 = arith.constant 0 : i32
        %dma_start3A_183 = arith.constant 0 : i32
        %dma_start3A_184 = tpu.memref_slice %arg2[%dma_start3A_182, %dma_start3A_183] : memref<10000x128xf32, #tpu.memory_space<hbm>> -> memref<10000x128xf32, #tpu.memory_space<hbm>>
        tpu.enqueue_indirect_dma source(%dma_start3A_184 : memref<10000x128xf32, #tpu.memory_space<hbm>>) target(%arg16 : memref<128x128xf32, #tpu.memory_space<vmem>>) offsets(%arg8 : memref<128xi32, #tpu.memory_space<vmem>>) semaphore(%arg22 : memref<!tpu.dma_semaphore, #tpu.memory_space<semaphore_mem>>)
      } else {
      }
      %while3A_173 = arith.constant 0 : i32
      scf.yield %while3A_173 : i32
    }
    %barrier3A_101 = arith.constant 0 : index
    tpu.barrier barrier_id(%barrier3A_101)
    %mul3A_102 = arith.constant 632 : i32
    %mul3A_103 = arith.muli %arg1, %mul3A_102 : i32
    "tpu.region"() ({
      %run_scoped3A = tpu.sem_alloc : memref<!tpu.dma_semaphore, #tpu.memory_space<semaphore_mem>>
      %dma_start3A_104 = arith.constant 0 : i32
      %dma_start3A_105 = tpu.memref_slice %arg5[%arg0, %mul3A_103, %dma_start3A_104] : memref<2x10112x128xf32, #tpu.memory_space<hbm>> -> memref<1x632x128xf32, #tpu.memory_space<hbm>>
      %dma_start3A_106 = tpu.memref_squeeze %dma_start3A_105 : memref<1x632x128xf32, #tpu.memory_space<hbm>> -> memref<632x128xf32, #tpu.memory_space<hbm>>
      %dma_start3A_107 = arith.constant 0 : i32
      %dma_start3A_108 = tpu.memref_slice %arg6[%mul3A_103, %dma_start3A_107] : memref<10112x128xf32, #tpu.memory_space<vmem_shared>> -> memref<632x128xf32, #tpu.memory_space<vmem_shared>>
      tpu.enqueue_dma source(%dma_start3A_108 : memref<632x128xf32, #tpu.memory_space<vmem_shared>>) target(%dma_start3A_106 : memref<632x128xf32, #tpu.memory_space<hbm>>) target_semaphore(%run_scoped3A : memref<!tpu.dma_semaphore, #tpu.memory_space<semaphore_mem>>)
      %dma_wait3A_109 = arith.constant 0 : i32
      %dma_wait3A_110 = tpu.memref_slice %arg5[%arg0, %mul3A_103, %dma_wait3A_109] : memref<2x10112x128xf32, #tpu.memory_space<hbm>> -> memref<1x632x128xf32, #tpu.memory_space<hbm>>
      %dma_wait3A_111 = tpu.memref_squeeze %dma_wait3A_110 : memref<1x632x128xf32, #tpu.memory_space<hbm>> -> memref<632x128xf32, #tpu.memory_space<hbm>>
      %dma_wait3A_112 = arith.constant 0 : i32
      %dma_wait3A_113 = tpu.memref_slice %arg6[%mul3A_103, %dma_wait3A_112] : memref<10112x128xf32, #tpu.memory_space<vmem_shared>> -> memref<632x128xf32, #tpu.memory_space<vmem_shared>>
      tpu.wait_dma2 semaphore(%run_scoped3A : memref<!tpu.dma_semaphore, #tpu.memory_space<semaphore_mem>>) src(%dma_wait3A_113 : memref<632x128xf32, #tpu.memory_space<vmem_shared>>) dst(%dma_wait3A_111 : memref<632x128xf32, #tpu.memory_space<hbm>>)
      tpu.yield
    }) : () -> ()
    return
  }
}

#map = affine_map<(d0, d1) -> (0, 0)>
#map1 = affine_map<(d0, d1) -> (0)>
#map2 = affine_map<(d0, d1) -> (0, 0, 0)>
module attributes {stable_mosaic.version = 14 : i64} {
  func.func @_scatter_body(%arg0: i32, %arg1: i32, %arg2: memref<10000x128xf32, #tpu.memory_space<hbm>>, %arg3: memref<327680xi32, #tpu.memory_space<hbm>>, %arg4: memref<327680xi32, #tpu.memory_space<hbm>>, %arg5: memref<2x10112x128xf32, #tpu.memory_space<hbm>>, %arg6: memref<10112x128xf32, #tpu.memory_space<vmem_shared>>, %arg7: memref<128xi32, #tpu.memory_space<vmem>>, %arg8: memref<128xi32, #tpu.memory_space<vmem>>, %arg9: memref<128xi32, #tpu.memory_space<vmem>>, %arg10: memref<128xi32, #tpu.memory_space<vmem>>, %arg11: memref<128xi32, #tpu.memory_space<vmem>>, %arg12: memref<128xi32, #tpu.memory_space<vmem>>, %arg13: memref<128xi32, #tpu.memory_space<vmem>>, %arg14: memref<128xi32, #tpu.memory_space<vmem>>, %arg15: memref<128x128xf32, #tpu.memory_space<vmem>>, %arg16: memref<128x128xf32, #tpu.memory_space<vmem>>, %arg17: memref<!tpu.dma_semaphore, #tpu.memory_space<semaphore_mem>>, %arg18: memref<!tpu.dma_semaphore, #tpu.memory_space<semaphore_mem>>, %arg19: memref<!tpu.dma_semaphore, #tpu.memory_space<semaphore_mem>>, %arg20: memref<!tpu.dma_semaphore, #tpu.memory_space<semaphore_mem>>, %arg21: memref<!tpu.dma_semaphore, #tpu.memory_space<semaphore_mem>>, %arg22: memref<!tpu.dma_semaphore, #tpu.memory_space<semaphore_mem>>) attributes {dimension_semantics = [#tpu.dimension_semantics<core_parallel>, #tpu.dimension_semantics<subcore_parallel>], iteration_bounds = array<i64: 2, 16>, scalar_prefetch = 0 : i64, scratch_operands = 17 : i64, tpu.core_type = #tpu.core_type<sc_vector_subcore>, window_params = [{transform_indices = #map}, {transform_indices = #map1}, {transform_indices = #map1}, {transform_indices = #map2}]} {
    %eq3A = arith.constant 0 : i32
    %eq3A_0 = arith.cmpi eq, %arg0, %eq3A : i32
    %jit3A = arith.constant 144 : i32
    %jit3A_1 = arith.constant 16 : i32
    %select_n3A = arith.select %eq3A_0, %jit3A, %jit3A_1 : i32
    %eq3A_2 = arith.constant 0 : i32
    %eq3A_3 = arith.cmpi eq, %arg0, %eq3A_2 : i32
    %mul3A = arith.constant 18432 : i32
    %mul3A_4 = arith.muli %arg1, %mul3A : i32
    %mul3A_5 = arith.constant 2048 : i32
    %mul3A_6 = arith.muli %arg1, %mul3A_5 : i32
    %add3A = arith.constant 294912 : i32
    %add3A_7 = arith.addi %add3A, %mul3A_6 : i32
    %select_n3A_8 = arith.select %eq3A_3, %mul3A_4, %add3A_7 : i32
    %add3A_9 = arith.constant 0 : i32
    %add3A_10 = arith.addi %select_n3A_8, %add3A_9 : i32
    %dma_start3A = tpu.memref_slice %arg3[%add3A_10] : memref<327680xi32, #tpu.memory_space<hbm>> -> memref<128xi32, #tpu.memory_space<hbm>>
    %dma_start3A_11 = tpu.memref_slice %arg3[%add3A_10] : memref<327680xi32, #tpu.memory_space<hbm>> -> memref<128xi32, #tpu.memory_space<hbm>>
    tpu.enqueue_dma source(%dma_start3A_11 : memref<128xi32, #tpu.memory_space<hbm>>) target(%arg7 : memref<128xi32, #tpu.memory_space<vmem>>) target_semaphore(%arg17 : memref<!tpu.dma_semaphore, #tpu.memory_space<semaphore_mem>>)
    %dma_start3A_12 = tpu.memref_slice %arg4[%add3A_10] : memref<327680xi32, #tpu.memory_space<hbm>> -> memref<128xi32, #tpu.memory_space<hbm>>
    %dma_start3A_13 = tpu.memref_slice %arg4[%add3A_10] : memref<327680xi32, #tpu.memory_space<hbm>> -> memref<128xi32, #tpu.memory_space<hbm>>
    tpu.enqueue_dma source(%dma_start3A_13 : memref<128xi32, #tpu.memory_space<hbm>>) target(%arg11 : memref<128xi32, #tpu.memory_space<vmem>>) target_semaphore(%arg17 : memref<!tpu.dma_semaphore, #tpu.memory_space<semaphore_mem>>)
    %add3A_14 = arith.constant 128 : i32
    %add3A_15 = arith.addi %select_n3A_8, %add3A_14 : i32
    %dma_start3A_16 = tpu.memref_slice %arg3[%add3A_15] : memref<327680xi32, #tpu.memory_space<hbm>> -> memref<128xi32, #tpu.memory_space<hbm>>
    %dma_start3A_17 = tpu.memref_slice %arg3[%add3A_15] : memref<327680xi32, #tpu.memory_space<hbm>> -> memref<128xi32, #tpu.memory_space<hbm>>
    tpu.enqueue_dma source(%dma_start3A_17 : memref<128xi32, #tpu.memory_space<hbm>>) target(%arg8 : memref<128xi32, #tpu.memory_space<vmem>>) target_semaphore(%arg18 : memref<!tpu.dma_semaphore, #tpu.memory_space<semaphore_mem>>)
    %dma_start3A_18 = tpu.memref_slice %arg4[%add3A_15] : memref<327680xi32, #tpu.memory_space<hbm>> -> memref<128xi32, #tpu.memory_space<hbm>>
    %dma_start3A_19 = tpu.memref_slice %arg4[%add3A_15] : memref<327680xi32, #tpu.memory_space<hbm>> -> memref<128xi32, #tpu.memory_space<hbm>>
    tpu.enqueue_dma source(%dma_start3A_19 : memref<128xi32, #tpu.memory_space<hbm>>) target(%arg12 : memref<128xi32, #tpu.memory_space<vmem>>) target_semaphore(%arg18 : memref<!tpu.dma_semaphore, #tpu.memory_space<semaphore_mem>>)
    %add3A_20 = arith.constant 256 : i32
    %add3A_21 = arith.addi %select_n3A_8, %add3A_20 : i32
    %dma_start3A_22 = tpu.memref_slice %arg3[%add3A_21] : memref<327680xi32, #tpu.memory_space<hbm>> -> memref<128xi32, #tpu.memory_space<hbm>>
    %dma_start3A_23 = tpu.memref_slice %arg3[%add3A_21] : memref<327680xi32, #tpu.memory_space<hbm>> -> memref<128xi32, #tpu.memory_space<hbm>>
    tpu.enqueue_dma source(%dma_start3A_23 : memref<128xi32, #tpu.memory_space<hbm>>) target(%arg9 : memref<128xi32, #tpu.memory_space<vmem>>) target_semaphore(%arg19 : memref<!tpu.dma_semaphore, #tpu.memory_space<semaphore_mem>>)
    %dma_start3A_24 = tpu.memref_slice %arg4[%add3A_21] : memref<327680xi32, #tpu.memory_space<hbm>> -> memref<128xi32, #tpu.memory_space<hbm>>
    %dma_start3A_25 = tpu.memref_slice %arg4[%add3A_21] : memref<327680xi32, #tpu.memory_space<hbm>> -> memref<128xi32, #tpu.memory_space<hbm>>
    tpu.enqueue_dma source(%dma_start3A_25 : memref<128xi32, #tpu.memory_space<hbm>>) target(%arg13 : memref<128xi32, #tpu.memory_space<vmem>>) target_semaphore(%arg19 : memref<!tpu.dma_semaphore, #tpu.memory_space<semaphore_mem>>)
    %add3A_26 = arith.constant 384 : i32
    %add3A_27 = arith.addi %select_n3A_8, %add3A_26 : i32
    %dma_start3A_28 = tpu.memref_slice %arg3[%add3A_27] : memref<327680xi32, #tpu.memory_space<hbm>> -> memref<128xi32, #tpu.memory_space<hbm>>
    %dma_start3A_29 = tpu.memref_slice %arg3[%add3A_27] : memref<327680xi32, #tpu.memory_space<hbm>> -> memref<128xi32, #tpu.memory_space<hbm>>
    tpu.enqueue_dma source(%dma_start3A_29 : memref<128xi32, #tpu.memory_space<hbm>>) target(%arg10 : memref<128xi32, #tpu.memory_space<vmem>>) target_semaphore(%arg20 : memref<!tpu.dma_semaphore, #tpu.memory_space<semaphore_mem>>)
    %dma_start3A_30 = tpu.memref_slice %arg4[%add3A_27] : memref<327680xi32, #tpu.memory_space<hbm>> -> memref<128xi32, #tpu.memory_space<hbm>>
    %dma_start3A_31 = tpu.memref_slice %arg4[%add3A_27] : memref<327680xi32, #tpu.memory_space<hbm>> -> memref<128xi32, #tpu.memory_space<hbm>>
    tpu.enqueue_dma source(%dma_start3A_31 : memref<128xi32, #tpu.memory_space<hbm>>) target(%arg14 : memref<128xi32, #tpu.memory_space<vmem>>) target_semaphore(%arg20 : memref<!tpu.dma_semaphore, #tpu.memory_space<semaphore_mem>>)
    %broadcast_in_dim3A = arith.constant 0.000000e+00 : f32
    %broadcast_in_dim3A_32 = vector.broadcast %broadcast_in_dim3A : f32 to vector<16xf32>
    %scan3A = arith.constant 0 : i32
    %scan3A_33 = arith.constant 0 : i32
    %scan3A_34 = arith.constant 1024 : i32
    %scan3A_35 = arith.addi %scan3A_33, %scan3A_34 : i32
    %scan3A_36 = arith.constant 1 : i32
    %scan3A_37 = scf.for %scan3A_104 = %scan3A_33 to %scan3A_35 step %scan3A_36 iter_args(%scan3A_105 = %scan3A) -> (i32)  : i32 {
      %jit3A_106 = arith.constant 8 : i32
      %div3A_107 = arith.divsi %scan3A_104, %jit3A_106 : i32
      %sign3A_108 = arith.constant 0 : i32
      %sign3A_109 = arith.cmpi sgt, %scan3A_104, %sign3A_108 : i32
      %sign3A_110 = arith.extui %sign3A_109 : i1 to i32
      %sign3A_111 = arith.constant 0 : i32
      %sign3A_112 = arith.cmpi slt, %scan3A_104, %sign3A_111 : i32
      %sign3A_113 = arith.extui %sign3A_112 : i1 to i32
      %sign3A_114 = arith.subi %sign3A_110, %sign3A_113 : i32
      %sign3A_115 = arith.constant 0 : i32
      %sign3A_116 = arith.cmpi sgt, %jit3A_106, %sign3A_115 : i32
      %sign3A_117 = arith.extui %sign3A_116 : i1 to i32
      %sign3A_118 = arith.constant 0 : i32
      %sign3A_119 = arith.cmpi slt, %jit3A_106, %sign3A_118 : i32
      %sign3A_120 = arith.extui %sign3A_119 : i1 to i32
      %sign3A_121 = arith.subi %sign3A_117, %sign3A_120 : i32
      %ne3A_122 = arith.cmpi ne, %sign3A_114, %sign3A_121 : i32
      %rem3A_123 = arith.remsi %scan3A_104, %jit3A_106 : i32
      %ne3A_124 = arith.constant 0 : i32
      %ne3A_125 = arith.cmpi ne, %rem3A_123, %ne3A_124 : i32
      %and3A_126 = arith.andi %ne3A_122, %ne3A_125 : i1
      %sub3A_127 = arith.constant 1 : i32
      %sub3A_128 = arith.subi %div3A_107, %sub3A_127 : i32
      %select_n3A_129 = arith.select %and3A_126, %sub3A_128, %div3A_107 : i32
      %jit3A_130 = arith.constant 8 : i32
      %eq3A_131 = arith.constant 0 : i32
      %eq3A_132 = arith.cmpi eq, %jit3A_130, %eq3A_131 : i32
      %jit3A_133 = arith.constant 1 : i32
      %select_n3A_134 = arith.select %eq3A_132, %jit3A_133, %jit3A_130 : i32
      %rem3A_135 = arith.remsi %scan3A_104, %select_n3A_134 : i32
      %ne3A_136 = arith.constant 0 : i32
      %ne3A_137 = arith.cmpi ne, %rem3A_135, %ne3A_136 : i32
      %lt3A = arith.constant 0 : i32
      %lt3A_138 = arith.cmpi slt, %rem3A_135, %lt3A : i32
      %lt3A_139 = arith.constant 0 : i32
      %lt3A_140 = arith.cmpi slt, %select_n3A_134, %lt3A_139 : i32
      %ne3A_141 = arith.xori %lt3A_138, %lt3A_140 : i1
      %and3A_142 = arith.andi %ne3A_141, %ne3A_137 : i1
      %add3A_143 = arith.addi %rem3A_135, %select_n3A_134 : i32
      %select_n3A_144 = arith.select %and3A_142, %add3A_143, %rem3A_135 : i32
      %mul3A_145 = arith.constant 16 : i32
      %mul3A_146 = arith.muli %select_n3A_144, %mul3A_145 : i32
      %swap3A = arith.index_cast %select_n3A_129 : i32 to index
      %swap3A_147 = arith.index_cast %mul3A_146 : i32 to index
      %swap3A_148 = tpu.vector_load %arg15[%swap3A, %swap3A_147] {strides = array<i32>} : memref<128x128xf32, #tpu.memory_space<vmem>>, vector<1x16xf32>,
      %swap3A_149 = vector.shape_cast %swap3A_148 : vector<1x16xf32> to vector<16xf32>
      %swap3A_150 = vector.shape_cast %broadcast_in_dim3A_32 : vector<16xf32> to vector<1x16xf32>
      tpu.vector_store %arg15[%swap3A, %swap3A_147], %swap3A_150 {strides = array<i32>} : memref<128x128xf32, #tpu.memory_space<vmem>>, vector<1x16xf32>,
      %scan3A_151 = arith.constant 0 : i32
      scf.yield %scan3A_151 : i32
    }
    %scan3A_38 = arith.constant 1024 : i32
    %mul3A_39 = arith.constant 632 : i32
    %mul3A_40 = arith.muli %arg1, %mul3A_39 : i32
    %add3A_41 = arith.constant 0 : i32
    %add3A_42 = arith.addi %mul3A_40, %add3A_41 : i32
    "tpu.region"() ({
      %run_scoped3A = tpu.sem_alloc : memref<!tpu.dma_semaphore, #tpu.memory_space<semaphore_mem>>
      %dma_start3A_104 = arith.constant 0 : i32
      %dma_start3A_105 = arith.constant 0 : i32
      %dma_start3A_106 = tpu.memref_slice %arg15[%dma_start3A_104, %dma_start3A_105] : memref<128x128xf32, #tpu.memory_space<vmem>> -> memref<128x128xf32, #tpu.memory_space<vmem>>
      %dma_start3A_107 = arith.constant 0 : i32
      %dma_start3A_108 = tpu.memref_slice %arg6[%add3A_42, %dma_start3A_107] : memref<10112x128xf32, #tpu.memory_space<vmem_shared>> -> memref<128x128xf32, #tpu.memory_space<vmem_shared>>
      %dma_start3A_109 = arith.constant 0 : i32
      %dma_start3A_110 = tpu.memref_slice %arg6[%add3A_42, %dma_start3A_109] : memref<10112x128xf32, #tpu.memory_space<vmem_shared>> -> memref<128x128xf32, #tpu.memory_space<vmem_shared>>
      %dma_start3A_111 = arith.constant 0 : i32
      %dma_start3A_112 = arith.constant 0 : i32
      %dma_start3A_113 = tpu.memref_slice %arg15[%dma_start3A_111, %dma_start3A_112] : memref<128x128xf32, #tpu.memory_space<vmem>> -> memref<128x128xf32, #tpu.memory_space<vmem>>
      tpu.enqueue_dma source(%dma_start3A_113 : memref<128x128xf32, #tpu.memory_space<vmem>>) target(%dma_start3A_110 : memref<128x128xf32, #tpu.memory_space<vmem_shared>>) target_semaphore(%run_scoped3A : memref<!tpu.dma_semaphore, #tpu.memory_space<semaphore_mem>>)
      %dma_wait3A_114 = arith.constant 0 : i32
      %dma_wait3A_115 = arith.constant 0 : i32
      %dma_wait3A_116 = tpu.memref_slice %arg15[%dma_wait3A_114, %dma_wait3A_115] : memref<128x128xf32, #tpu.memory_space<vmem>> -> memref<128x128xf32, #tpu.memory_space<vmem>>
      %dma_wait3A_117 = arith.constant 0 : i32
      %dma_wait3A_118 = tpu.memref_slice %arg6[%add3A_42, %dma_wait3A_117] : memref<10112x128xf32, #tpu.memory_space<vmem_shared>> -> memref<128x128xf32, #tpu.memory_space<vmem_shared>>
      %dma_wait3A_119 = arith.constant 0 : i32
      %dma_wait3A_120 = tpu.memref_slice %arg6[%add3A_42, %dma_wait3A_119] : memref<10112x128xf32, #tpu.memory_space<vmem_shared>> -> memref<128x128xf32, #tpu.memory_space<vmem_shared>>
      %dma_wait3A_121 = arith.constant 0 : i32
      %dma_wait3A_122 = arith.constant 0 : i32
      %dma_wait3A_123 = tpu.memref_slice %arg15[%dma_wait3A_121, %dma_wait3A_122] : memref<128x128xf32, #tpu.memory_space<vmem>> -> memref<128x128xf32, #tpu.memory_space<vmem>>
      tpu.wait_dma2 semaphore(%run_scoped3A : memref<!tpu.dma_semaphore, #tpu.memory_space<semaphore_mem>>) src(%dma_wait3A_123 : memref<128x128xf32, #tpu.memory_space<vmem>>) dst(%dma_wait3A_120 : memref<128x128xf32, #tpu.memory_space<vmem_shared>>)
      tpu.yield
    }) : () -> ()
    %add3A_43 = arith.constant 128 : i32
    %add3A_44 = arith.addi %mul3A_40, %add3A_43 : i32
    "tpu.region"() ({
      %run_scoped3A = tpu.sem_alloc : memref<!tpu.dma_semaphore, #tpu.memory_space<semaphore_mem>>
      %dma_start3A_104 = arith.constant 0 : i32
      %dma_start3A_105 = arith.constant 0 : i32
      %dma_start3A_106 = tpu.memref_slice %arg15[%dma_start3A_104, %dma_start3A_105] : memref<128x128xf32, #tpu.memory_space<vmem>> -> memref<128x128xf32, #tpu.memory_space<vmem>>
      %dma_start3A_107 = arith.constant 0 : i32
      %dma_start3A_108 = tpu.memref_slice %arg6[%add3A_44, %dma_start3A_107] : memref<10112x128xf32, #tpu.memory_space<vmem_shared>> -> memref<128x128xf32, #tpu.memory_space<vmem_shared>>
      %dma_start3A_109 = arith.constant 0 : i32
      %dma_start3A_110 = tpu.memref_slice %arg6[%add3A_44, %dma_start3A_109] : memref<10112x128xf32, #tpu.memory_space<vmem_shared>> -> memref<128x128xf32, #tpu.memory_space<vmem_shared>>
      %dma_start3A_111 = arith.constant 0 : i32
      %dma_start3A_112 = arith.constant 0 : i32
      %dma_start3A_113 = tpu.memref_slice %arg15[%dma_start3A_111, %dma_start3A_112] : memref<128x128xf32, #tpu.memory_space<vmem>> -> memref<128x128xf32, #tpu.memory_space<vmem>>
      tpu.enqueue_dma source(%dma_start3A_113 : memref<128x128xf32, #tpu.memory_space<vmem>>) target(%dma_start3A_110 : memref<128x128xf32, #tpu.memory_space<vmem_shared>>) target_semaphore(%run_scoped3A : memref<!tpu.dma_semaphore, #tpu.memory_space<semaphore_mem>>)
      %dma_wait3A_114 = arith.constant 0 : i32
      %dma_wait3A_115 = arith.constant 0 : i32
      %dma_wait3A_116 = tpu.memref_slice %arg15[%dma_wait3A_114, %dma_wait3A_115] : memref<128x128xf32, #tpu.memory_space<vmem>> -> memref<128x128xf32, #tpu.memory_space<vmem>>
      %dma_wait3A_117 = arith.constant 0 : i32
      %dma_wait3A_118 = tpu.memref_slice %arg6[%add3A_44, %dma_wait3A_117] : memref<10112x128xf32, #tpu.memory_space<vmem_shared>> -> memref<128x128xf32, #tpu.memory_space<vmem_shared>>
      %dma_wait3A_119 = arith.constant 0 : i32
      %dma_wait3A_120 = tpu.memref_slice %arg6[%add3A_44, %dma_wait3A_119] : memref<10112x128xf32, #tpu.memory_space<vmem_shared>> -> memref<128x128xf32, #tpu.memory_space<vmem_shared>>
      %dma_wait3A_121 = arith.constant 0 : i32
      %dma_wait3A_122 = arith.constant 0 : i32
      %dma_wait3A_123 = tpu.memref_slice %arg15[%dma_wait3A_121, %dma_wait3A_122] : memref<128x128xf32, #tpu.memory_space<vmem>> -> memref<128x128xf32, #tpu.memory_space<vmem>>
      tpu.wait_dma2 semaphore(%run_scoped3A : memref<!tpu.dma_semaphore, #tpu.memory_space<semaphore_mem>>) src(%dma_wait3A_123 : memref<128x128xf32, #tpu.memory_space<vmem>>) dst(%dma_wait3A_120 : memref<128x128xf32, #tpu.memory_space<vmem_shared>>)
      tpu.yield
    }) : () -> ()
    %add3A_45 = arith.constant 256 : i32
    %add3A_46 = arith.addi %mul3A_40, %add3A_45 : i32
    "tpu.region"() ({
      %run_scoped3A = tpu.sem_alloc : memref<!tpu.dma_semaphore, #tpu.memory_space<semaphore_mem>>
      %dma_start3A_104 = arith.constant 0 : i32
      %dma_start3A_105 = arith.constant 0 : i32
      %dma_start3A_106 = tpu.memref_slice %arg15[%dma_start3A_104, %dma_start3A_105] : memref<128x128xf32, #tpu.memory_space<vmem>> -> memref<128x128xf32, #tpu.memory_space<vmem>>
      %dma_start3A_107 = arith.constant 0 : i32
      %dma_start3A_108 = tpu.memref_slice %arg6[%add3A_46, %dma_start3A_107] : memref<10112x128xf32, #tpu.memory_space<vmem_shared>> -> memref<128x128xf32, #tpu.memory_space<vmem_shared>>
      %dma_start3A_109 = arith.constant 0 : i32
      %dma_start3A_110 = tpu.memref_slice %arg6[%add3A_46, %dma_start3A_109] : memref<10112x128xf32, #tpu.memory_space<vmem_shared>> -> memref<128x128xf32, #tpu.memory_space<vmem_shared>>
      %dma_start3A_111 = arith.constant 0 : i32
      %dma_start3A_112 = arith.constant 0 : i32
      %dma_start3A_113 = tpu.memref_slice %arg15[%dma_start3A_111, %dma_start3A_112] : memref<128x128xf32, #tpu.memory_space<vmem>> -> memref<128x128xf32, #tpu.memory_space<vmem>>
      tpu.enqueue_dma source(%dma_start3A_113 : memref<128x128xf32, #tpu.memory_space<vmem>>) target(%dma_start3A_110 : memref<128x128xf32, #tpu.memory_space<vmem_shared>>) target_semaphore(%run_scoped3A : memref<!tpu.dma_semaphore, #tpu.memory_space<semaphore_mem>>)
      %dma_wait3A_114 = arith.constant 0 : i32
      %dma_wait3A_115 = arith.constant 0 : i32
      %dma_wait3A_116 = tpu.memref_slice %arg15[%dma_wait3A_114, %dma_wait3A_115] : memref<128x128xf32, #tpu.memory_space<vmem>> -> memref<128x128xf32, #tpu.memory_space<vmem>>
      %dma_wait3A_117 = arith.constant 0 : i32
      %dma_wait3A_118 = tpu.memref_slice %arg6[%add3A_46, %dma_wait3A_117] : memref<10112x128xf32, #tpu.memory_space<vmem_shared>> -> memref<128x128xf32, #tpu.memory_space<vmem_shared>>
      %dma_wait3A_119 = arith.constant 0 : i32
      %dma_wait3A_120 = tpu.memref_slice %arg6[%add3A_46, %dma_wait3A_119] : memref<10112x128xf32, #tpu.memory_space<vmem_shared>> -> memref<128x128xf32, #tpu.memory_space<vmem_shared>>
      %dma_wait3A_121 = arith.constant 0 : i32
      %dma_wait3A_122 = arith.constant 0 : i32
      %dma_wait3A_123 = tpu.memref_slice %arg15[%dma_wait3A_121, %dma_wait3A_122] : memref<128x128xf32, #tpu.memory_space<vmem>> -> memref<128x128xf32, #tpu.memory_space<vmem>>
      tpu.wait_dma2 semaphore(%run_scoped3A : memref<!tpu.dma_semaphore, #tpu.memory_space<semaphore_mem>>) src(%dma_wait3A_123 : memref<128x128xf32, #tpu.memory_space<vmem>>) dst(%dma_wait3A_120 : memref<128x128xf32, #tpu.memory_space<vmem_shared>>)
      tpu.yield
    }) : () -> ()
    %add3A_47 = arith.constant 384 : i32
    %add3A_48 = arith.addi %mul3A_40, %add3A_47 : i32
    "tpu.region"() ({
      %run_scoped3A = tpu.sem_alloc : memref<!tpu.dma_semaphore, #tpu.memory_space<semaphore_mem>>
      %dma_start3A_104 = arith.constant 0 : i32
      %dma_start3A_105 = arith.constant 0 : i32
      %dma_start3A_106 = tpu.memref_slice %arg15[%dma_start3A_104, %dma_start3A_105] : memref<128x128xf32, #tpu.memory_space<vmem>> -> memref<128x128xf32, #tpu.memory_space<vmem>>
      %dma_start3A_107 = arith.constant 0 : i32
      %dma_start3A_108 = tpu.memref_slice %arg6[%add3A_48, %dma_start3A_107] : memref<10112x128xf32, #tpu.memory_space<vmem_shared>> -> memref<128x128xf32, #tpu.memory_space<vmem_shared>>
      %dma_start3A_109 = arith.constant 0 : i32
      %dma_start3A_110 = tpu.memref_slice %arg6[%add3A_48, %dma_start3A_109] : memref<10112x128xf32, #tpu.memory_space<vmem_shared>> -> memref<128x128xf32, #tpu.memory_space<vmem_shared>>
      %dma_start3A_111 = arith.constant 0 : i32
      %dma_start3A_112 = arith.constant 0 : i32
      %dma_start3A_113 = tpu.memref_slice %arg15[%dma_start3A_111, %dma_start3A_112] : memref<128x128xf32, #tpu.memory_space<vmem>> -> memref<128x128xf32, #tpu.memory_space<vmem>>
      tpu.enqueue_dma source(%dma_start3A_113 : memref<128x128xf32, #tpu.memory_space<vmem>>) target(%dma_start3A_110 : memref<128x128xf32, #tpu.memory_space<vmem_shared>>) target_semaphore(%run_scoped3A : memref<!tpu.dma_semaphore, #tpu.memory_space<semaphore_mem>>)
      %dma_wait3A_114 = arith.constant 0 : i32
      %dma_wait3A_115 = arith.constant 0 : i32
      %dma_wait3A_116 = tpu.memref_slice %arg15[%dma_wait3A_114, %dma_wait3A_115] : memref<128x128xf32, #tpu.memory_space<vmem>> -> memref<128x128xf32, #tpu.memory_space<vmem>>
      %dma_wait3A_117 = arith.constant 0 : i32
      %dma_wait3A_118 = tpu.memref_slice %arg6[%add3A_48, %dma_wait3A_117] : memref<10112x128xf32, #tpu.memory_space<vmem_shared>> -> memref<128x128xf32, #tpu.memory_space<vmem_shared>>
      %dma_wait3A_119 = arith.constant 0 : i32
      %dma_wait3A_120 = tpu.memref_slice %arg6[%add3A_48, %dma_wait3A_119] : memref<10112x128xf32, #tpu.memory_space<vmem_shared>> -> memref<128x128xf32, #tpu.memory_space<vmem_shared>>
      %dma_wait3A_121 = arith.constant 0 : i32
      %dma_wait3A_122 = arith.constant 0 : i32
      %dma_wait3A_123 = tpu.memref_slice %arg15[%dma_wait3A_121, %dma_wait3A_122] : memref<128x128xf32, #tpu.memory_space<vmem>> -> memref<128x128xf32, #tpu.memory_space<vmem>>
      tpu.wait_dma2 semaphore(%run_scoped3A : memref<!tpu.dma_semaphore, #tpu.memory_space<semaphore_mem>>) src(%dma_wait3A_123 : memref<128x128xf32, #tpu.memory_space<vmem>>) dst(%dma_wait3A_120 : memref<128x128xf32, #tpu.memory_space<vmem_shared>>)
      tpu.yield
    }) : () -> ()
    %add3A_49 = arith.constant 512 : i32
    %add3A_50 = arith.addi %mul3A_40, %add3A_49 : i32
    "tpu.region"() ({
      %run_scoped3A = tpu.sem_alloc : memref<!tpu.dma_semaphore, #tpu.memory_space<semaphore_mem>>
      %dma_start3A_104 = arith.constant 0 : i32
      %dma_start3A_105 = arith.constant 0 : i32
      %dma_start3A_106 = tpu.memref_slice %arg15[%dma_start3A_104, %dma_start3A_105] : memref<128x128xf32, #tpu.memory_space<vmem>> -> memref<120x128xf32, #tpu.memory_space<vmem>>
      %dma_start3A_107 = arith.constant 0 : i32
      %dma_start3A_108 = tpu.memref_slice %arg6[%add3A_50, %dma_start3A_107] : memref<10112x128xf32, #tpu.memory_space<vmem_shared>> -> memref<120x128xf32, #tpu.memory_space<vmem_shared>>
      %dma_start3A_109 = arith.constant 0 : i32
      %dma_start3A_110 = tpu.memref_slice %arg6[%add3A_50, %dma_start3A_109] : memref<10112x128xf32, #tpu.memory_space<vmem_shared>> -> memref<120x128xf32, #tpu.memory_space<vmem_shared>>
      %dma_start3A_111 = arith.constant 0 : i32
      %dma_start3A_112 = arith.constant 0 : i32
      %dma_start3A_113 = tpu.memref_slice %arg15[%dma_start3A_111, %dma_start3A_112] : memref<128x128xf32, #tpu.memory_space<vmem>> -> memref<120x128xf32, #tpu.memory_space<vmem>>
      tpu.enqueue_dma source(%dma_start3A_113 : memref<120x128xf32, #tpu.memory_space<vmem>>) target(%dma_start3A_110 : memref<120x128xf32, #tpu.memory_space<vmem_shared>>) target_semaphore(%run_scoped3A : memref<!tpu.dma_semaphore, #tpu.memory_space<semaphore_mem>>)
      %dma_wait3A_114 = arith.constant 0 : i32
      %dma_wait3A_115 = arith.constant 0 : i32
      %dma_wait3A_116 = tpu.memref_slice %arg15[%dma_wait3A_114, %dma_wait3A_115] : memref<128x128xf32, #tpu.memory_space<vmem>> -> memref<120x128xf32, #tpu.memory_space<vmem>>
      %dma_wait3A_117 = arith.constant 0 : i32
      %dma_wait3A_118 = tpu.memref_slice %arg6[%add3A_50, %dma_wait3A_117] : memref<10112x128xf32, #tpu.memory_space<vmem_shared>> -> memref<120x128xf32, #tpu.memory_space<vmem_shared>>
      %dma_wait3A_119 = arith.constant 0 : i32
      %dma_wait3A_120 = tpu.memref_slice %arg6[%add3A_50, %dma_wait3A_119] : memref<10112x128xf32, #tpu.memory_space<vmem_shared>> -> memref<120x128xf32, #tpu.memory_space<vmem_shared>>
      %dma_wait3A_121 = arith.constant 0 : i32
      %dma_wait3A_122 = arith.constant 0 : i32
      %dma_wait3A_123 = tpu.memref_slice %arg15[%dma_wait3A_121, %dma_wait3A_122] : memref<128x128xf32, #tpu.memory_space<vmem>> -> memref<120x128xf32, #tpu.memory_space<vmem>>
      tpu.wait_dma2 semaphore(%run_scoped3A : memref<!tpu.dma_semaphore, #tpu.memory_space<semaphore_mem>>) src(%dma_wait3A_123 : memref<120x128xf32, #tpu.memory_space<vmem>>) dst(%dma_wait3A_120 : memref<120x128xf32, #tpu.memory_space<vmem_shared>>)
      tpu.yield
    }) : () -> ()
    %barrier3A = arith.constant 0 : index
    tpu.barrier barrier_id(%barrier3A)
    %dma_wait3A = arith.constant 0 : i32
    %dma_wait3A_51 = tpu.memref_slice %arg3[%dma_wait3A] : memref<327680xi32, #tpu.memory_space<hbm>> -> memref<128xi32, #tpu.memory_space<hbm>>
    %dma_wait3A_52 = arith.constant 0 : i32
    %dma_wait3A_53 = tpu.memref_slice %arg3[%dma_wait3A_52] : memref<327680xi32, #tpu.memory_space<hbm>> -> memref<128xi32, #tpu.memory_space<hbm>>
    tpu.wait_dma2 semaphore(%arg17 : memref<!tpu.dma_semaphore, #tpu.memory_space<semaphore_mem>>) src(%dma_wait3A_53 : memref<128xi32, #tpu.memory_space<hbm>>) dst(%arg7 : memref<128xi32, #tpu.memory_space<vmem>>)
    %dma_wait3A_54 = arith.constant 0 : i32
    %dma_wait3A_55 = tpu.memref_slice %arg4[%dma_wait3A_54] : memref<327680xi32, #tpu.memory_space<hbm>> -> memref<128xi32, #tpu.memory_space<hbm>>
    %dma_wait3A_56 = arith.constant 0 : i32
    %dma_wait3A_57 = tpu.memref_slice %arg4[%dma_wait3A_56] : memref<327680xi32, #tpu.memory_space<hbm>> -> memref<128xi32, #tpu.memory_space<hbm>>
    tpu.wait_dma2 semaphore(%arg17 : memref<!tpu.dma_semaphore, #tpu.memory_space<semaphore_mem>>) src(%dma_wait3A_57 : memref<128xi32, #tpu.memory_space<hbm>>) dst(%arg11 : memref<128xi32, #tpu.memory_space<vmem>>)
    %dma_start3A_58 = arith.constant 0 : i32
    %dma_start3A_59 = arith.constant 0 : i32
    %dma_start3A_60 = tpu.memref_slice %arg2[%dma_start3A_58, %dma_start3A_59] : memref<10000x128xf32, #tpu.memory_space<hbm>> -> memref<10000x128xf32, #tpu.memory_space<hbm>>
    tpu.enqueue_indirect_dma source(%dma_start3A_60 : memref<10000x128xf32, #tpu.memory_space<hbm>>) target(%arg15 : memref<128x128xf32, #tpu.memory_space<vmem>>) offsets(%arg7 : memref<128xi32, #tpu.memory_space<vmem>>) semaphore(%arg21 : memref<!tpu.dma_semaphore, #tpu.memory_space<semaphore_mem>>)
    %dma_wait3A_61 = arith.constant 0 : i32
    %dma_wait3A_62 = tpu.memref_slice %arg3[%dma_wait3A_61] : memref<327680xi32, #tpu.memory_space<hbm>> -> memref<128xi32, #tpu.memory_space<hbm>>
    %dma_wait3A_63 = arith.constant 0 : i32
    %dma_wait3A_64 = tpu.memref_slice %arg3[%dma_wait3A_63] : memref<327680xi32, #tpu.memory_space<hbm>> -> memref<128xi32, #tpu.memory_space<hbm>>
    tpu.wait_dma2 semaphore(%arg18 : memref<!tpu.dma_semaphore, #tpu.memory_space<semaphore_mem>>) src(%dma_wait3A_64 : memref<128xi32, #tpu.memory_space<hbm>>) dst(%arg8 : memref<128xi32, #tpu.memory_space<vmem>>)
    %dma_wait3A_65 = arith.constant 0 : i32
    %dma_wait3A_66 = tpu.memref_slice %arg4[%dma_wait3A_65] : memref<327680xi32, #tpu.memory_space<hbm>> -> memref<128xi32, #tpu.memory_space<hbm>>
    %dma_wait3A_67 = arith.constant 0 : i32
    %dma_wait3A_68 = tpu.memref_slice %arg4[%dma_wait3A_67] : memref<327680xi32, #tpu.memory_space<hbm>> -> memref<128xi32, #tpu.memory_space<hbm>>
    tpu.wait_dma2 semaphore(%arg18 : memref<!tpu.dma_semaphore, #tpu.memory_space<semaphore_mem>>) src(%dma_wait3A_68 : memref<128xi32, #tpu.memory_space<hbm>>) dst(%arg12 : memref<128xi32, #tpu.memory_space<vmem>>)
    %dma_start3A_69 = arith.constant 0 : i32
    %dma_start3A_70 = arith.constant 0 : i32
    %dma_start3A_71 = tpu.memref_slice %arg2[%dma_start3A_69, %dma_start3A_70] : memref<10000x128xf32, #tpu.memory_space<hbm>> -> memref<10000x128xf32, #tpu.memory_space<hbm>>
    tpu.enqueue_indirect_dma source(%dma_start3A_71 : memref<10000x128xf32, #tpu.memory_space<hbm>>) target(%arg16 : memref<128x128xf32, #tpu.memory_space<vmem>>) offsets(%arg8 : memref<128xi32, #tpu.memory_space<vmem>>) semaphore(%arg22 : memref<!tpu.dma_semaphore, #tpu.memory_space<semaphore_mem>>)
    %jit3A_72 = arith.constant 4 : i32
    %div3A = arith.divsi %select_n3A, %jit3A_72 : i32
    %sign3A = arith.constant 0 : i32
    %sign3A_73 = arith.cmpi sgt, %select_n3A, %sign3A : i32
    %sign3A_74 = arith.extui %sign3A_73 : i1 to i32
    %sign3A_75 = arith.constant 0 : i32
    %sign3A_76 = arith.cmpi slt, %select_n3A, %sign3A_75 : i32
    %sign3A_77 = arith.extui %sign3A_76 : i1 to i32
    %sign3A_78 = arith.subi %sign3A_74, %sign3A_77 : i32
    %sign3A_79 = arith.constant 0 : i32
    %sign3A_80 = arith.cmpi sgt, %jit3A_72, %sign3A_79 : i32
    %sign3A_81 = arith.extui %sign3A_80 : i1 to i32
    %sign3A_82 = arith.constant 0 : i32
    %sign3A_83 = arith.cmpi slt, %jit3A_72, %sign3A_82 : i32
    %sign3A_84 = arith.extui %sign3A_83 : i1 to i32
    %sign3A_85 = arith.subi %sign3A_81, %sign3A_84 : i32
    %ne3A = arith.cmpi ne, %sign3A_78, %sign3A_85 : i32
    %rem3A = arith.remsi %select_n3A, %jit3A_72 : i32
    %ne3A_86 = arith.constant 0 : i32
    %ne3A_87 = arith.cmpi ne, %rem3A, %ne3A_86 : i32
    %and3A = arith.andi %ne3A, %ne3A_87 : i1
    %sub3A = arith.constant 1 : i32
    %sub3A_88 = arith.subi %div3A, %sub3A : i32
    %select_n3A_89 = arith.select %and3A, %sub3A_88, %div3A : i32
    %while3A = arith.constant 0 : i32
    %while3A_90 = arith.constant 0 : i32
    %while3A_91 = arith.subi %select_n3A_89, %while3A : i32
    %while3A_92 = arith.addi %while3A, %while3A_91 : i32
    %while3A_93 = arith.constant 1 : i32
    %while3A_94 = arith.divsi %while3A_91, %while3A_93 : i32
    %while3A_95 = arith.muli %while3A_94, %while3A_93 : i32
    %while3A_96 = arith.addi %while3A, %while3A_95 : i32
    %while3A_97 = arith.constant 1 : i32
    %while3A_98 = scf.for %while3A_104 = %while3A to %while3A_96 step %while3A_97 iter_args(%while3A_105 = %while3A_90) -> (i32)  : i32 {
      %mul3A_106 = arith.constant 4 : i32
      %mul3A_107 = arith.muli %mul3A_106, %while3A_104 : i32
      %add3A_108 = arith.constant 0 : i32
      %add3A_109 = arith.addi %mul3A_107, %add3A_108 : i32
      %dma_wait3A_110 = arith.constant 0 : i32
      %dma_wait3A_111 = arith.constant 0 : i32
      %dma_wait3A_112 = tpu.memref_slice %arg2[%dma_wait3A_110, %dma_wait3A_111] : memref<10000x128xf32, #tpu.memory_space<hbm>> -> memref<10000x128xf32, #tpu.memory_space<hbm>>
      tpu.wait_indirect_dma semaphore(%arg21 : memref<!tpu.dma_semaphore, #tpu.memory_space<semaphore_mem>>) src(%dma_wait3A_112 : memref<10000x128xf32, #tpu.memory_space<hbm>>) dst(%arg15 : memref<128x128xf32, #tpu.memory_space<vmem>>)
      "tpu.region"() ({
        %run_scoped3A = tpu.sem_alloc : memref<!tpu.dma_semaphore, #tpu.memory_space<semaphore_mem>>
        %dma_start3A_174 = arith.constant 0 : i32
        %dma_start3A_175 = arith.constant 0 : i32
        %dma_start3A_176 = tpu.memref_slice %arg6[%dma_start3A_174, %dma_start3A_175] : memref<10112x128xf32, #tpu.memory_space<vmem_shared>> -> memref<10112x128xf32, #tpu.memory_space<vmem_shared>>
        tpu.enqueue_indirect_dma source(%arg15 : memref<128x128xf32, #tpu.memory_space<vmem>>) target(%dma_start3A_176 : memref<10112x128xf32, #tpu.memory_space<vmem_shared>>) offsets(%arg11 : memref<128xi32, #tpu.memory_space<vmem>>) semaphore(%run_scoped3A : memref<!tpu.dma_semaphore, #tpu.memory_space<semaphore_mem>>) {add = true}
        %dma_wait3A_177 = arith.constant 0 : i32
        %dma_wait3A_178 = arith.constant 0 : i32
        %dma_wait3A_179 = tpu.memref_slice %arg6[%dma_wait3A_177, %dma_wait3A_178] : memref<10112x128xf32, #tpu.memory_space<vmem_shared>> -> memref<10112x128xf32, #tpu.memory_space<vmem_shared>>
        tpu.wait_indirect_dma semaphore(%run_scoped3A : memref<!tpu.dma_semaphore, #tpu.memory_space<semaphore_mem>>) src(%arg15 : memref<128x128xf32, #tpu.memory_space<vmem>>) dst(%dma_wait3A_179 : memref<10112x128xf32, #tpu.memory_space<vmem_shared>>)
        tpu.yield
      }) : () -> ()
      %add3A_113 = arith.constant 4 : i32
      %add3A_114 = arith.addi %add3A_109, %add3A_113 : i32
      %lt3A = arith.cmpi slt, %add3A_114, %select_n3A : i32
      %convert_element_type3A = arith.extui %lt3A : i1 to i32
      %cond3A = arith.constant 0 : i32
      %cond3A_115 = arith.cmpi ne, %convert_element_type3A, %cond3A : i32
      scf.if %cond3A_115 {
        %add3A_174 = arith.constant 4 : i32
        %add3A_175 = arith.addi %add3A_109, %add3A_174 : i32
        %mul3A_176 = arith.constant 128 : i32
        %mul3A_177 = arith.muli %add3A_175, %mul3A_176 : i32
        %add3A_178 = arith.addi %select_n3A_8, %mul3A_177 : i32
        %dma_start3A_179 = tpu.memref_slice %arg3[%add3A_178] : memref<327680xi32, #tpu.memory_space<hbm>> -> memref<128xi32, #tpu.memory_space<hbm>>
        %dma_start3A_180 = tpu.memref_slice %arg3[%add3A_178] : memref<327680xi32, #tpu.memory_space<hbm>> -> memref<128xi32, #tpu.memory_space<hbm>>
        tpu.enqueue_dma source(%dma_start3A_180 : memref<128xi32, #tpu.memory_space<hbm>>) target(%arg7 : memref<128xi32, #tpu.memory_space<vmem>>) target_semaphore(%arg17 : memref<!tpu.dma_semaphore, #tpu.memory_space<semaphore_mem>>)
        %dma_start3A_181 = tpu.memref_slice %arg4[%add3A_178] : memref<327680xi32, #tpu.memory_space<hbm>> -> memref<128xi32, #tpu.memory_space<hbm>>
        %dma_start3A_182 = tpu.memref_slice %arg4[%add3A_178] : memref<327680xi32, #tpu.memory_space<hbm>> -> memref<128xi32, #tpu.memory_space<hbm>>
        tpu.enqueue_dma source(%dma_start3A_182 : memref<128xi32, #tpu.memory_space<hbm>>) target(%arg11 : memref<128xi32, #tpu.memory_space<vmem>>) target_semaphore(%arg17 : memref<!tpu.dma_semaphore, #tpu.memory_space<semaphore_mem>>)
      } else {
      }
      %add3A_116 = arith.constant 2 : i32
      %add3A_117 = arith.addi %add3A_109, %add3A_116 : i32
      %lt3A_118 = arith.cmpi slt, %add3A_117, %select_n3A : i32
      %convert_element_type3A_119 = arith.extui %lt3A_118 : i1 to i32
      %cond3A_120 = arith.constant 0 : i32
      %cond3A_121 = arith.cmpi ne, %convert_element_type3A_119, %cond3A_120 : i32
      scf.if %cond3A_121 {
        %dma_wait3A_174 = arith.constant 0 : i32
        %dma_wait3A_175 = tpu.memref_slice %arg3[%dma_wait3A_174] : memref<327680xi32, #tpu.memory_space<hbm>> -> memref<128xi32, #tpu.memory_space<hbm>>
        %dma_wait3A_176 = arith.constant 0 : i32
        %dma_wait3A_177 = tpu.memref_slice %arg3[%dma_wait3A_176] : memref<327680xi32, #tpu.memory_space<hbm>> -> memref<128xi32, #tpu.memory_space<hbm>>
        tpu.wait_dma2 semaphore(%arg19 : memref<!tpu.dma_semaphore, #tpu.memory_space<semaphore_mem>>) src(%dma_wait3A_177 : memref<128xi32, #tpu.memory_space<hbm>>) dst(%arg9 : memref<128xi32, #tpu.memory_space<vmem>>)
        %dma_wait3A_178 = arith.constant 0 : i32
        %dma_wait3A_179 = tpu.memref_slice %arg4[%dma_wait3A_178] : memref<327680xi32, #tpu.memory_space<hbm>> -> memref<128xi32, #tpu.memory_space<hbm>>
        %dma_wait3A_180 = arith.constant 0 : i32
        %dma_wait3A_181 = tpu.memref_slice %arg4[%dma_wait3A_180] : memref<327680xi32, #tpu.memory_space<hbm>> -> memref<128xi32, #tpu.memory_space<hbm>>
        tpu.wait_dma2 semaphore(%arg19 : memref<!tpu.dma_semaphore, #tpu.memory_space<semaphore_mem>>) src(%dma_wait3A_181 : memref<128xi32, #tpu.memory_space<hbm>>) dst(%arg13 : memref<128xi32, #tpu.memory_space<vmem>>)
        %dma_start3A_182 = arith.constant 0 : i32
        %dma_start3A_183 = arith.constant 0 : i32
        %dma_start3A_184 = tpu.memref_slice %arg2[%dma_start3A_182, %dma_start3A_183] : memref<10000x128xf32, #tpu.memory_space<hbm>> -> memref<10000x128xf32, #tpu.memory_space<hbm>>
        tpu.enqueue_indirect_dma source(%dma_start3A_184 : memref<10000x128xf32, #tpu.memory_space<hbm>>) target(%arg15 : memref<128x128xf32, #tpu.memory_space<vmem>>) offsets(%arg9 : memref<128xi32, #tpu.memory_space<vmem>>) semaphore(%arg21 : memref<!tpu.dma_semaphore, #tpu.memory_space<semaphore_mem>>)
      } else {
      }
      %add3A_122 = arith.constant 1 : i32
      %add3A_123 = arith.addi %mul3A_107, %add3A_122 : i32
      %dma_wait3A_124 = arith.constant 0 : i32
      %dma_wait3A_125 = arith.constant 0 : i32
      %dma_wait3A_126 = tpu.memref_slice %arg2[%dma_wait3A_124, %dma_wait3A_125] : memref<10000x128xf32, #tpu.memory_space<hbm>> -> memref<10000x128xf32, #tpu.memory_space<hbm>>
      tpu.wait_indirect_dma semaphore(%arg22 : memref<!tpu.dma_semaphore, #tpu.memory_space<semaphore_mem>>) src(%dma_wait3A_126 : memref<10000x128xf32, #tpu.memory_space<hbm>>) dst(%arg16 : memref<128x128xf32, #tpu.memory_space<vmem>>)
      "tpu.region"() ({
        %run_scoped3A = tpu.sem_alloc : memref<!tpu.dma_semaphore, #tpu.memory_space<semaphore_mem>>
        %dma_start3A_174 = arith.constant 0 : i32
        %dma_start3A_175 = arith.constant 0 : i32
        %dma_start3A_176 = tpu.memref_slice %arg6[%dma_start3A_174, %dma_start3A_175] : memref<10112x128xf32, #tpu.memory_space<vmem_shared>> -> memref<10112x128xf32, #tpu.memory_space<vmem_shared>>
        tpu.enqueue_indirect_dma source(%arg16 : memref<128x128xf32, #tpu.memory_space<vmem>>) target(%dma_start3A_176 : memref<10112x128xf32, #tpu.memory_space<vmem_shared>>) offsets(%arg12 : memref<128xi32, #tpu.memory_space<vmem>>) semaphore(%run_scoped3A : memref<!tpu.dma_semaphore, #tpu.memory_space<semaphore_mem>>) {add = true}
        %dma_wait3A_177 = arith.constant 0 : i32
        %dma_wait3A_178 = arith.constant 0 : i32
        %dma_wait3A_179 = tpu.memref_slice %arg6[%dma_wait3A_177, %dma_wait3A_178] : memref<10112x128xf32, #tpu.memory_space<vmem_shared>> -> memref<10112x128xf32, #tpu.memory_space<vmem_shared>>
        tpu.wait_indirect_dma semaphore(%run_scoped3A : memref<!tpu.dma_semaphore, #tpu.memory_space<semaphore_mem>>) src(%arg16 : memref<128x128xf32, #tpu.memory_space<vmem>>) dst(%dma_wait3A_179 : memref<10112x128xf32, #tpu.memory_space<vmem_shared>>)
        tpu.yield
      }) : () -> ()
      %add3A_127 = arith.constant 4 : i32
      %add3A_128 = arith.addi %add3A_123, %add3A_127 : i32
      %lt3A_129 = arith.cmpi slt, %add3A_128, %select_n3A : i32
      %convert_element_type3A_130 = arith.extui %lt3A_129 : i1 to i32
      %cond3A_131 = arith.constant 0 : i32
      %cond3A_132 = arith.cmpi ne, %convert_element_type3A_130, %cond3A_131 : i32
      scf.if %cond3A_132 {
        %add3A_174 = arith.constant 4 : i32
        %add3A_175 = arith.addi %add3A_123, %add3A_174 : i32
        %mul3A_176 = arith.constant 128 : i32
        %mul3A_177 = arith.muli %add3A_175, %mul3A_176 : i32
        %add3A_178 = arith.addi %select_n3A_8, %mul3A_177 : i32
        %dma_start3A_179 = tpu.memref_slice %arg3[%add3A_178] : memref<327680xi32, #tpu.memory_space<hbm>> -> memref<128xi32, #tpu.memory_space<hbm>>
        %dma_start3A_180 = tpu.memref_slice %arg3[%add3A_178] : memref<327680xi32, #tpu.memory_space<hbm>> -> memref<128xi32, #tpu.memory_space<hbm>>
        tpu.enqueue_dma source(%dma_start3A_180 : memref<128xi32, #tpu.memory_space<hbm>>) target(%arg8 : memref<128xi32, #tpu.memory_space<vmem>>) target_semaphore(%arg18 : memref<!tpu.dma_semaphore, #tpu.memory_space<semaphore_mem>>)
        %dma_start3A_181 = tpu.memref_slice %arg4[%add3A_178] : memref<327680xi32, #tpu.memory_space<hbm>> -> memref<128xi32, #tpu.memory_space<hbm>>
        %dma_start3A_182 = tpu.memref_slice %arg4[%add3A_178] : memref<327680xi32, #tpu.memory_space<hbm>> -> memref<128xi32, #tpu.memory_space<hbm>>
        tpu.enqueue_dma source(%dma_start3A_182 : memref<128xi32, #tpu.memory_space<hbm>>) target(%arg12 : memref<128xi32, #tpu.memory_space<vmem>>) target_semaphore(%arg18 : memref<!tpu.dma_semaphore, #tpu.memory_space<semaphore_mem>>)
      } else {
      }
      %add3A_133 = arith.constant 2 : i32
      %add3A_134 = arith.addi %add3A_123, %add3A_133 : i32
      %lt3A_135 = arith.cmpi slt, %add3A_134, %select_n3A : i32
      %convert_element_type3A_136 = arith.extui %lt3A_135 : i1 to i32
      %cond3A_137 = arith.constant 0 : i32
      %cond3A_138 = arith.cmpi ne, %convert_element_type3A_136, %cond3A_137 : i32
      scf.if %cond3A_138 {
        %dma_wait3A_174 = arith.constant 0 : i32
        %dma_wait3A_175 = tpu.memref_slice %arg3[%dma_wait3A_174] : memref<327680xi32, #tpu.memory_space<hbm>> -> memref<128xi32, #tpu.memory_space<hbm>>
        %dma_wait3A_176 = arith.constant 0 : i32
        %dma_wait3A_177 = tpu.memref_slice %arg3[%dma_wait3A_176] : memref<327680xi32, #tpu.memory_space<hbm>> -> memref<128xi32, #tpu.memory_space<hbm>>
        tpu.wait_dma2 semaphore(%arg20 : memref<!tpu.dma_semaphore, #tpu.memory_space<semaphore_mem>>) src(%dma_wait3A_177 : memref<128xi32, #tpu.memory_space<hbm>>) dst(%arg10 : memref<128xi32, #tpu.memory_space<vmem>>)
        %dma_wait3A_178 = arith.constant 0 : i32
        %dma_wait3A_179 = tpu.memref_slice %arg4[%dma_wait3A_178] : memref<327680xi32, #tpu.memory_space<hbm>> -> memref<128xi32, #tpu.memory_space<hbm>>
        %dma_wait3A_180 = arith.constant 0 : i32
        %dma_wait3A_181 = tpu.memref_slice %arg4[%dma_wait3A_180] : memref<327680xi32, #tpu.memory_space<hbm>> -> memref<128xi32, #tpu.memory_space<hbm>>
        tpu.wait_dma2 semaphore(%arg20 : memref<!tpu.dma_semaphore, #tpu.memory_space<semaphore_mem>>) src(%dma_wait3A_181 : memref<128xi32, #tpu.memory_space<hbm>>) dst(%arg14 : memref<128xi32, #tpu.memory_space<vmem>>)
        %dma_start3A_182 = arith.constant 0 : i32
        %dma_start3A_183 = arith.constant 0 : i32
        %dma_start3A_184 = tpu.memref_slice %arg2[%dma_start3A_182, %dma_start3A_183] : memref<10000x128xf32, #tpu.memory_space<hbm>> -> memref<10000x128xf32, #tpu.memory_space<hbm>>
        tpu.enqueue_indirect_dma source(%dma_start3A_184 : memref<10000x128xf32, #tpu.memory_space<hbm>>) target(%arg16 : memref<128x128xf32, #tpu.memory_space<vmem>>) offsets(%arg10 : memref<128xi32, #tpu.memory_space<vmem>>) semaphore(%arg22 : memref<!tpu.dma_semaphore, #tpu.memory_space<semaphore_mem>>)
      } else {
      }
      %add3A_139 = arith.constant 2 : i32
      %add3A_140 = arith.addi %mul3A_107, %add3A_139 : i32
      %dma_wait3A_141 = arith.constant 0 : i32
      %dma_wait3A_142 = arith.constant 0 : i32
      %dma_wait3A_143 = tpu.memref_slice %arg2[%dma_wait3A_141, %dma_wait3A_142] : memref<10000x128xf32, #tpu.memory_space<hbm>> -> memref<10000x128xf32, #tpu.memory_space<hbm>>
      tpu.wait_indirect_dma semaphore(%arg21 : memref<!tpu.dma_semaphore, #tpu.memory_space<semaphore_mem>>) src(%dma_wait3A_143 : memref<10000x128xf32, #tpu.memory_space<hbm>>) dst(%arg15 : memref<128x128xf32, #tpu.memory_space<vmem>>)
      "tpu.region"() ({
        %run_scoped3A = tpu.sem_alloc : memref<!tpu.dma_semaphore, #tpu.memory_space<semaphore_mem>>
        %dma_start3A_174 = arith.constant 0 : i32
        %dma_start3A_175 = arith.constant 0 : i32
        %dma_start3A_176 = tpu.memref_slice %arg6[%dma_start3A_174, %dma_start3A_175] : memref<10112x128xf32, #tpu.memory_space<vmem_shared>> -> memref<10112x128xf32, #tpu.memory_space<vmem_shared>>
        tpu.enqueue_indirect_dma source(%arg15 : memref<128x128xf32, #tpu.memory_space<vmem>>) target(%dma_start3A_176 : memref<10112x128xf32, #tpu.memory_space<vmem_shared>>) offsets(%arg13 : memref<128xi32, #tpu.memory_space<vmem>>) semaphore(%run_scoped3A : memref<!tpu.dma_semaphore, #tpu.memory_space<semaphore_mem>>) {add = true}
        %dma_wait3A_177 = arith.constant 0 : i32
        %dma_wait3A_178 = arith.constant 0 : i32
        %dma_wait3A_179 = tpu.memref_slice %arg6[%dma_wait3A_177, %dma_wait3A_178] : memref<10112x128xf32, #tpu.memory_space<vmem_shared>> -> memref<10112x128xf32, #tpu.memory_space<vmem_shared>>
        tpu.wait_indirect_dma semaphore(%run_scoped3A : memref<!tpu.dma_semaphore, #tpu.memory_space<semaphore_mem>>) src(%arg15 : memref<128x128xf32, #tpu.memory_space<vmem>>) dst(%dma_wait3A_179 : memref<10112x128xf32, #tpu.memory_space<vmem_shared>>)
        tpu.yield
      }) : () -> ()
      %add3A_144 = arith.constant 4 : i32
      %add3A_145 = arith.addi %add3A_140, %add3A_144 : i32
      %lt3A_146 = arith.cmpi slt, %add3A_145, %select_n3A : i32
      %convert_element_type3A_147 = arith.extui %lt3A_146 : i1 to i32
      %cond3A_148 = arith.constant 0 : i32
      %cond3A_149 = arith.cmpi ne, %convert_element_type3A_147, %cond3A_148 : i32
      scf.if %cond3A_149 {
        %add3A_174 = arith.constant 4 : i32
        %add3A_175 = arith.addi %add3A_140, %add3A_174 : i32
        %mul3A_176 = arith.constant 128 : i32
        %mul3A_177 = arith.muli %add3A_175, %mul3A_176 : i32
        %add3A_178 = arith.addi %select_n3A_8, %mul3A_177 : i32
        %dma_start3A_179 = tpu.memref_slice %arg3[%add3A_178] : memref<327680xi32, #tpu.memory_space<hbm>> -> memref<128xi32, #tpu.memory_space<hbm>>
        %dma_start3A_180 = tpu.memref_slice %arg3[%add3A_178] : memref<327680xi32, #tpu.memory_space<hbm>> -> memref<128xi32, #tpu.memory_space<hbm>>
        tpu.enqueue_dma source(%dma_start3A_180 : memref<128xi32, #tpu.memory_space<hbm>>) target(%arg9 : memref<128xi32, #tpu.memory_space<vmem>>) target_semaphore(%arg19 : memref<!tpu.dma_semaphore, #tpu.memory_space<semaphore_mem>>)
        %dma_start3A_181 = tpu.memref_slice %arg4[%add3A_178] : memref<327680xi32, #tpu.memory_space<hbm>> -> memref<128xi32, #tpu.memory_space<hbm>>
        %dma_start3A_182 = tpu.memref_slice %arg4[%add3A_178] : memref<327680xi32, #tpu.memory_space<hbm>> -> memref<128xi32, #tpu.memory_space<hbm>>
        tpu.enqueue_dma source(%dma_start3A_182 : memref<128xi32, #tpu.memory_space<hbm>>) target(%arg13 : memref<128xi32, #tpu.memory_space<vmem>>) target_semaphore(%arg19 : memref<!tpu.dma_semaphore, #tpu.memory_space<semaphore_mem>>)
      } else {
      }
      %add3A_150 = arith.constant 2 : i32
      %add3A_151 = arith.addi %add3A_140, %add3A_150 : i32
      %lt3A_152 = arith.cmpi slt, %add3A_151, %select_n3A : i32
      %convert_element_type3A_153 = arith.extui %lt3A_152 : i1 to i32
      %cond3A_154 = arith.constant 0 : i32
      %cond3A_155 = arith.cmpi ne, %convert_element_type3A_153, %cond3A_154 : i32
      scf.if %cond3A_155 {
        %dma_wait3A_174 = arith.constant 0 : i32
        %dma_wait3A_175 = tpu.memref_slice %arg3[%dma_wait3A_174] : memref<327680xi32, #tpu.memory_space<hbm>> -> memref<128xi32, #tpu.memory_space<hbm>>
        %dma_wait3A_176 = arith.constant 0 : i32
        %dma_wait3A_177 = tpu.memref_slice %arg3[%dma_wait3A_176] : memref<327680xi32, #tpu.memory_space<hbm>> -> memref<128xi32, #tpu.memory_space<hbm>>
        tpu.wait_dma2 semaphore(%arg17 : memref<!tpu.dma_semaphore, #tpu.memory_space<semaphore_mem>>) src(%dma_wait3A_177 : memref<128xi32, #tpu.memory_space<hbm>>) dst(%arg7 : memref<128xi32, #tpu.memory_space<vmem>>)
        %dma_wait3A_178 = arith.constant 0 : i32
        %dma_wait3A_179 = tpu.memref_slice %arg4[%dma_wait3A_178] : memref<327680xi32, #tpu.memory_space<hbm>> -> memref<128xi32, #tpu.memory_space<hbm>>
        %dma_wait3A_180 = arith.constant 0 : i32
        %dma_wait3A_181 = tpu.memref_slice %arg4[%dma_wait3A_180] : memref<327680xi32, #tpu.memory_space<hbm>> -> memref<128xi32, #tpu.memory_space<hbm>>
        tpu.wait_dma2 semaphore(%arg17 : memref<!tpu.dma_semaphore, #tpu.memory_space<semaphore_mem>>) src(%dma_wait3A_181 : memref<128xi32, #tpu.memory_space<hbm>>) dst(%arg11 : memref<128xi32, #tpu.memory_space<vmem>>)
        %dma_start3A_182 = arith.constant 0 : i32
        %dma_start3A_183 = arith.constant 0 : i32
        %dma_start3A_184 = tpu.memref_slice %arg2[%dma_start3A_182, %dma_start3A_183] : memref<10000x128xf32, #tpu.memory_space<hbm>> -> memref<10000x128xf32, #tpu.memory_space<hbm>>
        tpu.enqueue_indirect_dma source(%dma_start3A_184 : memref<10000x128xf32, #tpu.memory_space<hbm>>) target(%arg15 : memref<128x128xf32, #tpu.memory_space<vmem>>) offsets(%arg7 : memref<128xi32, #tpu.memory_space<vmem>>) semaphore(%arg21 : memref<!tpu.dma_semaphore, #tpu.memory_space<semaphore_mem>>)
      } else {
      }
      %add3A_156 = arith.constant 3 : i32
      %add3A_157 = arith.addi %mul3A_107, %add3A_156 : i32
      %dma_wait3A_158 = arith.constant 0 : i32
      %dma_wait3A_159 = arith.constant 0 : i32
      %dma_wait3A_160 = tpu.memref_slice %arg2[%dma_wait3A_158, %dma_wait3A_159] : memref<10000x128xf32, #tpu.memory_space<hbm>> -> memref<10000x128xf32, #tpu.memory_space<hbm>>
      tpu.wait_indirect_dma semaphore(%arg22 : memref<!tpu.dma_semaphore, #tpu.memory_space<semaphore_mem>>) src(%dma_wait3A_160 : memref<10000x128xf32, #tpu.memory_space<hbm>>) dst(%arg16 : memref<128x128xf32, #tpu.memory_space<vmem>>)
      "tpu.region"() ({
        %run_scoped3A = tpu.sem_alloc : memref<!tpu.dma_semaphore, #tpu.memory_space<semaphore_mem>>
        %dma_start3A_174 = arith.constant 0 : i32
        %dma_start3A_175 = arith.constant 0 : i32
        %dma_start3A_176 = tpu.memref_slice %arg6[%dma_start3A_174, %dma_start3A_175] : memref<10112x128xf32, #tpu.memory_space<vmem_shared>> -> memref<10112x128xf32, #tpu.memory_space<vmem_shared>>
        tpu.enqueue_indirect_dma source(%arg16 : memref<128x128xf32, #tpu.memory_space<vmem>>) target(%dma_start3A_176 : memref<10112x128xf32, #tpu.memory_space<vmem_shared>>) offsets(%arg14 : memref<128xi32, #tpu.memory_space<vmem>>) semaphore(%run_scoped3A : memref<!tpu.dma_semaphore, #tpu.memory_space<semaphore_mem>>) {add = true}
        %dma_wait3A_177 = arith.constant 0 : i32
        %dma_wait3A_178 = arith.constant 0 : i32
        %dma_wait3A_179 = tpu.memref_slice %arg6[%dma_wait3A_177, %dma_wait3A_178] : memref<10112x128xf32, #tpu.memory_space<vmem_shared>> -> memref<10112x128xf32, #tpu.memory_space<vmem_shared>>
        tpu.wait_indirect_dma semaphore(%run_scoped3A : memref<!tpu.dma_semaphore, #tpu.memory_space<semaphore_mem>>) src(%arg16 : memref<128x128xf32, #tpu.memory_space<vmem>>) dst(%dma_wait3A_179 : memref<10112x128xf32, #tpu.memory_space<vmem_shared>>)
        tpu.yield
      }) : () -> ()
      %add3A_161 = arith.constant 4 : i32
      %add3A_162 = arith.addi %add3A_157, %add3A_161 : i32
      %lt3A_163 = arith.cmpi slt, %add3A_162, %select_n3A : i32
      %convert_element_type3A_164 = arith.extui %lt3A_163 : i1 to i32
      %cond3A_165 = arith.constant 0 : i32
      %cond3A_166 = arith.cmpi ne, %convert_element_type3A_164, %cond3A_165 : i32
      scf.if %cond3A_166 {
        %add3A_174 = arith.constant 4 : i32
        %add3A_175 = arith.addi %add3A_157, %add3A_174 : i32
        %mul3A_176 = arith.constant 128 : i32
        %mul3A_177 = arith.muli %add3A_175, %mul3A_176 : i32
        %add3A_178 = arith.addi %select_n3A_8, %mul3A_177 : i32
        %dma_start3A_179 = tpu.memref_slice %arg3[%add3A_178] : memref<327680xi32, #tpu.memory_space<hbm>> -> memref<128xi32, #tpu.memory_space<hbm>>
        %dma_start3A_180 = tpu.memref_slice %arg3[%add3A_178] : memref<327680xi32, #tpu.memory_space<hbm>> -> memref<128xi32, #tpu.memory_space<hbm>>
        tpu.enqueue_dma source(%dma_start3A_180 : memref<128xi32, #tpu.memory_space<hbm>>) target(%arg10 : memref<128xi32, #tpu.memory_space<vmem>>) target_semaphore(%arg20 : memref<!tpu.dma_semaphore, #tpu.memory_space<semaphore_mem>>)
        %dma_start3A_181 = tpu.memref_slice %arg4[%add3A_178] : memref<327680xi32, #tpu.memory_space<hbm>> -> memref<128xi32, #tpu.memory_space<hbm>>
        %dma_start3A_182 = tpu.memref_slice %arg4[%add3A_178] : memref<327680xi32, #tpu.memory_space<hbm>> -> memref<128xi32, #tpu.memory_space<hbm>>
        tpu.enqueue_dma source(%dma_start3A_182 : memref<128xi32, #tpu.memory_space<hbm>>) target(%arg14 : memref<128xi32, #tpu.memory_space<vmem>>) target_semaphore(%arg20 : memref<!tpu.dma_semaphore, #tpu.memory_space<semaphore_mem>>)
      } else {
      }
      %add3A_167 = arith.constant 2 : i32
      %add3A_168 = arith.addi %add3A_157, %add3A_167 : i32
      %lt3A_169 = arith.cmpi slt, %add3A_168, %select_n3A : i32
      %convert_element_type3A_170 = arith.extui %lt3A_169 : i1 to i32
      %cond3A_171 = arith.constant 0 : i32
      %cond3A_172 = arith.cmpi ne, %convert_element_type3A_170, %cond3A_171 : i32
      scf.if %cond3A_172 {
        %dma_wait3A_174 = arith.constant 0 : i32
        %dma_wait3A_175 = tpu.memref_slice %arg3[%dma_wait3A_174] : memref<327680xi32, #tpu.memory_space<hbm>> -> memref<128xi32, #tpu.memory_space<hbm>>
        %dma_wait3A_176 = arith.constant 0 : i32
        %dma_wait3A_177 = tpu.memref_slice %arg3[%dma_wait3A_176] : memref<327680xi32, #tpu.memory_space<hbm>> -> memref<128xi32, #tpu.memory_space<hbm>>
        tpu.wait_dma2 semaphore(%arg18 : memref<!tpu.dma_semaphore, #tpu.memory_space<semaphore_mem>>) src(%dma_wait3A_177 : memref<128xi32, #tpu.memory_space<hbm>>) dst(%arg8 : memref<128xi32, #tpu.memory_space<vmem>>)
        %dma_wait3A_178 = arith.constant 0 : i32
        %dma_wait3A_179 = tpu.memref_slice %arg4[%dma_wait3A_178] : memref<327680xi32, #tpu.memory_space<hbm>> -> memref<128xi32, #tpu.memory_space<hbm>>
        %dma_wait3A_180 = arith.constant 0 : i32
        %dma_wait3A_181 = tpu.memref_slice %arg4[%dma_wait3A_180] : memref<327680xi32, #tpu.memory_space<hbm>> -> memref<128xi32, #tpu.memory_space<hbm>>
        tpu.wait_dma2 semaphore(%arg18 : memref<!tpu.dma_semaphore, #tpu.memory_space<semaphore_mem>>) src(%dma_wait3A_181 : memref<128xi32, #tpu.memory_space<hbm>>) dst(%arg12 : memref<128xi32, #tpu.memory_space<vmem>>)
        %dma_start3A_182 = arith.constant 0 : i32
        %dma_start3A_183 = arith.constant 0 : i32
        %dma_start3A_184 = tpu.memref_slice %arg2[%dma_start3A_182, %dma_start3A_183] : memref<10000x128xf32, #tpu.memory_space<hbm>> -> memref<10000x128xf32, #tpu.memory_space<hbm>>
        tpu.enqueue_indirect_dma source(%dma_start3A_184 : memref<10000x128xf32, #tpu.memory_space<hbm>>) target(%arg16 : memref<128x128xf32, #tpu.memory_space<vmem>>) offsets(%arg8 : memref<128xi32, #tpu.memory_space<vmem>>) semaphore(%arg22 : memref<!tpu.dma_semaphore, #tpu.memory_space<semaphore_mem>>)
      } else {
      }
      %while3A_173 = arith.constant 0 : i32
      scf.yield %while3A_173 : i32
    }
    %while3A_99 = arith.constant 1 : i32
    %while3A_100 = scf.for %while3A_104 = %while3A_96 to %while3A_92 step %while3A_99 iter_args(%while3A_105 = %while3A_98) -> (i32)  : i32 {
      %mul3A_106 = arith.constant 4 : i32
      %mul3A_107 = arith.muli %mul3A_106, %while3A_104 : i32
      %add3A_108 = arith.constant 0 : i32
      %add3A_109 = arith.addi %mul3A_107, %add3A_108 : i32
      %dma_wait3A_110 = arith.constant 0 : i32
      %dma_wait3A_111 = arith.constant 0 : i32
      %dma_wait3A_112 = tpu.memref_slice %arg2[%dma_wait3A_110, %dma_wait3A_111] : memref<10000x128xf32, #tpu.memory_space<hbm>> -> memref<10000x128xf32, #tpu.memory_space<hbm>>
      tpu.wait_indirect_dma semaphore(%arg21 : memref<!tpu.dma_semaphore, #tpu.memory_space<semaphore_mem>>) src(%dma_wait3A_112 : memref<10000x128xf32, #tpu.memory_space<hbm>>) dst(%arg15 : memref<128x128xf32, #tpu.memory_space<vmem>>)
      "tpu.region"() ({
        %run_scoped3A = tpu.sem_alloc : memref<!tpu.dma_semaphore, #tpu.memory_space<semaphore_mem>>
        %dma_start3A_174 = arith.constant 0 : i32
        %dma_start3A_175 = arith.constant 0 : i32
        %dma_start3A_176 = tpu.memref_slice %arg6[%dma_start3A_174, %dma_start3A_175] : memref<10112x128xf32, #tpu.memory_space<vmem_shared>> -> memref<10112x128xf32, #tpu.memory_space<vmem_shared>>
        tpu.enqueue_indirect_dma source(%arg15 : memref<128x128xf32, #tpu.memory_space<vmem>>) target(%dma_start3A_176 : memref<10112x128xf32, #tpu.memory_space<vmem_shared>>) offsets(%arg11 : memref<128xi32, #tpu.memory_space<vmem>>) semaphore(%run_scoped3A : memref<!tpu.dma_semaphore, #tpu.memory_space<semaphore_mem>>) {add = true}
        %dma_wait3A_177 = arith.constant 0 : i32
        %dma_wait3A_178 = arith.constant 0 : i32
        %dma_wait3A_179 = tpu.memref_slice %arg6[%dma_wait3A_177, %dma_wait3A_178] : memref<10112x128xf32, #tpu.memory_space<vmem_shared>> -> memref<10112x128xf32, #tpu.memory_space<vmem_shared>>
        tpu.wait_indirect_dma semaphore(%run_scoped3A : memref<!tpu.dma_semaphore, #tpu.memory_space<semaphore_mem>>) src(%arg15 : memref<128x128xf32, #tpu.memory_space<vmem>>) dst(%dma_wait3A_179 : memref<10112x128xf32, #tpu.memory_space<vmem_shared>>)
        tpu.yield
      }) : () -> ()
      %add3A_113 = arith.constant 4 : i32
      %add3A_114 = arith.addi %add3A_109, %add3A_113 : i32
      %lt3A = arith.cmpi slt, %add3A_114, %select_n3A : i32
      %convert_element_type3A = arith.extui %lt3A : i1 to i32
      %cond3A = arith.constant 0 : i32
      %cond3A_115 = arith.cmpi ne, %convert_element_type3A, %cond3A : i32
      scf.if %cond3A_115 {
        %add3A_174 = arith.constant 4 : i32
        %add3A_175 = arith.addi %add3A_109, %add3A_174 : i32
        %mul3A_176 = arith.constant 128 : i32
        %mul3A_177 = arith.muli %add3A_175, %mul3A_176 : i32
        %add3A_178 = arith.addi %select_n3A_8, %mul3A_177 : i32
        %dma_start3A_179 = tpu.memref_slice %arg3[%add3A_178] : memref<327680xi32, #tpu.memory_space<hbm>> -> memref<128xi32, #tpu.memory_space<hbm>>
        %dma_start3A_180 = tpu.memref_slice %arg3[%add3A_178] : memref<327680xi32, #tpu.memory_space<hbm>> -> memref<128xi32, #tpu.memory_space<hbm>>
        tpu.enqueue_dma source(%dma_start3A_180 : memref<128xi32, #tpu.memory_space<hbm>>) target(%arg7 : memref<128xi32, #tpu.memory_space<vmem>>) target_semaphore(%arg17 : memref<!tpu.dma_semaphore, #tpu.memory_space<semaphore_mem>>)
        %dma_start3A_181 = tpu.memref_slice %arg4[%add3A_178] : memref<327680xi32, #tpu.memory_space<hbm>> -> memref<128xi32, #tpu.memory_space<hbm>>
        %dma_start3A_182 = tpu.memref_slice %arg4[%add3A_178] : memref<327680xi32, #tpu.memory_space<hbm>> -> memref<128xi32, #tpu.memory_space<hbm>>
        tpu.enqueue_dma source(%dma_start3A_182 : memref<128xi32, #tpu.memory_space<hbm>>) target(%arg11 : memref<128xi32, #tpu.memory_space<vmem>>) target_semaphore(%arg17 : memref<!tpu.dma_semaphore, #tpu.memory_space<semaphore_mem>>)
      } else {
      }
      %add3A_116 = arith.constant 2 : i32
      %add3A_117 = arith.addi %add3A_109, %add3A_116 : i32
      %lt3A_118 = arith.cmpi slt, %add3A_117, %select_n3A : i32
      %convert_element_type3A_119 = arith.extui %lt3A_118 : i1 to i32
      %cond3A_120 = arith.constant 0 : i32
      %cond3A_121 = arith.cmpi ne, %convert_element_type3A_119, %cond3A_120 : i32
      scf.if %cond3A_121 {
        %dma_wait3A_174 = arith.constant 0 : i32
        %dma_wait3A_175 = tpu.memref_slice %arg3[%dma_wait3A_174] : memref<327680xi32, #tpu.memory_space<hbm>> -> memref<128xi32, #tpu.memory_space<hbm>>
        %dma_wait3A_176 = arith.constant 0 : i32
        %dma_wait3A_177 = tpu.memref_slice %arg3[%dma_wait3A_176] : memref<327680xi32, #tpu.memory_space<hbm>> -> memref<128xi32, #tpu.memory_space<hbm>>
        tpu.wait_dma2 semaphore(%arg19 : memref<!tpu.dma_semaphore, #tpu.memory_space<semaphore_mem>>) src(%dma_wait3A_177 : memref<128xi32, #tpu.memory_space<hbm>>) dst(%arg9 : memref<128xi32, #tpu.memory_space<vmem>>)
        %dma_wait3A_178 = arith.constant 0 : i32
        %dma_wait3A_179 = tpu.memref_slice %arg4[%dma_wait3A_178] : memref<327680xi32, #tpu.memory_space<hbm>> -> memref<128xi32, #tpu.memory_space<hbm>>
        %dma_wait3A_180 = arith.constant 0 : i32
        %dma_wait3A_181 = tpu.memref_slice %arg4[%dma_wait3A_180] : memref<327680xi32, #tpu.memory_space<hbm>> -> memref<128xi32, #tpu.memory_space<hbm>>
        tpu.wait_dma2 semaphore(%arg19 : memref<!tpu.dma_semaphore, #tpu.memory_space<semaphore_mem>>) src(%dma_wait3A_181 : memref<128xi32, #tpu.memory_space<hbm>>) dst(%arg13 : memref<128xi32, #tpu.memory_space<vmem>>)
        %dma_start3A_182 = arith.constant 0 : i32
        %dma_start3A_183 = arith.constant 0 : i32
        %dma_start3A_184 = tpu.memref_slice %arg2[%dma_start3A_182, %dma_start3A_183] : memref<10000x128xf32, #tpu.memory_space<hbm>> -> memref<10000x128xf32, #tpu.memory_space<hbm>>
        tpu.enqueue_indirect_dma source(%dma_start3A_184 : memref<10000x128xf32, #tpu.memory_space<hbm>>) target(%arg15 : memref<128x128xf32, #tpu.memory_space<vmem>>) offsets(%arg9 : memref<128xi32, #tpu.memory_space<vmem>>) semaphore(%arg21 : memref<!tpu.dma_semaphore, #tpu.memory_space<semaphore_mem>>)
      } else {
      }
      %add3A_122 = arith.constant 1 : i32
      %add3A_123 = arith.addi %mul3A_107, %add3A_122 : i32
      %dma_wait3A_124 = arith.constant 0 : i32
      %dma_wait3A_125 = arith.constant 0 : i32
      %dma_wait3A_126 = tpu.memref_slice %arg2[%dma_wait3A_124, %dma_wait3A_125] : memref<10000x128xf32, #tpu.memory_space<hbm>> -> memref<10000x128xf32, #tpu.memory_space<hbm>>
      tpu.wait_indirect_dma semaphore(%arg22 : memref<!tpu.dma_semaphore, #tpu.memory_space<semaphore_mem>>) src(%dma_wait3A_126 : memref<10000x128xf32, #tpu.memory_space<hbm>>) dst(%arg16 : memref<128x128xf32, #tpu.memory_space<vmem>>)
      "tpu.region"() ({
        %run_scoped3A = tpu.sem_alloc : memref<!tpu.dma_semaphore, #tpu.memory_space<semaphore_mem>>
        %dma_start3A_174 = arith.constant 0 : i32
        %dma_start3A_175 = arith.constant 0 : i32
        %dma_start3A_176 = tpu.memref_slice %arg6[%dma_start3A_174, %dma_start3A_175] : memref<10112x128xf32, #tpu.memory_space<vmem_shared>> -> memref<10112x128xf32, #tpu.memory_space<vmem_shared>>
        tpu.enqueue_indirect_dma source(%arg16 : memref<128x128xf32, #tpu.memory_space<vmem>>) target(%dma_start3A_176 : memref<10112x128xf32, #tpu.memory_space<vmem_shared>>) offsets(%arg12 : memref<128xi32, #tpu.memory_space<vmem>>) semaphore(%run_scoped3A : memref<!tpu.dma_semaphore, #tpu.memory_space<semaphore_mem>>) {add = true}
        %dma_wait3A_177 = arith.constant 0 : i32
        %dma_wait3A_178 = arith.constant 0 : i32
        %dma_wait3A_179 = tpu.memref_slice %arg6[%dma_wait3A_177, %dma_wait3A_178] : memref<10112x128xf32, #tpu.memory_space<vmem_shared>> -> memref<10112x128xf32, #tpu.memory_space<vmem_shared>>
        tpu.wait_indirect_dma semaphore(%run_scoped3A : memref<!tpu.dma_semaphore, #tpu.memory_space<semaphore_mem>>) src(%arg16 : memref<128x128xf32, #tpu.memory_space<vmem>>) dst(%dma_wait3A_179 : memref<10112x128xf32, #tpu.memory_space<vmem_shared>>)
        tpu.yield
      }) : () -> ()
      %add3A_127 = arith.constant 4 : i32
      %add3A_128 = arith.addi %add3A_123, %add3A_127 : i32
      %lt3A_129 = arith.cmpi slt, %add3A_128, %select_n3A : i32
      %convert_element_type3A_130 = arith.extui %lt3A_129 : i1 to i32
      %cond3A_131 = arith.constant 0 : i32
      %cond3A_132 = arith.cmpi ne, %convert_element_type3A_130, %cond3A_131 : i32
      scf.if %cond3A_132 {
        %add3A_174 = arith.constant 4 : i32
        %add3A_175 = arith.addi %add3A_123, %add3A_174 : i32
        %mul3A_176 = arith.constant 128 : i32
        %mul3A_177 = arith.muli %add3A_175, %mul3A_176 : i32
        %add3A_178 = arith.addi %select_n3A_8, %mul3A_177 : i32
        %dma_start3A_179 = tpu.memref_slice %arg3[%add3A_178] : memref<327680xi32, #tpu.memory_space<hbm>> -> memref<128xi32, #tpu.memory_space<hbm>>
        %dma_start3A_180 = tpu.memref_slice %arg3[%add3A_178] : memref<327680xi32, #tpu.memory_space<hbm>> -> memref<128xi32, #tpu.memory_space<hbm>>
        tpu.enqueue_dma source(%dma_start3A_180 : memref<128xi32, #tpu.memory_space<hbm>>) target(%arg8 : memref<128xi32, #tpu.memory_space<vmem>>) target_semaphore(%arg18 : memref<!tpu.dma_semaphore, #tpu.memory_space<semaphore_mem>>)
        %dma_start3A_181 = tpu.memref_slice %arg4[%add3A_178] : memref<327680xi32, #tpu.memory_space<hbm>> -> memref<128xi32, #tpu.memory_space<hbm>>
        %dma_start3A_182 = tpu.memref_slice %arg4[%add3A_178] : memref<327680xi32, #tpu.memory_space<hbm>> -> memref<128xi32, #tpu.memory_space<hbm>>
        tpu.enqueue_dma source(%dma_start3A_182 : memref<128xi32, #tpu.memory_space<hbm>>) target(%arg12 : memref<128xi32, #tpu.memory_space<vmem>>) target_semaphore(%arg18 : memref<!tpu.dma_semaphore, #tpu.memory_space<semaphore_mem>>)
      } else {
      }
      %add3A_133 = arith.constant 2 : i32
      %add3A_134 = arith.addi %add3A_123, %add3A_133 : i32
      %lt3A_135 = arith.cmpi slt, %add3A_134, %select_n3A : i32
      %convert_element_type3A_136 = arith.extui %lt3A_135 : i1 to i32
      %cond3A_137 = arith.constant 0 : i32
      %cond3A_138 = arith.cmpi ne, %convert_element_type3A_136, %cond3A_137 : i32
      scf.if %cond3A_138 {
        %dma_wait3A_174 = arith.constant 0 : i32
        %dma_wait3A_175 = tpu.memref_slice %arg3[%dma_wait3A_174] : memref<327680xi32, #tpu.memory_space<hbm>> -> memref<128xi32, #tpu.memory_space<hbm>>
        %dma_wait3A_176 = arith.constant 0 : i32
        %dma_wait3A_177 = tpu.memref_slice %arg3[%dma_wait3A_176] : memref<327680xi32, #tpu.memory_space<hbm>> -> memref<128xi32, #tpu.memory_space<hbm>>
        tpu.wait_dma2 semaphore(%arg20 : memref<!tpu.dma_semaphore, #tpu.memory_space<semaphore_mem>>) src(%dma_wait3A_177 : memref<128xi32, #tpu.memory_space<hbm>>) dst(%arg10 : memref<128xi32, #tpu.memory_space<vmem>>)
        %dma_wait3A_178 = arith.constant 0 : i32
        %dma_wait3A_179 = tpu.memref_slice %arg4[%dma_wait3A_178] : memref<327680xi32, #tpu.memory_space<hbm>> -> memref<128xi32, #tpu.memory_space<hbm>>
        %dma_wait3A_180 = arith.constant 0 : i32
        %dma_wait3A_181 = tpu.memref_slice %arg4[%dma_wait3A_180] : memref<327680xi32, #tpu.memory_space<hbm>> -> memref<128xi32, #tpu.memory_space<hbm>>
        tpu.wait_dma2 semaphore(%arg20 : memref<!tpu.dma_semaphore, #tpu.memory_space<semaphore_mem>>) src(%dma_wait3A_181 : memref<128xi32, #tpu.memory_space<hbm>>) dst(%arg14 : memref<128xi32, #tpu.memory_space<vmem>>)
        %dma_start3A_182 = arith.constant 0 : i32
        %dma_start3A_183 = arith.constant 0 : i32
        %dma_start3A_184 = tpu.memref_slice %arg2[%dma_start3A_182, %dma_start3A_183] : memref<10000x128xf32, #tpu.memory_space<hbm>> -> memref<10000x128xf32, #tpu.memory_space<hbm>>
        tpu.enqueue_indirect_dma source(%dma_start3A_184 : memref<10000x128xf32, #tpu.memory_space<hbm>>) target(%arg16 : memref<128x128xf32, #tpu.memory_space<vmem>>) offsets(%arg10 : memref<128xi32, #tpu.memory_space<vmem>>) semaphore(%arg22 : memref<!tpu.dma_semaphore, #tpu.memory_space<semaphore_mem>>)
      } else {
      }
      %add3A_139 = arith.constant 2 : i32
      %add3A_140 = arith.addi %mul3A_107, %add3A_139 : i32
      %dma_wait3A_141 = arith.constant 0 : i32
      %dma_wait3A_142 = arith.constant 0 : i32
      %dma_wait3A_143 = tpu.memref_slice %arg2[%dma_wait3A_141, %dma_wait3A_142] : memref<10000x128xf32, #tpu.memory_space<hbm>> -> memref<10000x128xf32, #tpu.memory_space<hbm>>
      tpu.wait_indirect_dma semaphore(%arg21 : memref<!tpu.dma_semaphore, #tpu.memory_space<semaphore_mem>>) src(%dma_wait3A_143 : memref<10000x128xf32, #tpu.memory_space<hbm>>) dst(%arg15 : memref<128x128xf32, #tpu.memory_space<vmem>>)
      "tpu.region"() ({
        %run_scoped3A = tpu.sem_alloc : memref<!tpu.dma_semaphore, #tpu.memory_space<semaphore_mem>>
        %dma_start3A_174 = arith.constant 0 : i32
        %dma_start3A_175 = arith.constant 0 : i32
        %dma_start3A_176 = tpu.memref_slice %arg6[%dma_start3A_174, %dma_start3A_175] : memref<10112x128xf32, #tpu.memory_space<vmem_shared>> -> memref<10112x128xf32, #tpu.memory_space<vmem_shared>>
        tpu.enqueue_indirect_dma source(%arg15 : memref<128x128xf32, #tpu.memory_space<vmem>>) target(%dma_start3A_176 : memref<10112x128xf32, #tpu.memory_space<vmem_shared>>) offsets(%arg13 : memref<128xi32, #tpu.memory_space<vmem>>) semaphore(%run_scoped3A : memref<!tpu.dma_semaphore, #tpu.memory_space<semaphore_mem>>) {add = true}
        %dma_wait3A_177 = arith.constant 0 : i32
        %dma_wait3A_178 = arith.constant 0 : i32
        %dma_wait3A_179 = tpu.memref_slice %arg6[%dma_wait3A_177, %dma_wait3A_178] : memref<10112x128xf32, #tpu.memory_space<vmem_shared>> -> memref<10112x128xf32, #tpu.memory_space<vmem_shared>>
        tpu.wait_indirect_dma semaphore(%run_scoped3A : memref<!tpu.dma_semaphore, #tpu.memory_space<semaphore_mem>>) src(%arg15 : memref<128x128xf32, #tpu.memory_space<vmem>>) dst(%dma_wait3A_179 : memref<10112x128xf32, #tpu.memory_space<vmem_shared>>)
        tpu.yield
      }) : () -> ()
      %add3A_144 = arith.constant 4 : i32
      %add3A_145 = arith.addi %add3A_140, %add3A_144 : i32
      %lt3A_146 = arith.cmpi slt, %add3A_145, %select_n3A : i32
      %convert_element_type3A_147 = arith.extui %lt3A_146 : i1 to i32
      %cond3A_148 = arith.constant 0 : i32
      %cond3A_149 = arith.cmpi ne, %convert_element_type3A_147, %cond3A_148 : i32
      scf.if %cond3A_149 {
        %add3A_174 = arith.constant 4 : i32
        %add3A_175 = arith.addi %add3A_140, %add3A_174 : i32
        %mul3A_176 = arith.constant 128 : i32
        %mul3A_177 = arith.muli %add3A_175, %mul3A_176 : i32
        %add3A_178 = arith.addi %select_n3A_8, %mul3A_177 : i32
        %dma_start3A_179 = tpu.memref_slice %arg3[%add3A_178] : memref<327680xi32, #tpu.memory_space<hbm>> -> memref<128xi32, #tpu.memory_space<hbm>>
        %dma_start3A_180 = tpu.memref_slice %arg3[%add3A_178] : memref<327680xi32, #tpu.memory_space<hbm>> -> memref<128xi32, #tpu.memory_space<hbm>>
        tpu.enqueue_dma source(%dma_start3A_180 : memref<128xi32, #tpu.memory_space<hbm>>) target(%arg9 : memref<128xi32, #tpu.memory_space<vmem>>) target_semaphore(%arg19 : memref<!tpu.dma_semaphore, #tpu.memory_space<semaphore_mem>>)
        %dma_start3A_181 = tpu.memref_slice %arg4[%add3A_178] : memref<327680xi32, #tpu.memory_space<hbm>> -> memref<128xi32, #tpu.memory_space<hbm>>
        %dma_start3A_182 = tpu.memref_slice %arg4[%add3A_178] : memref<327680xi32, #tpu.memory_space<hbm>> -> memref<128xi32, #tpu.memory_space<hbm>>
        tpu.enqueue_dma source(%dma_start3A_182 : memref<128xi32, #tpu.memory_space<hbm>>) target(%arg13 : memref<128xi32, #tpu.memory_space<vmem>>) target_semaphore(%arg19 : memref<!tpu.dma_semaphore, #tpu.memory_space<semaphore_mem>>)
      } else {
      }
      %add3A_150 = arith.constant 2 : i32
      %add3A_151 = arith.addi %add3A_140, %add3A_150 : i32
      %lt3A_152 = arith.cmpi slt, %add3A_151, %select_n3A : i32
      %convert_element_type3A_153 = arith.extui %lt3A_152 : i1 to i32
      %cond3A_154 = arith.constant 0 : i32
      %cond3A_155 = arith.cmpi ne, %convert_element_type3A_153, %cond3A_154 : i32
      scf.if %cond3A_155 {
        %dma_wait3A_174 = arith.constant 0 : i32
        %dma_wait3A_175 = tpu.memref_slice %arg3[%dma_wait3A_174] : memref<327680xi32, #tpu.memory_space<hbm>> -> memref<128xi32, #tpu.memory_space<hbm>>
        %dma_wait3A_176 = arith.constant 0 : i32
        %dma_wait3A_177 = tpu.memref_slice %arg3[%dma_wait3A_176] : memref<327680xi32, #tpu.memory_space<hbm>> -> memref<128xi32, #tpu.memory_space<hbm>>
        tpu.wait_dma2 semaphore(%arg17 : memref<!tpu.dma_semaphore, #tpu.memory_space<semaphore_mem>>) src(%dma_wait3A_177 : memref<128xi32, #tpu.memory_space<hbm>>) dst(%arg7 : memref<128xi32, #tpu.memory_space<vmem>>)
        %dma_wait3A_178 = arith.constant 0 : i32
        %dma_wait3A_179 = tpu.memref_slice %arg4[%dma_wait3A_178] : memref<327680xi32, #tpu.memory_space<hbm>> -> memref<128xi32, #tpu.memory_space<hbm>>
        %dma_wait3A_180 = arith.constant 0 : i32
        %dma_wait3A_181 = tpu.memref_slice %arg4[%dma_wait3A_180] : memref<327680xi32, #tpu.memory_space<hbm>> -> memref<128xi32, #tpu.memory_space<hbm>>
        tpu.wait_dma2 semaphore(%arg17 : memref<!tpu.dma_semaphore, #tpu.memory_space<semaphore_mem>>) src(%dma_wait3A_181 : memref<128xi32, #tpu.memory_space<hbm>>) dst(%arg11 : memref<128xi32, #tpu.memory_space<vmem>>)
        %dma_start3A_182 = arith.constant 0 : i32
        %dma_start3A_183 = arith.constant 0 : i32
        %dma_start3A_184 = tpu.memref_slice %arg2[%dma_start3A_182, %dma_start3A_183] : memref<10000x128xf32, #tpu.memory_space<hbm>> -> memref<10000x128xf32, #tpu.memory_space<hbm>>
        tpu.enqueue_indirect_dma source(%dma_start3A_184 : memref<10000x128xf32, #tpu.memory_space<hbm>>) target(%arg15 : memref<128x128xf32, #tpu.memory_space<vmem>>) offsets(%arg7 : memref<128xi32, #tpu.memory_space<vmem>>) semaphore(%arg21 : memref<!tpu.dma_semaphore, #tpu.memory_space<semaphore_mem>>)
      } else {
      }
      %add3A_156 = arith.constant 3 : i32
      %add3A_157 = arith.addi %mul3A_107, %add3A_156 : i32
      %dma_wait3A_158 = arith.constant 0 : i32
      %dma_wait3A_159 = arith.constant 0 : i32
      %dma_wait3A_160 = tpu.memref_slice %arg2[%dma_wait3A_158, %dma_wait3A_159] : memref<10000x128xf32, #tpu.memory_space<hbm>> -> memref<10000x128xf32, #tpu.memory_space<hbm>>
      tpu.wait_indirect_dma semaphore(%arg22 : memref<!tpu.dma_semaphore, #tpu.memory_space<semaphore_mem>>) src(%dma_wait3A_160 : memref<10000x128xf32, #tpu.memory_space<hbm>>) dst(%arg16 : memref<128x128xf32, #tpu.memory_space<vmem>>)
      "tpu.region"() ({
        %run_scoped3A = tpu.sem_alloc : memref<!tpu.dma_semaphore, #tpu.memory_space<semaphore_mem>>
        %dma_start3A_174 = arith.constant 0 : i32
        %dma_start3A_175 = arith.constant 0 : i32
        %dma_start3A_176 = tpu.memref_slice %arg6[%dma_start3A_174, %dma_start3A_175] : memref<10112x128xf32, #tpu.memory_space<vmem_shared>> -> memref<10112x128xf32, #tpu.memory_space<vmem_shared>>
        tpu.enqueue_indirect_dma source(%arg16 : memref<128x128xf32, #tpu.memory_space<vmem>>) target(%dma_start3A_176 : memref<10112x128xf32, #tpu.memory_space<vmem_shared>>) offsets(%arg14 : memref<128xi32, #tpu.memory_space<vmem>>) semaphore(%run_scoped3A : memref<!tpu.dma_semaphore, #tpu.memory_space<semaphore_mem>>) {add = true}
        %dma_wait3A_177 = arith.constant 0 : i32
        %dma_wait3A_178 = arith.constant 0 : i32
        %dma_wait3A_179 = tpu.memref_slice %arg6[%dma_wait3A_177, %dma_wait3A_178] : memref<10112x128xf32, #tpu.memory_space<vmem_shared>> -> memref<10112x128xf32, #tpu.memory_space<vmem_shared>>
        tpu.wait_indirect_dma semaphore(%run_scoped3A : memref<!tpu.dma_semaphore, #tpu.memory_space<semaphore_mem>>) src(%arg16 : memref<128x128xf32, #tpu.memory_space<vmem>>) dst(%dma_wait3A_179 : memref<10112x128xf32, #tpu.memory_space<vmem_shared>>)
        tpu.yield
      }) : () -> ()
      %add3A_161 = arith.constant 4 : i32
      %add3A_162 = arith.addi %add3A_157, %add3A_161 : i32
      %lt3A_163 = arith.cmpi slt, %add3A_162, %select_n3A : i32
      %convert_element_type3A_164 = arith.extui %lt3A_163 : i1 to i32
      %cond3A_165 = arith.constant 0 : i32
      %cond3A_166 = arith.cmpi ne, %convert_element_type3A_164, %cond3A_165 : i32
      scf.if %cond3A_166 {
        %add3A_174 = arith.constant 4 : i32
        %add3A_175 = arith.addi %add3A_157, %add3A_174 : i32
        %mul3A_176 = arith.constant 128 : i32
        %mul3A_177 = arith.muli %add3A_175, %mul3A_176 : i32
        %add3A_178 = arith.addi %select_n3A_8, %mul3A_177 : i32
        %dma_start3A_179 = tpu.memref_slice %arg3[%add3A_178] : memref<327680xi32, #tpu.memory_space<hbm>> -> memref<128xi32, #tpu.memory_space<hbm>>
        %dma_start3A_180 = tpu.memref_slice %arg3[%add3A_178] : memref<327680xi32, #tpu.memory_space<hbm>> -> memref<128xi32, #tpu.memory_space<hbm>>
        tpu.enqueue_dma source(%dma_start3A_180 : memref<128xi32, #tpu.memory_space<hbm>>) target(%arg10 : memref<128xi32, #tpu.memory_space<vmem>>) target_semaphore(%arg20 : memref<!tpu.dma_semaphore, #tpu.memory_space<semaphore_mem>>)
        %dma_start3A_181 = tpu.memref_slice %arg4[%add3A_178] : memref<327680xi32, #tpu.memory_space<hbm>> -> memref<128xi32, #tpu.memory_space<hbm>>
        %dma_start3A_182 = tpu.memref_slice %arg4[%add3A_178] : memref<327680xi32, #tpu.memory_space<hbm>> -> memref<128xi32, #tpu.memory_space<hbm>>
        tpu.enqueue_dma source(%dma_start3A_182 : memref<128xi32, #tpu.memory_space<hbm>>) target(%arg14 : memref<128xi32, #tpu.memory_space<vmem>>) target_semaphore(%arg20 : memref<!tpu.dma_semaphore, #tpu.memory_space<semaphore_mem>>)
      } else {
      }
      %add3A_167 = arith.constant 2 : i32
      %add3A_168 = arith.addi %add3A_157, %add3A_167 : i32
      %lt3A_169 = arith.cmpi slt, %add3A_168, %select_n3A : i32
      %convert_element_type3A_170 = arith.extui %lt3A_169 : i1 to i32
      %cond3A_171 = arith.constant 0 : i32
      %cond3A_172 = arith.cmpi ne, %convert_element_type3A_170, %cond3A_171 : i32
      scf.if %cond3A_172 {
        %dma_wait3A_174 = arith.constant 0 : i32
        %dma_wait3A_175 = tpu.memref_slice %arg3[%dma_wait3A_174] : memref<327680xi32, #tpu.memory_space<hbm>> -> memref<128xi32, #tpu.memory_space<hbm>>
        %dma_wait3A_176 = arith.constant 0 : i32
        %dma_wait3A_177 = tpu.memref_slice %arg3[%dma_wait3A_176] : memref<327680xi32, #tpu.memory_space<hbm>> -> memref<128xi32, #tpu.memory_space<hbm>>
        tpu.wait_dma2 semaphore(%arg18 : memref<!tpu.dma_semaphore, #tpu.memory_space<semaphore_mem>>) src(%dma_wait3A_177 : memref<128xi32, #tpu.memory_space<hbm>>) dst(%arg8 : memref<128xi32, #tpu.memory_space<vmem>>)
        %dma_wait3A_178 = arith.constant 0 : i32
        %dma_wait3A_179 = tpu.memref_slice %arg4[%dma_wait3A_178] : memref<327680xi32, #tpu.memory_space<hbm>> -> memref<128xi32, #tpu.memory_space<hbm>>
        %dma_wait3A_180 = arith.constant 0 : i32
        %dma_wait3A_181 = tpu.memref_slice %arg4[%dma_wait3A_180] : memref<327680xi32, #tpu.memory_space<hbm>> -> memref<128xi32, #tpu.memory_space<hbm>>
        tpu.wait_dma2 semaphore(%arg18 : memref<!tpu.dma_semaphore, #tpu.memory_space<semaphore_mem>>) src(%dma_wait3A_181 : memref<128xi32, #tpu.memory_space<hbm>>) dst(%arg12 : memref<128xi32, #tpu.memory_space<vmem>>)
        %dma_start3A_182 = arith.constant 0 : i32
        %dma_start3A_183 = arith.constant 0 : i32
        %dma_start3A_184 = tpu.memref_slice %arg2[%dma_start3A_182, %dma_start3A_183] : memref<10000x128xf32, #tpu.memory_space<hbm>> -> memref<10000x128xf32, #tpu.memory_space<hbm>>
        tpu.enqueue_indirect_dma source(%dma_start3A_184 : memref<10000x128xf32, #tpu.memory_space<hbm>>) target(%arg16 : memref<128x128xf32, #tpu.memory_space<vmem>>) offsets(%arg8 : memref<128xi32, #tpu.memory_space<vmem>>) semaphore(%arg22 : memref<!tpu.dma_semaphore, #tpu.memory_space<semaphore_mem>>)
      } else {
      }
      %while3A_173 = arith.constant 0 : i32
      scf.yield %while3A_173 : i32
    }
    %barrier3A_101 = arith.constant 0 : index
    tpu.barrier barrier_id(%barrier3A_101)
    %mul3A_102 = arith.constant 632 : i32
    %mul3A_103 = arith.muli %arg1, %mul3A_102 : i32
    "tpu.region"() ({
      %run_scoped3A = tpu.sem_alloc : memref<!tpu.dma_semaphore, #tpu.memory_space<semaphore_mem>>
      %dma_start3A_104 = arith.constant 0 : i32
      %dma_start3A_105 = tpu.memref_slice %arg5[%arg0, %mul3A_103, %dma_start3A_104] : memref<2x10112x128xf32, #tpu.memory_space<hbm>> -> memref<1x632x128xf32, #tpu.memory_space<hbm>>
      %dma_start3A_106 = tpu.memref_squeeze %dma_start3A_105 : memref<1x632x128xf32, #tpu.memory_space<hbm>> -> memref<632x128xf32, #tpu.memory_space<hbm>>
      %dma_start3A_107 = arith.constant 0 : i32
      %dma_start3A_108 = tpu.memref_slice %arg6[%mul3A_103, %dma_start3A_107] : memref<10112x128xf32, #tpu.memory_space<vmem_shared>> -> memref<632x128xf32, #tpu.memory_space<vmem_shared>>
      tpu.enqueue_dma source(%dma_start3A_108 : memref<632x128xf32, #tpu.memory_space<vmem_shared>>) target(%dma_start3A_106 : memref<632x128xf32, #tpu.memory_space<hbm>>) target_semaphore(%run_scoped3A : memref<!tpu.dma_semaphore, #tpu.memory_space<semaphore_mem>>)
      %dma_wait3A_109 = arith.constant 0 : i32
      %dma_wait3A_110 = tpu.memref_slice %arg5[%arg0, %mul3A_103, %dma_wait3A_109] : memref<2x10112x128xf32, #tpu.memory_space<hbm>> -> memref<1x632x128xf32, #tpu.memory_space<hbm>>
      %dma_wait3A_111 = tpu.memref_squeeze %dma_wait3A_110 : memref<1x632x128xf32, #tpu.memory_space<hbm>> -> memref<632x128xf32, #tpu.memory_space<hbm>>
      %dma_wait3A_112 = arith.constant 0 : i32
      %dma_wait3A_113 = tpu.memref_slice %arg6[%mul3A_103, %dma_wait3A_112] : memref<10112x128xf32, #tpu.memory_space<vmem_shared>> -> memref<632x128xf32, #tpu.memory_space<vmem_shared>>
      tpu.wait_dma2 semaphore(%run_scoped3A : memref<!tpu.dma_semaphore, #tpu.memory_space<semaphore_mem>>) src(%dma_wait3A_113 : memref<632x128xf32, #tpu.memory_space<vmem_shared>>) dst(%dma_wait3A_111 : memref<632x128xf32, #tpu.memory_space<hbm>>)
      tpu.yield
    }) : () -> ()
    return
  }
}

module attributes {stable_mosaic.version = 14 : i64} {
  func.func @_prep_body(%arg0: memref<10000x1xf32, #tpu.memory_space<vmem>>, %arg1: memref<10000x1xf32, #tpu.memory_space<vmem>>, %arg2: memref<10000x128xf32, #tpu.memory_space<vmem>>, %arg3: memref<128x128xf32, #tpu.memory_space<vmem>>, %arg4: memref<10000x128xf32, #tpu.memory_space<vmem>>, %arg5: memref<10000x1xf32, #tpu.memory_space<vmem>>) attributes {dimension_semantics = [], scalar_prefetch = 0 : i64, scratch_operands = 0 : i64, tpu.core_type = #tpu.core_type<tc>} {
    %get3A = arith.constant 0 : index
    %get3A_0 = arith.constant 0 : index
    %get3A_1 = vector.load %arg0[%get3A, %get3A_0] : memref<10000x1xf32, #tpu.memory_space<vmem>>, vector<10000x1xf32>
    %get3A_2 = arith.constant 0 : index
    %get3A_3 = arith.constant 0 : index
    %get3A_4 = vector.load %arg1[%get3A_2, %get3A_3] : memref<10000x1xf32, #tpu.memory_space<vmem>>, vector<10000x1xf32>
    %add3A = arith.addf %get3A_1, %get3A_4 : vector<10000x1xf32>
    %add3A_5 = arith.constant 1.000000e+00 : f32
    %add3A_6 = vector.broadcast %add3A_5 : f32 to vector<10000x1xf32>
    %add3A_7 = arith.addf %add3A, %add3A_6 : vector<10000x1xf32>
    %rsqrt3A = math.rsqrt %add3A_7 : vector<10000x1xf32>
    %swap3A = arith.constant 0 : index
    %swap3A_8 = arith.constant 0 : index
    %swap3A_9 = vector.load %arg5[%swap3A, %swap3A_8] : memref<10000x1xf32, #tpu.memory_space<vmem>>, vector<10000x1xf32>
    tpu.vector_store %arg5[%swap3A, %swap3A_8], %rsqrt3A {strides = array<i32>} : memref<10000x1xf32, #tpu.memory_space<vmem>>, vector<10000x1xf32>,
    %get3A_10 = arith.constant 0 : index
    %get3A_11 = arith.constant 0 : index
    %get3A_12 = vector.load %arg2[%get3A_10, %get3A_11] : memref<10000x128xf32, #tpu.memory_space<vmem>>, vector<10000x128xf32>
    %get3A_13 = arith.constant 0 : index
    %get3A_14 = arith.constant 0 : index
    %get3A_15 = vector.load %arg3[%get3A_13, %get3A_14] : memref<128x128xf32, #tpu.memory_space<vmem>>, vector<128x128xf32>
    %dot_general3A = arith.constant dense<0.000000e+00> : vector<10000x128xf32>
    %dot_general3A_16 = tpu.matmul %get3A_12, %get3A_15, %dot_general3A {dimension_numbers = #tpu.dot_dimension_numbers<[1], [0], [0], [1], [0, 0, 1, 1], [], []>, transpose_lhs_hint = false} : vector<10000x128xf32>, vector<128x128xf32>, vector<10000x128xf32> -> vector<10000x128xf32>
    %mul3A = vector.broadcast %rsqrt3A : vector<10000x1xf32> to vector<10000x128xf32>
    %mul3A_17 = arith.mulf %dot_general3A_16, %mul3A : vector<10000x128xf32>
    %swap3A_18 = arith.constant 0 : index
    %swap3A_19 = arith.constant 0 : index
    %swap3A_20 = vector.load %arg4[%swap3A_18, %swap3A_19] : memref<10000x128xf32, #tpu.memory_space<vmem>>, vector<10000x128xf32>
    tpu.vector_store %arg4[%swap3A_18, %swap3A_19], %mul3A_17 {strides = array<i32>} : memref<10000x128xf32, #tpu.memory_space<vmem>>, vector<10000x128xf32>,
    return
  }
}

module attributes {stable_mosaic.version = 14 : i64} {
  func.func @_mid_body(%arg0: memref<2x10112x128xf32, #tpu.memory_space<vmem>>, %arg1: memref<10000x128xf32, #tpu.memory_space<vmem>>, %arg2: memref<10000x1xf32, #tpu.memory_space<vmem>>, %arg3: memref<1x128xf32, #tpu.memory_space<vmem>>, %arg4: memref<1x128xf32, #tpu.memory_space<vmem>>, %arg5: memref<1x128xf32, #tpu.memory_space<vmem>>, %arg6: memref<128x128xf32, #tpu.memory_space<vmem>>, %arg7: memref<10000x128xf32, #tpu.memory_space<vmem>>) attributes {dimension_semantics = [], scalar_prefetch = 0 : i64, scratch_operands = 0 : i64, tpu.core_type = #tpu.core_type<tc>} {
    %get3A = arith.constant 0 : index
    %get3A_0 = arith.constant 0 : index
    %get3A_1 = vector.load %arg2[%get3A, %get3A_0] : memref<10000x1xf32, #tpu.memory_space<vmem>>, vector<10000x1xf32>
    %get3A_2 = arith.constant 0 : index
    %get3A_3 = arith.constant 0 : index
    %get3A_4 = arith.constant 0 : index
    %get3A_5 = vector.load %arg0[%get3A_2, %get3A_3, %get3A_4] : memref<2x10112x128xf32, #tpu.memory_space<vmem>>, vector<1x10000x128xf32>
    %get3A_6 = vector.shape_cast %get3A_5 : vector<1x10000x128xf32> to vector<10000x128xf32>
    %get3A_7 = arith.constant 1 : index
    %get3A_8 = arith.constant 0 : index
    %get3A_9 = arith.constant 0 : index
    %get3A_10 = vector.load %arg0[%get3A_7, %get3A_8, %get3A_9] : memref<2x10112x128xf32, #tpu.memory_space<vmem>>, vector<1x10000x128xf32>
    %get3A_11 = vector.shape_cast %get3A_10 : vector<1x10000x128xf32> to vector<10000x128xf32>
    %add3A = arith.addf %get3A_6, %get3A_11 : vector<10000x128xf32>
    %get3A_12 = arith.constant 0 : index
    %get3A_13 = arith.constant 0 : index
    %get3A_14 = vector.load %arg1[%get3A_12, %get3A_13] : memref<10000x128xf32, #tpu.memory_space<vmem>>, vector<10000x128xf32>
    %add3A_15 = arith.addf %add3A, %get3A_14 : vector<10000x128xf32>
    %mul3A = vector.broadcast %get3A_1 : vector<10000x1xf32> to vector<10000x128xf32>
    %mul3A_16 = arith.mulf %add3A_15, %mul3A : vector<10000x128xf32>
    %get3A_17 = arith.constant 0 : index
    %get3A_18 = arith.constant 0 : index
    %get3A_19 = vector.load %arg3[%get3A_17, %get3A_18] : memref<1x128xf32, #tpu.memory_space<vmem>>, vector<1x128xf32>
    %add3A_20 = vector.broadcast %get3A_19 : vector<1x128xf32> to vector<10000x128xf32>
    %add3A_21 = arith.addf %mul3A_16, %add3A_20 : vector<10000x128xf32>
    %get3A_22 = arith.constant 0 : index
    %get3A_23 = arith.constant 0 : index
    %get3A_24 = vector.load %arg4[%get3A_22, %get3A_23] : memref<1x128xf32, #tpu.memory_space<vmem>>, vector<1x128xf32>
    %get3A_25 = arith.constant 0 : index
    %get3A_26 = arith.constant 0 : index
    %get3A_27 = vector.load %arg5[%get3A_25, %get3A_26] : memref<1x128xf32, #tpu.memory_space<vmem>>, vector<1x128xf32>
    %reduce_sum3A = arith.constant dense<0.000000e+00> : vector<128xf32>
    %reduce_sum3A_28 = vector.multi_reduction <add>, %add3A_21, %reduce_sum3A [0] : vector<10000x128xf32> to vector<128xf32>
    %div3A = arith.constant 1.000000e+04 : f32
    %div3A_29 = vector.broadcast %div3A : f32 to vector<128xf32>
    %div3A_30 = arith.divf %reduce_sum3A_28, %div3A_29 : vector<128xf32>
    %jit3A = arith.constant 0 : i32
    %reduce_sum3A_31 = arith.constant dense<0.000000e+00> : vector<128xf32>
    %reduce_sum3A_32 = vector.multi_reduction <add>, %add3A_21, %reduce_sum3A_31 [0] : vector<10000x128xf32> to vector<128xf32>
    %broadcast_in_dim3A = vector.shape_cast %reduce_sum3A_32 : vector<128xf32> to vector<1x128xf32>
    %div3A_33 = arith.constant 1.000000e+04 : f32
    %div3A_34 = vector.broadcast %div3A_33 : f32 to vector<1x128xf32>
    %div3A_35 = arith.divf %broadcast_in_dim3A, %div3A_34 : vector<1x128xf32>
    %sub3A = vector.broadcast %div3A_35 : vector<1x128xf32> to vector<10000x128xf32>
    %sub3A_36 = arith.subf %add3A_21, %sub3A : vector<10000x128xf32>
    %square3A = arith.mulf %sub3A_36, %sub3A_36 : vector<10000x128xf32>
    %convert_element_type3A = arith.sitofp %jit3A : i32 to f32
    %sub3A_37 = arith.constant 1.000000e+04 : f32
    %sub3A_38 = arith.subf %sub3A_37, %convert_element_type3A : f32
    %reduce_sum3A_39 = arith.constant dense<0.000000e+00> : vector<128xf32>
    %reduce_sum3A_40 = vector.multi_reduction <add>, %square3A, %reduce_sum3A_39 [0] : vector<10000x128xf32> to vector<128xf32>
    %div3A_41 = vector.broadcast %sub3A_38 : f32 to vector<128xf32>
    %div3A_42 = arith.divf %reduce_sum3A_40, %div3A_41 : vector<128xf32>
    %gt3A = arith.constant 0.000000e+00 : f32
    %gt3A_43 = arith.cmpf ogt, %sub3A_38, %gt3A : f32
    %jit3A_44 = arith.constant 0x7FC00000 : f32
    %broadcast_in_dim3A_45 = vector.broadcast %jit3A_44 : f32 to vector<128xf32>
    %select_n3A = arith.select %gt3A_43, %div3A_42, %broadcast_in_dim3A_45 : vector<128xf32>
    %broadcast_in_dim3A_46 = vector.shape_cast %div3A_30 : vector<128xf32> to vector<1x128xf32>
    %sub3A_47 = vector.broadcast %broadcast_in_dim3A_46 : vector<1x128xf32> to vector<10000x128xf32>
    %sub3A_48 = arith.subf %add3A_21, %sub3A_47 : vector<10000x128xf32>
    %add3A_49 = arith.constant 9.99999974E-6 : f32
    %add3A_50 = vector.broadcast %add3A_49 : f32 to vector<128xf32>
    %add3A_51 = arith.addf %select_n3A, %add3A_50 : vector<128xf32>
    %sqrt3A = math.sqrt %add3A_51 : vector<128xf32>
    %broadcast_in_dim3A_52 = vector.shape_cast %sqrt3A : vector<128xf32> to vector<1x128xf32>
    %div3A_53 = vector.broadcast %broadcast_in_dim3A_52 : vector<1x128xf32> to vector<10000x128xf32>
    %div3A_54 = arith.divf %sub3A_48, %div3A_53 : vector<10000x128xf32>
    %mul3A_55 = vector.broadcast %get3A_24 : vector<1x128xf32> to vector<10000x128xf32>
    %mul3A_56 = arith.mulf %div3A_54, %mul3A_55 : vector<10000x128xf32>
    %add3A_57 = vector.broadcast %get3A_27 : vector<1x128xf32> to vector<10000x128xf32>
    %add3A_58 = arith.addf %mul3A_56, %add3A_57 : vector<10000x128xf32>
    %max3A = arith.constant 0.000000e+00 : f32
    %max3A_59 = vector.broadcast %max3A : f32 to vector<10000x128xf32>
    %max3A_60 = arith.maximumf %add3A_58, %max3A_59 : vector<10000x128xf32>
    %get3A_61 = arith.constant 0 : index
    %get3A_62 = arith.constant 0 : index
    %get3A_63 = vector.load %arg6[%get3A_61, %get3A_62] : memref<128x128xf32, #tpu.memory_space<vmem>>, vector<128x128xf32>
    %dot_general3A = arith.constant dense<0.000000e+00> : vector<10000x128xf32>
    %dot_general3A_64 = tpu.matmul %max3A_60, %get3A_63, %dot_general3A {dimension_numbers = #tpu.dot_dimension_numbers<[1], [0], [0], [1], [0, 0, 1, 1], [], []>, transpose_lhs_hint = false} : vector<10000x128xf32>, vector<128x128xf32>, vector<10000x128xf32> -> vector<10000x128xf32>
    %mul3A_65 = vector.broadcast %get3A_1 : vector<10000x1xf32> to vector<10000x128xf32>
    %mul3A_66 = arith.mulf %dot_general3A_64, %mul3A_65 : vector<10000x128xf32>
    %swap3A = arith.constant 0 : index
    %swap3A_67 = arith.constant 0 : index
    %swap3A_68 = vector.load %arg7[%swap3A, %swap3A_67] : memref<10000x128xf32, #tpu.memory_space<vmem>>, vector<10000x128xf32>
    tpu.vector_store %arg7[%swap3A, %swap3A_67], %mul3A_66 {strides = array<i32>} : memref<10000x128xf32, #tpu.memory_space<vmem>>, vector<10000x128xf32>,
    return
  }
}

module attributes {stable_mosaic.version = 14 : i64} {
  func.func @_final_body(%arg0: memref<2x10112x128xf32, #tpu.memory_space<vmem>>, %arg1: memref<10000x128xf32, #tpu.memory_space<vmem>>, %arg2: memref<10000x1xf32, #tpu.memory_space<vmem>>, %arg3: memref<1x128xf32, #tpu.memory_space<vmem>>, %arg4: memref<1x128xf32, #tpu.memory_space<vmem>>, %arg5: memref<1x128xf32, #tpu.memory_space<vmem>>, %arg6: memref<10000x1xi32, #tpu.memory_space<vmem>>, %arg7: memref<64x128xf32, #tpu.memory_space<vmem>>) attributes {dimension_semantics = [], scalar_prefetch = 0 : i64, scratch_operands = 0 : i64, tpu.core_type = #tpu.core_type<tc>} {
    %get3A = arith.constant 0 : index
    %get3A_0 = arith.constant 0 : index
    %get3A_1 = arith.constant 0 : index
    %get3A_2 = vector.load %arg0[%get3A, %get3A_0, %get3A_1] : memref<2x10112x128xf32, #tpu.memory_space<vmem>>, vector<1x10000x128xf32>
    %get3A_3 = vector.shape_cast %get3A_2 : vector<1x10000x128xf32> to vector<10000x128xf32>
    %get3A_4 = arith.constant 1 : index
    %get3A_5 = arith.constant 0 : index
    %get3A_6 = arith.constant 0 : index
    %get3A_7 = vector.load %arg0[%get3A_4, %get3A_5, %get3A_6] : memref<2x10112x128xf32, #tpu.memory_space<vmem>>, vector<1x10000x128xf32>
    %get3A_8 = vector.shape_cast %get3A_7 : vector<1x10000x128xf32> to vector<10000x128xf32>
    %add3A = arith.addf %get3A_3, %get3A_8 : vector<10000x128xf32>
    %get3A_9 = arith.constant 0 : index
    %get3A_10 = arith.constant 0 : index
    %get3A_11 = vector.load %arg1[%get3A_9, %get3A_10] : memref<10000x128xf32, #tpu.memory_space<vmem>>, vector<10000x128xf32>
    %add3A_12 = arith.addf %add3A, %get3A_11 : vector<10000x128xf32>
    %get3A_13 = arith.constant 0 : index
    %get3A_14 = arith.constant 0 : index
    %get3A_15 = vector.load %arg2[%get3A_13, %get3A_14] : memref<10000x1xf32, #tpu.memory_space<vmem>>, vector<10000x1xf32>
    %mul3A = vector.broadcast %get3A_15 : vector<10000x1xf32> to vector<10000x128xf32>
    %mul3A_16 = arith.mulf %add3A_12, %mul3A : vector<10000x128xf32>
    %get3A_17 = arith.constant 0 : index
    %get3A_18 = arith.constant 0 : index
    %get3A_19 = vector.load %arg3[%get3A_17, %get3A_18] : memref<1x128xf32, #tpu.memory_space<vmem>>, vector<1x128xf32>
    %add3A_20 = vector.broadcast %get3A_19 : vector<1x128xf32> to vector<10000x128xf32>
    %add3A_21 = arith.addf %mul3A_16, %add3A_20 : vector<10000x128xf32>
    %get3A_22 = arith.constant 0 : index
    %get3A_23 = arith.constant 0 : index
    %get3A_24 = vector.load %arg4[%get3A_22, %get3A_23] : memref<1x128xf32, #tpu.memory_space<vmem>>, vector<1x128xf32>
    %get3A_25 = arith.constant 0 : index
    %get3A_26 = arith.constant 0 : index
    %get3A_27 = vector.load %arg5[%get3A_25, %get3A_26] : memref<1x128xf32, #tpu.memory_space<vmem>>, vector<1x128xf32>
    %reduce_sum3A = arith.constant dense<0.000000e+00> : vector<128xf32>
    %reduce_sum3A_28 = vector.multi_reduction <add>, %add3A_21, %reduce_sum3A [0] : vector<10000x128xf32> to vector<128xf32>
    %div3A = arith.constant 1.000000e+04 : f32
    %div3A_29 = vector.broadcast %div3A : f32 to vector<128xf32>
    %div3A_30 = arith.divf %reduce_sum3A_28, %div3A_29 : vector<128xf32>
    %jit3A = arith.constant 0 : i32
    %reduce_sum3A_31 = arith.constant dense<0.000000e+00> : vector<128xf32>
    %reduce_sum3A_32 = vector.multi_reduction <add>, %add3A_21, %reduce_sum3A_31 [0] : vector<10000x128xf32> to vector<128xf32>
    %broadcast_in_dim3A = vector.shape_cast %reduce_sum3A_32 : vector<128xf32> to vector<1x128xf32>
    %div3A_33 = arith.constant 1.000000e+04 : f32
    %div3A_34 = vector.broadcast %div3A_33 : f32 to vector<1x128xf32>
    %div3A_35 = arith.divf %broadcast_in_dim3A, %div3A_34 : vector<1x128xf32>
    %sub3A = vector.broadcast %div3A_35 : vector<1x128xf32> to vector<10000x128xf32>
    %sub3A_36 = arith.subf %add3A_21, %sub3A : vector<10000x128xf32>
    %square3A = arith.mulf %sub3A_36, %sub3A_36 : vector<10000x128xf32>
    %convert_element_type3A = arith.sitofp %jit3A : i32 to f32
    %sub3A_37 = arith.constant 1.000000e+04 : f32
    %sub3A_38 = arith.subf %sub3A_37, %convert_element_type3A : f32
    %reduce_sum3A_39 = arith.constant dense<0.000000e+00> : vector<128xf32>
    %reduce_sum3A_40 = vector.multi_reduction <add>, %square3A, %reduce_sum3A_39 [0] : vector<10000x128xf32> to vector<128xf32>
    %div3A_41 = vector.broadcast %sub3A_38 : f32 to vector<128xf32>
    %div3A_42 = arith.divf %reduce_sum3A_40, %div3A_41 : vector<128xf32>
    %gt3A = arith.constant 0.000000e+00 : f32
    %gt3A_43 = arith.cmpf ogt, %sub3A_38, %gt3A : f32
    %jit3A_44 = arith.constant 0x7FC00000 : f32
    %broadcast_in_dim3A_45 = vector.broadcast %jit3A_44 : f32 to vector<128xf32>
    %select_n3A = arith.select %gt3A_43, %div3A_42, %broadcast_in_dim3A_45 : vector<128xf32>
    %broadcast_in_dim3A_46 = vector.shape_cast %div3A_30 : vector<128xf32> to vector<1x128xf32>
    %sub3A_47 = vector.broadcast %broadcast_in_dim3A_46 : vector<1x128xf32> to vector<10000x128xf32>
    %sub3A_48 = arith.subf %add3A_21, %sub3A_47 : vector<10000x128xf32>
    %add3A_49 = arith.constant 9.99999974E-6 : f32
    %add3A_50 = vector.broadcast %add3A_49 : f32 to vector<128xf32>
    %add3A_51 = arith.addf %select_n3A, %add3A_50 : vector<128xf32>
    %sqrt3A = math.sqrt %add3A_51 : vector<128xf32>
    %broadcast_in_dim3A_52 = vector.shape_cast %sqrt3A : vector<128xf32> to vector<1x128xf32>
    %div3A_53 = vector.broadcast %broadcast_in_dim3A_52 : vector<1x128xf32> to vector<10000x128xf32>
    %div3A_54 = arith.divf %sub3A_48, %div3A_53 : vector<10000x128xf32>
    %mul3A_55 = vector.broadcast %get3A_24 : vector<1x128xf32> to vector<10000x128xf32>
    %mul3A_56 = arith.mulf %div3A_54, %mul3A_55 : vector<10000x128xf32>
    %add3A_57 = vector.broadcast %get3A_27 : vector<1x128xf32> to vector<10000x128xf32>
    %add3A_58 = arith.addf %mul3A_56, %add3A_57 : vector<10000x128xf32>
    %iota3A = tpu.iota {dimensions = array<i32: 1>} : vector<10000x64xi32>
    %get3A_59 = arith.constant 0 : index
    %get3A_60 = arith.constant 0 : index
    %get3A_61 = vector.load %arg6[%get3A_59, %get3A_60] : memref<10000x1xi32, #tpu.memory_space<vmem>>, vector<10000x1xi32>
    %eq3A = vector.broadcast %get3A_61 : vector<10000x1xi32> to vector<10000x64xi32>
    %eq3A_62 = arith.cmpi eq, %eq3A, %iota3A : vector<10000x64xi32>
    %convert_element_type3A_63 = arith.extui %eq3A_62 : vector<10000x64xi1> to vector<10000x64xi32>
    %convert_element_type3A_64 = arith.sitofp %convert_element_type3A_63 : vector<10000x64xi32> to vector<10000x64xf32>
    %dot_general3A = arith.constant dense<0.000000e+00> : vector<64x128xf32>
    %dot_general3A_65 = tpu.matmul %convert_element_type3A_64, %add3A_58, %dot_general3A {dimension_numbers = #tpu.dot_dimension_numbers<[0], [0], [1], [1], [0, 1, 1, 1], [], []>, transpose_lhs_hint = false} : vector<10000x64xf32>, vector<10000x128xf32>, vector<64x128xf32> -> vector<64x128xf32>
    %broadcast_in_dim3A_66 = arith.constant 1.000000e+00 : f32
    %broadcast_in_dim3A_67 = vector.broadcast %broadcast_in_dim3A_66 : f32 to vector<10000x1xf32>
    %dot_general3A_68 = arith.constant dense<0.000000e+00> : vector<64x1xf32>
    %dot_general3A_69 = tpu.matmul %convert_element_type3A_64, %broadcast_in_dim3A_67, %dot_general3A_68 {dimension_numbers = #tpu.dot_dimension_numbers<[0], [0], [1], [1], [0, 1, 1, 1], [], []>, transpose_lhs_hint = false} : vector<10000x64xf32>, vector<10000x1xf32>, vector<64x1xf32> -> vector<64x1xf32>
    %max3A = arith.constant 1.000000e+00 : f32
    %max3A_70 = vector.broadcast %max3A : f32 to vector<64x1xf32>
    %max3A_71 = arith.maximumf %dot_general3A_69, %max3A_70 : vector<64x1xf32>
    %div3A_72 = vector.broadcast %max3A_71 : vector<64x1xf32> to vector<64x128xf32>
    %div3A_73 = arith.divf %dot_general3A_65, %div3A_72 : vector<64x128xf32>
    %swap3A = arith.constant 0 : index
    %swap3A_74 = arith.constant 0 : index
    %swap3A_75 = vector.load %arg7[%swap3A, %swap3A_74] : memref<64x128xf32, #tpu.memory_space<vmem>>, vector<64x128xf32>
    tpu.vector_store %arg7[%swap3A, %swap3A_74], %div3A_73 {strides = array<i32>} : memref<64x128xf32, #tpu.memory_space<vmem>>, vector<64x128xf32>,
    return
  }
}

</mosaic_0001>

<sc_bundles>
// kernel: kernel.10.cloned.1.call-start
scs
__scs_entry_jumppad:
0x0: {  	(pc) =	sbr.rel $0x88, $3  }
0x1: {  	(tag) =	ssettag $0x0;
	lr =	simm.s32 $0x1  }
0x2: {  	[smem:$0x3F92] =	sst lr;
	_ =	strace $0xD0000000  }
0x3: {  	_ = 	snop  }
0x4: {  	_ = 	snop  }
0x5: {  	_ = 	snop  }
0x6: {  	_ = 	snop  }
0x7: {  	_ = 	snop  }
__scs_overlays_trampoline_lowered:
0x8: {  	[smem:$0x3FA1] =	sst s0  }
0x9: {  	[smem:$0x3FA2] =	sst s1  }
0xa: {  	[smem:$0x3FA3] =	sst s2  }
0xb: {  	[smem:$0x3FA4] =	sst s3  }
0xc: {  	[smem:$0x3FA5] =	sst s4  }
0xd: {  	[smem:$0x3FA6] =	sst s5  }
0xe: {  	[smem:$0x3FA7] =	sst s6  }
0xf: {  	[smem:$0x3FA8] =	sst s7  }
0x10: {  	[smem:$0x3FA9] =	sst s8  }
0x11: {  	[smem:$0x3FAA] =	sst s9;
	s0 =	simm.s32 @!p0 $0x0  }
0x12: {  	s1 =	sld [smem:$0x3F90];
	s0 =	simm.s32 @p0 $0x1  }
0x13: {  	[smem:$0x3FAB] =	sst s0;
	s0 =	simm.s32 @!p1 $0x0  }
0x14: {  	s2 =	sld [smem:$0x3F8F];
	s0 =	simm.s32 @p1 $0x1  }
0x15: {  	[smem:$0x3FAC] =	sst s0;
	s0 =	simm.s32 @!p2 $0x0  }
0x16: {  	s3 =	sld [smem:$0x3FDB];
	s0 =	simm.s32 @p2 $0x1  }
0x17: {  	s4 =	simm.s32 $0x1BF5;
	[smem:$0x3FAE] =	sst s0  }
0x18: {  	s0 =	sld [smem:$0x3F91];
	_ =	swait.ge [sflag:s4], $0x0  }
0x19: {  	s7 =	sld [smem:$0x3F92]  }
0x1a: {  	s8 =	sadd.s32 $0xFFFFE003, lr  }
0x1b: {  	s9 =	sadd.s32 $0xFFFFFEF7, lr;
	s5 =	simm.s32 $0xFFFFFFFF;
	p2 =	slt.u32 s8, $0xFFFFF086  }
0x1c: {  	p1 =	slt.u32 s9, $0xF7A;
	s5 =	simm.s32 @!p2 $0x0  }
0x1d: {  	s5 =	simm.s32 @p1 $0x1;
	p0 =	seq.s32 s7, s2  }
0x1e: {  	s7 =	smul.u32 @!p0 $0xF7A, s2;
	p2 =	seq.s32 @!p0 s5, $0x0  }
0x1f: {  	s9 =	smul.u32 $0xF7A, s1;
	s8 =	simm.s32 @!p0 $0x1BF5;
	p2 =	por !p2, p0  }
0x20: {  	[sflag:s8] =	ssyncset.s32 @!p0 $0xFFFFF086;
	s6 =	sadd.s32 @!p0 s3, s7;
	s7 =	simm.s32 @!p0 $0x108  }
0x21: {  	s3 =	sadd.s32 s3, s9;
	s6 =	sadd.s32 @!p0 $0x88, s6;
	s7 =	simm.s32 @p2 $0x1082  }
0x22: {  	[simem:s7], [sflag:s8] =	dma.local @!p0 [hbm:s6], $0xF7A  }
0x23: {  	s9 =	sor.u32 $0xD0000000, s2;
	s6 =	simm.s32 $0x108;
	_ =	swait.ge @!p0 [sflag:s8], $0x0  }
0x24: {  	s3 =	sadd.s32 $0x88, s3;
	s6 =	simm.s32 @!p1 $0x1082;
	[sflag:s4] =	ssyncset.s32 $0xFFFFF086  }
0x25: {  	[simem:s6], [sflag:s4] =	dma.local [hbm:s3], $0xF7A  }
0x26: {  	[smem:$0x3F92] =	sst s1;
	(tag) =	ssettag s2;
	_ =	strace s9  }
0x27: {  	s1 =	sld [smem:$0x3FA2]  }
0x28: {  	s2 =	sld [smem:$0x3FA3]  }
0x29: {  	s4 =	sld [smem:$0x3FA5]  }
0x2a: {  	p0 =	seq.s32 s5, $0x0;
	s5 =	sld [smem:$0x3FA6]  }
0x2b: {  	s6 =	sld [smem:$0x3FA7]  }
0x2c: {  	s7 =	sld [smem:$0x3FA8]  }
0x2d: {  	s3 =	simm.s32 $0x108;
	s8 =	sld [smem:$0x3FA9]  }
0x2e: {  	s3 =	simm.s32 @!p0 $0x1082;
	s9 =	sld [smem:$0x3FAA]  }
0x2f: {  	lr =	sadd.s32 s0, s3;
	s0 =	sld [smem:$0x3FA1]  }
0x30: {  	s3 =	sld [smem:$0x3FA4]  }
0x31: {  	[smem:$0x3FAD] =	sst s10  }
0x32: {  	s10 =	sld [smem:$0x3FAB];
	_ =	sdelay $0x3  }
0x33: {  	p0 =	seq.s32 s10, $0x1;
	s10 =	sld [smem:$0x3FAD];
	_ =	sdelay $0x3  }
0x34: {  	[smem:$0x3FAD] =	sst s10  }
0x35: {  	s10 =	sld [smem:$0x3FAC];
	_ =	sdelay $0x3  }
0x36: {  	p1 =	seq.s32 s10, $0x1;
	s10 =	sld [smem:$0x3FAD];
	_ =	sdelay $0x3  }
0x37: {  	[smem:$0x3FAD] =	sst s10  }
0x38: {  	s10 =	sld [smem:$0x3FAE]  }
0x39: {  	_ = 	snop;
	(pc) =	sbr.ind lr, $3  }
0x3a: {  	_ = 	snop  }
0x3b: {  	_ = 	snop  }
0x3c: {  	p2 =	seq.s32 s10, $0x1;
	s10 =	sld [smem:$0x3FAD]  }
0x3d: {  	_ =	shalt  }
0x3e: {  	_ =	shalt  }
0x3f: {  	_ =	shalt  }
0x40: {  	_ =	shalt  }
0x41: {  	_ =	shalt  }
0x42: {  	_ =	shalt  }
0x43: {  	_ =	shalt  }
0x44: {  	_ =	shalt  }
0x45: {  	_ =	shalt  }
0x46: {  	_ =	shalt  }
0x47: {  	_ =	shalt  }
0x48: {  	_ =	shalt  }
0x49: {  	_ =	shalt  }
0x4a: {  	_ =	shalt  }
0x4b: {  	_ =	shalt  }
0x4c: {  	_ =	shalt  }
0x4d: {  	_ =	shalt  }
0x4e: {  	_ =	shalt  }
0x4f: {  	_ =	shalt  }
0x50: {  	_ =	shalt  }
0x51: {  	_ =	shalt  }
0x52: {  	_ =	shalt  }
0x53: {  	_ =	shalt  }
0x54: {  	_ =	shalt  }
0x55: {  	_ =	shalt  }
0x56: {  	_ =	shalt  }
0x57: {  	_ =	shalt  }
0x58: {  	_ =	shalt  }
0x59: {  	_ =	shalt  }
0x5a: {  	_ =	shalt  }
0x5b: {  	_ =	shalt  }
0x5c: {  	_ =	shalt  }
0x5d: {  	_ =	shalt  }
0x5e: {  	_ =	shalt  }
0x5f: {  	_ =	shalt  }
0x60: {  	_ =	shalt  }
0x61: {  	_ =	shalt  }
0x62: {  	_ =	shalt  }
0x63: {  	_ =	shalt  }
0x64: {  	_ =	shalt  }
0x65: {  	_ =	shalt  }
0x66: {  	_ =	shalt  }
0x67: {  	_ =	shalt  }
0x68: {  	_ =	shalt  }
0x69: {  	_ =	shalt  }
0x6a: {  	_ =	shalt  }
0x6b: {  	_ =	shalt  }
0x6c: {  	_ =	shalt  }
0x6d: {  	_ =	shalt  }
0x6e: {  	_ =	shalt  }
0x6f: {  	_ =	shalt  }
0x70: {  	_ =	shalt  }
0x71: {  	_ =	shalt  }
0x72: {  	_ =	shalt  }
0x73: {  	_ =	shalt  }
0x74: {  	_ =	shalt  }
0x75: {  	_ =	shalt  }
0x76: {  	_ =	shalt  }
0x77: {  	_ =	shalt  }
0x78: {  	_ =	shalt  }
0x79: {  	_ =	shalt  }
0x7a: {  	_ =	shalt  }
0x7b: {  	_ =	shalt  }
0x7c: {  	_ =	shalt  }
0x7d: {  	_ =	shalt  }
0x7e: {  	_ =	shalt  }
0x7f: {  	_ =	shalt  }
0x80: {  	_ =	shalt  }
0x81: {  	_ =	shalt  }
0x82: {  	_ =	shalt  }
0x83: {  	_ =	shalt  }
0x84: {  	_ =	shalt  }
0x85: {  	_ =	shalt  }
0x86: {  	_ =	shalt  }
0x87: {  	_ =	shalt  }
.Lfunc_end0:
.L_simem_size_0:
called_computation_lowered:
.L_overlay_start_0:
0x88: {  	s2 =	sld [smem:$0x3FD9]  }
0x89: {  	s3 =	sld [smem:$0x3FFE];
	_ =	sdelay $0x1  }
0x8a: {  	s1 =	srdreg.scid  }
0x8b: {  	s0 =	sand.u32 $0x1, s1  }
0x8c: {  	s16 =	sshll.u32 s0, $0xA;
	s2 =	sadd.s32 s3, s2  }
0x8d: {  	s2 =	sadd.s32 s2, s16  }
0x8e: {  	[smem:$0x3FB9] =	sst s2  }
0x8f: {  	_ = 	snop  }
0x90: {  	(tm) =	ssettm $0x1  }
0x91: {  	s17 =	sld [smem:$0x3FFB];
	_ =	sdelay $0x3  }
0x92: {  	_ =	strace s17  }
0x93: {  	s2 =	sld [smem:$0x3FFC];
	_ =	sdelay $0x3  }
0x94: {  	_ =	strace s2  }
0x95: {  	s2 =	sld [smem:$0x3FFD];
	_ =	sdelay $0x3  }
0x96: {  	_ =	strace s2  }
0x97: {  	_ =	strace $0x8FFFFFFF  }
0x98: {  	s18 =	sld [smem:$0x3FDB];
	_ =	sdelay $0x1  }
0x99: {  	s19 =	simm.s32 $_scs_section_size  }
0x9a: {  	s4 =	simm.s32 $_size__tile_overlayer_lowered;
	s5 =	simm.s32 $_tile_overlayer_lowered  }
0x9b: {  	s22 =	simm.s32 $0x1BFF;
	s21 =	sshll.u32 s5, $0x1;
	s2 =	sadd.s32 s19, s18  }
0x9c: {  	s6 =	simm.s32 $0x0;
	s20 =	sshll.u32 s4, $0x1;
	s4 =	sadd.s32 s21, s2  }
0x9d: {  	[timem:s6], [sflag:s22] =	dma.local [hbm:s4], s20  }
0x9e: {  	_ =	swait.ge [sflag:s22], s20  }
0x9f: {  	s3 =	ssub.s32 $0x0, s20;
	[sflag:s22] =	ssyncset.done $0x0  }
0xa0: {  	[sflag:s22] =	ssyncadd.s32 s3;
	_ =	sdelay $0x1  }
0xa1: {  	s23 =	simm.s32 $0x1B8B  }
0xa2: {  	_ =	swait.ge [sflag:s23], $0x1  }
0xa3: {  	[sflag:s23] =	ssyncset.done $0x0  }
0xa4: {  	s25 =	simm.s32 $0x1B8E;
	s24 =	sld [smem:$0x3FFE];
	[sflag:s23] =	ssyncadd.s32 $0xFFFFFFFF  }
0xa5: {  	s26 =	simm.s32 $execute0_lowered;
	[smem:$0x3FD2] =	sst s25  }
0xa6: {  	s4 =	sshll.u32 s26, $0x1;
	_ =	strace $0x80000046;
	[dreg:$0x1] =	wrdreg $0xFFFFFFFF  }
0xa7: {  	s28 =	simm.s32 $_size_execute0_lowered;
	s2 =	sadd.s32 s2, s4;
	[dreg:$0x0] =	wrdreg $0x0  }
0xa8: {  	s4 =	sshll.u32 s28, $0x1;
	[dreg:$0x2] =	wrdreg s2  }
0xa9: {  	[dreg:$0x3] =	wrdreg s4  }
0xaa: {  	[dreg:$0x4] =	wrdreg $0xC0  }
0xab: {  	_ =	task [dreg:s6], $0x5FFFF  }
0xac: {  	[dreg:$0x1] =	wrdreg $0xFFFFFFFF  }
0xad: {  	[dreg:$0x0] =	wrdreg $0x60  }
0xae: {  	[dreg:$0x2] =	wrdreg s24  }
0xaf: {  	[dreg:$0x3] =	wrdreg $0x0  }
0xb0: {  	[dreg:$0x4] =	wrdreg $0x9  }
0xb1: {  	_ =	task.clear_ibuf [dreg:s6], $0x5FFFF;
	_ =	strace $0x90000046  }
0xb2: {  	s29 =	simm.s32 $0x9;
	_ =	strace $0x80000048  }
0xb3: {  	_ =	swait.ge [sflag:s29], $0x1  }
0xb4: {  	[sflag:s29] =	ssyncadd.s32 $0xFFFFFFFF  }
0xb5: {  	_ =	strace $0x90000048  }
0xb6: {  	_ =	sfence  }
0xb7: {  	s30 =	sld [smem:$0x0];
	_ =	sdelay $0x2  }
0xb8: {  	s31 =	sshll.u32 s1, $0xD;
	s1 =	sshrl.u32 s1, $0x2  }
0xb9: {  	s3 =	sand.u32 $0x4000, s31;
	s1 =	sadd.s32 s1, s30  }
0xba: {  	s0 =	sor.u32 s3, s0;
	s1 =	sshll.u32 s1, $0x11  }
0xbb: {  	s0 =	sor.u32 s1, s0  }
0xbc: {  	s0 =	sadd.s32 $0x8F2B, s0  }
0xbd: {  	[sflag:s0] =	ssyncadd.remote.s32 $0x1  }
0xbe: {  	_ =	sfence.sel $0xFFFF  }
0xbf: {  	[dreg:$0x0] =	wrdreg $0xFFFFFFFF;
	(pc) =	sbr.abs _section_cstart, $3  }
0xc0: {  	[dreg:$0x1] =	wrdreg $0xFFFFFFFF  }
0xc1: {  	_ =	task.clear_ibuf [dreg:s6], $0x2FFFF;
	_ =	strace $0x9FFFFFFF  }
0xc2: {  	(tm) =	ssettm $0x7FFFFFFF  }
0xc3: {  	_ =	shalt  }
tec
execute0_lowered:
.L_overlay_start_1:
0x0: {  	(tag) =	ssettag $0x1  }
0x1: {  	s0 =	srdreg.scid  }
0x2: {  	s4 =	rddreg [dreg:$0x0];
	s1 =	stileid.u32  }
0x3: {  	s2 =	rddreg [dreg:$0x1];
	s3 =	simm.s32 $0x0;
	s8 =	smul.u32 $0x13C00, s1  }
0x4: {  	s13 =	simm.s32 $0x1;
	s14 =	simm.s32 $0x2780;
	s9 =	smul.u32 $0x4F000, s1  }
0x5: {  	s15 =	simm.s32 $0x80;
	s5 =	sand.u32 $0x1, s0;
	s12 =	smul.u32 $0x500, s1  }
0x6: {  	s18 =	simm.s32 $0x0;
	s0 =	rddreg [dreg:$0x2];
	s6 =	smul.u32 $0x5000, s5  }
0x7: {  	[smem:$0x7FF] =	sst s3;
	s16 =	sshll.u32 s1, $0x6;
	s7 =	smul.u32 $0x13C000, s5  }
0x8: {  	_ =	strace $0x80000047;
	s5 =	ssub.s32 $0x2, s5;
	s16 =	sor.u32 $0x1C01, s16  }
0x9: {  	s29 =	sshrl.u32 s9, $0x2;
	s31 =	sshrl.u32 s5, $0x1;
	s28 =	sadd.s32 s8, s7  }
0xa: {  	s11 =	sadd.s32 s6, s4;
	s10 =	ssub.s32 s5, s31;
	s6 =	sshrl.u32 s28, $0x3  }
0xb: {  	s10 =	smax.u32 s10, $0x1;
	s11 =	sadd.s32 s12, s11;
	s12 =	simm.s32 $0x2800  }
0xc: {  	s30 =	sadd.s32 s6, s4;
	s4 =	sadd.s32 s29, s2;
	s11 =	sadd.s32 $0x3200, s11  }
0xd: {  	s5 =	sadd.s32 $0x4000, s4;
	s6 =	sadd.s32 $0x8000, s4;
	s7 =	sadd.s32 $0xC000, s4  }
0xe: {  	v0 =	vimm.f32 $0.0e+00;
	v1 =	vimm.f32 $1.000000000e+00;
	s8 =	sadd.s32 $0x10000, s4;
	s9 =	sadd.s32 $0xD200, s30;
	s17 =	sshrl.u32 s4, $0x3  }
.LBB2_1:
0xf: {  	s19 =	simm.s32 $0x200;
	s20 =	simm.s32 $0x0  }
.LBB2_2:
0x10: {  	p0 =	sne.s32 s19, $0xFE00;
	[tilespmem:s20+$0x2800] =	vst v0;
	s20 =	smov.u32 s19;
	s19 =	sadd.s32 $0x200, s19  }
.Ltmp0:
0x11: {  	(pc) =	sbr.rel @p0 .LBB2_2-.Ltmp0, $2  }
0x12: {  	_ =	sdelay $0x2  }
0x13: {  	s20 =	sshra.s32 s20, $0x2  }
0x14: {  	[tilespmem:s20+$0x2800] =	vst v0  }
0x15: {  	[spmem:s4] =	stream.linear.scatter [tilespmem:s12], [sflag:$0x1], $0x4000, $0x38;
	[tilespmem:$0x6800] =	vst v63  }
0x16: {  	_ =	swait.ge [sflag:s13], $0x4000  }
0x17: {  	[sflag:s13] =	ssyncset.done $0x0  }
0x18: {  	[sflag:s13] =	ssyncadd.s32 $0xFFFFC000  }
0x19: {  	[spmem:s5] =	stream.linear.scatter [tilespmem:s12], [sflag:$0x1], $0x4000, $0x38;
	[tilespmem:$0x6800] =	vst v63  }
0x1a: {  	_ =	swait.ge [sflag:s13], $0x4000  }
0x1b: {  	[sflag:s13] =	ssyncset.done $0x0  }
0x1c: {  	[sflag:s13] =	ssyncadd.s32 $0xFFFFC000  }
0x1d: {  	[spmem:s6] =	stream.linear.scatter [tilespmem:s12], [sflag:$0x1], $0x4000, $0x38;
	[tilespmem:$0x6800] =	vst v63  }
0x1e: {  	_ =	swait.ge [sflag:s13], $0x4000  }
0x1f: {  	[sflag:s13] =	ssyncset.done $0x0  }
0x20: {  	[sflag:s13] =	ssyncadd.s32 $0xFFFFC000  }
0x21: {  	[spmem:s7] =	stream.linear.scatter [tilespmem:s12], [sflag:$0x1], $0x4000, $0x38;
	[tilespmem:$0x6800] =	vst v63  }
0x22: {  	_ =	swait.ge [sflag:s13], $0x4000  }
0x23: {  	[sflag:s13] =	ssyncset.done $0x0  }
0x24: {  	[sflag:s13] =	ssyncadd.s32 $0xFFFFC000  }
0x25: {  	[spmem:s8] =	stream.linear.scatter [tilespmem:s12], [sflag:$0x1], $0x3C00, $0x38;
	[tilespmem:$0x6800] =	vst v63  }
0x26: {  	_ =	swait.ge [sflag:s13], $0x3C00  }
0x27: {  	[sflag:s13] =	ssyncset.done $0x0  }
0x28: {  	s19 =	simm.s32 $0x200;
	s20 =	simm.s32 $0x0;
	[sflag:s13] =	ssyncadd.s32 $0xFFFFC400  }
.LBB2_4:
0x29: {  	p0 =	sne.s32 s19, $0xFE00;
	[tilespmem:s20+$0x2800] =	vst v1;
	s20 =	smov.u32 s19;
	s19 =	sadd.s32 $0x200, s19  }
.Ltmp1:
0x2a: {  	(pc) =	sbr.rel @p0 .LBB2_4-.Ltmp1, $2  }
0x2b: {  	_ =	sdelay $0x2  }
0x2c: {  	s20 =	sshra.s32 s20, $0x2  }
0x2d: {  	[tilespmem:s20+$0x2800] =	vst v1  }
0x2e: {  	s19 =	sadd.s32 $0x0, s11;
	[bflag:$0x0] =	sbarrier.arrive $0xFFFF  }
0x2f: {  	[tilespmem:s14], [sflag:$0x1] =	stream.linear.gather [hbm4b:s19+s3], $0x80, $0x38;
	[tilespmem:$0x6800] =	vst v63  }
0x30: {  	_ =	swait.ge [sflag:s13], $0x80  }
0x31: {  	[sflag:s13] =	ssyncset.done $0x0  }
0x32: {  	[sflag:s13] =	ssyncadd.s32 $0xFFFFFF80  }
0x33: {  	[spmem:s2] =	stream.indirect.scatter.add.f32 [tilespmem:s12], [sflag:$0x1], $0x10, s14, s15, $0xb8;
	[tilespmem:$0x6800] =	vst v63  }
0x34: {  	_ =	swait.ge [sflag:s13], $0x800  }
0x35: {  	s20 =	simm.s32 $0x20;
	s19 =	simm.s32 $0x10;
	[sflag:s13] =	ssyncset.done $0x0  }
.LBB2_6:
0x36: {  	s21 =	sadd.s32 s19, s11  }
0x37: {  	[sflag:s13] =	ssyncadd.s32 $0xFFFFF800;
	s19 =	smov.u32 s20;
	s22 =	sadd.s32 $0x10, s20  }
0x38: {  	[tilespmem:s14], [sflag:$0x1] =	stream.linear.gather [hbm4b:s21+s3], $0x80, $0x38;
	[tilespmem:$0x6800] =	vst v63  }
0x39: {  	p0 =	sne.s32 s20, $0x4F0;
	_ =	swait.ge [sflag:s13], $0x80  }
.Ltmp2:
0x3a: {  	[sflag:s13] =	ssyncset.done $0x0;
	(pc) =	sbr.rel @p0 .LBB2_6-.Ltmp2, $4  }
0x3b: {  	[sflag:s13] =	ssyncadd.s32 $0xFFFFFF80  }
0x3c: {  	[spmem:s2] =	stream.indirect.scatter.add.f32 [tilespmem:s12], [sflag:$0x1], $0x10, s14, s15, $0xb8;
	[tilespmem:$0x6800] =	vst v63  }
0x3d: {  	_ =	swait.ge [sflag:s13], $0x800  }
0x3e: {  	s20 =	smov.u32 s22;
	[sflag:s13] =	ssyncset.done $0x0  }
0x3f: {  	s19 =	sadd.s32 s19, s11;
	[sflag:s13] =	ssyncadd.s32 $0xFFFFF800  }
0x40: {  	[tilespmem:s14], [sflag:$0x1] =	stream.linear.gather [hbm4b:s19+s3], $0x80, $0x38;
	[tilespmem:$0x6800] =	vst v63  }
0x41: {  	_ =	swait.ge [sflag:s13], $0x80  }
0x42: {  	[sflag:s13] =	ssyncset.done $0x0  }
0x43: {  	[sflag:s13] =	ssyncadd.s32 $0xFFFFFF80  }
0x44: {  	[spmem:s2] =	stream.indirect.scatter.add.f32 [tilespmem:s12], [sflag:$0x1], $0x10, s14, s15, $0xb8;
	[tilespmem:$0x6800] =	vst v63  }
0x45: {  	_ =	swait.ge [sflag:s13], $0x800  }
0x46: {  	s18 =	sadd.s32 $0x1, s18;
	[sflag:s13] =	ssyncset.done $0x0  }
0x47: {  	p0 =	sne.s32 s18, s10;
	[sflag:s13] =	ssyncadd.s32 $0xFFFFF800  }
.Ltmp3:
0x48: {  	[bflag:$0x0] =	sbarrier.arrive $0xFFFF;
	(pc) =	sbr.rel @p0 .LBB2_1-.Ltmp3, $4  }
0x49: {  	[hbm:s9], [sflag:s16] =	dma.local [spmem:s17], $0x2780  }
0x4a: {  	_ =	swait.ge [sflag:s13], $0x2780  }
0x4b: {  	[sflag:s13] =	ssyncset.done $0x0  }
0x4c: {  	[sflag:s13] =	ssyncadd.s32 $0xFFFFD880  }
0x4d: {  	_ =	sfence.sel $0x180000  }
0x4e: {  	[bflag:$0x0] =	sbarrier.arrive $0xFFFF  }
0x4f: {  	p0 =	sne.s32 s1, $0x0;
	_ =	strace $0x90000047  }
0x50: {  	s0 =	sadd.s32 @!p0 $0x100000, s0;
	[bflag:$0x2] =	sbarrier.arrive $0xFFFF  }
0x51: {  	[sflag:s0] =	ssyncadd.tile.s32 @!p0 $0x1;
	_ =	shalt  }
.Lfunc_end2:
_tile_overlayer_lowered:
.L_overlay_start_2:
0x52: {  	(tag) =	ssettag $0x2  }
0x53: {  	s0 =	rddreg [dreg:$0x0];
	s2 =	stileid.u32  }
0x54: {  	s1 =	rddreg [dreg:$0x1];
	p0 =	sne.s32 s2, $0x0  }
0x55: {  	s3 =	rddreg [dreg:$0x2];
	[bflag:$0x3] =	sbarrier.arrive $0xFFFF;
	s2 =	simm.s32 @!p0 $0x1C01  }
0x56: {  	[timem:s3], [sflag:s2] =	dma.local @!p0 [hbm:s0], s1  }
0x57: {  	s0 =	simm.s32 @!p0 $0x1  }
0x58: {  	_ =	swait.ge @!p0 [sflag:s0], s1  }
0x59: {  	s1 =	ssub.s32 @!p0 $0x0, s1;
	[sflag:s0] =	ssyncset.done @!p0 $0x0  }
0x5a: {  	[sflag:s0] =	ssyncadd.s32 @!p0 s1  }
0x5b: {  	[bflag:$0x3] =	sbarrier.arrive $0xFFFF  }
0x5c: {  	_ =	shalt  }

// kernel: kernel.13.cloned.1.call-start
scs
__scs_entry_jumppad:
0x0: {  	(pc) =	sbr.rel $0x88, $3  }
0x1: {  	(tag) =	ssettag $0x0;
	lr =	simm.s32 $0x1  }
0x2: {  	[smem:$0x3F92] =	sst lr;
	_ =	strace $0xD0000000  }
0x3: {  	_ = 	snop  }
0x4: {  	_ = 	snop  }
0x5: {  	_ = 	snop  }
0x6: {  	_ = 	snop  }
0x7: {  	_ = 	snop  }
__scs_overlays_trampoline_lowered:
0x8: {  	[smem:$0x3FA1] =	sst s0  }
0x9: {  	[smem:$0x3FA2] =	sst s1  }
0xa: {  	[smem:$0x3FA3] =	sst s2  }
0xb: {  	[smem:$0x3FA4] =	sst s3  }
0xc: {  	[smem:$0x3FA5] =	sst s4  }
0xd: {  	[smem:$0x3FA6] =	sst s5  }
0xe: {  	[smem:$0x3FA7] =	sst s6  }
0xf: {  	[smem:$0x3FA8] =	sst s7  }
0x10: {  	[smem:$0x3FA9] =	sst s8  }
0x11: {  	[smem:$0x3FAA] =	sst s9;
	s0 =	simm.s32 @!p0 $0x0  }
0x12: {  	s1 =	sld [smem:$0x3F90];
	s0 =	simm.s32 @p0 $0x1  }
0x13: {  	[smem:$0x3FAB] =	sst s0;
	s0 =	simm.s32 @!p1 $0x0  }
0x14: {  	s2 =	sld [smem:$0x3F8F];
	s0 =	simm.s32 @p1 $0x1  }
0x15: {  	[smem:$0x3FAC] =	sst s0;
	s0 =	simm.s32 @!p2 $0x0  }
0x16: {  	s3 =	sld [smem:$0x3FDB];
	s0 =	simm.s32 @p2 $0x1  }
0x17: {  	s4 =	simm.s32 $0x1BF5;
	[smem:$0x3FAE] =	sst s0  }
0x18: {  	s0 =	sld [smem:$0x3F91];
	_ =	swait.ge [sflag:s4], $0x0  }
0x19: {  	s7 =	sld [smem:$0x3F92]  }
0x1a: {  	s8 =	sadd.s32 $0xFFFFE003, lr  }
0x1b: {  	s9 =	sadd.s32 $0xFFFFFEF7, lr;
	s5 =	simm.s32 $0xFFFFFFFF;
	p2 =	slt.u32 s8, $0xFFFFF086  }
0x1c: {  	p1 =	slt.u32 s9, $0xF7A;
	s5 =	simm.s32 @!p2 $0x0  }
0x1d: {  	s5 =	simm.s32 @p1 $0x1;
	p0 =	seq.s32 s7, s2  }
0x1e: {  	s7 =	smul.u32 @!p0 $0xF7A, s2;
	p2 =	seq.s32 @!p0 s5, $0x0  }
0x1f: {  	s9 =	smul.u32 $0xF7A, s1;
	s8 =	simm.s32 @!p0 $0x1BF5;
	p2 =	por !p2, p0  }
0x20: {  	[sflag:s8] =	ssyncset.s32 @!p0 $0xFFFFF086;
	s6 =	sadd.s32 @!p0 s3, s7;
	s7 =	simm.s32 @!p0 $0x108  }
0x21: {  	s3 =	sadd.s32 s3, s9;
	s6 =	sadd.s32 @!p0 $0x88, s6;
	s7 =	simm.s32 @p2 $0x1082  }
0x22: {  	[simem:s7], [sflag:s8] =	dma.local @!p0 [hbm:s6], $0xF7A  }
0x23: {  	s9 =	sor.u32 $0xD0000000, s2;
	s6 =	simm.s32 $0x108;
	_ =	swait.ge @!p0 [sflag:s8], $0x0  }
0x24: {  	s3 =	sadd.s32 $0x88, s3;
	s6 =	simm.s32 @!p1 $0x1082;
	[sflag:s4] =	ssyncset.s32 $0xFFFFF086  }
0x25: {  	[simem:s6], [sflag:s4] =	dma.local [hbm:s3], $0xF7A  }
0x26: {  	[smem:$0x3F92] =	sst s1;
	(tag) =	ssettag s2;
	_ =	strace s9  }
0x27: {  	s1 =	sld [smem:$0x3FA2]  }
0x28: {  	s2 =	sld [smem:$0x3FA3]  }
0x29: {  	s4 =	sld [smem:$0x3FA5]  }
0x2a: {  	p0 =	seq.s32 s5, $0x0;
	s5 =	sld [smem:$0x3FA6]  }
0x2b: {  	s6 =	sld [smem:$0x3FA7]  }
0x2c: {  	s7 =	sld [smem:$0x3FA8]  }
0x2d: {  	s3 =	simm.s32 $0x108;
	s8 =	sld [smem:$0x3FA9]  }
0x2e: {  	s3 =	simm.s32 @!p0 $0x1082;
	s9 =	sld [smem:$0x3FAA]  }
0x2f: {  	lr =	sadd.s32 s0, s3;
	s0 =	sld [smem:$0x3FA1]  }
0x30: {  	s3 =	sld [smem:$0x3FA4]  }
0x31: {  	[smem:$0x3FAD] =	sst s10  }
0x32: {  	s10 =	sld [smem:$0x3FAB];
	_ =	sdelay $0x3  }
0x33: {  	p0 =	seq.s32 s10, $0x1;
	s10 =	sld [smem:$0x3FAD];
	_ =	sdelay $0x3  }
0x34: {  	[smem:$0x3FAD] =	sst s10  }
0x35: {  	s10 =	sld [smem:$0x3FAC];
	_ =	sdelay $0x3  }
0x36: {  	p1 =	seq.s32 s10, $0x1;
	s10 =	sld [smem:$0x3FAD];
	_ =	sdelay $0x3  }
0x37: {  	[smem:$0x3FAD] =	sst s10  }
0x38: {  	s10 =	sld [smem:$0x3FAE]  }
0x39: {  	_ = 	snop;
	(pc) =	sbr.ind lr, $3  }
0x3a: {  	_ = 	snop  }
0x3b: {  	_ = 	snop  }
0x3c: {  	p2 =	seq.s32 s10, $0x1;
	s10 =	sld [smem:$0x3FAD]  }
0x3d: {  	_ =	shalt  }
0x3e: {  	_ =	shalt  }
0x3f: {  	_ =	shalt  }
0x40: {  	_ =	shalt  }
0x41: {  	_ =	shalt  }
0x42: {  	_ =	shalt  }
0x43: {  	_ =	shalt  }
0x44: {  	_ =	shalt  }
0x45: {  	_ =	shalt  }
0x46: {  	_ =	shalt  }
0x47: {  	_ =	shalt  }
0x48: {  	_ =	shalt  }
0x49: {  	_ =	shalt  }
0x4a: {  	_ =	shalt  }
0x4b: {  	_ =	shalt  }
0x4c: {  	_ =	shalt  }
0x4d: {  	_ =	shalt  }
0x4e: {  	_ =	shalt  }
0x4f: {  	_ =	shalt  }
0x50: {  	_ =	shalt  }
0x51: {  	_ =	shalt  }
0x52: {  	_ =	shalt  }
0x53: {  	_ =	shalt  }
0x54: {  	_ =	shalt  }
0x55: {  	_ =	shalt  }
0x56: {  	_ =	shalt  }
0x57: {  	_ =	shalt  }
0x58: {  	_ =	shalt  }
0x59: {  	_ =	shalt  }
0x5a: {  	_ =	shalt  }
0x5b: {  	_ =	shalt  }
0x5c: {  	_ =	shalt  }
0x5d: {  	_ =	shalt  }
0x5e: {  	_ =	shalt  }
0x5f: {  	_ =	shalt  }
0x60: {  	_ =	shalt  }
0x61: {  	_ =	shalt  }
0x62: {  	_ =	shalt  }
0x63: {  	_ =	shalt  }
0x64: {  	_ =	shalt  }
0x65: {  	_ =	shalt  }
0x66: {  	_ =	shalt  }
0x67: {  	_ =	shalt  }
0x68: {  	_ =	shalt  }
0x69: {  	_ =	shalt  }
0x6a: {  	_ =	shalt  }
0x6b: {  	_ =	shalt  }
0x6c: {  	_ =	shalt  }
0x6d: {  	_ =	shalt  }
0x6e: {  	_ =	shalt  }
0x6f: {  	_ =	shalt  }
0x70: {  	_ =	shalt  }
0x71: {  	_ =	shalt  }
0x72: {  	_ =	shalt  }
0x73: {  	_ =	shalt  }
0x74: {  	_ =	shalt  }
0x75: {  	_ =	shalt  }
0x76: {  	_ =	shalt  }
0x77: {  	_ =	shalt  }
0x78: {  	_ =	shalt  }
0x79: {  	_ =	shalt  }
0x7a: {  	_ =	shalt  }
0x7b: {  	_ =	shalt  }
0x7c: {  	_ =	shalt  }
0x7d: {  	_ =	shalt  }
0x7e: {  	_ =	shalt  }
0x7f: {  	_ =	shalt  }
0x80: {  	_ =	shalt  }
0x81: {  	_ =	shalt  }
0x82: {  	_ =	shalt  }
0x83: {  	_ =	shalt  }
0x84: {  	_ =	shalt  }
0x85: {  	_ =	shalt  }
0x86: {  	_ =	shalt  }
0x87: {  	_ =	shalt  }
.Lfunc_end0:
.L_simem_size_0:
called_computation.1_lowered:
.L_overlay_start_0:
0x88: {  	s2 =	sld [smem:$0x3FD9]  }
0x89: {  	s3 =	sld [smem:$0x3FFE];
	_ =	sdelay $0x1  }
0x8a: {  	s1 =	srdreg.scid  }
0x8b: {  	s0 =	sand.u32 $0x1, s1  }
0x8c: {  	s16 =	sshll.u32 s0, $0xA;
	s2 =	sadd.s32 s3, s2  }
0x8d: {  	s2 =	sadd.s32 s2, s16  }
0x8e: {  	[smem:$0x3FB9] =	sst s2  }
0x8f: {  	_ = 	snop  }
0x90: {  	(tm) =	ssettm $0x1  }
0x91: {  	s17 =	sld [smem:$0x3FFB];
	_ =	sdelay $0x3  }
0x92: {  	_ =	strace s17  }
0x93: {  	s2 =	sld [smem:$0x3FFC];
	_ =	sdelay $0x3  }
0x94: {  	_ =	strace s2  }
0x95: {  	s2 =	sld [smem:$0x3FFD];
	_ =	sdelay $0x3  }
0x96: {  	_ =	strace s2  }
0x97: {  	_ =	strace $0x8FFFFFFF  }
0x98: {  	s18 =	sld [smem:$0x3FDB];
	_ =	sdelay $0x1  }
0x99: {  	s19 =	simm.s32 $_scs_section_size  }
0x9a: {  	s4 =	simm.s32 $_size__tile_overlayer_lowered;
	s5 =	simm.s32 $_tile_overlayer_lowered  }
0x9b: {  	s22 =	simm.s32 $0x1BFF;
	s21 =	sshll.u32 s5, $0x1;
	s2 =	sadd.s32 s19, s18  }
0x9c: {  	s6 =	simm.s32 $0x0;
	s20 =	sshll.u32 s4, $0x1;
	s4 =	sadd.s32 s21, s2  }
0x9d: {  	[timem:s6], [sflag:s22] =	dma.local [hbm:s4], s20  }
0x9e: {  	_ =	swait.ge [sflag:s22], s20  }
0x9f: {  	s3 =	ssub.s32 $0x0, s20;
	[sflag:s22] =	ssyncset.done $0x0  }
0xa0: {  	[sflag:s22] =	ssyncadd.s32 s3;
	_ =	sdelay $0x1  }
0xa1: {  	s23 =	simm.s32 $0x1B8B  }
0xa2: {  	_ =	swait.ge [sflag:s23], $0x1  }
0xa3: {  	[sflag:s23] =	ssyncset.done $0x0  }
0xa4: {  	s25 =	simm.s32 $0x1B8E;
	s24 =	sld [smem:$0x3FFE];
	[sflag:s23] =	ssyncadd.s32 $0xFFFFFFFF  }
0xa5: {  	s26 =	simm.s32 $execute0_lowered;
	[smem:$0x3FD2] =	sst s25  }
0xa6: {  	s4 =	sshll.u32 s26, $0x1;
	_ =	strace $0x80000049;
	[dreg:$0x1] =	wrdreg $0xFFFFFFFF  }
0xa7: {  	s28 =	simm.s32 $_size_execute0_lowered;
	s2 =	sadd.s32 s2, s4;
	[dreg:$0x0] =	wrdreg $0x0  }
0xa8: {  	s4 =	sshll.u32 s28, $0x1;
	[dreg:$0x2] =	wrdreg s2  }
0xa9: {  	[dreg:$0x3] =	wrdreg s4  }
0xaa: {  	[dreg:$0x4] =	wrdreg $0xC0  }
0xab: {  	_ =	task [dreg:s6], $0x5FFFF  }
0xac: {  	[dreg:$0x1] =	wrdreg $0xFFFFFFFF  }
0xad: {  	[dreg:$0x0] =	wrdreg $0x60  }
0xae: {  	[dreg:$0x2] =	wrdreg s24  }
0xaf: {  	[dreg:$0x3] =	wrdreg $0x0  }
0xb0: {  	[dreg:$0x4] =	wrdreg $0x9  }
0xb1: {  	_ =	task.clear_ibuf [dreg:s6], $0x5FFFF;
	_ =	strace $0x90000049  }
0xb2: {  	s29 =	simm.s32 $0x9;
	_ =	strace $0x8000004B  }
0xb3: {  	_ =	swait.ge [sflag:s29], $0x1  }
0xb4: {  	[sflag:s29] =	ssyncadd.s32 $0xFFFFFFFF  }
0xb5: {  	_ =	strace $0x9000004B  }
0xb6: {  	_ =	sfence  }
0xb7: {  	s30 =	sld [smem:$0x0];
	_ =	sdelay $0x2  }
0xb8: {  	s31 =	sshll.u32 s1, $0xD;
	s1 =	sshrl.u32 s1, $0x2  }
0xb9: {  	s3 =	sand.u32 $0x4000, s31;
	s1 =	sadd.s32 s1, s30  }
0xba: {  	s0 =	sor.u32 s3, s0;
	s1 =	sshll.u32 s1, $0x11  }
0xbb: {  	s0 =	sor.u32 s1, s0  }
0xbc: {  	s0 =	sadd.s32 $0x8F2B, s0  }
0xbd: {  	[sflag:s0] =	ssyncadd.remote.s32 $0x1  }
0xbe: {  	_ =	sfence.sel $0xFFFF  }
0xbf: {  	[dreg:$0x0] =	wrdreg $0xFFFFFFFF;
	(pc) =	sbr.abs _section_cstart, $3  }
0xc0: {  	[dreg:$0x1] =	wrdreg $0xFFFFFFFF  }
0xc1: {  	_ =	task.clear_ibuf [dreg:s6], $0x2FFFF;
	_ =	strace $0x9FFFFFFF  }
0xc2: {  	(tm) =	ssettm $0x7FFFFFFF  }
0xc3: {  	_ =	shalt  }
tec
execute0_lowered:
.L_overlay_start_1:
0x0: {  	(tag) =	ssettag $0x1  }
0x1: {  	s0 =	rddreg [dreg:$0x0];
	s1 =	srdreg.scid  }
0x2: {  	s2 =	rddreg [dreg:$0x1];
	s11 =	stileid.u32  }
0x3: {  	s3 =	simm.s32 $0x0;
	s29 =	simm.s32 $0x13F80;
	s30 =	simm.s32 $0x14000  }
0x4: {  	s31 =	simm.s32 $0x7;
	s28 =	simm.s32 $0x18000;
	s6 =	smul.u32 $0x13C00, s11  }
0x5: {  	s1 =	sand.u32 $0x1, s1;
	[smem:$0x7FF] =	sst s3;
	s8 =	smul.u32 $0x4800, s11  }
0x6: {  	s7 =	sadd.s32 $0x3200, s0;
	s15 =	sshll.u32 s11, $0xB;
	s5 =	smul.u32 $0x13C000, s1  }
0x7: {  	s9 =	ssub.s32 $0x2, s1;
	p0 =	seq.s32 s1, $0x0;
	s1 =	sor.u32 $0x48000, s15  }
0x8: {  	s11 =	smul.u32 $0x4F000, s11;
	_ =	strace $0x8000004A;
	s1 =	smov.u32 @p0 s8  }
0x9: {  	s5 =	sadd.s32 s6, s5;
	s6 =	sadd.s32 $0x5C200, s0;
	s1 =	sshrl.u32 s1, $0x3  }
0xa: {  	s10 =	sshrl.u32 s9, $0x1;
	s24 =	sshrl.u32 s11, $0x2;
	s16 =	sadd.s32 s6, s1  }
0xb: {  	s14 =	sadd.s32 s24, s2;
	s17 =	sadd.s32 s7, s1;
	[dreg:$0xe] =	wrdreg s16  }
0xc: {  	s18 =	sor.u32 $0x10, s1;
	s13 =	sadd.s32 $0x8000, s14;
	[dreg:$0xf] =	wrdreg s17  }
0xd: {  	s8 =	ssub.s32 s9, s10;
	s19 =	sadd.s32 s6, s18;
	[dreg:$0x17] =	wrdreg s13  }
0xe: {  	s20 =	sor.u32 $0x20, s1;
	s9 =	sadd.s32 s7, s18;
	[dreg:$0x10] =	wrdreg s19  }
0xf: {  	s4 =	sadd.s32 $0xD200, s0;
	s21 =	sadd.s32 s6, s20;
	[dreg:$0x11] =	wrdreg s9  }
0x10: {  	s22 =	sor.u32 $0x30, s1;
	s10 =	sadd.s32 s7, s20;
	[dreg:$0x12] =	wrdreg s21  }
0x11: {  	s12 =	sor.u32 $0x40, s1;
	s23 =	sadd.s32 s6, s22;
	[dreg:$0x13] =	wrdreg s10  }
0x12: {  	s5 =	sshrl.u32 s5, $0x3;
	s15 =	sadd.s32 s12, s7;
	[dreg:$0x14] =	wrdreg s23  }
0x13: {  	s0 =	sadd.s32 s5, s0;
	s18 =	sadd.s32 $0xC000, s14;
	[dreg:$0x6] =	wrdreg s15  }
0x14: {  	s5 =	simm.s32 $0x90;
	s16 =	sadd.s32 s12, s6;
	[dreg:$0x18] =	wrdreg s18  }
0x15: {  	s17 =	sor.u32 $0x50, s1;
	s9 =	sadd.s32 s7, s22;
	[dreg:$0x7] =	wrdreg s16  }
0x16: {  	s5 =	simm.s32 @!p0 $0x10;
	s10 =	sadd.s32 $0x4000, s14;
	[dreg:$0x15] =	wrdreg s9  }
0x17: {  	s19 =	sadd.s32 s17, s7;
	s20 =	sadd.s32 s17, s6;
	[dreg:$0x16] =	wrdreg s10  }
0x18: {  	s21 =	sor.u32 $0x60, s1;
	s22 =	sadd.s32 $0x10000, s14;
	[dreg:$0x8] =	wrdreg s19  }
0x19: {  	s1 =	sor.u32 $0x70, s1;
	s25 =	sadd.s32 $0xFFFFFFFE, s5;
	[dreg:$0x19] =	wrdreg s22  }
0x1a: {  	s26 =	sadd.s32 $0xFFFFFFFD, s5;
	s10 =	sshll.u32 s5, $0x4;
	[dreg:$0x9] =	wrdreg s20  }
0x1b: {  	s23 =	sadd.s32 s21, s7;
	s24 =	sadd.s32 s21, s6;
	[dreg:$0x3] =	wrdreg s25  }
0x1c: {  	s19 =	sadd.s32 $0x66200, s0;
	s20 =	smax.u32 s8, $0x1;
	[dreg:$0x4] =	wrdreg s26  }
0x1d: {  	s21 =	simm.s32 $0x13C00;
	s22 =	simm.s32 $0x13E00;
	[dreg:$0x5] =	wrdreg s10  }
0x1e: {  	s0 =	simm.s32 $0x1;
	s8 =	simm.s32 $0x0;
	[dreg:$0xa] =	wrdreg s23  }
0x1f: {  	[dreg:$0xb] =	wrdreg s24;
	s25 =	sadd.s32 s1, s7;
	s26 =	sadd.s32 s1, s6  }
0x20: {  	s23 =	simm.s32 $0x13C80;
	s24 =	simm.s32 $0x13E80;
	s1 =	simm.s32 $0x80  }
0x21: {  	s6 =	simm.s32 $0x5;
	s7 =	simm.s32 $0x6;
	[dreg:$0xc] =	wrdreg s25  }
0x22: {  	v0 =	vimm.f32 $0.0e+00;
	[dreg:$0xd] =	wrdreg s26;
	s26 =	simm.s32 $0x13F00;
	s25 =	simm.s32 $0x2  }
.LBB2_1:
0x23: {  	s9 =	rddreg [dreg:$0xe]  }
0x24: {  	s17 =	rddreg [dreg:$0xf]  }
0x25: {  	[tilespmem:s21], [sflag:$0x1] =	stream.linear.gather [hbm4b:s9+s3], $0x80, $0x38;
	[tilespmem:$0x1C000] =	vst v63  }
0x26: {  	s18 =	rddreg [dreg:$0x10]  }
0x27: {  	[tilespmem:s22], [sflag:$0x1] =	stream.linear.gather [hbm4b:s17+s3], $0x80, $0x38;
	[tilespmem:$0x1C000] =	vst v63  }
0x28: {  	s10 =	rddreg [dreg:$0x11]  }
0x29: {  	[tilespmem:s23], [sflag:$0x2] =	stream.linear.gather [hbm4b:s18+s3], $0x80, $0x38;
	[tilespmem:$0x1C000] =	vst v63  }
0x2a: {  	s11 =	rddreg [dreg:$0x12]  }
0x2b: {  	[tilespmem:s24], [sflag:$0x2] =	stream.linear.gather [hbm4b:s10+s3], $0x80, $0x38;
	[tilespmem:$0x1C000] =	vst v63  }
0x2c: {  	s12 =	rddreg [dreg:$0x13];
	s10 =	simm.s32 $0x13D00  }
0x2d: {  	[tilespmem:s10], [sflag:$0x3] =	stream.linear.gather [hbm4b:s11+s3], $0x80, $0x38;
	[tilespmem:$0x1C000] =	vst v63  }
0x2e: {  	s13 =	rddreg [dreg:$0x14];
	s15 =	simm.s32 $0x13D80;
	s17 =	sand.u32 $0xFE00, s3  }
0x2f: {  	[tilespmem:s26], [sflag:$0x3] =	stream.linear.gather [hbm4b:s12+s3], $0x80, $0x38;
	[tilespmem:$0x1C000] =	vst v63  }
0x30: {  	s16 =	rddreg [dreg:$0x15];
	s18 =	sand.u32 $0x70, s3;
	s11 =	sshrl.u32 s17, $0x2  }
0x31: {  	[tilespmem:s15], [sflag:$0x4] =	stream.linear.gather [hbm4b:s13+s3], $0x80, $0x38;
	[tilespmem:$0x1C000] =	vst v63  }
0x32: {  	s9 =	simm.s32 $0x40;
	s10 =	simm.s32 $0x0;
	s11 =	sor.u32 s18, s11  }
0x33: {  	[tilespmem:s29], [sflag:$0x4] =	stream.linear.gather [hbm4b:s16+s3], $0x80, $0x38;
	[tilespmem:$0x1C000] =	vst v63  }
.LBB2_2:
0x34: {  	p0 =	sne.s32 s9, $0xFFC0  }
0x35: {  	[tilespmem:s11+$0x14000] =	vst v0;
	s10 =	sadd.s32 $0x10, s10;
	s11 =	smov.u32 s9;
	s9 =	sadd.s32 $0x40, s9  }
.Ltmp0:
0x36: {  	(pc) =	sbr.rel @p0 .LBB2_2-.Ltmp0, $4  }
0x37: {  	_ = 	snop  }
0x38: {  	s11 =	sand.u32 $0xFE00, s11  }
0x39: {  	s12 =	sand.u32 $0x70, s10;
	s11 =	sshrl.u32 s11, $0x2  }
0x3a: {  	s11 =	sor.u32 s12, s11  }
0x3b: {  	[tilespmem:s11+$0x14000] =	vst v0  }
0x3c: {  	[spmem:s14] =	stream.linear.scatter [tilespmem:s30], [sflag:$0x7], $0x4000, $0x38;
	[tilespmem:$0x1C000] =	vst v63  }
0x3d: {  	_ =	swait.ge [sflag:s31], $0x4000  }
0x3e: {  	[sflag:s31] =	ssyncset.done $0x0  }
0x3f: {  	s9 =	rddreg [dreg:$0x16];
	[sflag:s31] =	ssyncadd.s32 $0xFFFFC000  }
0x40: {  	[spmem:s9] =	stream.linear.scatter [tilespmem:s30], [sflag:$0x7], $0x4000, $0x38;
	[tilespmem:$0x1C000] =	vst v63  }
0x41: {  	_ =	swait.ge [sflag:s31], $0x4000  }
0x42: {  	[sflag:s31] =	ssyncset.done $0x0  }
0x43: {  	s16 =	rddreg [dreg:$0x17];
	[sflag:s31] =	ssyncadd.s32 $0xFFFFC000  }
0x44: {  	[spmem:s16] =	stream.linear.scatter [tilespmem:s30], [sflag:$0x7], $0x4000, $0x38;
	[tilespmem:$0x1C000] =	vst v63  }
0x45: {  	_ =	swait.ge [sflag:s31], $0x4000  }
0x46: {  	[sflag:s31] =	ssyncset.done $0x0  }
0x47: {  	s17 =	rddreg [dreg:$0x18];
	[sflag:s31] =	ssyncadd.s32 $0xFFFFC000  }
0x48: {  	[spmem:s17] =	stream.linear.scatter [tilespmem:s30], [sflag:$0x7], $0x4000, $0x38;
	[tilespmem:$0x1C000] =	vst v63  }
0x49: {  	_ =	swait.ge [sflag:s31], $0x4000  }
0x4a: {  	[sflag:s31] =	ssyncset.done $0x0  }
0x4b: {  	s18 =	rddreg [dreg:$0x19];
	[sflag:s31] =	ssyncadd.s32 $0xFFFFC000  }
0x4c: {  	[spmem:s18] =	stream.linear.scatter [tilespmem:s30], [sflag:$0x7], $0x3C00, $0x38;
	[tilespmem:$0x1C000] =	vst v63  }
0x4d: {  	_ =	swait.ge [sflag:s31], $0x3C00  }
0x4e: {  	[sflag:s31] =	ssyncset.done $0x0  }
0x4f: {  	[sflag:s31] =	ssyncadd.s32 $0xFFFFC400  }
0x50: {  	[bflag:$0x0] =	sbarrier.arrive $0xFFFF  }
0x51: {  	_ =	swait.ge [sflag:s0], $0x80  }
0x52: {  	[sflag:s0] =	ssyncset.done $0x0  }
0x53: {  	[sflag:s0] =	ssyncadd.s32 $0xFFFFFF80  }
0x54: {  	_ =	swait.ge [sflag:s0], $0x80  }
0x55: {  	[sflag:s0] =	ssyncset.done $0x0  }
0x56: {  	[sflag:s0] =	ssyncadd.s32 $0xFFFFFF80  }
0x57: {  	[tilespmem:s30], [sflag:$0x5] =	stream.indirect.gather [hbm4b:s4+s1], $0x80, s21, s1, $0xb8;
	[tilespmem:$0x1C000] =	vst v63  }
0x58: {  	_ =	swait.ge [sflag:s25], $0x80  }
0x59: {  	[sflag:s25] =	ssyncset.done $0x0  }
0x5a: {  	[sflag:s25] =	ssyncadd.s32 $0xFFFFFF80  }
0x5b: {  	_ =	swait.ge [sflag:s25], $0x80  }
0x5c: {  	[sflag:s25] =	ssyncset.done $0x0  }
0x5d: {  	s10 =	simm.s32 $0x0;
	s9 =	simm.s32 $0x0;
	[sflag:s25] =	ssyncadd.s32 $0xFFFFFF80  }
0x5e: {  	[tilespmem:s28], [sflag:$0x6] =	stream.indirect.gather [hbm4b:s4+s1], $0x80, s23, s1, $0xb8;
	[tilespmem:$0x1C000] =	vst v63  }
.LBB2_4:
0x5f: {  	_ =	swait.ge [sflag:s6], $0x4000  }
0x60: {  	[sflag:s6] =	ssyncset.done $0x0  }
0x61: {  	[sflag:s6] =	ssyncadd.s32 $0xFFFFC000  }
0x62: {  	[spmem:s2] =	stream.indirect.scatter.add.f32 [tilespmem:s30], [sflag:$0x7], $0x80, s22, s1, $0xb8;
	[tilespmem:$0x1C000] =	vst v63  }
0x63: {  	_ =	swait.ge [sflag:s31], $0x4000  }
0x64: {  	s11 =	sadd.s32 $0x4, s10;
	s12 =	rddreg [dreg:$0x7]  }
0x65: {  	p0 =	sge.u32 s11, s5;
	[sflag:s31] =	ssyncset.done $0x0;
	s16 =	rddreg [dreg:$0x6]  }
0x66: {  	s15 =	simm.s32 @!p0 $0x0;
	s18 =	rddreg [dreg:$0x3];
	[sflag:s31] =	ssyncadd.s32 $0xFFFFC000  }
0x67: {  	s13 =	sadd.s32 @!p0 s9, s12;
	s12 =	simm.s32 @!p0 $0x13C00;
	p1 =	sge.u32 s10, s18  }
0x68: {  	[tilespmem:s12], [sflag:$0x1] =	stream.linear.gather @!p0 [hbm4b:s13+s15], $0x80, $0x38;
	[tilespmem:$0x1C000] =	vst v63  }
0x69: {  	s17 =	simm.s32 @!p0 $0x13E00;
	s16 =	sadd.s32 @!p0 s9, s16;
	s13 =	simm.s32 @!p1 $0x3  }
0x6a: {  	[tilespmem:s17], [sflag:$0x1] =	stream.linear.gather @!p0 [hbm4b:s16+s15], $0x80, $0x38;
	[tilespmem:$0x1C000] =	vst v63  }
0x6b: {  	_ =	swait.ge @!p1 [sflag:s13], $0x80  }
0x6c: {  	[sflag:s13] =	ssyncset.done @!p1 $0x0  }
0x6d: {  	[sflag:s13] =	ssyncadd.s32 @!p1 $0xFFFFFF80  }
0x6e: {  	_ =	swait.ge @!p1 [sflag:s13], $0x80  }
0x6f: {  	s15 =	simm.s32 @!p1 $0x13D00;
	[sflag:s13] =	ssyncset.done @!p1 $0x0  }
0x70: {  	s16 =	simm.s32 @!p1 $0x14000;
	[sflag:s13] =	ssyncadd.s32 @!p1 $0xFFFFFF80;
	s13 =	simm.s32 @!p1 $0x80  }
0x71: {  	[tilespmem:s16], [sflag:$0x5] =	stream.indirect.gather @!p1 [hbm4b:s4+s13], $0x80, s15, s13, $0xb8;
	[tilespmem:$0x1C000] =	vst v63  }
0x72: {  	_ =	swait.ge [sflag:s7], $0x4000  }
0x73: {  	[sflag:s7] =	ssyncset.done $0x0  }
0x74: {  	[sflag:s7] =	ssyncadd.s32 $0xFFFFC000  }
0x75: {  	[spmem:s2] =	stream.indirect.scatter.add.f32 [tilespmem:s28], [sflag:$0x7], $0x80, s24, s1, $0xb8;
	[tilespmem:$0x1C000] =	vst v63  }
0x76: {  	s17 =	sadd.s32 $0x5, s10;
	_ =	swait.ge [sflag:s31], $0x4000  }
0x77: {  	p1 =	sge.u32 s17, s5;
	s13 =	rddreg [dreg:$0x9]  }
0x78: {  	s16 =	simm.s32 @!p1 $0x0;
	[sflag:s31] =	ssyncset.done $0x0;
	s17 =	rddreg [dreg:$0x8]  }
0x79: {  	[sflag:s31] =	ssyncadd.s32 $0xFFFFC000;
	s15 =	sadd.s32 @!p1 s9, s13;
	s13 =	simm.s32 @!p1 $0x13C80  }
0x7a: {  	[tilespmem:s13], [sflag:$0x2] =	stream.linear.gather @!p1 [hbm4b:s15+s16], $0x80, $0x38;
	[tilespmem:$0x1C000] =	vst v63  }
0x7b: {  	s15 =	rddreg [dreg:$0x4]  }
0x7c: {  	s18 =	simm.s32 @!p1 $0x13E80;
	s17 =	sadd.s32 @!p1 s9, s17;
	p2 =	sge.u32 s10, s15  }
0x7d: {  	[tilespmem:s18], [sflag:$0x2] =	stream.linear.gather @!p1 [hbm4b:s17+s16], $0x80, $0x38;
	[tilespmem:$0x1C000] =	vst v63  }
0x7e: {  	s15 =	simm.s32 @!p2 $0x4  }
0x7f: {  	_ =	swait.ge @!p2 [sflag:s15], $0x80  }
0x80: {  	[sflag:s15] =	ssyncset.done @!p2 $0x0  }
0x81: {  	[sflag:s15] =	ssyncadd.s32 @!p2 $0xFFFFFF80  }
0x82: {  	_ =	swait.ge @!p2 [sflag:s15], $0x80  }
0x83: {  	s16 =	simm.s32 @!p2 $0x13D80;
	[sflag:s15] =	ssyncset.done @!p2 $0x0  }
0x84: {  	s17 =	simm.s32 @!p2 $0x18000;
	[sflag:s15] =	ssyncadd.s32 @!p2 $0xFFFFFF80;
	s15 =	simm.s32 @!p2 $0x80  }
0x85: {  	[tilespmem:s17], [sflag:$0x6] =	stream.indirect.gather @!p2 [hbm4b:s4+s15], $0x80, s16, s15, $0xb8;
	[tilespmem:$0x1C000] =	vst v63  }
0x86: {  	_ =	swait.ge [sflag:s6], $0x4000  }
0x87: {  	s18 =	sadd.s32 $0x6, s10;
	[sflag:s6] =	ssyncset.done $0x0  }
0x88: {  	p2 =	sge.u32 s18, s5;
	[sflag:s6] =	ssyncadd.s32 $0xFFFFC000  }
0x89: {  	[spmem:s2] =	stream.indirect.scatter.add.f32 [tilespmem:s30], [sflag:$0x7], $0x80, s26, s1, $0xb8;
	[tilespmem:$0x1C000] =	vst v63  }
0x8a: {  	s17 =	simm.s32 @!p2 $0x0;
	_ =	swait.ge [sflag:s31], $0x4000  }
0x8b: {  	s18 =	simm.s32 @!p2 $0x13D00;
	s15 =	rddreg [dreg:$0xb];
	[sflag:s31] =	ssyncset.done $0x0  }
0x8c: {  	s16 =	rddreg [dreg:$0xa];
	[sflag:s31] =	ssyncadd.s32 $0xFFFFC000;
	s15 =	sadd.s32 @!p2 s9, s15  }
0x8d: {  	[tilespmem:s18], [sflag:$0x3] =	stream.linear.gather @!p2 [hbm4b:s15+s17], $0x80, $0x38;
	[tilespmem:$0x1C000] =	vst v63  }
0x8e: {  	s15 =	sadd.s32 @!p2 s9, s16;
	s16 =	simm.s32 @!p2 $0x13F00  }
0x8f: {  	[tilespmem:s16], [sflag:$0x3] =	stream.linear.gather @!p2 [hbm4b:s15+s17], $0x80, $0x38;
	[tilespmem:$0x1C000] =	vst v63  }
0x90: {  	s15 =	simm.s32 @!p0 $0x1  }
0x91: {  	_ =	swait.ge @!p0 [sflag:s15], $0x80  }
0x92: {  	[sflag:s15] =	ssyncset.done @!p0 $0x0  }
0x93: {  	[sflag:s15] =	ssyncadd.s32 @!p0 $0xFFFFFF80  }
0x94: {  	_ =	swait.ge @!p0 [sflag:s15], $0x80  }
0x95: {  	[sflag:s15] =	ssyncset.done @!p0 $0x0  }
0x96: {  	s16 =	simm.s32 @!p0 $0x14000;
	[sflag:s15] =	ssyncadd.s32 @!p0 $0xFFFFFF80;
	s15 =	simm.s32 @!p0 $0x80  }
0x97: {  	[tilespmem:s16], [sflag:$0x5] =	stream.indirect.gather @!p0 [hbm4b:s4+s15], $0x80, s12, s15, $0xb8;
	[tilespmem:$0x1C000] =	vst v63  }
0x98: {  	_ =	swait.ge [sflag:s7], $0x4000  }
0x99: {  	s17 =	sadd.s32 $0x7, s10;
	[sflag:s7] =	ssyncset.done $0x0  }
0x9a: {  	p0 =	sge.u32 s17, s5;
	[sflag:s7] =	ssyncadd.s32 $0xFFFFC000  }
0x9b: {  	[spmem:s2] =	stream.indirect.scatter.add.f32 [tilespmem:s28], [sflag:$0x7], $0x80, s29, s1, $0xb8;
	[tilespmem:$0x1C000] =	vst v63  }
0x9c: {  	s15 =	simm.s32 @!p0 $0x0;
	_ =	swait.ge [sflag:s31], $0x4000  }
0x9d: {  	s16 =	simm.s32 @!p0 $0x13D80;
	s12 =	rddreg [dreg:$0xd];
	[sflag:s31] =	ssyncset.done $0x0  }
0x9e: {  	s10 =	rddreg [dreg:$0xc];
	[sflag:s31] =	ssyncadd.s32 $0xFFFFC000;
	s12 =	sadd.s32 @!p0 s9, s12  }
0x9f: {  	[tilespmem:s16], [sflag:$0x4] =	stream.linear.gather @!p0 [hbm4b:s12+s15], $0x80, $0x38;
	[tilespmem:$0x1C000] =	vst v63  }
0xa0: {  	s10 =	sadd.s32 @!p0 s9, s10;
	s12 =	simm.s32 @!p0 $0x13F80  }
0xa1: {  	[tilespmem:s12], [sflag:$0x4] =	stream.linear.gather @!p0 [hbm4b:s10+s15], $0x80, $0x38;
	[tilespmem:$0x1C000] =	vst v63  }
0xa2: {  	s10 =	simm.s32 @!p1 $0x2  }
0xa3: {  	_ =	swait.ge @!p1 [sflag:s10], $0x80  }
0xa4: {  	[sflag:s10] =	ssyncset.done @!p1 $0x0  }
0xa5: {  	[sflag:s10] =	ssyncadd.s32 @!p1 $0xFFFFFF80  }
0xa6: {  	_ =	swait.ge @!p1 [sflag:s10], $0x80  }
0xa7: {  	s9 =	sadd.s32 $0x40, s9;
	s18 =	rddreg [dreg:$0x5]  }
0xa8: {  	p0 =	sne.s32 s18, s9  }
.Ltmp1:
0xa9: {  	_ = 	snop;
	(pc) =	sbr.rel @p0 .LBB2_4-.Ltmp1, $4  }
0xaa: {  	[sflag:s10] =	ssyncset.done @!p1 $0x0  }
0xab: {  	s12 =	simm.s32 @!p1 $0x18000;
	[sflag:s10] =	ssyncadd.s32 @!p1 $0xFFFFFF80;
	s10 =	simm.s32 @!p1 $0x80  }
0xac: {  	[tilespmem:s12], [sflag:$0x6] =	stream.indirect.gather @!p1 [hbm4b:s4+s10], $0x80, s13, s10, $0xb8;
	[tilespmem:$0x1C000] =	vst v63  }
0xad: {  	s10 =	smov.u32 s11  }
0xae: {  	s9 =	stileid.u32;
	s8 =	sadd.s32 $0x1, s8  }
0xaf: {  	[bflag:$0x0] =	sbarrier.arrive $0xFFFF;
	s9 =	sshll.u32 s9, $0x6;
	p0 =	sne.s32 s8, s20  }
.Ltmp2:
0xb0: {  	s10 =	sshrl.u32 s14, $0x3;
	s9 =	sor.u32 $0x1C07, s9;
	(pc) =	sbr.rel @p0 .LBB2_1-.Ltmp2, $4  }
0xb1: {  	[hbm:s19], [sflag:s9] =	dma.local [spmem:s10], $0x2780  }
0xb2: {  	_ =	swait.ge [sflag:s31], $0x2780  }
0xb3: {  	[sflag:s31] =	ssyncset.done $0x0  }
0xb4: {  	[sflag:s31] =	ssyncadd.s32 $0xFFFFD880  }
0xb5: {  	_ =	sfence.sel $0x180000  }
0xb6: {  	[bflag:$0x0] =	sbarrier.arrive $0xFFFF  }
0xb7: {  	_ =	strace $0x9000004A  }
0xb8: {  	s0 =	stileid.u32;
	[bflag:$0x2] =	sbarrier.arrive $0xFFFF  }
0xb9: {  	p0 =	sne.s32 s0, $0x0;
	s0 =	rddreg [dreg:$0x2]  }
0xba: {  	s0 =	sadd.s32 @!p0 $0x100000, s0  }
0xbb: {  	[sflag:s0] =	ssyncadd.tile.s32 @!p0 $0x1;
	_ =	shalt  }
.Lfunc_end2:
_tile_overlayer_lowered:
.L_overlay_start_2:
0xbc: {  	(tag) =	ssettag $0x2  }
0xbd: {  	s0 =	rddreg [dreg:$0x0];
	s2 =	stileid.u32  }
0xbe: {  	s1 =	rddreg [dreg:$0x1];
	p0 =	sne.s32 s2, $0x0  }
0xbf: {  	s3 =	rddreg [dreg:$0x2];
	[bflag:$0x3] =	sbarrier.arrive $0xFFFF;
	s2 =	simm.s32 @!p0 $0x1C07  }
0xc0: {  	[timem:s3], [sflag:s2] =	dma.local @!p0 [hbm:s0], s1  }
0xc1: {  	s0 =	simm.s32 @!p0 $0x7  }
0xc2: {  	_ =	swait.ge @!p0 [sflag:s0], s1  }
0xc3: {  	s1 =	ssub.s32 @!p0 $0x0, s1;
	[sflag:s0] =	ssyncset.done @!p0 $0x0  }
0xc4: {  	[sflag:s0] =	ssyncadd.s32 @!p0 s1  }
0xc5: {  	[bflag:$0x3] =	sbarrier.arrive $0xFFFF  }
0xc6: {  	_ =	shalt  }

// kernel: kernel.16.cloned.1.call-start
scs
__scs_entry_jumppad:
0x0: {  	(pc) =	sbr.rel $0x88, $3  }
0x1: {  	(tag) =	ssettag $0x0;
	lr =	simm.s32 $0x1  }
0x2: {  	[smem:$0x3F92] =	sst lr;
	_ =	strace $0xD0000000  }
0x3: {  	_ = 	snop  }
0x4: {  	_ = 	snop  }
0x5: {  	_ = 	snop  }
0x6: {  	_ = 	snop  }
0x7: {  	_ = 	snop  }
__scs_overlays_trampoline_lowered:
0x8: {  	[smem:$0x3FA1] =	sst s0  }
0x9: {  	[smem:$0x3FA2] =	sst s1  }
0xa: {  	[smem:$0x3FA3] =	sst s2  }
0xb: {  	[smem:$0x3FA4] =	sst s3  }
0xc: {  	[smem:$0x3FA5] =	sst s4  }
0xd: {  	[smem:$0x3FA6] =	sst s5  }
0xe: {  	[smem:$0x3FA7] =	sst s6  }
0xf: {  	[smem:$0x3FA8] =	sst s7  }
0x10: {  	[smem:$0x3FA9] =	sst s8  }
0x11: {  	[smem:$0x3FAA] =	sst s9;
	s0 =	simm.s32 @!p0 $0x0  }
0x12: {  	s1 =	sld [smem:$0x3F90];
	s0 =	simm.s32 @p0 $0x1  }
0x13: {  	[smem:$0x3FAB] =	sst s0;
	s0 =	simm.s32 @!p1 $0x0  }
0x14: {  	s2 =	sld [smem:$0x3F8F];
	s0 =	simm.s32 @p1 $0x1  }
0x15: {  	[smem:$0x3FAC] =	sst s0;
	s0 =	simm.s32 @!p2 $0x0  }
0x16: {  	s3 =	sld [smem:$0x3FDB];
	s0 =	simm.s32 @p2 $0x1  }
0x17: {  	s4 =	simm.s32 $0x1BF5;
	[smem:$0x3FAE] =	sst s0  }
0x18: {  	s0 =	sld [smem:$0x3F91];
	_ =	swait.ge [sflag:s4], $0x0  }
0x19: {  	s7 =	sld [smem:$0x3F92]  }
0x1a: {  	s8 =	sadd.s32 $0xFFFFE003, lr  }
0x1b: {  	s9 =	sadd.s32 $0xFFFFFEF7, lr;
	s5 =	simm.s32 $0xFFFFFFFF;
	p2 =	slt.u32 s8, $0xFFFFF086  }
0x1c: {  	p1 =	slt.u32 s9, $0xF7A;
	s5 =	simm.s32 @!p2 $0x0  }
0x1d: {  	s5 =	simm.s32 @p1 $0x1;
	p0 =	seq.s32 s7, s2  }
0x1e: {  	s7 =	smul.u32 @!p0 $0xF7A, s2;
	p2 =	seq.s32 @!p0 s5, $0x0  }
0x1f: {  	s9 =	smul.u32 $0xF7A, s1;
	s8 =	simm.s32 @!p0 $0x1BF5;
	p2 =	por !p2, p0  }
0x20: {  	[sflag:s8] =	ssyncset.s32 @!p0 $0xFFFFF086;
	s6 =	sadd.s32 @!p0 s3, s7;
	s7 =	simm.s32 @!p0 $0x108  }
0x21: {  	s3 =	sadd.s32 s3, s9;
	s6 =	sadd.s32 @!p0 $0x88, s6;
	s7 =	simm.s32 @p2 $0x1082  }
0x22: {  	[simem:s7], [sflag:s8] =	dma.local @!p0 [hbm:s6], $0xF7A  }
0x23: {  	s9 =	sor.u32 $0xD0000000, s2;
	s6 =	simm.s32 $0x108;
	_ =	swait.ge @!p0 [sflag:s8], $0x0  }
0x24: {  	s3 =	sadd.s32 $0x88, s3;
	s6 =	simm.s32 @!p1 $0x1082;
	[sflag:s4] =	ssyncset.s32 $0xFFFFF086  }
0x25: {  	[simem:s6], [sflag:s4] =	dma.local [hbm:s3], $0xF7A  }
0x26: {  	[smem:$0x3F92] =	sst s1;
	(tag) =	ssettag s2;
	_ =	strace s9  }
0x27: {  	s1 =	sld [smem:$0x3FA2]  }
0x28: {  	s2 =	sld [smem:$0x3FA3]  }
0x29: {  	s4 =	sld [smem:$0x3FA5]  }
0x2a: {  	p0 =	seq.s32 s5, $0x0;
	s5 =	sld [smem:$0x3FA6]  }
0x2b: {  	s6 =	sld [smem:$0x3FA7]  }
0x2c: {  	s7 =	sld [smem:$0x3FA8]  }
0x2d: {  	s3 =	simm.s32 $0x108;
	s8 =	sld [smem:$0x3FA9]  }
0x2e: {  	s3 =	simm.s32 @!p0 $0x1082;
	s9 =	sld [smem:$0x3FAA]  }
0x2f: {  	lr =	sadd.s32 s0, s3;
	s0 =	sld [smem:$0x3FA1]  }
0x30: {  	s3 =	sld [smem:$0x3FA4]  }
0x31: {  	[smem:$0x3FAD] =	sst s10  }
0x32: {  	s10 =	sld [smem:$0x3FAB];
	_ =	sdelay $0x3  }
0x33: {  	p0 =	seq.s32 s10, $0x1;
	s10 =	sld [smem:$0x3FAD];
	_ =	sdelay $0x3  }
0x34: {  	[smem:$0x3FAD] =	sst s10  }
0x35: {  	s10 =	sld [smem:$0x3FAC];
	_ =	sdelay $0x3  }
0x36: {  	p1 =	seq.s32 s10, $0x1;
	s10 =	sld [smem:$0x3FAD];
	_ =	sdelay $0x3  }
0x37: {  	[smem:$0x3FAD] =	sst s10  }
0x38: {  	s10 =	sld [smem:$0x3FAE]  }
0x39: {  	_ = 	snop;
	(pc) =	sbr.ind lr, $3  }
0x3a: {  	_ = 	snop  }
0x3b: {  	_ = 	snop  }
0x3c: {  	p2 =	seq.s32 s10, $0x1;
	s10 =	sld [smem:$0x3FAD]  }
0x3d: {  	_ =	shalt  }
0x3e: {  	_ =	shalt  }
0x3f: {  	_ =	shalt  }
0x40: {  	_ =	shalt  }
0x41: {  	_ =	shalt  }
0x42: {  	_ =	shalt  }
0x43: {  	_ =	shalt  }
0x44: {  	_ =	shalt  }
0x45: {  	_ =	shalt  }
0x46: {  	_ =	shalt  }
0x47: {  	_ =	shalt  }
0x48: {  	_ =	shalt  }
0x49: {  	_ =	shalt  }
0x4a: {  	_ =	shalt  }
0x4b: {  	_ =	shalt  }
0x4c: {  	_ =	shalt  }
0x4d: {  	_ =	shalt  }
0x4e: {  	_ =	shalt  }
0x4f: {  	_ =	shalt  }
0x50: {  	_ =	shalt  }
0x51: {  	_ =	shalt  }
0x52: {  	_ =	shalt  }
0x53: {  	_ =	shalt  }
0x54: {  	_ =	shalt  }
0x55: {  	_ =	shalt  }
0x56: {  	_ =	shalt  }
0x57: {  	_ =	shalt  }
0x58: {  	_ =	shalt  }
0x59: {  	_ =	shalt  }
0x5a: {  	_ =	shalt  }
0x5b: {  	_ =	shalt  }
0x5c: {  	_ =	shalt  }
0x5d: {  	_ =	shalt  }
0x5e: {  	_ =	shalt  }
0x5f: {  	_ =	shalt  }
0x60: {  	_ =	shalt  }
0x61: {  	_ =	shalt  }
0x62: {  	_ =	shalt  }
0x63: {  	_ =	shalt  }
0x64: {  	_ =	shalt  }
0x65: {  	_ =	shalt  }
0x66: {  	_ =	shalt  }
0x67: {  	_ =	shalt  }
0x68: {  	_ =	shalt  }
0x69: {  	_ =	shalt  }
0x6a: {  	_ =	shalt  }
0x6b: {  	_ =	shalt  }
0x6c: {  	_ =	shalt  }
0x6d: {  	_ =	shalt  }
0x6e: {  	_ =	shalt  }
0x6f: {  	_ =	shalt  }
0x70: {  	_ =	shalt  }
0x71: {  	_ =	shalt  }
0x72: {  	_ =	shalt  }
0x73: {  	_ =	shalt  }
0x74: {  	_ =	shalt  }
0x75: {  	_ =	shalt  }
0x76: {  	_ =	shalt  }
0x77: {  	_ =	shalt  }
0x78: {  	_ =	shalt  }
0x79: {  	_ =	shalt  }
0x7a: {  	_ =	shalt  }
0x7b: {  	_ =	shalt  }
0x7c: {  	_ =	shalt  }
0x7d: {  	_ =	shalt  }
0x7e: {  	_ =	shalt  }
0x7f: {  	_ =	shalt  }
0x80: {  	_ =	shalt  }
0x81: {  	_ =	shalt  }
0x82: {  	_ =	shalt  }
0x83: {  	_ =	shalt  }
0x84: {  	_ =	shalt  }
0x85: {  	_ =	shalt  }
0x86: {  	_ =	shalt  }
0x87: {  	_ =	shalt  }
.Lfunc_end0:
.L_simem_size_0:
called_computation.2_lowered:
.L_overlay_start_0:
0x88: {  	s2 =	sld [smem:$0x3FD9]  }
0x89: {  	s3 =	sld [smem:$0x3FFE];
	_ =	sdelay $0x1  }
0x8a: {  	s1 =	srdreg.scid  }
0x8b: {  	s0 =	sand.u32 $0x1, s1  }
0x8c: {  	s16 =	sshll.u32 s0, $0xA;
	s2 =	sadd.s32 s3, s2  }
0x8d: {  	s2 =	sadd.s32 s2, s16  }
0x8e: {  	[smem:$0x3FB9] =	sst s2  }
0x8f: {  	_ = 	snop  }
0x90: {  	(tm) =	ssettm $0x1  }
0x91: {  	s17 =	sld [smem:$0x3FFB];
	_ =	sdelay $0x3  }
0x92: {  	_ =	strace s17  }
0x93: {  	s2 =	sld [smem:$0x3FFC];
	_ =	sdelay $0x3  }
0x94: {  	_ =	strace s2  }
0x95: {  	s2 =	sld [smem:$0x3FFD];
	_ =	sdelay $0x3  }
0x96: {  	_ =	strace s2  }
0x97: {  	_ =	strace $0x8FFFFFFF  }
0x98: {  	s18 =	sld [smem:$0x3FDB];
	_ =	sdelay $0x1  }
0x99: {  	s19 =	simm.s32 $_scs_section_size  }
0x9a: {  	s4 =	simm.s32 $_size__tile_overlayer_lowered;
	s5 =	simm.s32 $_tile_overlayer_lowered  }
0x9b: {  	s22 =	simm.s32 $0x1BFF;
	s21 =	sshll.u32 s5, $0x1;
	s2 =	sadd.s32 s19, s18  }
0x9c: {  	s6 =	simm.s32 $0x0;
	s20 =	sshll.u32 s4, $0x1;
	s4 =	sadd.s32 s21, s2  }
0x9d: {  	[timem:s6], [sflag:s22] =	dma.local [hbm:s4], s20  }
0x9e: {  	_ =	swait.ge [sflag:s22], s20  }
0x9f: {  	s3 =	ssub.s32 $0x0, s20;
	[sflag:s22] =	ssyncset.done $0x0  }
0xa0: {  	[sflag:s22] =	ssyncadd.s32 s3;
	_ =	sdelay $0x1  }
0xa1: {  	s23 =	simm.s32 $0x1B8B  }
0xa2: {  	_ =	swait.ge [sflag:s23], $0x1  }
0xa3: {  	[sflag:s23] =	ssyncset.done $0x0  }
0xa4: {  	s25 =	simm.s32 $0x1B8E;
	s24 =	sld [smem:$0x3FFE];
	[sflag:s23] =	ssyncadd.s32 $0xFFFFFFFF  }
0xa5: {  	s26 =	simm.s32 $execute0_lowered;
	[smem:$0x3FD2] =	sst s25  }
0xa6: {  	s4 =	sshll.u32 s26, $0x1;
	_ =	strace $0x8000004C;
	[dreg:$0x1] =	wrdreg $0xFFFFFFFF  }
0xa7: {  	s28 =	simm.s32 $_size_execute0_lowered;
	s2 =	sadd.s32 s2, s4;
	[dreg:$0x0] =	wrdreg $0x0  }
0xa8: {  	s4 =	sshll.u32 s28, $0x1;
	[dreg:$0x2] =	wrdreg s2  }
0xa9: {  	[dreg:$0x3] =	wrdreg s4  }
0xaa: {  	[dreg:$0x4] =	wrdreg $0xC0  }
0xab: {  	_ =	task [dreg:s6], $0x5FFFF  }
0xac: {  	[dreg:$0x1] =	wrdreg $0xFFFFFFFF  }
0xad: {  	[dreg:$0x0] =	wrdreg $0x60  }
0xae: {  	[dreg:$0x2] =	wrdreg s24  }
0xaf: {  	[dreg:$0x3] =	wrdreg $0x0  }
0xb0: {  	[dreg:$0x4] =	wrdreg $0x9  }
0xb1: {  	_ =	task.clear_ibuf [dreg:s6], $0x5FFFF;
	_ =	strace $0x9000004C  }
0xb2: {  	s29 =	simm.s32 $0x9;
	_ =	strace $0x8000004E  }
0xb3: {  	_ =	swait.ge [sflag:s29], $0x1  }
0xb4: {  	[sflag:s29] =	ssyncadd.s32 $0xFFFFFFFF  }
0xb5: {  	_ =	strace $0x9000004E  }
0xb6: {  	_ =	sfence  }
0xb7: {  	s30 =	sld [smem:$0x0];
	_ =	sdelay $0x2  }
0xb8: {  	s31 =	sshll.u32 s1, $0xD;
	s1 =	sshrl.u32 s1, $0x2  }
0xb9: {  	s3 =	sand.u32 $0x4000, s31;
	s1 =	sadd.s32 s1, s30  }
0xba: {  	s0 =	sor.u32 s3, s0;
	s1 =	sshll.u32 s1, $0x11  }
0xbb: {  	s0 =	sor.u32 s1, s0  }
0xbc: {  	s0 =	sadd.s32 $0x8F2B, s0  }
0xbd: {  	[sflag:s0] =	ssyncadd.remote.s32 $0x1  }
0xbe: {  	_ =	sfence.sel $0xFFFF  }
0xbf: {  	[dreg:$0x0] =	wrdreg $0xFFFFFFFF;
	(pc) =	sbr.abs _section_cstart, $3  }
0xc0: {  	[dreg:$0x1] =	wrdreg $0xFFFFFFFF  }
0xc1: {  	_ =	task.clear_ibuf [dreg:s6], $0x2FFFF;
	_ =	strace $0x9FFFFFFF  }
0xc2: {  	(tm) =	ssettm $0x7FFFFFFF  }
0xc3: {  	_ =	shalt  }
tec
execute0_lowered:
.L_overlay_start_1:
0x0: {  	(tag) =	ssettag $0x1  }
0x1: {  	s0 =	rddreg [dreg:$0x0];
	s1 =	srdreg.scid  }
0x2: {  	s2 =	rddreg [dreg:$0x1];
	s11 =	stileid.u32  }
0x3: {  	s3 =	simm.s32 $0x0;
	s29 =	simm.s32 $0x13F80;
	s30 =	simm.s32 $0x14000  }
0x4: {  	s31 =	simm.s32 $0x7;
	s28 =	simm.s32 $0x18000;
	s6 =	smul.u32 $0x13C00, s11  }
0x5: {  	s1 =	sand.u32 $0x1, s1;
	[smem:$0x7FF] =	sst s3;
	s8 =	smul.u32 $0x4800, s11  }
0x6: {  	s7 =	sadd.s32 $0x3200, s0;
	s15 =	sshll.u32 s11, $0xB;
	s5 =	smul.u32 $0x13C000, s1  }
0x7: {  	s9 =	ssub.s32 $0x2, s1;
	p0 =	seq.s32 s1, $0x0;
	s1 =	sor.u32 $0x48000, s15  }
0x8: {  	s11 =	smul.u32 $0x4F000, s11;
	_ =	strace $0x8000004D;
	s1 =	smov.u32 @p0 s8  }
0x9: {  	s5 =	sadd.s32 s6, s5;
	s6 =	sadd.s32 $0x5C200, s0;
	s1 =	sshrl.u32 s1, $0x3  }
0xa: {  	s10 =	sshrl.u32 s9, $0x1;
	s24 =	sshrl.u32 s11, $0x2;
	s16 =	sadd.s32 s6, s1  }
0xb: {  	s14 =	sadd.s32 s24, s2;
	s17 =	sadd.s32 s7, s1;
	[dreg:$0xe] =	wrdreg s16  }
0xc: {  	s18 =	sor.u32 $0x10, s1;
	s13 =	sadd.s32 $0x8000, s14;
	[dreg:$0xf] =	wrdreg s17  }
0xd: {  	s8 =	ssub.s32 s9, s10;
	s19 =	sadd.s32 s6, s18;
	[dreg:$0x17] =	wrdreg s13  }
0xe: {  	s20 =	sor.u32 $0x20, s1;
	s9 =	sadd.s32 s7, s18;
	[dreg:$0x10] =	wrdreg s19  }
0xf: {  	s4 =	sadd.s32 $0xD200, s0;
	s21 =	sadd.s32 s6, s20;
	[dreg:$0x11] =	wrdreg s9  }
0x10: {  	s22 =	sor.u32 $0x30, s1;
	s10 =	sadd.s32 s7, s20;
	[dreg:$0x12] =	wrdreg s21  }
0x11: {  	s12 =	sor.u32 $0x40, s1;
	s23 =	sadd.s32 s6, s22;
	[dreg:$0x13] =	wrdreg s10  }
0x12: {  	s5 =	sshrl.u32 s5, $0x3;
	s15 =	sadd.s32 s12, s7;
	[dreg:$0x14] =	wrdreg s23  }
0x13: {  	s0 =	sadd.s32 s5, s0;
	s18 =	sadd.s32 $0xC000, s14;
	[dreg:$0x6] =	wrdreg s15  }
0x14: {  	s5 =	simm.s32 $0x90;
	s16 =	sadd.s32 s12, s6;
	[dreg:$0x18] =	wrdreg s18  }
0x15: {  	s17 =	sor.u32 $0x50, s1;
	s9 =	sadd.s32 s7, s22;
	[dreg:$0x7] =	wrdreg s16  }
0x16: {  	s5 =	simm.s32 @!p0 $0x10;
	s10 =	sadd.s32 $0x4000, s14;
	[dreg:$0x15] =	wrdreg s9  }
0x17: {  	s19 =	sadd.s32 s17, s7;
	s20 =	sadd.s32 s17, s6;
	[dreg:$0x16] =	wrdreg s10  }
0x18: {  	s21 =	sor.u32 $0x60, s1;
	s22 =	sadd.s32 $0x10000, s14;
	[dreg:$0x8] =	wrdreg s19  }
0x19: {  	s1 =	sor.u32 $0x70, s1;
	s25 =	sadd.s32 $0xFFFFFFFE, s5;
	[dreg:$0x19] =	wrdreg s22  }
0x1a: {  	s26 =	sadd.s32 $0xFFFFFFFD, s5;
	s10 =	sshll.u32 s5, $0x4;
	[dreg:$0x9] =	wrdreg s20  }
0x1b: {  	s23 =	sadd.s32 s21, s7;
	s24 =	sadd.s32 s21, s6;
	[dreg:$0x3] =	wrdreg s25  }
0x1c: {  	s19 =	sadd.s32 $0x66200, s0;
	s20 =	smax.u32 s8, $0x1;
	[dreg:$0x4] =	wrdreg s26  }
0x1d: {  	s21 =	simm.s32 $0x13C00;
	s22 =	simm.s32 $0x13E00;
	[dreg:$0x5] =	wrdreg s10  }
0x1e: {  	s0 =	simm.s32 $0x1;
	s8 =	simm.s32 $0x0;
	[dreg:$0xa] =	wrdreg s23  }
0x1f: {  	[dreg:$0xb] =	wrdreg s24;
	s25 =	sadd.s32 s1, s7;
	s26 =	sadd.s32 s1, s6  }
0x20: {  	s23 =	simm.s32 $0x13C80;
	s24 =	simm.s32 $0x13E80;
	s1 =	simm.s32 $0x80  }
0x21: {  	s6 =	simm.s32 $0x5;
	s7 =	simm.s32 $0x6;
	[dreg:$0xc] =	wrdreg s25  }
0x22: {  	v0 =	vimm.f32 $0.0e+00;
	[dreg:$0xd] =	wrdreg s26;
	s26 =	simm.s32 $0x13F00;
	s25 =	simm.s32 $0x2  }
.LBB2_1:
0x23: {  	s9 =	rddreg [dreg:$0xe]  }
0x24: {  	s17 =	rddreg [dreg:$0xf]  }
0x25: {  	[tilespmem:s21], [sflag:$0x1] =	stream.linear.gather [hbm4b:s9+s3], $0x80, $0x38;
	[tilespmem:$0x1C000] =	vst v63  }
0x26: {  	s18 =	rddreg [dreg:$0x10]  }
0x27: {  	[tilespmem:s22], [sflag:$0x1] =	stream.linear.gather [hbm4b:s17+s3], $0x80, $0x38;
	[tilespmem:$0x1C000] =	vst v63  }
0x28: {  	s10 =	rddreg [dreg:$0x11]  }
0x29: {  	[tilespmem:s23], [sflag:$0x2] =	stream.linear.gather [hbm4b:s18+s3], $0x80, $0x38;
	[tilespmem:$0x1C000] =	vst v63  }
0x2a: {  	s11 =	rddreg [dreg:$0x12]  }
0x2b: {  	[tilespmem:s24], [sflag:$0x2] =	stream.linear.gather [hbm4b:s10+s3], $0x80, $0x38;
	[tilespmem:$0x1C000] =	vst v63  }
0x2c: {  	s12 =	rddreg [dreg:$0x13];
	s10 =	simm.s32 $0x13D00  }
0x2d: {  	[tilespmem:s10], [sflag:$0x3] =	stream.linear.gather [hbm4b:s11+s3], $0x80, $0x38;
	[tilespmem:$0x1C000] =	vst v63  }
0x2e: {  	s13 =	rddreg [dreg:$0x14];
	s15 =	simm.s32 $0x13D80;
	s17 =	sand.u32 $0xFE00, s3  }
0x2f: {  	[tilespmem:s26], [sflag:$0x3] =	stream.linear.gather [hbm4b:s12+s3], $0x80, $0x38;
	[tilespmem:$0x1C000] =	vst v63  }
0x30: {  	s16 =	rddreg [dreg:$0x15];
	s18 =	sand.u32 $0x70, s3;
	s11 =	sshrl.u32 s17, $0x2  }
0x31: {  	[tilespmem:s15], [sflag:$0x4] =	stream.linear.gather [hbm4b:s13+s3], $0x80, $0x38;
	[tilespmem:$0x1C000] =	vst v63  }
0x32: {  	s9 =	simm.s32 $0x40;
	s10 =	simm.s32 $0x0;
	s11 =	sor.u32 s18, s11  }
0x33: {  	[tilespmem:s29], [sflag:$0x4] =	stream.linear.gather [hbm4b:s16+s3], $0x80, $0x38;
	[tilespmem:$0x1C000] =	vst v63  }
.LBB2_2:
0x34: {  	p0 =	sne.s32 s9, $0xFFC0  }
0x35: {  	[tilespmem:s11+$0x14000] =	vst v0;
	s10 =	sadd.s32 $0x10, s10;
	s11 =	smov.u32 s9;
	s9 =	sadd.s32 $0x40, s9  }
.Ltmp0:
0x36: {  	(pc) =	sbr.rel @p0 .LBB2_2-.Ltmp0, $4  }
0x37: {  	_ = 	snop  }
0x38: {  	s11 =	sand.u32 $0xFE00, s11  }
0x39: {  	s12 =	sand.u32 $0x70, s10;
	s11 =	sshrl.u32 s11, $0x2  }
0x3a: {  	s11 =	sor.u32 s12, s11  }
0x3b: {  	[tilespmem:s11+$0x14000] =	vst v0  }
0x3c: {  	[spmem:s14] =	stream.linear.scatter [tilespmem:s30], [sflag:$0x7], $0x4000, $0x38;
	[tilespmem:$0x1C000] =	vst v63  }
0x3d: {  	_ =	swait.ge [sflag:s31], $0x4000  }
0x3e: {  	[sflag:s31] =	ssyncset.done $0x0  }
0x3f: {  	s9 =	rddreg [dreg:$0x16];
	[sflag:s31] =	ssyncadd.s32 $0xFFFFC000  }
0x40: {  	[spmem:s9] =	stream.linear.scatter [tilespmem:s30], [sflag:$0x7], $0x4000, $0x38;
	[tilespmem:$0x1C000] =	vst v63  }
0x41: {  	_ =	swait.ge [sflag:s31], $0x4000  }
0x42: {  	[sflag:s31] =	ssyncset.done $0x0  }
0x43: {  	s16 =	rddreg [dreg:$0x17];
	[sflag:s31] =	ssyncadd.s32 $0xFFFFC000  }
0x44: {  	[spmem:s16] =	stream.linear.scatter [tilespmem:s30], [sflag:$0x7], $0x4000, $0x38;
	[tilespmem:$0x1C000] =	vst v63  }
0x45: {  	_ =	swait.ge [sflag:s31], $0x4000  }
0x46: {  	[sflag:s31] =	ssyncset.done $0x0  }
0x47: {  	s17 =	rddreg [dreg:$0x18];
	[sflag:s31] =	ssyncadd.s32 $0xFFFFC000  }
0x48: {  	[spmem:s17] =	stream.linear.scatter [tilespmem:s30], [sflag:$0x7], $0x4000, $0x38;
	[tilespmem:$0x1C000] =	vst v63  }
0x49: {  	_ =	swait.ge [sflag:s31], $0x4000  }
0x4a: {  	[sflag:s31] =	ssyncset.done $0x0  }
0x4b: {  	s18 =	rddreg [dreg:$0x19];
	[sflag:s31] =	ssyncadd.s32 $0xFFFFC000  }
0x4c: {  	[spmem:s18] =	stream.linear.scatter [tilespmem:s30], [sflag:$0x7], $0x3C00, $0x38;
	[tilespmem:$0x1C000] =	vst v63  }
0x4d: {  	_ =	swait.ge [sflag:s31], $0x3C00  }
0x4e: {  	[sflag:s31] =	ssyncset.done $0x0  }
0x4f: {  	[sflag:s31] =	ssyncadd.s32 $0xFFFFC400  }
0x50: {  	[bflag:$0x0] =	sbarrier.arrive $0xFFFF  }
0x51: {  	_ =	swait.ge [sflag:s0], $0x80  }
0x52: {  	[sflag:s0] =	ssyncset.done $0x0  }
0x53: {  	[sflag:s0] =	ssyncadd.s32 $0xFFFFFF80  }
0x54: {  	_ =	swait.ge [sflag:s0], $0x80  }
0x55: {  	[sflag:s0] =	ssyncset.done $0x0  }
0x56: {  	[sflag:s0] =	ssyncadd.s32 $0xFFFFFF80  }
0x57: {  	[tilespmem:s30], [sflag:$0x5] =	stream.indirect.gather [hbm4b:s4+s1], $0x80, s21, s1, $0xb8;
	[tilespmem:$0x1C000] =	vst v63  }
0x58: {  	_ =	swait.ge [sflag:s25], $0x80  }
0x59: {  	[sflag:s25] =	ssyncset.done $0x0  }
0x5a: {  	[sflag:s25] =	ssyncadd.s32 $0xFFFFFF80  }
0x5b: {  	_ =	swait.ge [sflag:s25], $0x80  }
0x5c: {  	[sflag:s25] =	ssyncset.done $0x0  }
0x5d: {  	s10 =	simm.s32 $0x0;
	s9 =	simm.s32 $0x0;
	[sflag:s25] =	ssyncadd.s32 $0xFFFFFF80  }
0x5e: {  	[tilespmem:s28], [sflag:$0x6] =	stream.indirect.gather [hbm4b:s4+s1], $0x80, s23, s1, $0xb8;
	[tilespmem:$0x1C000] =	vst v63  }
.LBB2_4:
0x5f: {  	_ =	swait.ge [sflag:s6], $0x4000  }
0x60: {  	[sflag:s6] =	ssyncset.done $0x0  }
0x61: {  	[sflag:s6] =	ssyncadd.s32 $0xFFFFC000  }
0x62: {  	[spmem:s2] =	stream.indirect.scatter.add.f32 [tilespmem:s30], [sflag:$0x7], $0x80, s22, s1, $0xb8;
	[tilespmem:$0x1C000] =	vst v63  }
0x63: {  	_ =	swait.ge [sflag:s31], $0x4000  }
0x64: {  	s11 =	sadd.s32 $0x4, s10;
	s12 =	rddreg [dreg:$0x7]  }
0x65: {  	p0 =	sge.u32 s11, s5;
	[sflag:s31] =	ssyncset.done $0x0;
	s16 =	rddreg [dreg:$0x6]  }
0x66: {  	s15 =	simm.s32 @!p0 $0x0;
	s18 =	rddreg [dreg:$0x3];
	[sflag:s31] =	ssyncadd.s32 $0xFFFFC000  }
0x67: {  	s13 =	sadd.s32 @!p0 s9, s12;
	s12 =	simm.s32 @!p0 $0x13C00;
	p1 =	sge.u32 s10, s18  }
0x68: {  	[tilespmem:s12], [sflag:$0x1] =	stream.linear.gather @!p0 [hbm4b:s13+s15], $0x80, $0x38;
	[tilespmem:$0x1C000] =	vst v63  }
0x69: {  	s17 =	simm.s32 @!p0 $0x13E00;
	s16 =	sadd.s32 @!p0 s9, s16;
	s13 =	simm.s32 @!p1 $0x3  }
0x6a: {  	[tilespmem:s17], [sflag:$0x1] =	stream.linear.gather @!p0 [hbm4b:s16+s15], $0x80, $0x38;
	[tilespmem:$0x1C000] =	vst v63  }
0x6b: {  	_ =	swait.ge @!p1 [sflag:s13], $0x80  }
0x6c: {  	[sflag:s13] =	ssyncset.done @!p1 $0x0  }
0x6d: {  	[sflag:s13] =	ssyncadd.s32 @!p1 $0xFFFFFF80  }
0x6e: {  	_ =	swait.ge @!p1 [sflag:s13], $0x80  }
0x6f: {  	s15 =	simm.s32 @!p1 $0x13D00;
	[sflag:s13] =	ssyncset.done @!p1 $0x0  }
0x70: {  	s16 =	simm.s32 @!p1 $0x14000;
	[sflag:s13] =	ssyncadd.s32 @!p1 $0xFFFFFF80;
	s13 =	simm.s32 @!p1 $0x80  }
0x71: {  	[tilespmem:s16], [sflag:$0x5] =	stream.indirect.gather @!p1 [hbm4b:s4+s13], $0x80, s15, s13, $0xb8;
	[tilespmem:$0x1C000] =	vst v63  }
0x72: {  	_ =	swait.ge [sflag:s7], $0x4000  }
0x73: {  	[sflag:s7] =	ssyncset.done $0x0  }
0x74: {  	[sflag:s7] =	ssyncadd.s32 $0xFFFFC000  }
0x75: {  	[spmem:s2] =	stream.indirect.scatter.add.f32 [tilespmem:s28], [sflag:$0x7], $0x80, s24, s1, $0xb8;
	[tilespmem:$0x1C000] =	vst v63  }
0x76: {  	s17 =	sadd.s32 $0x5, s10;
	_ =	swait.ge [sflag:s31], $0x4000  }
0x77: {  	p1 =	sge.u32 s17, s5;
	s13 =	rddreg [dreg:$0x9]  }
0x78: {  	s16 =	simm.s32 @!p1 $0x0;
	[sflag:s31] =	ssyncset.done $0x0;
	s17 =	rddreg [dreg:$0x8]  }
0x79: {  	[sflag:s31] =	ssyncadd.s32 $0xFFFFC000;
	s15 =	sadd.s32 @!p1 s9, s13;
	s13 =	simm.s32 @!p1 $0x13C80  }
0x7a: {  	[tilespmem:s13], [sflag:$0x2] =	stream.linear.gather @!p1 [hbm4b:s15+s16], $0x80, $0x38;
	[tilespmem:$0x1C000] =	vst v63  }
0x7b: {  	s15 =	rddreg [dreg:$0x4]  }
0x7c: {  	s18 =	simm.s32 @!p1 $0x13E80;
	s17 =	sadd.s32 @!p1 s9, s17;
	p2 =	sge.u32 s10, s15  }
0x7d: {  	[tilespmem:s18], [sflag:$0x2] =	stream.linear.gather @!p1 [hbm4b:s17+s16], $0x80, $0x38;
	[tilespmem:$0x1C000] =	vst v63  }
0x7e: {  	s15 =	simm.s32 @!p2 $0x4  }
0x7f: {  	_ =	swait.ge @!p2 [sflag:s15], $0x80  }
0x80: {  	[sflag:s15] =	ssyncset.done @!p2 $0x0  }
0x81: {  	[sflag:s15] =	ssyncadd.s32 @!p2 $0xFFFFFF80  }
0x82: {  	_ =	swait.ge @!p2 [sflag:s15], $0x80  }
0x83: {  	s16 =	simm.s32 @!p2 $0x13D80;
	[sflag:s15] =	ssyncset.done @!p2 $0x0  }
0x84: {  	s17 =	simm.s32 @!p2 $0x18000;
	[sflag:s15] =	ssyncadd.s32 @!p2 $0xFFFFFF80;
	s15 =	simm.s32 @!p2 $0x80  }
0x85: {  	[tilespmem:s17], [sflag:$0x6] =	stream.indirect.gather @!p2 [hbm4b:s4+s15], $0x80, s16, s15, $0xb8;
	[tilespmem:$0x1C000] =	vst v63  }
0x86: {  	_ =	swait.ge [sflag:s6], $0x4000  }
0x87: {  	s18 =	sadd.s32 $0x6, s10;
	[sflag:s6] =	ssyncset.done $0x0  }
0x88: {  	p2 =	sge.u32 s18, s5;
	[sflag:s6] =	ssyncadd.s32 $0xFFFFC000  }
0x89: {  	[spmem:s2] =	stream.indirect.scatter.add.f32 [tilespmem:s30], [sflag:$0x7], $0x80, s26, s1, $0xb8;
	[tilespmem:$0x1C000] =	vst v63  }
0x8a: {  	s17 =	simm.s32 @!p2 $0x0;
	_ =	swait.ge [sflag:s31], $0x4000  }
0x8b: {  	s18 =	simm.s32 @!p2 $0x13D00;
	s15 =	rddreg [dreg:$0xb];
	[sflag:s31] =	ssyncset.done $0x0  }
0x8c: {  	s16 =	rddreg [dreg:$0xa];
	[sflag:s31] =	ssyncadd.s32 $0xFFFFC000;
	s15 =	sadd.s32 @!p2 s9, s15  }
0x8d: {  	[tilespmem:s18], [sflag:$0x3] =	stream.linear.gather @!p2 [hbm4b:s15+s17], $0x80, $0x38;
	[tilespmem:$0x1C000] =	vst v63  }
0x8e: {  	s15 =	sadd.s32 @!p2 s9, s16;
	s16 =	simm.s32 @!p2 $0x13F00  }
0x8f: {  	[tilespmem:s16], [sflag:$0x3] =	stream.linear.gather @!p2 [hbm4b:s15+s17], $0x80, $0x38;
	[tilespmem:$0x1C000] =	vst v63  }
0x90: {  	s15 =	simm.s32 @!p0 $0x1  }
0x91: {  	_ =	swait.ge @!p0 [sflag:s15], $0x80  }
0x92: {  	[sflag:s15] =	ssyncset.done @!p0 $0x0  }
0x93: {  	[sflag:s15] =	ssyncadd.s32 @!p0 $0xFFFFFF80  }
0x94: {  	_ =	swait.ge @!p0 [sflag:s15], $0x80  }
0x95: {  	[sflag:s15] =	ssyncset.done @!p0 $0x0  }
0x96: {  	s16 =	simm.s32 @!p0 $0x14000;
	[sflag:s15] =	ssyncadd.s32 @!p0 $0xFFFFFF80;
	s15 =	simm.s32 @!p0 $0x80  }
0x97: {  	[tilespmem:s16], [sflag:$0x5] =	stream.indirect.gather @!p0 [hbm4b:s4+s15], $0x80, s12, s15, $0xb8;
	[tilespmem:$0x1C000] =	vst v63  }
0x98: {  	_ =	swait.ge [sflag:s7], $0x4000  }
0x99: {  	s17 =	sadd.s32 $0x7, s10;
	[sflag:s7] =	ssyncset.done $0x0  }
0x9a: {  	p0 =	sge.u32 s17, s5;
	[sflag:s7] =	ssyncadd.s32 $0xFFFFC000  }
0x9b: {  	[spmem:s2] =	stream.indirect.scatter.add.f32 [tilespmem:s28], [sflag:$0x7], $0x80, s29, s1, $0xb8;
	[tilespmem:$0x1C000] =	vst v63  }
0x9c: {  	s15 =	simm.s32 @!p0 $0x0;
	_ =	swait.ge [sflag:s31], $0x4000  }
0x9d: {  	s16 =	simm.s32 @!p0 $0x13D80;
	s12 =	rddreg [dreg:$0xd];
	[sflag:s31] =	ssyncset.done $0x0  }
0x9e: {  	s10 =	rddreg [dreg:$0xc];
	[sflag:s31] =	ssyncadd.s32 $0xFFFFC000;
	s12 =	sadd.s32 @!p0 s9, s12  }
0x9f: {  	[tilespmem:s16], [sflag:$0x4] =	stream.linear.gather @!p0 [hbm4b:s12+s15], $0x80, $0x38;
	[tilespmem:$0x1C000] =	vst v63  }
0xa0: {  	s10 =	sadd.s32 @!p0 s9, s10;
	s12 =	simm.s32 @!p0 $0x13F80  }
0xa1: {  	[tilespmem:s12], [sflag:$0x4] =	stream.linear.gather @!p0 [hbm4b:s10+s15], $0x80, $0x38;
	[tilespmem:$0x1C000] =	vst v63  }
0xa2: {  	s10 =	simm.s32 @!p1 $0x2  }
0xa3: {  	_ =	swait.ge @!p1 [sflag:s10], $0x80  }
0xa4: {  	[sflag:s10] =	ssyncset.done @!p1 $0x0  }
0xa5: {  	[sflag:s10] =	ssyncadd.s32 @!p1 $0xFFFFFF80  }
0xa6: {  	_ =	swait.ge @!p1 [sflag:s10], $0x80  }
0xa7: {  	s9 =	sadd.s32 $0x40, s9;
	s18 =	rddreg [dreg:$0x5]  }
0xa8: {  	p0 =	sne.s32 s18, s9  }
.Ltmp1:
0xa9: {  	_ = 	snop;
	(pc) =	sbr.rel @p0 .LBB2_4-.Ltmp1, $4  }
0xaa: {  	[sflag:s10] =	ssyncset.done @!p1 $0x0  }
0xab: {  	s12 =	simm.s32 @!p1 $0x18000;
	[sflag:s10] =	ssyncadd.s32 @!p1 $0xFFFFFF80;
	s10 =	simm.s32 @!p1 $0x80  }
0xac: {  	[tilespmem:s12], [sflag:$0x6] =	stream.indirect.gather @!p1 [hbm4b:s4+s10], $0x80, s13, s10, $0xb8;
	[tilespmem:$0x1C000] =	vst v63  }
0xad: {  	s10 =	smov.u32 s11  }
0xae: {  	s9 =	stileid.u32;
	s8 =	sadd.s32 $0x1, s8  }
0xaf: {  	[bflag:$0x0] =	sbarrier.arrive $0xFFFF;
	s9 =	sshll.u32 s9, $0x6;
	p0 =	sne.s32 s8, s20  }
.Ltmp2:
0xb0: {  	s10 =	sshrl.u32 s14, $0x3;
	s9 =	sor.u32 $0x1C07, s9;
	(pc) =	sbr.rel @p0 .LBB2_1-.Ltmp2, $4  }
0xb1: {  	[hbm:s19], [sflag:s9] =	dma.local [spmem:s10], $0x2780  }
0xb2: {  	_ =	swait.ge [sflag:s31], $0x2780  }
0xb3: {  	[sflag:s31] =	ssyncset.done $0x0  }
0xb4: {  	[sflag:s31] =	ssyncadd.s32 $0xFFFFD880  }
0xb5: {  	_ =	sfence.sel $0x180000  }
0xb6: {  	[bflag:$0x0] =	sbarrier.arrive $0xFFFF  }
0xb7: {  	_ =	strace $0x9000004D  }
0xb8: {  	s0 =	stileid.u32;
	[bflag:$0x2] =	sbarrier.arrive $0xFFFF  }
0xb9: {  	p0 =	sne.s32 s0, $0x0;
	s0 =	rddreg [dreg:$0x2]  }
0xba: {  	s0 =	sadd.s32 @!p0 $0x100000, s0  }
0xbb: {  	[sflag:s0] =	ssyncadd.tile.s32 @!p0 $0x1;
	_ =	shalt  }
.Lfunc_end2:
_tile_overlayer_lowered:
.L_overlay_start_2:
0xbc: {  	(tag) =	ssettag $0x2  }
0xbd: {  	s0 =	rddreg [dreg:$0x0];
	s2 =	stileid.u32  }
0xbe: {  	s1 =	rddreg [dreg:$0x1];
	p0 =	sne.s32 s2, $0x0  }
0xbf: {  	s3 =	rddreg [dreg:$0x2];
	[bflag:$0x3] =	sbarrier.arrive $0xFFFF;
	s2 =	simm.s32 @!p0 $0x1C07  }
0xc0: {  	[timem:s3], [sflag:s2] =	dma.local @!p0 [hbm:s0], s1  }
0xc1: {  	s0 =	simm.s32 @!p0 $0x7  }
0xc2: {  	_ =	swait.ge @!p0 [sflag:s0], s1  }
0xc3: {  	s1 =	ssub.s32 @!p0 $0x0, s1;
	[sflag:s0] =	ssyncset.done @!p0 $0x0  }
0xc4: {  	[sflag:s0] =	ssyncadd.s32 @!p0 s1  }
0xc5: {  	[bflag:$0x3] =	sbarrier.arrive $0xFFFF  }
0xc6: {  	_ =	shalt  }

// kernel: kernel.19.cloned.1.call-start
scs
__scs_entry_jumppad:
0x0: {  	(pc) =	sbr.rel $0x88, $3  }
0x1: {  	(tag) =	ssettag $0x0;
	lr =	simm.s32 $0x1  }
0x2: {  	[smem:$0x3F92] =	sst lr;
	_ =	strace $0xD0000000  }
0x3: {  	_ = 	snop  }
0x4: {  	_ = 	snop  }
0x5: {  	_ = 	snop  }
0x6: {  	_ = 	snop  }
0x7: {  	_ = 	snop  }
__scs_overlays_trampoline_lowered:
0x8: {  	[smem:$0x3FA1] =	sst s0  }
0x9: {  	[smem:$0x3FA2] =	sst s1  }
0xa: {  	[smem:$0x3FA3] =	sst s2  }
0xb: {  	[smem:$0x3FA4] =	sst s3  }
0xc: {  	[smem:$0x3FA5] =	sst s4  }
0xd: {  	[smem:$0x3FA6] =	sst s5  }
0xe: {  	[smem:$0x3FA7] =	sst s6  }
0xf: {  	[smem:$0x3FA8] =	sst s7  }
0x10: {  	[smem:$0x3FA9] =	sst s8  }
0x11: {  	[smem:$0x3FAA] =	sst s9;
	s0 =	simm.s32 @!p0 $0x0  }
0x12: {  	s1 =	sld [smem:$0x3F90];
	s0 =	simm.s32 @p0 $0x1  }
0x13: {  	[smem:$0x3FAB] =	sst s0;
	s0 =	simm.s32 @!p1 $0x0  }
0x14: {  	s2 =	sld [smem:$0x3F8F];
	s0 =	simm.s32 @p1 $0x1  }
0x15: {  	[smem:$0x3FAC] =	sst s0;
	s0 =	simm.s32 @!p2 $0x0  }
0x16: {  	s3 =	sld [smem:$0x3FDB];
	s0 =	simm.s32 @p2 $0x1  }
0x17: {  	s4 =	simm.s32 $0x1BF5;
	[smem:$0x3FAE] =	sst s0  }
0x18: {  	s0 =	sld [smem:$0x3F91];
	_ =	swait.ge [sflag:s4], $0x0  }
0x19: {  	s7 =	sld [smem:$0x3F92]  }
0x1a: {  	s8 =	sadd.s32 $0xFFFFE003, lr  }
0x1b: {  	s9 =	sadd.s32 $0xFFFFFEF7, lr;
	s5 =	simm.s32 $0xFFFFFFFF;
	p2 =	slt.u32 s8, $0xFFFFF086  }
0x1c: {  	p1 =	slt.u32 s9, $0xF7A;
	s5 =	simm.s32 @!p2 $0x0  }
0x1d: {  	s5 =	simm.s32 @p1 $0x1;
	p0 =	seq.s32 s7, s2  }
0x1e: {  	s7 =	smul.u32 @!p0 $0xF7A, s2;
	p2 =	seq.s32 @!p0 s5, $0x0  }
0x1f: {  	s9 =	smul.u32 $0xF7A, s1;
	s8 =	simm.s32 @!p0 $0x1BF5;
	p2 =	por !p2, p0  }
0x20: {  	[sflag:s8] =	ssyncset.s32 @!p0 $0xFFFFF086;
	s6 =	sadd.s32 @!p0 s3, s7;
	s7 =	simm.s32 @!p0 $0x108  }
0x21: {  	s3 =	sadd.s32 s3, s9;
	s6 =	sadd.s32 @!p0 $0x88, s6;
	s7 =	simm.s32 @p2 $0x1082  }
0x22: {  	[simem:s7], [sflag:s8] =	dma.local @!p0 [hbm:s6], $0xF7A  }
0x23: {  	s9 =	sor.u32 $0xD0000000, s2;
	s6 =	simm.s32 $0x108;
	_ =	swait.ge @!p0 [sflag:s8], $0x0  }
0x24: {  	s3 =	sadd.s32 $0x88, s3;
	s6 =	simm.s32 @!p1 $0x1082;
	[sflag:s4] =	ssyncset.s32 $0xFFFFF086  }
0x25: {  	[simem:s6], [sflag:s4] =	dma.local [hbm:s3], $0xF7A  }
0x26: {  	[smem:$0x3F92] =	sst s1;
	(tag) =	ssettag s2;
	_ =	strace s9  }
0x27: {  	s1 =	sld [smem:$0x3FA2]  }
0x28: {  	s2 =	sld [smem:$0x3FA3]  }
0x29: {  	s4 =	sld [smem:$0x3FA5]  }
0x2a: {  	p0 =	seq.s32 s5, $0x0;
	s5 =	sld [smem:$0x3FA6]  }
0x2b: {  	s6 =	sld [smem:$0x3FA7]  }
0x2c: {  	s7 =	sld [smem:$0x3FA8]  }
0x2d: {  	s3 =	simm.s32 $0x108;
	s8 =	sld [smem:$0x3FA9]  }
0x2e: {  	s3 =	simm.s32 @!p0 $0x1082;
	s9 =	sld [smem:$0x3FAA]  }
0x2f: {  	lr =	sadd.s32 s0, s3;
	s0 =	sld [smem:$0x3FA1]  }
0x30: {  	s3 =	sld [smem:$0x3FA4]  }
0x31: {  	[smem:$0x3FAD] =	sst s10  }
0x32: {  	s10 =	sld [smem:$0x3FAB];
	_ =	sdelay $0x3  }
0x33: {  	p0 =	seq.s32 s10, $0x1;
	s10 =	sld [smem:$0x3FAD];
	_ =	sdelay $0x3  }
0x34: {  	[smem:$0x3FAD] =	sst s10  }
0x35: {  	s10 =	sld [smem:$0x3FAC];
	_ =	sdelay $0x3  }
0x36: {  	p1 =	seq.s32 s10, $0x1;
	s10 =	sld [smem:$0x3FAD];
	_ =	sdelay $0x3  }
0x37: {  	[smem:$0x3FAD] =	sst s10  }
0x38: {  	s10 =	sld [smem:$0x3FAE]  }
0x39: {  	_ = 	snop;
	(pc) =	sbr.ind lr, $3  }
0x3a: {  	_ = 	snop  }
0x3b: {  	_ = 	snop  }
0x3c: {  	p2 =	seq.s32 s10, $0x1;
	s10 =	sld [smem:$0x3FAD]  }
0x3d: {  	_ =	shalt  }
0x3e: {  	_ =	shalt  }
0x3f: {  	_ =	shalt  }
0x40: {  	_ =	shalt  }
0x41: {  	_ =	shalt  }
0x42: {  	_ =	shalt  }
0x43: {  	_ =	shalt  }
0x44: {  	_ =	shalt  }
0x45: {  	_ =	shalt  }
0x46: {  	_ =	shalt  }
0x47: {  	_ =	shalt  }
0x48: {  	_ =	shalt  }
0x49: {  	_ =	shalt  }
0x4a: {  	_ =	shalt  }
0x4b: {  	_ =	shalt  }
0x4c: {  	_ =	shalt  }
0x4d: {  	_ =	shalt  }
0x4e: {  	_ =	shalt  }
0x4f: {  	_ =	shalt  }
0x50: {  	_ =	shalt  }
0x51: {  	_ =	shalt  }
0x52: {  	_ =	shalt  }
0x53: {  	_ =	shalt  }
0x54: {  	_ =	shalt  }
0x55: {  	_ =	shalt  }
0x56: {  	_ =	shalt  }
0x57: {  	_ =	shalt  }
0x58: {  	_ =	shalt  }
0x59: {  	_ =	shalt  }
0x5a: {  	_ =	shalt  }
0x5b: {  	_ =	shalt  }
0x5c: {  	_ =	shalt  }
0x5d: {  	_ =	shalt  }
0x5e: {  	_ =	shalt  }
0x5f: {  	_ =	shalt  }
0x60: {  	_ =	shalt  }
0x61: {  	_ =	shalt  }
0x62: {  	_ =	shalt  }
0x63: {  	_ =	shalt  }
0x64: {  	_ =	shalt  }
0x65: {  	_ =	shalt  }
0x66: {  	_ =	shalt  }
0x67: {  	_ =	shalt  }
0x68: {  	_ =	shalt  }
0x69: {  	_ =	shalt  }
0x6a: {  	_ =	shalt  }
0x6b: {  	_ =	shalt  }
0x6c: {  	_ =	shalt  }
0x6d: {  	_ =	shalt  }
0x6e: {  	_ =	shalt  }
0x6f: {  	_ =	shalt  }
0x70: {  	_ =	shalt  }
0x71: {  	_ =	shalt  }
0x72: {  	_ =	shalt  }
0x73: {  	_ =	shalt  }
0x74: {  	_ =	shalt  }
0x75: {  	_ =	shalt  }
0x76: {  	_ =	shalt  }
0x77: {  	_ =	shalt  }
0x78: {  	_ =	shalt  }
0x79: {  	_ =	shalt  }
0x7a: {  	_ =	shalt  }
0x7b: {  	_ =	shalt  }
0x7c: {  	_ =	shalt  }
0x7d: {  	_ =	shalt  }
0x7e: {  	_ =	shalt  }
0x7f: {  	_ =	shalt  }
0x80: {  	_ =	shalt  }
0x81: {  	_ =	shalt  }
0x82: {  	_ =	shalt  }
0x83: {  	_ =	shalt  }
0x84: {  	_ =	shalt  }
0x85: {  	_ =	shalt  }
0x86: {  	_ =	shalt  }
0x87: {  	_ =	shalt  }
.Lfunc_end0:
.L_simem_size_0:
called_computation.3_lowered:
.L_overlay_start_0:
0x88: {  	s2 =	sld [smem:$0x3FD9]  }
0x89: {  	s3 =	sld [smem:$0x3FFE];
	_ =	sdelay $0x1  }
0x8a: {  	s1 =	srdreg.scid  }
0x8b: {  	s0 =	sand.u32 $0x1, s1  }
0x8c: {  	s16 =	sshll.u32 s0, $0xA;
	s2 =	sadd.s32 s3, s2  }
0x8d: {  	s2 =	sadd.s32 s2, s16  }
0x8e: {  	[smem:$0x3FB9] =	sst s2  }
0x8f: {  	_ = 	snop  }
0x90: {  	(tm) =	ssettm $0x1  }
0x91: {  	s17 =	sld [smem:$0x3FFB];
	_ =	sdelay $0x3  }
0x92: {  	_ =	strace s17  }
0x93: {  	s2 =	sld [smem:$0x3FFC];
	_ =	sdelay $0x3  }
0x94: {  	_ =	strace s2  }
0x95: {  	s2 =	sld [smem:$0x3FFD];
	_ =	sdelay $0x3  }
0x96: {  	_ =	strace s2  }
0x97: {  	_ =	strace $0x8FFFFFFF  }
0x98: {  	s18 =	sld [smem:$0x3FDB];
	_ =	sdelay $0x1  }
0x99: {  	s19 =	simm.s32 $_scs_section_size  }
0x9a: {  	s4 =	simm.s32 $_size__tile_overlayer_lowered;
	s5 =	simm.s32 $_tile_overlayer_lowered  }
0x9b: {  	s22 =	simm.s32 $0x1BFF;
	s21 =	sshll.u32 s5, $0x1;
	s2 =	sadd.s32 s19, s18  }
0x9c: {  	s6 =	simm.s32 $0x0;
	s20 =	sshll.u32 s4, $0x1;
	s4 =	sadd.s32 s21, s2  }
0x9d: {  	[timem:s6], [sflag:s22] =	dma.local [hbm:s4], s20  }
0x9e: {  	_ =	swait.ge [sflag:s22], s20  }
0x9f: {  	s3 =	ssub.s32 $0x0, s20;
	[sflag:s22] =	ssyncset.done $0x0  }
0xa0: {  	[sflag:s22] =	ssyncadd.s32 s3;
	_ =	sdelay $0x1  }
0xa1: {  	s23 =	simm.s32 $0x1B8B  }
0xa2: {  	_ =	swait.ge [sflag:s23], $0x1  }
0xa3: {  	[sflag:s23] =	ssyncset.done $0x0  }
0xa4: {  	s25 =	simm.s32 $0x1B8E;
	s24 =	sld [smem:$0x3FFE];
	[sflag:s23] =	ssyncadd.s32 $0xFFFFFFFF  }
0xa5: {  	s26 =	simm.s32 $execute0_lowered;
	[smem:$0x3FD2] =	sst s25  }
0xa6: {  	s4 =	sshll.u32 s26, $0x1;
	_ =	strace $0x8000004F;
	[dreg:$0x1] =	wrdreg $0xFFFFFFFF  }
0xa7: {  	s28 =	simm.s32 $_size_execute0_lowered;
	s2 =	sadd.s32 s2, s4;
	[dreg:$0x0] =	wrdreg $0x0  }
0xa8: {  	s4 =	sshll.u32 s28, $0x1;
	[dreg:$0x2] =	wrdreg s2  }
0xa9: {  	[dreg:$0x3] =	wrdreg s4  }
0xaa: {  	[dreg:$0x4] =	wrdreg $0xC0  }
0xab: {  	_ =	task [dreg:s6], $0x5FFFF  }
0xac: {  	[dreg:$0x1] =	wrdreg $0xFFFFFFFF  }
0xad: {  	[dreg:$0x0] =	wrdreg $0x60  }
0xae: {  	[dreg:$0x2] =	wrdreg s24  }
0xaf: {  	[dreg:$0x3] =	wrdreg $0x0  }
0xb0: {  	[dreg:$0x4] =	wrdreg $0x9  }
0xb1: {  	_ =	task.clear_ibuf [dreg:s6], $0x5FFFF;
	_ =	strace $0x9000004F  }
0xb2: {  	s29 =	simm.s32 $0x9;
	_ =	strace $0x80000051  }
0xb3: {  	_ =	swait.ge [sflag:s29], $0x1  }
0xb4: {  	[sflag:s29] =	ssyncadd.s32 $0xFFFFFFFF  }
0xb5: {  	_ =	strace $0x90000051  }
0xb6: {  	_ =	sfence  }
0xb7: {  	s30 =	sld [smem:$0x0];
	_ =	sdelay $0x2  }
0xb8: {  	s31 =	sshll.u32 s1, $0xD;
	s1 =	sshrl.u32 s1, $0x2  }
0xb9: {  	s3 =	sand.u32 $0x4000, s31;
	s1 =	sadd.s32 s1, s30  }
0xba: {  	s0 =	sor.u32 s3, s0;
	s1 =	sshll.u32 s1, $0x11  }
0xbb: {  	s0 =	sor.u32 s1, s0  }
0xbc: {  	s0 =	sadd.s32 $0x8F2B, s0  }
0xbd: {  	[sflag:s0] =	ssyncadd.remote.s32 $0x1  }
0xbe: {  	_ =	sfence.sel $0xFFFF  }
0xbf: {  	[dreg:$0x0] =	wrdreg $0xFFFFFFFF;
	(pc) =	sbr.abs _section_cstart, $3  }
0xc0: {  	[dreg:$0x1] =	wrdreg $0xFFFFFFFF  }
0xc1: {  	_ =	task.clear_ibuf [dreg:s6], $0x2FFFF;
	_ =	strace $0x9FFFFFFF  }
0xc2: {  	(tm) =	ssettm $0x7FFFFFFF  }
0xc3: {  	_ =	shalt  }
tec
execute0_lowered:
.L_overlay_start_1:
0x0: {  	(tag) =	ssettag $0x1  }
0x1: {  	s0 =	rddreg [dreg:$0x0];
	s1 =	srdreg.scid  }
0x2: {  	s2 =	rddreg [dreg:$0x1];
	s11 =	stileid.u32  }
0x3: {  	s3 =	simm.s32 $0x0;
	s29 =	simm.s32 $0x13F80;
	s30 =	simm.s32 $0x14000  }
0x4: {  	s31 =	simm.s32 $0x7;
	s28 =	simm.s32 $0x18000;
	s6 =	smul.u32 $0x13C00, s11  }
0x5: {  	s1 =	sand.u32 $0x1, s1;
	[smem:$0x7FF] =	sst s3;
	s8 =	smul.u32 $0x4800, s11  }
0x6: {  	s7 =	sadd.s32 $0x3200, s0;
	s15 =	sshll.u32 s11, $0xB;
	s5 =	smul.u32 $0x13C000, s1  }
0x7: {  	s9 =	ssub.s32 $0x2, s1;
	p0 =	seq.s32 s1, $0x0;
	s1 =	sor.u32 $0x48000, s15  }
0x8: {  	s11 =	smul.u32 $0x4F000, s11;
	_ =	strace $0x80000050;
	s1 =	smov.u32 @p0 s8  }
0x9: {  	s5 =	sadd.s32 s6, s5;
	s6 =	sadd.s32 $0x5C200, s0;
	s1 =	sshrl.u32 s1, $0x3  }
0xa: {  	s10 =	sshrl.u32 s9, $0x1;
	s24 =	sshrl.u32 s11, $0x2;
	s16 =	sadd.s32 s6, s1  }
0xb: {  	s14 =	sadd.s32 s24, s2;
	s17 =	sadd.s32 s7, s1;
	[dreg:$0xe] =	wrdreg s16  }
0xc: {  	s18 =	sor.u32 $0x10, s1;
	s13 =	sadd.s32 $0x8000, s14;
	[dreg:$0xf] =	wrdreg s17  }
0xd: {  	s8 =	ssub.s32 s9, s10;
	s19 =	sadd.s32 s6, s18;
	[dreg:$0x17] =	wrdreg s13  }
0xe: {  	s20 =	sor.u32 $0x20, s1;
	s9 =	sadd.s32 s7, s18;
	[dreg:$0x10] =	wrdreg s19  }
0xf: {  	s4 =	sadd.s32 $0xD200, s0;
	s21 =	sadd.s32 s6, s20;
	[dreg:$0x11] =	wrdreg s9  }
0x10: {  	s22 =	sor.u32 $0x30, s1;
	s10 =	sadd.s32 s7, s20;
	[dreg:$0x12] =	wrdreg s21  }
0x11: {  	s12 =	sor.u32 $0x40, s1;
	s23 =	sadd.s32 s6, s22;
	[dreg:$0x13] =	wrdreg s10  }
0x12: {  	s5 =	sshrl.u32 s5, $0x3;
	s15 =	sadd.s32 s12, s7;
	[dreg:$0x14] =	wrdreg s23  }
0x13: {  	s0 =	sadd.s32 s5, s0;
	s18 =	sadd.s32 $0xC000, s14;
	[dreg:$0x6] =	wrdreg s15  }
0x14: {  	s5 =	simm.s32 $0x90;
	s16 =	sadd.s32 s12, s6;
	[dreg:$0x18] =	wrdreg s18  }
0x15: {  	s17 =	sor.u32 $0x50, s1;
	s9 =	sadd.s32 s7, s22;
	[dreg:$0x7] =	wrdreg s16  }
0x16: {  	s5 =	simm.s32 @!p0 $0x10;
	s10 =	sadd.s32 $0x4000, s14;
	[dreg:$0x15] =	wrdreg s9  }
0x17: {  	s19 =	sadd.s32 s17, s7;
	s20 =	sadd.s32 s17, s6;
	[dreg:$0x16] =	wrdreg s10  }
0x18: {  	s21 =	sor.u32 $0x60, s1;
	s22 =	sadd.s32 $0x10000, s14;
	[dreg:$0x8] =	wrdreg s19  }
0x19: {  	s1 =	sor.u32 $0x70, s1;
	s25 =	sadd.s32 $0xFFFFFFFE, s5;
	[dreg:$0x19] =	wrdreg s22  }
0x1a: {  	s26 =	sadd.s32 $0xFFFFFFFD, s5;
	s10 =	sshll.u32 s5, $0x4;
	[dreg:$0x9] =	wrdreg s20  }
0x1b: {  	s23 =	sadd.s32 s21, s7;
	s24 =	sadd.s32 s21, s6;
	[dreg:$0x3] =	wrdreg s25  }
0x1c: {  	s19 =	sadd.s32 $0x66200, s0;
	s20 =	smax.u32 s8, $0x1;
	[dreg:$0x4] =	wrdreg s26  }
0x1d: {  	s21 =	simm.s32 $0x13C00;
	s22 =	simm.s32 $0x13E00;
	[dreg:$0x5] =	wrdreg s10  }
0x1e: {  	s0 =	simm.s32 $0x1;
	s8 =	simm.s32 $0x0;
	[dreg:$0xa] =	wrdreg s23  }
0x1f: {  	[dreg:$0xb] =	wrdreg s24;
	s25 =	sadd.s32 s1, s7;
	s26 =	sadd.s32 s1, s6  }
0x20: {  	s23 =	simm.s32 $0x13C80;
	s24 =	simm.s32 $0x13E80;
	s1 =	simm.s32 $0x80  }
0x21: {  	s6 =	simm.s32 $0x5;
	s7 =	simm.s32 $0x6;
	[dreg:$0xc] =	wrdreg s25  }
0x22: {  	v0 =	vimm.f32 $0.0e+00;
	[dreg:$0xd] =	wrdreg s26;
	s26 =	simm.s32 $0x13F00;
	s25 =	simm.s32 $0x2  }
.LBB2_1:
0x23: {  	s9 =	rddreg [dreg:$0xe]  }
0x24: {  	s17 =	rddreg [dreg:$0xf]  }
0x25: {  	[tilespmem:s21], [sflag:$0x1] =	stream.linear.gather [hbm4b:s9+s3], $0x80, $0x38;
	[tilespmem:$0x1C000] =	vst v63  }
0x26: {  	s18 =	rddreg [dreg:$0x10]  }
0x27: {  	[tilespmem:s22], [sflag:$0x1] =	stream.linear.gather [hbm4b:s17+s3], $0x80, $0x38;
	[tilespmem:$0x1C000] =	vst v63  }
0x28: {  	s10 =	rddreg [dreg:$0x11]  }
0x29: {  	[tilespmem:s23], [sflag:$0x2] =	stream.linear.gather [hbm4b:s18+s3], $0x80, $0x38;
	[tilespmem:$0x1C000] =	vst v63  }
0x2a: {  	s11 =	rddreg [dreg:$0x12]  }
0x2b: {  	[tilespmem:s24], [sflag:$0x2] =	stream.linear.gather [hbm4b:s10+s3], $0x80, $0x38;
	[tilespmem:$0x1C000] =	vst v63  }
0x2c: {  	s12 =	rddreg [dreg:$0x13];
	s10 =	simm.s32 $0x13D00  }
0x2d: {  	[tilespmem:s10], [sflag:$0x3] =	stream.linear.gather [hbm4b:s11+s3], $0x80, $0x38;
	[tilespmem:$0x1C000] =	vst v63  }
0x2e: {  	s13 =	rddreg [dreg:$0x14];
	s15 =	simm.s32 $0x13D80;
	s17 =	sand.u32 $0xFE00, s3  }
0x2f: {  	[tilespmem:s26], [sflag:$0x3] =	stream.linear.gather [hbm4b:s12+s3], $0x80, $0x38;
	[tilespmem:$0x1C000] =	vst v63  }
0x30: {  	s16 =	rddreg [dreg:$0x15];
	s18 =	sand.u32 $0x70, s3;
	s11 =	sshrl.u32 s17, $0x2  }
0x31: {  	[tilespmem:s15], [sflag:$0x4] =	stream.linear.gather [hbm4b:s13+s3], $0x80, $0x38;
	[tilespmem:$0x1C000] =	vst v63  }
0x32: {  	s9 =	simm.s32 $0x40;
	s10 =	simm.s32 $0x0;
	s11 =	sor.u32 s18, s11  }
0x33: {  	[tilespmem:s29], [sflag:$0x4] =	stream.linear.gather [hbm4b:s16+s3], $0x80, $0x38;
	[tilespmem:$0x1C000] =	vst v63  }
.LBB2_2:
0x34: {  	p0 =	sne.s32 s9, $0xFFC0  }
0x35: {  	[tilespmem:s11+$0x14000] =	vst v0;
	s10 =	sadd.s32 $0x10, s10;
	s11 =	smov.u32 s9;
	s9 =	sadd.s32 $0x40, s9  }
.Ltmp0:
0x36: {  	(pc) =	sbr.rel @p0 .LBB2_2-.Ltmp0, $4  }
0x37: {  	_ = 	snop  }
0x38: {  	s11 =	sand.u32 $0xFE00, s11  }
0x39: {  	s12 =	sand.u32 $0x70, s10;
	s11 =	sshrl.u32 s11, $0x2  }
0x3a: {  	s11 =	sor.u32 s12, s11  }
0x3b: {  	[tilespmem:s11+$0x14000] =	vst v0  }
0x3c: {  	[spmem:s14] =	stream.linear.scatter [tilespmem:s30], [sflag:$0x7], $0x4000, $0x38;
	[tilespmem:$0x1C000] =	vst v63  }
0x3d: {  	_ =	swait.ge [sflag:s31], $0x4000  }
0x3e: {  	[sflag:s31] =	ssyncset.done $0x0  }
0x3f: {  	s9 =	rddreg [dreg:$0x16];
	[sflag:s31] =	ssyncadd.s32 $0xFFFFC000  }
0x40: {  	[spmem:s9] =	stream.linear.scatter [tilespmem:s30], [sflag:$0x7], $0x4000, $0x38;
	[tilespmem:$0x1C000] =	vst v63  }
0x41: {  	_ =	swait.ge [sflag:s31], $0x4000  }
0x42: {  	[sflag:s31] =	ssyncset.done $0x0  }
0x43: {  	s16 =	rddreg [dreg:$0x17];
	[sflag:s31] =	ssyncadd.s32 $0xFFFFC000  }
0x44: {  	[spmem:s16] =	stream.linear.scatter [tilespmem:s30], [sflag:$0x7], $0x4000, $0x38;
	[tilespmem:$0x1C000] =	vst v63  }
0x45: {  	_ =	swait.ge [sflag:s31], $0x4000  }
0x46: {  	[sflag:s31] =	ssyncset.done $0x0  }
0x47: {  	s17 =	rddreg [dreg:$0x18];
	[sflag:s31] =	ssyncadd.s32 $0xFFFFC000  }
0x48: {  	[spmem:s17] =	stream.linear.scatter [tilespmem:s30], [sflag:$0x7], $0x4000, $0x38;
	[tilespmem:$0x1C000] =	vst v63  }
0x49: {  	_ =	swait.ge [sflag:s31], $0x4000  }
0x4a: {  	[sflag:s31] =	ssyncset.done $0x0  }
0x4b: {  	s18 =	rddreg [dreg:$0x19];
	[sflag:s31] =	ssyncadd.s32 $0xFFFFC000  }
0x4c: {  	[spmem:s18] =	stream.linear.scatter [tilespmem:s30], [sflag:$0x7], $0x3C00, $0x38;
	[tilespmem:$0x1C000] =	vst v63  }
0x4d: {  	_ =	swait.ge [sflag:s31], $0x3C00  }
0x4e: {  	[sflag:s31] =	ssyncset.done $0x0  }
0x4f: {  	[sflag:s31] =	ssyncadd.s32 $0xFFFFC400  }
0x50: {  	[bflag:$0x0] =	sbarrier.arrive $0xFFFF  }
0x51: {  	_ =	swait.ge [sflag:s0], $0x80  }
0x52: {  	[sflag:s0] =	ssyncset.done $0x0  }
0x53: {  	[sflag:s0] =	ssyncadd.s32 $0xFFFFFF80  }
0x54: {  	_ =	swait.ge [sflag:s0], $0x80  }
0x55: {  	[sflag:s0] =	ssyncset.done $0x0  }
0x56: {  	[sflag:s0] =	ssyncadd.s32 $0xFFFFFF80  }
0x57: {  	[tilespmem:s30], [sflag:$0x5] =	stream.indirect.gather [hbm4b:s4+s1], $0x80, s21, s1, $0xb8;
	[tilespmem:$0x1C000] =	vst v63  }
0x58: {  	_ =	swait.ge [sflag:s25], $0x80  }
0x59: {  	[sflag:s25] =	ssyncset.done $0x0  }
0x5a: {  	[sflag:s25] =	ssyncadd.s32 $0xFFFFFF80  }
0x5b: {  	_ =	swait.ge [sflag:s25], $0x80  }
0x5c: {  	[sflag:s25] =	ssyncset.done $0x0  }
0x5d: {  	s10 =	simm.s32 $0x0;
	s9 =	simm.s32 $0x0;
	[sflag:s25] =	ssyncadd.s32 $0xFFFFFF80  }
0x5e: {  	[tilespmem:s28], [sflag:$0x6] =	stream.indirect.gather [hbm4b:s4+s1], $0x80, s23, s1, $0xb8;
	[tilespmem:$0x1C000] =	vst v63  }
.LBB2_4:
0x5f: {  	_ =	swait.ge [sflag:s6], $0x4000  }
0x60: {  	[sflag:s6] =	ssyncset.done $0x0  }
0x61: {  	[sflag:s6] =	ssyncadd.s32 $0xFFFFC000  }
0x62: {  	[spmem:s2] =	stream.indirect.scatter.add.f32 [tilespmem:s30], [sflag:$0x7], $0x80, s22, s1, $0xb8;
	[tilespmem:$0x1C000] =	vst v63  }
0x63: {  	_ =	swait.ge [sflag:s31], $0x4000  }
0x64: {  	s11 =	sadd.s32 $0x4, s10;
	s12 =	rddreg [dreg:$0x7]  }
0x65: {  	p0 =	sge.u32 s11, s5;
	[sflag:s31] =	ssyncset.done $0x0;
	s16 =	rddreg [dreg:$0x6]  }
0x66: {  	s15 =	simm.s32 @!p0 $0x0;
	s18 =	rddreg [dreg:$0x3];
	[sflag:s31] =	ssyncadd.s32 $0xFFFFC000  }
0x67: {  	s13 =	sadd.s32 @!p0 s9, s12;
	s12 =	simm.s32 @!p0 $0x13C00;
	p1 =	sge.u32 s10, s18  }
0x68: {  	[tilespmem:s12], [sflag:$0x1] =	stream.linear.gather @!p0 [hbm4b:s13+s15], $0x80, $0x38;
	[tilespmem:$0x1C000] =	vst v63  }
0x69: {  	s17 =	simm.s32 @!p0 $0x13E00;
	s16 =	sadd.s32 @!p0 s9, s16;
	s13 =	simm.s32 @!p1 $0x3  }
0x6a: {  	[tilespmem:s17], [sflag:$0x1] =	stream.linear.gather @!p0 [hbm4b:s16+s15], $0x80, $0x38;
	[tilespmem:$0x1C000] =	vst v63  }
0x6b: {  	_ =	swait.ge @!p1 [sflag:s13], $0x80  }
0x6c: {  	[sflag:s13] =	ssyncset.done @!p1 $0x0  }
0x6d: {  	[sflag:s13] =	ssyncadd.s32 @!p1 $0xFFFFFF80  }
0x6e: {  	_ =	swait.ge @!p1 [sflag:s13], $0x80  }
0x6f: {  	s15 =	simm.s32 @!p1 $0x13D00;
	[sflag:s13] =	ssyncset.done @!p1 $0x0  }
0x70: {  	s16 =	simm.s32 @!p1 $0x14000;
	[sflag:s13] =	ssyncadd.s32 @!p1 $0xFFFFFF80;
	s13 =	simm.s32 @!p1 $0x80  }
0x71: {  	[tilespmem:s16], [sflag:$0x5] =	stream.indirect.gather @!p1 [hbm4b:s4+s13], $0x80, s15, s13, $0xb8;
	[tilespmem:$0x1C000] =	vst v63  }
0x72: {  	_ =	swait.ge [sflag:s7], $0x4000  }
0x73: {  	[sflag:s7] =	ssyncset.done $0x0  }
0x74: {  	[sflag:s7] =	ssyncadd.s32 $0xFFFFC000  }
0x75: {  	[spmem:s2] =	stream.indirect.scatter.add.f32 [tilespmem:s28], [sflag:$0x7], $0x80, s24, s1, $0xb8;
	[tilespmem:$0x1C000] =	vst v63  }
0x76: {  	s17 =	sadd.s32 $0x5, s10;
	_ =	swait.ge [sflag:s31], $0x4000  }
0x77: {  	p1 =	sge.u32 s17, s5;
	s13 =	rddreg [dreg:$0x9]  }
0x78: {  	s16 =	simm.s32 @!p1 $0x0;
	[sflag:s31] =	ssyncset.done $0x0;
	s17 =	rddreg [dreg:$0x8]  }
0x79: {  	[sflag:s31] =	ssyncadd.s32 $0xFFFFC000;
	s15 =	sadd.s32 @!p1 s9, s13;
	s13 =	simm.s32 @!p1 $0x13C80  }
0x7a: {  	[tilespmem:s13], [sflag:$0x2] =	stream.linear.gather @!p1 [hbm4b:s15+s16], $0x80, $0x38;
	[tilespmem:$0x1C000] =	vst v63  }
0x7b: {  	s15 =	rddreg [dreg:$0x4]  }
0x7c: {  	s18 =	simm.s32 @!p1 $0x13E80;
	s17 =	sadd.s32 @!p1 s9, s17;
	p2 =	sge.u32 s10, s15  }
0x7d: {  	[tilespmem:s18], [sflag:$0x2] =	stream.linear.gather @!p1 [hbm4b:s17+s16], $0x80, $0x38;
	[tilespmem:$0x1C000] =	vst v63  }
0x7e: {  	s15 =	simm.s32 @!p2 $0x4  }
0x7f: {  	_ =	swait.ge @!p2 [sflag:s15], $0x80  }
0x80: {  	[sflag:s15] =	ssyncset.done @!p2 $0x0  }
0x81: {  	[sflag:s15] =	ssyncadd.s32 @!p2 $0xFFFFFF80  }
0x82: {  	_ =	swait.ge @!p2 [sflag:s15], $0x80  }
0x83: {  	s16 =	simm.s32 @!p2 $0x13D80;
	[sflag:s15] =	ssyncset.done @!p2 $0x0  }
0x84: {  	s17 =	simm.s32 @!p2 $0x18000;
	[sflag:s15] =	ssyncadd.s32 @!p2 $0xFFFFFF80;
	s15 =	simm.s32 @!p2 $0x80  }
0x85: {  	[tilespmem:s17], [sflag:$0x6] =	stream.indirect.gather @!p2 [hbm4b:s4+s15], $0x80, s16, s15, $0xb8;
	[tilespmem:$0x1C000] =	vst v63  }
0x86: {  	_ =	swait.ge [sflag:s6], $0x4000  }
0x87: {  	s18 =	sadd.s32 $0x6, s10;
	[sflag:s6] =	ssyncset.done $0x0  }
0x88: {  	p2 =	sge.u32 s18, s5;
	[sflag:s6] =	ssyncadd.s32 $0xFFFFC000  }
0x89: {  	[spmem:s2] =	stream.indirect.scatter.add.f32 [tilespmem:s30], [sflag:$0x7], $0x80, s26, s1, $0xb8;
	[tilespmem:$0x1C000] =	vst v63  }
0x8a: {  	s17 =	simm.s32 @!p2 $0x0;
	_ =	swait.ge [sflag:s31], $0x4000  }
0x8b: {  	s18 =	simm.s32 @!p2 $0x13D00;
	s15 =	rddreg [dreg:$0xb];
	[sflag:s31] =	ssyncset.done $0x0  }
0x8c: {  	s16 =	rddreg [dreg:$0xa];
	[sflag:s31] =	ssyncadd.s32 $0xFFFFC000;
	s15 =	sadd.s32 @!p2 s9, s15  }
0x8d: {  	[tilespmem:s18], [sflag:$0x3] =	stream.linear.gather @!p2 [hbm4b:s15+s17], $0x80, $0x38;
	[tilespmem:$0x1C000] =	vst v63  }
0x8e: {  	s15 =	sadd.s32 @!p2 s9, s16;
	s16 =	simm.s32 @!p2 $0x13F00  }
0x8f: {  	[tilespmem:s16], [sflag:$0x3] =	stream.linear.gather @!p2 [hbm4b:s15+s17], $0x80, $0x38;
	[tilespmem:$0x1C000] =	vst v63  }
0x90: {  	s15 =	simm.s32 @!p0 $0x1  }
0x91: {  	_ =	swait.ge @!p0 [sflag:s15], $0x80  }
0x92: {  	[sflag:s15] =	ssyncset.done @!p0 $0x0  }
0x93: {  	[sflag:s15] =	ssyncadd.s32 @!p0 $0xFFFFFF80  }
0x94: {  	_ =	swait.ge @!p0 [sflag:s15], $0x80  }
0x95: {  	[sflag:s15] =	ssyncset.done @!p0 $0x0  }
0x96: {  	s16 =	simm.s32 @!p0 $0x14000;
	[sflag:s15] =	ssyncadd.s32 @!p0 $0xFFFFFF80;
	s15 =	simm.s32 @!p0 $0x80  }
0x97: {  	[tilespmem:s16], [sflag:$0x5] =	stream.indirect.gather @!p0 [hbm4b:s4+s15], $0x80, s12, s15, $0xb8;
	[tilespmem:$0x1C000] =	vst v63  }
0x98: {  	_ =	swait.ge [sflag:s7], $0x4000  }
0x99: {  	s17 =	sadd.s32 $0x7, s10;
	[sflag:s7] =	ssyncset.done $0x0  }
0x9a: {  	p0 =	sge.u32 s17, s5;
	[sflag:s7] =	ssyncadd.s32 $0xFFFFC000  }
0x9b: {  	[spmem:s2] =	stream.indirect.scatter.add.f32 [tilespmem:s28], [sflag:$0x7], $0x80, s29, s1, $0xb8;
	[tilespmem:$0x1C000] =	vst v63  }
0x9c: {  	s15 =	simm.s32 @!p0 $0x0;
	_ =	swait.ge [sflag:s31], $0x4000  }
0x9d: {  	s16 =	simm.s32 @!p0 $0x13D80;
	s12 =	rddreg [dreg:$0xd];
	[sflag:s31] =	ssyncset.done $0x0  }
0x9e: {  	s10 =	rddreg [dreg:$0xc];
	[sflag:s31] =	ssyncadd.s32 $0xFFFFC000;
	s12 =	sadd.s32 @!p0 s9, s12  }
0x9f: {  	[tilespmem:s16], [sflag:$0x4] =	stream.linear.gather @!p0 [hbm4b:s12+s15], $0x80, $0x38;
	[tilespmem:$0x1C000] =	vst v63  }
0xa0: {  	s10 =	sadd.s32 @!p0 s9, s10;
	s12 =	simm.s32 @!p0 $0x13F80  }
0xa1: {  	[tilespmem:s12], [sflag:$0x4] =	stream.linear.gather @!p0 [hbm4b:s10+s15], $0x80, $0x38;
	[tilespmem:$0x1C000] =	vst v63  }
0xa2: {  	s10 =	simm.s32 @!p1 $0x2  }
0xa3: {  	_ =	swait.ge @!p1 [sflag:s10], $0x80  }
0xa4: {  	[sflag:s10] =	ssyncset.done @!p1 $0x0  }
0xa5: {  	[sflag:s10] =	ssyncadd.s32 @!p1 $0xFFFFFF80  }
0xa6: {  	_ =	swait.ge @!p1 [sflag:s10], $0x80  }
0xa7: {  	s9 =	sadd.s32 $0x40, s9;
	s18 =	rddreg [dreg:$0x5]  }
0xa8: {  	p0 =	sne.s32 s18, s9  }
.Ltmp1:
0xa9: {  	_ = 	snop;
	(pc) =	sbr.rel @p0 .LBB2_4-.Ltmp1, $4  }
0xaa: {  	[sflag:s10] =	ssyncset.done @!p1 $0x0  }
0xab: {  	s12 =	simm.s32 @!p1 $0x18000;
	[sflag:s10] =	ssyncadd.s32 @!p1 $0xFFFFFF80;
	s10 =	simm.s32 @!p1 $0x80  }
0xac: {  	[tilespmem:s12], [sflag:$0x6] =	stream.indirect.gather @!p1 [hbm4b:s4+s10], $0x80, s13, s10, $0xb8;
	[tilespmem:$0x1C000] =	vst v63  }
0xad: {  	s10 =	smov.u32 s11  }
0xae: {  	s9 =	stileid.u32;
	s8 =	sadd.s32 $0x1, s8  }
0xaf: {  	[bflag:$0x0] =	sbarrier.arrive $0xFFFF;
	s9 =	sshll.u32 s9, $0x6;
	p0 =	sne.s32 s8, s20  }
.Ltmp2:
0xb0: {  	s10 =	sshrl.u32 s14, $0x3;
	s9 =	sor.u32 $0x1C07, s9;
	(pc) =	sbr.rel @p0 .LBB2_1-.Ltmp2, $4  }
0xb1: {  	[hbm:s19], [sflag:s9] =	dma.local [spmem:s10], $0x2780  }
0xb2: {  	_ =	swait.ge [sflag:s31], $0x2780  }
0xb3: {  	[sflag:s31] =	ssyncset.done $0x0  }
0xb4: {  	[sflag:s31] =	ssyncadd.s32 $0xFFFFD880  }
0xb5: {  	_ =	sfence.sel $0x180000  }
0xb6: {  	[bflag:$0x0] =	sbarrier.arrive $0xFFFF  }
0xb7: {  	_ =	strace $0x90000050  }
0xb8: {  	s0 =	stileid.u32;
	[bflag:$0x2] =	sbarrier.arrive $0xFFFF  }
0xb9: {  	p0 =	sne.s32 s0, $0x0;
	s0 =	rddreg [dreg:$0x2]  }
0xba: {  	s0 =	sadd.s32 @!p0 $0x100000, s0  }
0xbb: {  	[sflag:s0] =	ssyncadd.tile.s32 @!p0 $0x1;
	_ =	shalt  }
.Lfunc_end2:
_tile_overlayer_lowered:
.L_overlay_start_2:
0xbc: {  	(tag) =	ssettag $0x2  }
0xbd: {  	s0 =	rddreg [dreg:$0x0];
	s2 =	stileid.u32  }
0xbe: {  	s1 =	rddreg [dreg:$0x1];
	p0 =	sne.s32 s2, $0x0  }
0xbf: {  	s3 =	rddreg [dreg:$0x2];
	[bflag:$0x3] =	sbarrier.arrive $0xFFFF;
	s2 =	simm.s32 @!p0 $0x1C07  }
0xc0: {  	[timem:s3], [sflag:s2] =	dma.local @!p0 [hbm:s0], s1  }
0xc1: {  	s0 =	simm.s32 @!p0 $0x7  }
0xc2: {  	_ =	swait.ge @!p0 [sflag:s0], s1  }
0xc3: {  	s1 =	ssub.s32 @!p0 $0x0, s1;
	[sflag:s0] =	ssyncset.done @!p0 $0x0  }
0xc4: {  	[sflag:s0] =	ssyncadd.s32 @!p0 s1  }
0xc5: {  	[bflag:$0x3] =	sbarrier.arrive $0xFFFF  }
0xc6: {  	_ =	shalt  }

</sc_bundles>
